<compile_context>
chip_gen: v7x
topology: tpu7x:2x2x1
jax: 0.10.2.dev20260603
libtpu: 0.0.44.dev20260713+nightly
codegen_flags: <defaults>
</compile_context>

<pallas_src>
import jax
import jax.numpy as jnp
from jax import lax
from jax.experimental import pallas as pl
from jax.experimental.pallas import tpu as pltpu
from jax.experimental.pallas import tpu_sc as plsc

BATCH = 16384
N_FIELDS = 26
EMBED_DIM = 32
VOCAB = 1000000

NC, NS = 2, 16
NW = NC * NS
ROWS_PER_W = BATCH // NW
CHUNK = 32
N_CHUNKS = ROWS_PER_W // CHUNK
FPAD = 32
IDX_W = 128
GATHERS = CHUNK * FPAD // IDX_W
HALVES = EMBED_DIM // 16

_SEG = 249984
_PACKED_ROWS = 250048
_TB4 = 11904

_OBC = 2048


_GATHER_DNUMS = lax.GatherDimensionNumbers(
    offset_dims=(), collapsed_slice_dims=(0,), start_index_map=(0,))


def _shuffle16(v, idx):
    return lax.gather(v, idx[:, None], _GATHER_DNUMS, (1,),
                      mode=lax.GatherScatterMode.PROMISE_IN_BOUNDS)


def _lane_sum(v):
    lanes = lax.iota(jnp.int32, 16)
    for s in (8, 4, 2, 1):
        v = v + _shuffle16(v, lanes ^ s)
    return v


def _fast_rsqrt(v):
    i = lax.bitcast_convert_type(v, jnp.int32)
    i = jnp.int32(0x5F3759DF) - (i >> 1)
    y = lax.bitcast_convert_type(i, jnp.float32)
    for _ in range(3):
        y = y * (1.5 - 0.5 * v * y * y)
    return y


def _sc_body(x_hbm, table_hbm, out_hbm, idx_v, rows_a, rows_b, wb_scratch,
             gsem_a, gsem_b, wsem_a, wsem_b):
    wid = lax.axis_index("s") * NC + lax.axis_index("c")

    pltpu.sync_copy(x_hbm.at[wid], idx_v)

    def remap_body(r, carry):
        for h in range(IDX_W // 16):
            sl = (r, pl.ds(h * 16, 16))
            v = idx_v[sl]
            one = jnp.ones((16,), jnp.int32)
            zero = jnp.zeros((16,), jnp.int32)
            a = (jnp.where(v >= _SEG, one, zero)
                 + jnp.where(v >= 2 * _SEG, one, zero)
                 + jnp.where(v >= 3 * _SEG, one, zero))
            idx_v[sl] = 4 * (v - a * _SEG) + a
        return carry

    lax.fori_loop(0, idx_v.shape[0], remap_body, 0)

    def fire(c, rows, gsem):
        return [
            pltpu.async_copy(
                table_hbm.at[
                    idx_v.at[jnp.minimum(c * GATHERS + j,
                                         ROWS_PER_W * FPAD // IDX_W - 1)]],
                rows.at[pl.ds(j * IDX_W, IDX_W)],
                gsem,
            )
            for j in range(GATHERS)
        ]

    def drain_gathers(rows, gsem):
        pltpu.make_async_copy(
            table_hbm.at[pl.ds(0, CHUNK * FPAD)], rows, gsem).wait()

    def drain_wb(rows, wsem):
        pltpu.make_async_copy(
            rows, out_hbm.at[pl.ds(0, CHUNK * FPAD)], wsem).wait()

    def out_slice(c):
        row0 = (wid * ROWS_PER_W + c * CHUNK) * FPAD
        return out_hbm.at[pl.ds(row0, CHUNK * FPAD)]

    def compute(rows):
        def row_body(i, carry2):
            base = i * FPAD
            acc = jnp.zeros((16,), jnp.float32)
            for r in range(N_FIELDS):
                for h in range(HALVES):
                    v = rows[base + r, pl.ds(h * 16, 16)]
                    acc = acc + v * v
            ssq = jnp.maximum(_lane_sum(acc), 1e-24)
            scale = _fast_rsqrt(ssq)
            for r in range(N_FIELDS):
                for h in range(HALVES):
                    sl = (base + r, pl.ds(h * 16, 16))
                    rows[sl] = rows[sl] * scale
            return carry2

        lax.fori_loop(0, CHUNK, row_body, 0)

    fire(0, rows_a, gsem_a)
    pltpu.async_copy(rows_b, wb_scratch, wsem_b)

    def pair_body(k, carry):
        c0 = 2 * k
        drain_gathers(rows_a, gsem_a)
        drain_wb(rows_b, wsem_b)
        hb = fire(c0 + 1, rows_b, gsem_b)
        compute(rows_a)
        wa = pltpu.async_copy(rows_a, out_slice(c0), wsem_a)
        for cp in hb:
            cp.wait()
        wa.wait()
        fire(c0 + 2, rows_a, gsem_a)
        compute(rows_b)
        pltpu.async_copy(rows_b, out_slice(c0 + 1), wsem_b)
        return carry

    lax.fori_loop(0, N_CHUNKS // 2, pair_body, 0)
    drain_wb(rows_b, wsem_b)
    drain_gathers(rows_a, gsem_a)


def _transpose_body(t0, t1, t2, t3, out_ref):
    m = jnp.concatenate([t0[...], t1[...], t2[...], t3[...]], axis=0)
    out_ref[...] = m.T


def _tc_transpose_table(table):
    tt = jnp.swapaxes(table, 0, 1)
    step = _SEG // _TB4
    grid = (_PACKED_ROWS + _TB4 - 1) // _TB4
    packed = pl.pallas_call(
        _transpose_body,
        grid=(grid,),
        in_specs=[
            pl.BlockSpec((EMBED_DIM, _TB4),
                         lambda i, a=a: (0, a * step + i))
            for a in range(4)
        ],
        out_specs=pl.BlockSpec((_TB4, 128), lambda i: (i, 0)),
        out_shape=jax.ShapeDtypeStruct((_PACKED_ROWS, 128), table.dtype),
    )(tt, tt, tt, tt)
    return packed.reshape(_PACKED_ROWS * 4, EMBED_DIM)


def _out_transpose_body(in3_ref, o_ref):
    for q in range(7):
        t = in3_ref[:, q, :].T
        if q < 6:
            o_ref[q * 128:(q + 1) * 128, :] = t
        else:
            o_ref[768:832, :] = t[:64, :]


def _tc_transpose_out(flat):
    grid = BATCH // _OBC
    return pl.pallas_call(
        _out_transpose_body,
        grid=(grid,),
        in_specs=[pl.BlockSpec((_OBC, 8, 128), lambda i: (i, 0, 0))],
        out_specs=pl.BlockSpec((N_FIELDS * EMBED_DIM, _OBC),
                               lambda i: (0, i)),
        out_shape=jax.ShapeDtypeStruct((N_FIELDS * EMBED_DIM, BATCH),
                                       jnp.float32),
    )(flat)


def kernel(x, table):
    table = _tc_transpose_table(table)
    aux = ((61 * jnp.arange(BATCH, dtype=jnp.int32))[:, None]
           + 16384 * jnp.arange(FPAD - N_FIELDS, dtype=jnp.int32)[None, :]
           ) % VOCAB
    xp = jnp.concatenate([x, aux], axis=1)
    x2 = xp.reshape(NW, ROWS_PER_W * FPAD // IDX_W, IDX_W)
    out = pl.kernel(
        _sc_body,
        out_type=jax.ShapeDtypeStruct((BATCH * FPAD, EMBED_DIM),
                                      jnp.float32),
        mesh=plsc.VectorSubcoreMesh(core_axis_name="c", subcore_axis_name="s"),
        compiler_params=pltpu.CompilerParams(use_tc_tiling_on_sc=False),
        scratch_types=[
            pltpu.VMEM((ROWS_PER_W * FPAD // IDX_W, IDX_W), jnp.int32),
            pltpu.VMEM((CHUNK * FPAD, EMBED_DIM), jnp.float32),
            pltpu.VMEM((CHUNK * FPAD, EMBED_DIM), jnp.float32),
            pltpu.HBM((CHUNK * FPAD, EMBED_DIM), jnp.float32),
            pltpu.SemaphoreType.DMA,
            pltpu.SemaphoreType.DMA,
            pltpu.SemaphoreType.DMA,
            pltpu.SemaphoreType.DMA,
        ],
    )(x2, table)
    ocm = _tc_transpose_out(out.reshape(BATCH, 8, 128))
    return ocm.T

# --- scband reference (transcript-rebuilt; emitter-appended) ---
"""Pipeline reference for scband-gru4-rec-item-module-82995948027917 (READ-ONLY COPY).

The authoritative reference and input builder live on the scoring server;
editing this copy changes nothing except your own understanding.
"""

import jax, jax.numpy as jnp
import numpy as np

BATCH = 16384
N_FIELDS = 26
VOCAB = 1000000
EMBED_DIM = 32


def setup_inputs(seed: int = 0) -> dict:
    key = jax.random.key(seed)
    k1, k2 = jax.random.split(key)
    x = jax.random.randint(k1, (BATCH, N_FIELDS), 0, VOCAB, dtype=jnp.int64 if jax.config.jax_enable_x64 else jnp.int32).astype(jnp.int32)
    # NormalTensorInitializer(var=1e-4) -> std = 0.01
    table = jax.random.normal(k2, (VOCAB, EMBED_DIM), dtype=jnp.float32) * 0.01
    return {"x": x, "table": table}


def reference(x, table):
    # ms.EmbeddingSumConcat: per-field embedding lookup (sum within field is
    # identity for single-valued fields), then concat across fields.
    emb = jnp.take(table, x, axis=0)               # [B, F, D]
    flat = emb.reshape(emb.shape[0], -1)           # [B, F*D]
    # net_dropout=0 -> dropout disabled
    # F.normalize(x): L2 normalize along dim=1 with eps=1e-12
    norm = jnp.maximum(jnp.linalg.norm(flat, axis=1, keepdims=True), 1e-12)
    return flat / norm

if __name__ == "__main__":
    import jax
    _d = setup_inputs()
    print(jax.jit(kernel)(*tuple(_d.values())))

</pallas_src>

<mosaic_0001>
#map = affine_map<(d0, d1) -> (0, 0, 0)>
#map1 = affine_map<(d0, d1) -> (0, 0)>
module attributes {stable_mosaic.version = 14 : i64} {
  func.func @_sc_body(%arg0: i32, %arg1: i32, %arg2: memref<32x128x128xi32, #tpu.memory_space<hbm>>, %arg3: memref<1000192x32xf32, #tpu.memory_space<hbm>>, %arg4: memref<524288x32xf32, #tpu.memory_space<hbm>>, %arg5: memref<128x128xi32, #tpu.memory_space<vmem>>, %arg6: memref<1024x32xf32, #tpu.memory_space<vmem>>, %arg7: memref<1024x32xf32, #tpu.memory_space<vmem>>, %arg8: memref<1024x32xf32, #tpu.memory_space<hbm>>, %arg9: memref<!tpu.dma_semaphore, #tpu.memory_space<semaphore_mem>>, %arg10: memref<!tpu.dma_semaphore, #tpu.memory_space<semaphore_mem>>, %arg11: memref<!tpu.dma_semaphore, #tpu.memory_space<semaphore_mem>>, %arg12: memref<!tpu.dma_semaphore, #tpu.memory_space<semaphore_mem>>) attributes {dimension_semantics = [#tpu.dimension_semantics<core_parallel>, #tpu.dimension_semantics<subcore_parallel>], iteration_bounds = array<i64: 2, 16>, scalar_prefetch = 0 : i64, scratch_operands = 8 : i64, tpu.core_type = #tpu.core_type<sc_vector_subcore>, window_params = [{transform_indices = #map}, {transform_indices = #map1}, {transform_indices = #map1}]} {
    %mul3A = arith.constant 2 : i32
    %mul3A_0 = arith.muli %arg1, %mul3A : i32
    %add3A = arith.addi %mul3A_0, %arg0 : i32
    "tpu.region"() ({
      %run_scoped3A = tpu.sem_alloc : memref<!tpu.dma_semaphore, #tpu.memory_space<semaphore_mem>>
      %dma_start3A_117 = arith.constant 0 : i32
      %dma_start3A_118 = arith.constant 0 : i32
      %dma_start3A_119 = tpu.memref_slice %arg2[%add3A, %dma_start3A_117, %dma_start3A_118] : memref<32x128x128xi32, #tpu.memory_space<hbm>> -> memref<1x128x128xi32, #tpu.memory_space<hbm>>
      %dma_start3A_120 = tpu.memref_squeeze %dma_start3A_119 : memref<1x128x128xi32, #tpu.memory_space<hbm>> -> memref<128x128xi32, #tpu.memory_space<hbm>>
      %dma_start3A_121 = arith.constant 0 : i32
      %dma_start3A_122 = arith.constant 0 : i32
      %dma_start3A_123 = tpu.memref_slice %arg2[%add3A, %dma_start3A_121, %dma_start3A_122] : memref<32x128x128xi32, #tpu.memory_space<hbm>> -> memref<1x128x128xi32, #tpu.memory_space<hbm>>
      %dma_start3A_124 = tpu.memref_squeeze %dma_start3A_123 : memref<1x128x128xi32, #tpu.memory_space<hbm>> -> memref<128x128xi32, #tpu.memory_space<hbm>>
      tpu.enqueue_dma source(%dma_start3A_124 : memref<128x128xi32, #tpu.memory_space<hbm>>) target(%arg5 : memref<128x128xi32, #tpu.memory_space<vmem>>) target_semaphore(%run_scoped3A : memref<!tpu.dma_semaphore, #tpu.memory_space<semaphore_mem>>)
      %dma_wait3A_125 = arith.constant 0 : i32
      %dma_wait3A_126 = arith.constant 0 : i32
      %dma_wait3A_127 = tpu.memref_slice %arg2[%add3A, %dma_wait3A_125, %dma_wait3A_126] : memref<32x128x128xi32, #tpu.memory_space<hbm>> -> memref<1x128x128xi32, #tpu.memory_space<hbm>>
      %dma_wait3A_128 = tpu.memref_squeeze %dma_wait3A_127 : memref<1x128x128xi32, #tpu.memory_space<hbm>> -> memref<128x128xi32, #tpu.memory_space<hbm>>
      %dma_wait3A_129 = arith.constant 0 : i32
      %dma_wait3A_130 = arith.constant 0 : i32
      %dma_wait3A_131 = tpu.memref_slice %arg2[%add3A, %dma_wait3A_129, %dma_wait3A_130] : memref<32x128x128xi32, #tpu.memory_space<hbm>> -> memref<1x128x128xi32, #tpu.memory_space<hbm>>
      %dma_wait3A_132 = tpu.memref_squeeze %dma_wait3A_131 : memref<1x128x128xi32, #tpu.memory_space<hbm>> -> memref<128x128xi32, #tpu.memory_space<hbm>>
      tpu.wait_dma2 semaphore(%run_scoped3A : memref<!tpu.dma_semaphore, #tpu.memory_space<semaphore_mem>>) src(%dma_wait3A_132 : memref<128x128xi32, #tpu.memory_space<hbm>>) dst(%arg5 : memref<128x128xi32, #tpu.memory_space<vmem>>)
      tpu.yield
    }) : () -> ()
    %scan3A = arith.constant 0 : i32
    %scan3A_1 = arith.constant 0 : i32
    %scan3A_2 = arith.constant 128 : i32
    %scan3A_3 = arith.addi %scan3A_1, %scan3A_2 : i32
    %scan3A_4 = arith.constant 1 : i32
    scf.for %scan3A_117 = %scan3A_1 to %scan3A_3 step %scan3A_4  : i32 {
      %get3A = arith.index_cast %scan3A_117 : i32 to index
      %get3A_118 = arith.constant 0 : index
      %get3A_119 = tpu.vector_load %arg5[%get3A, %get3A_118] {strides = array<i32>} : memref<128x128xi32, #tpu.memory_space<vmem>>, vector<1x16xi32>,
      %get3A_120 = vector.shape_cast %get3A_119 : vector<1x16xi32> to vector<16xi32>
      %broadcast_in_dim3A = arith.constant 1 : i32
      %broadcast_in_dim3A_121 = vector.broadcast %broadcast_in_dim3A : i32 to vector<16xi32>
      %broadcast_in_dim3A_122 = arith.constant 0 : i32
      %broadcast_in_dim3A_123 = vector.broadcast %broadcast_in_dim3A_122 : i32 to vector<16xi32>
      %ge3A = arith.constant 249984 : i32
      %ge3A_124 = vector.broadcast %ge3A : i32 to vector<16xi32>
      %ge3A_125 = arith.cmpi sge, %get3A_120, %ge3A_124 : vector<16xi32>
      %select_n3A = arith.select %ge3A_125, %broadcast_in_dim3A_121, %broadcast_in_dim3A_123 : vector<16xi1>, vector<16xi32>
      %ge3A_126 = arith.constant 499968 : i32
      %ge3A_127 = vector.broadcast %ge3A_126 : i32 to vector<16xi32>
      %ge3A_128 = arith.cmpi sge, %get3A_120, %ge3A_127 : vector<16xi32>
      %select_n3A_129 = arith.select %ge3A_128, %broadcast_in_dim3A_121, %broadcast_in_dim3A_123 : vector<16xi1>, vector<16xi32>
      %add3A_130 = arith.addi %select_n3A, %select_n3A_129 : vector<16xi32>
      %ge3A_131 = arith.constant 749952 : i32
      %ge3A_132 = vector.broadcast %ge3A_131 : i32 to vector<16xi32>
      %ge3A_133 = arith.cmpi sge, %get3A_120, %ge3A_132 : vector<16xi32>
      %select_n3A_134 = arith.select %ge3A_133, %broadcast_in_dim3A_121, %broadcast_in_dim3A_123 : vector<16xi1>, vector<16xi32>
      %add3A_135 = arith.addi %add3A_130, %select_n3A_134 : vector<16xi32>
      %mul3A_136 = arith.constant 249984 : i32
      %mul3A_137 = vector.broadcast %mul3A_136 : i32 to vector<16xi32>
      %mul3A_138 = arith.muli %add3A_135, %mul3A_137 : vector<16xi32>
      %sub3A = arith.subi %get3A_120, %mul3A_138 : vector<16xi32>
      %mul3A_139 = arith.constant 4 : i32
      %mul3A_140 = vector.broadcast %mul3A_139 : i32 to vector<16xi32>
      %mul3A_141 = arith.muli %mul3A_140, %sub3A : vector<16xi32>
      %add3A_142 = arith.addi %mul3A_141, %add3A_135 : vector<16xi32>
      %swap3A = arith.index_cast %scan3A_117 : i32 to index
      %swap3A_143 = arith.constant 0 : index
      %swap3A_144 = tpu.vector_load %arg5[%swap3A, %swap3A_143] {strides = array<i32>} : memref<128x128xi32, #tpu.memory_space<vmem>>, vector<1x16xi32>,
      %swap3A_145 = vector.shape_cast %swap3A_144 : vector<1x16xi32> to vector<16xi32>
      %swap3A_146 = vector.shape_cast %add3A_142 : vector<16xi32> to vector<1x16xi32>
      tpu.vector_store %arg5[%swap3A, %swap3A_143], %swap3A_146 {strides = array<i32>} : memref<128x128xi32, #tpu.memory_space<vmem>>, vector<1x16xi32>,
      %get3A_147 = arith.index_cast %scan3A_117 : i32 to index
      %get3A_148 = arith.constant 16 : index
      %get3A_149 = tpu.vector_load %arg5[%get3A_147, %get3A_148] {strides = array<i32>} : memref<128x128xi32, #tpu.memory_space<vmem>>, vector<1x16xi32>,
      %get3A_150 = vector.shape_cast %get3A_149 : vector<1x16xi32> to vector<16xi32>
      %broadcast_in_dim3A_151 = arith.constant 1 : i32
      %broadcast_in_dim3A_152 = vector.broadcast %broadcast_in_dim3A_151 : i32 to vector<16xi32>
      %broadcast_in_dim3A_153 = arith.constant 0 : i32
      %broadcast_in_dim3A_154 = vector.broadcast %broadcast_in_dim3A_153 : i32 to vector<16xi32>
      %ge3A_155 = arith.constant 249984 : i32
      %ge3A_156 = vector.broadcast %ge3A_155 : i32 to vector<16xi32>
      %ge3A_157 = arith.cmpi sge, %get3A_150, %ge3A_156 : vector<16xi32>
      %select_n3A_158 = arith.select %ge3A_157, %broadcast_in_dim3A_152, %broadcast_in_dim3A_154 : vector<16xi1>, vector<16xi32>
      %ge3A_159 = arith.constant 499968 : i32
      %ge3A_160 = vector.broadcast %ge3A_159 : i32 to vector<16xi32>
      %ge3A_161 = arith.cmpi sge, %get3A_150, %ge3A_160 : vector<16xi32>
      %select_n3A_162 = arith.select %ge3A_161, %broadcast_in_dim3A_152, %broadcast_in_dim3A_154 : vector<16xi1>, vector<16xi32>
      %add3A_163 = arith.addi %select_n3A_158, %select_n3A_162 : vector<16xi32>
      %ge3A_164 = arith.constant 749952 : i32
      %ge3A_165 = vector.broadcast %ge3A_164 : i32 to vector<16xi32>
      %ge3A_166 = arith.cmpi sge, %get3A_150, %ge3A_165 : vector<16xi32>
      %select_n3A_167 = arith.select %ge3A_166, %broadcast_in_dim3A_152, %broadcast_in_dim3A_154 : vector<16xi1>, vector<16xi32>
      %add3A_168 = arith.addi %add3A_163, %select_n3A_167 : vector<16xi32>
      %mul3A_169 = arith.constant 249984 : i32
      %mul3A_170 = vector.broadcast %mul3A_169 : i32 to vector<16xi32>
      %mul3A_171 = arith.muli %add3A_168, %mul3A_170 : vector<16xi32>
      %sub3A_172 = arith.subi %get3A_150, %mul3A_171 : vector<16xi32>
      %mul3A_173 = arith.constant 4 : i32
      %mul3A_174 = vector.broadcast %mul3A_173 : i32 to vector<16xi32>
      %mul3A_175 = arith.muli %mul3A_174, %sub3A_172 : vector<16xi32>
      %add3A_176 = arith.addi %mul3A_175, %add3A_168 : vector<16xi32>
      %swap3A_177 = arith.index_cast %scan3A_117 : i32 to index
      %swap3A_178 = arith.constant 16 : index
      %swap3A_179 = tpu.vector_load %arg5[%swap3A_177, %swap3A_178] {strides = array<i32>} : memref<128x128xi32, #tpu.memory_space<vmem>>, vector<1x16xi32>,
      %swap3A_180 = vector.shape_cast %swap3A_179 : vector<1x16xi32> to vector<16xi32>
      %swap3A_181 = vector.shape_cast %add3A_176 : vector<16xi32> to vector<1x16xi32>
      tpu.vector_store %arg5[%swap3A_177, %swap3A_178], %swap3A_181 {strides = array<i32>} : memref<128x128xi32, #tpu.memory_space<vmem>>, vector<1x16xi32>,
      %get3A_182 = arith.index_cast %scan3A_117 : i32 to index
      %get3A_183 = arith.constant 32 : index
      %get3A_184 = tpu.vector_load %arg5[%get3A_182, %get3A_183] {strides = array<i32>} : memref<128x128xi32, #tpu.memory_space<vmem>>, vector<1x16xi32>,
      %get3A_185 = vector.shape_cast %get3A_184 : vector<1x16xi32> to vector<16xi32>
      %broadcast_in_dim3A_186 = arith.constant 1 : i32
      %broadcast_in_dim3A_187 = vector.broadcast %broadcast_in_dim3A_186 : i32 to vector<16xi32>
      %broadcast_in_dim3A_188 = arith.constant 0 : i32
      %broadcast_in_dim3A_189 = vector.broadcast %broadcast_in_dim3A_188 : i32 to vector<16xi32>
      %ge3A_190 = arith.constant 249984 : i32
      %ge3A_191 = vector.broadcast %ge3A_190 : i32 to vector<16xi32>
      %ge3A_192 = arith.cmpi sge, %get3A_185, %ge3A_191 : vector<16xi32>
      %select_n3A_193 = arith.select %ge3A_192, %broadcast_in_dim3A_187, %broadcast_in_dim3A_189 : vector<16xi1>, vector<16xi32>
      %ge3A_194 = arith.constant 499968 : i32
      %ge3A_195 = vector.broadcast %ge3A_194 : i32 to vector<16xi32>
      %ge3A_196 = arith.cmpi sge, %get3A_185, %ge3A_195 : vector<16xi32>
      %select_n3A_197 = arith.select %ge3A_196, %broadcast_in_dim3A_187, %broadcast_in_dim3A_189 : vector<16xi1>, vector<16xi32>
      %add3A_198 = arith.addi %select_n3A_193, %select_n3A_197 : vector<16xi32>
      %ge3A_199 = arith.constant 749952 : i32
      %ge3A_200 = vector.broadcast %ge3A_199 : i32 to vector<16xi32>
      %ge3A_201 = arith.cmpi sge, %get3A_185, %ge3A_200 : vector<16xi32>
      %select_n3A_202 = arith.select %ge3A_201, %broadcast_in_dim3A_187, %broadcast_in_dim3A_189 : vector<16xi1>, vector<16xi32>
      %add3A_203 = arith.addi %add3A_198, %select_n3A_202 : vector<16xi32>
      %mul3A_204 = arith.constant 249984 : i32
      %mul3A_205 = vector.broadcast %mul3A_204 : i32 to vector<16xi32>
      %mul3A_206 = arith.muli %add3A_203, %mul3A_205 : vector<16xi32>
      %sub3A_207 = arith.subi %get3A_185, %mul3A_206 : vector<16xi32>
      %mul3A_208 = arith.constant 4 : i32
      %mul3A_209 = vector.broadcast %mul3A_208 : i32 to vector<16xi32>
      %mul3A_210 = arith.muli %mul3A_209, %sub3A_207 : vector<16xi32>
      %add3A_211 = arith.addi %mul3A_210, %add3A_203 : vector<16xi32>
      %swap3A_212 = arith.index_cast %scan3A_117 : i32 to index
      %swap3A_213 = arith.constant 32 : index
      %swap3A_214 = tpu.vector_load %arg5[%swap3A_212, %swap3A_213] {strides = array<i32>} : memref<128x128xi32, #tpu.memory_space<vmem>>, vector<1x16xi32>,
      %swap3A_215 = vector.shape_cast %swap3A_214 : vector<1x16xi32> to vector<16xi32>
      %swap3A_216 = vector.shape_cast %add3A_211 : vector<16xi32> to vector<1x16xi32>
      tpu.vector_store %arg5[%swap3A_212, %swap3A_213], %swap3A_216 {strides = array<i32>} : memref<128x128xi32, #tpu.memory_space<vmem>>, vector<1x16xi32>,
      %get3A_217 = arith.index_cast %scan3A_117 : i32 to index
      %get3A_218 = arith.constant 48 : index
      %get3A_219 = tpu.vector_load %arg5[%get3A_217, %get3A_218] {strides = array<i32>} : memref<128x128xi32, #tpu.memory_space<vmem>>, vector<1x16xi32>,
      %get3A_220 = vector.shape_cast %get3A_219 : vector<1x16xi32> to vector<16xi32>
      %broadcast_in_dim3A_221 = arith.constant 1 : i32
      %broadcast_in_dim3A_222 = vector.broadcast %broadcast_in_dim3A_221 : i32 to vector<16xi32>
      %broadcast_in_dim3A_223 = arith.constant 0 : i32
      %broadcast_in_dim3A_224 = vector.broadcast %broadcast_in_dim3A_223 : i32 to vector<16xi32>
      %ge3A_225 = arith.constant 249984 : i32
      %ge3A_226 = vector.broadcast %ge3A_225 : i32 to vector<16xi32>
      %ge3A_227 = arith.cmpi sge, %get3A_220, %ge3A_226 : vector<16xi32>
      %select_n3A_228 = arith.select %ge3A_227, %broadcast_in_dim3A_222, %broadcast_in_dim3A_224 : vector<16xi1>, vector<16xi32>
      %ge3A_229 = arith.constant 499968 : i32
      %ge3A_230 = vector.broadcast %ge3A_229 : i32 to vector<16xi32>
      %ge3A_231 = arith.cmpi sge, %get3A_220, %ge3A_230 : vector<16xi32>
      %select_n3A_232 = arith.select %ge3A_231, %broadcast_in_dim3A_222, %broadcast_in_dim3A_224 : vector<16xi1>, vector<16xi32>
      %add3A_233 = arith.addi %select_n3A_228, %select_n3A_232 : vector<16xi32>
      %ge3A_234 = arith.constant 749952 : i32
      %ge3A_235 = vector.broadcast %ge3A_234 : i32 to vector<16xi32>
      %ge3A_236 = arith.cmpi sge, %get3A_220, %ge3A_235 : vector<16xi32>
      %select_n3A_237 = arith.select %ge3A_236, %broadcast_in_dim3A_222, %broadcast_in_dim3A_224 : vector<16xi1>, vector<16xi32>
      %add3A_238 = arith.addi %add3A_233, %select_n3A_237 : vector<16xi32>
      %mul3A_239 = arith.constant 249984 : i32
      %mul3A_240 = vector.broadcast %mul3A_239 : i32 to vector<16xi32>
      %mul3A_241 = arith.muli %add3A_238, %mul3A_240 : vector<16xi32>
      %sub3A_242 = arith.subi %get3A_220, %mul3A_241 : vector<16xi32>
      %mul3A_243 = arith.constant 4 : i32
      %mul3A_244 = vector.broadcast %mul3A_243 : i32 to vector<16xi32>
      %mul3A_245 = arith.muli %mul3A_244, %sub3A_242 : vector<16xi32>
      %add3A_246 = arith.addi %mul3A_245, %add3A_238 : vector<16xi32>
      %swap3A_247 = arith.index_cast %scan3A_117 : i32 to index
      %swap3A_248 = arith.constant 48 : index
      %swap3A_249 = tpu.vector_load %arg5[%swap3A_247, %swap3A_248] {strides = array<i32>} : memref<128x128xi32, #tpu.memory_space<vmem>>, vector<1x16xi32>,
      %swap3A_250 = vector.shape_cast %swap3A_249 : vector<1x16xi32> to vector<16xi32>
      %swap3A_251 = vector.shape_cast %add3A_246 : vector<16xi32> to vector<1x16xi32>
      tpu.vector_store %arg5[%swap3A_247, %swap3A_248], %swap3A_251 {strides = array<i32>} : memref<128x128xi32, #tpu.memory_space<vmem>>, vector<1x16xi32>,
      %get3A_252 = arith.index_cast %scan3A_117 : i32 to index
      %get3A_253 = arith.constant 64 : index
      %get3A_254 = tpu.vector_load %arg5[%get3A_252, %get3A_253] {strides = array<i32>} : memref<128x128xi32, #tpu.memory_space<vmem>>, vector<1x16xi32>,
      %get3A_255 = vector.shape_cast %get3A_254 : vector<1x16xi32> to vector<16xi32>
      %broadcast_in_dim3A_256 = arith.constant 1 : i32
      %broadcast_in_dim3A_257 = vector.broadcast %broadcast_in_dim3A_256 : i32 to vector<16xi32>
      %broadcast_in_dim3A_258 = arith.constant 0 : i32
      %broadcast_in_dim3A_259 = vector.broadcast %broadcast_in_dim3A_258 : i32 to vector<16xi32>
      %ge3A_260 = arith.constant 249984 : i32
      %ge3A_261 = vector.broadcast %ge3A_260 : i32 to vector<16xi32>
      %ge3A_262 = arith.cmpi sge, %get3A_255, %ge3A_261 : vector<16xi32>
      %select_n3A_263 = arith.select %ge3A_262, %broadcast_in_dim3A_257, %broadcast_in_dim3A_259 : vector<16xi1>, vector<16xi32>
      %ge3A_264 = arith.constant 499968 : i32
      %ge3A_265 = vector.broadcast %ge3A_264 : i32 to vector<16xi32>
      %ge3A_266 = arith.cmpi sge, %get3A_255, %ge3A_265 : vector<16xi32>
      %select_n3A_267 = arith.select %ge3A_266, %broadcast_in_dim3A_257, %broadcast_in_dim3A_259 : vector<16xi1>, vector<16xi32>
      %add3A_268 = arith.addi %select_n3A_263, %select_n3A_267 : vector<16xi32>
      %ge3A_269 = arith.constant 749952 : i32
      %ge3A_270 = vector.broadcast %ge3A_269 : i32 to vector<16xi32>
      %ge3A_271 = arith.cmpi sge, %get3A_255, %ge3A_270 : vector<16xi32>
      %select_n3A_272 = arith.select %ge3A_271, %broadcast_in_dim3A_257, %broadcast_in_dim3A_259 : vector<16xi1>, vector<16xi32>
      %add3A_273 = arith.addi %add3A_268, %select_n3A_272 : vector<16xi32>
      %mul3A_274 = arith.constant 249984 : i32
      %mul3A_275 = vector.broadcast %mul3A_274 : i32 to vector<16xi32>
      %mul3A_276 = arith.muli %add3A_273, %mul3A_275 : vector<16xi32>
      %sub3A_277 = arith.subi %get3A_255, %mul3A_276 : vector<16xi32>
      %mul3A_278 = arith.constant 4 : i32
      %mul3A_279 = vector.broadcast %mul3A_278 : i32 to vector<16xi32>
      %mul3A_280 = arith.muli %mul3A_279, %sub3A_277 : vector<16xi32>
      %add3A_281 = arith.addi %mul3A_280, %add3A_273 : vector<16xi32>
      %swap3A_282 = arith.index_cast %scan3A_117 : i32 to index
      %swap3A_283 = arith.constant 64 : index
      %swap3A_284 = tpu.vector_load %arg5[%swap3A_282, %swap3A_283] {strides = array<i32>} : memref<128x128xi32, #tpu.memory_space<vmem>>, vector<1x16xi32>,
      %swap3A_285 = vector.shape_cast %swap3A_284 : vector<1x16xi32> to vector<16xi32>
      %swap3A_286 = vector.shape_cast %add3A_281 : vector<16xi32> to vector<1x16xi32>
      tpu.vector_store %arg5[%swap3A_282, %swap3A_283], %swap3A_286 {strides = array<i32>} : memref<128x128xi32, #tpu.memory_space<vmem>>, vector<1x16xi32>,
      %get3A_287 = arith.index_cast %scan3A_117 : i32 to index
      %get3A_288 = arith.constant 80 : index
      %get3A_289 = tpu.vector_load %arg5[%get3A_287, %get3A_288] {strides = array<i32>} : memref<128x128xi32, #tpu.memory_space<vmem>>, vector<1x16xi32>,
      %get3A_290 = vector.shape_cast %get3A_289 : vector<1x16xi32> to vector<16xi32>
      %broadcast_in_dim3A_291 = arith.constant 1 : i32
      %broadcast_in_dim3A_292 = vector.broadcast %broadcast_in_dim3A_291 : i32 to vector<16xi32>
      %broadcast_in_dim3A_293 = arith.constant 0 : i32
      %broadcast_in_dim3A_294 = vector.broadcast %broadcast_in_dim3A_293 : i32 to vector<16xi32>
      %ge3A_295 = arith.constant 249984 : i32
      %ge3A_296 = vector.broadcast %ge3A_295 : i32 to vector<16xi32>
      %ge3A_297 = arith.cmpi sge, %get3A_290, %ge3A_296 : vector<16xi32>
      %select_n3A_298 = arith.select %ge3A_297, %broadcast_in_dim3A_292, %broadcast_in_dim3A_294 : vector<16xi1>, vector<16xi32>
      %ge3A_299 = arith.constant 499968 : i32
      %ge3A_300 = vector.broadcast %ge3A_299 : i32 to vector<16xi32>
      %ge3A_301 = arith.cmpi sge, %get3A_290, %ge3A_300 : vector<16xi32>
      %select_n3A_302 = arith.select %ge3A_301, %broadcast_in_dim3A_292, %broadcast_in_dim3A_294 : vector<16xi1>, vector<16xi32>
      %add3A_303 = arith.addi %select_n3A_298, %select_n3A_302 : vector<16xi32>
      %ge3A_304 = arith.constant 749952 : i32
      %ge3A_305 = vector.broadcast %ge3A_304 : i32 to vector<16xi32>
      %ge3A_306 = arith.cmpi sge, %get3A_290, %ge3A_305 : vector<16xi32>
      %select_n3A_307 = arith.select %ge3A_306, %broadcast_in_dim3A_292, %broadcast_in_dim3A_294 : vector<16xi1>, vector<16xi32>
      %add3A_308 = arith.addi %add3A_303, %select_n3A_307 : vector<16xi32>
      %mul3A_309 = arith.constant 249984 : i32
      %mul3A_310 = vector.broadcast %mul3A_309 : i32 to vector<16xi32>
      %mul3A_311 = arith.muli %add3A_308, %mul3A_310 : vector<16xi32>
      %sub3A_312 = arith.subi %get3A_290, %mul3A_311 : vector<16xi32>
      %mul3A_313 = arith.constant 4 : i32
      %mul3A_314 = vector.broadcast %mul3A_313 : i32 to vector<16xi32>
      %mul3A_315 = arith.muli %mul3A_314, %sub3A_312 : vector<16xi32>
      %add3A_316 = arith.addi %mul3A_315, %add3A_308 : vector<16xi32>
      %swap3A_317 = arith.index_cast %scan3A_117 : i32 to index
      %swap3A_318 = arith.constant 80 : index
      %swap3A_319 = tpu.vector_load %arg5[%swap3A_317, %swap3A_318] {strides = array<i32>} : memref<128x128xi32, #tpu.memory_space<vmem>>, vector<1x16xi32>,
      %swap3A_320 = vector.shape_cast %swap3A_319 : vector<1x16xi32> to vector<16xi32>
      %swap3A_321 = vector.shape_cast %add3A_316 : vector<16xi32> to vector<1x16xi32>
      tpu.vector_store %arg5[%swap3A_317, %swap3A_318], %swap3A_321 {strides = array<i32>} : memref<128x128xi32, #tpu.memory_space<vmem>>, vector<1x16xi32>,
      %get3A_322 = arith.index_cast %scan3A_117 : i32 to index
      %get3A_323 = arith.constant 96 : index
      %get3A_324 = tpu.vector_load %arg5[%get3A_322, %get3A_323] {strides = array<i32>} : memref<128x128xi32, #tpu.memory_space<vmem>>, vector<1x16xi32>,
      %get3A_325 = vector.shape_cast %get3A_324 : vector<1x16xi32> to vector<16xi32>
      %broadcast_in_dim3A_326 = arith.constant 1 : i32
      %broadcast_in_dim3A_327 = vector.broadcast %broadcast_in_dim3A_326 : i32 to vector<16xi32>
      %broadcast_in_dim3A_328 = arith.constant 0 : i32
      %broadcast_in_dim3A_329 = vector.broadcast %broadcast_in_dim3A_328 : i32 to vector<16xi32>
      %ge3A_330 = arith.constant 249984 : i32
      %ge3A_331 = vector.broadcast %ge3A_330 : i32 to vector<16xi32>
      %ge3A_332 = arith.cmpi sge, %get3A_325, %ge3A_331 : vector<16xi32>
      %select_n3A_333 = arith.select %ge3A_332, %broadcast_in_dim3A_327, %broadcast_in_dim3A_329 : vector<16xi1>, vector<16xi32>
      %ge3A_334 = arith.constant 499968 : i32
      %ge3A_335 = vector.broadcast %ge3A_334 : i32 to vector<16xi32>
      %ge3A_336 = arith.cmpi sge, %get3A_325, %ge3A_335 : vector<16xi32>
      %select_n3A_337 = arith.select %ge3A_336, %broadcast_in_dim3A_327, %broadcast_in_dim3A_329 : vector<16xi1>, vector<16xi32>
      %add3A_338 = arith.addi %select_n3A_333, %select_n3A_337 : vector<16xi32>
      %ge3A_339 = arith.constant 749952 : i32
      %ge3A_340 = vector.broadcast %ge3A_339 : i32 to vector<16xi32>
      %ge3A_341 = arith.cmpi sge, %get3A_325, %ge3A_340 : vector<16xi32>
      %select_n3A_342 = arith.select %ge3A_341, %broadcast_in_dim3A_327, %broadcast_in_dim3A_329 : vector<16xi1>, vector<16xi32>
      %add3A_343 = arith.addi %add3A_338, %select_n3A_342 : vector<16xi32>
      %mul3A_344 = arith.constant 249984 : i32
      %mul3A_345 = vector.broadcast %mul3A_344 : i32 to vector<16xi32>
      %mul3A_346 = arith.muli %add3A_343, %mul3A_345 : vector<16xi32>
      %sub3A_347 = arith.subi %get3A_325, %mul3A_346 : vector<16xi32>
      %mul3A_348 = arith.constant 4 : i32
      %mul3A_349 = vector.broadcast %mul3A_348 : i32 to vector<16xi32>
      %mul3A_350 = arith.muli %mul3A_349, %sub3A_347 : vector<16xi32>
      %add3A_351 = arith.addi %mul3A_350, %add3A_343 : vector<16xi32>
      %swap3A_352 = arith.index_cast %scan3A_117 : i32 to index
      %swap3A_353 = arith.constant 96 : index
      %swap3A_354 = tpu.vector_load %arg5[%swap3A_352, %swap3A_353] {strides = array<i32>} : memref<128x128xi32, #tpu.memory_space<vmem>>, vector<1x16xi32>,
      %swap3A_355 = vector.shape_cast %swap3A_354 : vector<1x16xi32> to vector<16xi32>
      %swap3A_356 = vector.shape_cast %add3A_351 : vector<16xi32> to vector<1x16xi32>
      tpu.vector_store %arg5[%swap3A_352, %swap3A_353], %swap3A_356 {strides = array<i32>} : memref<128x128xi32, #tpu.memory_space<vmem>>, vector<1x16xi32>,
      %get3A_357 = arith.index_cast %scan3A_117 : i32 to index
      %get3A_358 = arith.constant 112 : index
      %get3A_359 = tpu.vector_load %arg5[%get3A_357, %get3A_358] {strides = array<i32>} : memref<128x128xi32, #tpu.memory_space<vmem>>, vector<1x16xi32>,
      %get3A_360 = vector.shape_cast %get3A_359 : vector<1x16xi32> to vector<16xi32>
      %broadcast_in_dim3A_361 = arith.constant 1 : i32
      %broadcast_in_dim3A_362 = vector.broadcast %broadcast_in_dim3A_361 : i32 to vector<16xi32>
      %broadcast_in_dim3A_363 = arith.constant 0 : i32
      %broadcast_in_dim3A_364 = vector.broadcast %broadcast_in_dim3A_363 : i32 to vector<16xi32>
      %ge3A_365 = arith.constant 249984 : i32
      %ge3A_366 = vector.broadcast %ge3A_365 : i32 to vector<16xi32>
      %ge3A_367 = arith.cmpi sge, %get3A_360, %ge3A_366 : vector<16xi32>
      %select_n3A_368 = arith.select %ge3A_367, %broadcast_in_dim3A_362, %broadcast_in_dim3A_364 : vector<16xi1>, vector<16xi32>
      %ge3A_369 = arith.constant 499968 : i32
      %ge3A_370 = vector.broadcast %ge3A_369 : i32 to vector<16xi32>
      %ge3A_371 = arith.cmpi sge, %get3A_360, %ge3A_370 : vector<16xi32>
      %select_n3A_372 = arith.select %ge3A_371, %broadcast_in_dim3A_362, %broadcast_in_dim3A_364 : vector<16xi1>, vector<16xi32>
      %add3A_373 = arith.addi %select_n3A_368, %select_n3A_372 : vector<16xi32>
      %ge3A_374 = arith.constant 749952 : i32
      %ge3A_375 = vector.broadcast %ge3A_374 : i32 to vector<16xi32>
      %ge3A_376 = arith.cmpi sge, %get3A_360, %ge3A_375 : vector<16xi32>
      %select_n3A_377 = arith.select %ge3A_376, %broadcast_in_dim3A_362, %broadcast_in_dim3A_364 : vector<16xi1>, vector<16xi32>
      %add3A_378 = arith.addi %add3A_373, %select_n3A_377 : vector<16xi32>
      %mul3A_379 = arith.constant 249984 : i32
      %mul3A_380 = vector.broadcast %mul3A_379 : i32 to vector<16xi32>
      %mul3A_381 = arith.muli %add3A_378, %mul3A_380 : vector<16xi32>
      %sub3A_382 = arith.subi %get3A_360, %mul3A_381 : vector<16xi32>
      %mul3A_383 = arith.constant 4 : i32
      %mul3A_384 = vector.broadcast %mul3A_383 : i32 to vector<16xi32>
      %mul3A_385 = arith.muli %mul3A_384, %sub3A_382 : vector<16xi32>
      %add3A_386 = arith.addi %mul3A_385, %add3A_378 : vector<16xi32>
      %swap3A_387 = arith.index_cast %scan3A_117 : i32 to index
      %swap3A_388 = arith.constant 112 : index
      %swap3A_389 = tpu.vector_load %arg5[%swap3A_387, %swap3A_388] {strides = array<i32>} : memref<128x128xi32, #tpu.memory_space<vmem>>, vector<1x16xi32>,
      %swap3A_390 = vector.shape_cast %swap3A_389 : vector<1x16xi32> to vector<16xi32>
      %swap3A_391 = vector.shape_cast %add3A_386 : vector<16xi32> to vector<1x16xi32>
      tpu.vector_store %arg5[%swap3A_387, %swap3A_388], %swap3A_391 {strides = array<i32>} : memref<128x128xi32, #tpu.memory_space<vmem>>, vector<1x16xi32>,
    }
    %scan3A_5 = arith.constant 128 : i32
    %min3A = arith.constant 0 : i32
    %min3A_6 = arith.constant 127 : i32
    %min3A_7 = arith.minsi %min3A, %min3A_6 : i32
    %dma_start3A = arith.constant 0 : i32
    %dma_start3A_8 = arith.constant 0 : i32
    %dma_start3A_9 = tpu.memref_slice %arg6[%dma_start3A, %dma_start3A_8] : memref<1024x32xf32, #tpu.memory_space<vmem>> -> memref<128x32xf32, #tpu.memory_space<vmem>>
    %dma_start3A_10 = arith.constant 0 : i32
    %dma_start3A_11 = tpu.memref_slice %arg5[%min3A_7, %dma_start3A_10] : memref<128x128xi32, #tpu.memory_space<vmem>> -> memref<1x128xi32, #tpu.memory_space<vmem>>
    %dma_start3A_12 = tpu.memref_squeeze %dma_start3A_11 : memref<1x128xi32, #tpu.memory_space<vmem>> -> memref<128xi32, #tpu.memory_space<vmem>>
    %dma_start3A_13 = arith.constant 0 : i32
    %dma_start3A_14 = arith.constant 0 : i32
    %dma_start3A_15 = tpu.memref_slice %arg3[%dma_start3A_13, %dma_start3A_14] : memref<1000192x32xf32, #tpu.memory_space<hbm>> -> memref<1000192x32xf32, #tpu.memory_space<hbm>>
    tpu.enqueue_indirect_dma source(%dma_start3A_15 : memref<1000192x32xf32, #tpu.memory_space<hbm>>) target(%dma_start3A_9 : memref<128x32xf32, #tpu.memory_space<vmem>>) offsets(%dma_start3A_12 : memref<128xi32, #tpu.memory_space<vmem>>) semaphore(%arg9 : memref<!tpu.dma_semaphore, #tpu.memory_space<semaphore_mem>>)
    %min3A_16 = arith.constant 1 : i32
    %min3A_17 = arith.constant 127 : i32
    %min3A_18 = arith.minsi %min3A_16, %min3A_17 : i32
    %dma_start3A_19 = arith.constant 128 : i32
    %dma_start3A_20 = arith.constant 0 : i32
    %dma_start3A_21 = tpu.memref_slice %arg6[%dma_start3A_19, %dma_start3A_20] : memref<1024x32xf32, #tpu.memory_space<vmem>> -> memref<128x32xf32, #tpu.memory_space<vmem>>
    %dma_start3A_22 = arith.constant 0 : i32
    %dma_start3A_23 = tpu.memref_slice %arg5[%min3A_18, %dma_start3A_22] : memref<128x128xi32, #tpu.memory_space<vmem>> -> memref<1x128xi32, #tpu.memory_space<vmem>>
    %dma_start3A_24 = tpu.memref_squeeze %dma_start3A_23 : memref<1x128xi32, #tpu.memory_space<vmem>> -> memref<128xi32, #tpu.memory_space<vmem>>
    %dma_start3A_25 = arith.constant 0 : i32
    %dma_start3A_26 = arith.constant 0 : i32
    %dma_start3A_27 = tpu.memref_slice %arg3[%dma_start3A_25, %dma_start3A_26] : memref<1000192x32xf32, #tpu.memory_space<hbm>> -> memref<1000192x32xf32, #tpu.memory_space<hbm>>
    tpu.enqueue_indirect_dma source(%dma_start3A_27 : memref<1000192x32xf32, #tpu.memory_space<hbm>>) target(%dma_start3A_21 : memref<128x32xf32, #tpu.memory_space<vmem>>) offsets(%dma_start3A_24 : memref<128xi32, #tpu.memory_space<vmem>>) semaphore(%arg9 : memref<!tpu.dma_semaphore, #tpu.memory_space<semaphore_mem>>)
    %min3A_28 = arith.constant 2 : i32
    %min3A_29 = arith.constant 127 : i32
    %min3A_30 = arith.minsi %min3A_28, %min3A_29 : i32
    %dma_start3A_31 = arith.constant 256 : i32
    %dma_start3A_32 = arith.constant 0 : i32
    %dma_start3A_33 = tpu.memref_slice %arg6[%dma_start3A_31, %dma_start3A_32] : memref<1024x32xf32, #tpu.memory_space<vmem>> -> memref<128x32xf32, #tpu.memory_space<vmem>>
    %dma_start3A_34 = arith.constant 0 : i32
    %dma_start3A_35 = tpu.memref_slice %arg5[%min3A_30, %dma_start3A_34] : memref<128x128xi32, #tpu.memory_space<vmem>> -> memref<1x128xi32, #tpu.memory_space<vmem>>
    %dma_start3A_36 = tpu.memref_squeeze %dma_start3A_35 : memref<1x128xi32, #tpu.memory_space<vmem>> -> memref<128xi32, #tpu.memory_space<vmem>>
    %dma_start3A_37 = arith.constant 0 : i32
    %dma_start3A_38 = arith.constant 0 : i32
    %dma_start3A_39 = tpu.memref_slice %arg3[%dma_start3A_37, %dma_start3A_38] : memref<1000192x32xf32, #tpu.memory_space<hbm>> -> memref<1000192x32xf32, #tpu.memory_space<hbm>>
    tpu.enqueue_indirect_dma source(%dma_start3A_39 : memref<1000192x32xf32, #tpu.memory_space<hbm>>) target(%dma_start3A_33 : memref<128x32xf32, #tpu.memory_space<vmem>>) offsets(%dma_start3A_36 : memref<128xi32, #tpu.memory_space<vmem>>) semaphore(%arg9 : memref<!tpu.dma_semaphore, #tpu.memory_space<semaphore_mem>>)
    %min3A_40 = arith.constant 3 : i32
    %min3A_41 = arith.constant 127 : i32
    %min3A_42 = arith.minsi %min3A_40, %min3A_41 : i32
    %dma_start3A_43 = arith.constant 384 : i32
    %dma_start3A_44 = arith.constant 0 : i32
    %dma_start3A_45 = tpu.memref_slice %arg6[%dma_start3A_43, %dma_start3A_44] : memref<1024x32xf32, #tpu.memory_space<vmem>> -> memref<128x32xf32, #tpu.memory_space<vmem>>
    %dma_start3A_46 = arith.constant 0 : i32
    %dma_start3A_47 = tpu.memref_slice %arg5[%min3A_42, %dma_start3A_46] : memref<128x128xi32, #tpu.memory_space<vmem>> -> memref<1x128xi32, #tpu.memory_space<vmem>>
    %dma_start3A_48 = tpu.memref_squeeze %dma_start3A_47 : memref<1x128xi32, #tpu.memory_space<vmem>> -> memref<128xi32, #tpu.memory_space<vmem>>
    %dma_start3A_49 = arith.constant 0 : i32
    %dma_start3A_50 = arith.constant 0 : i32
    %dma_start3A_51 = tpu.memref_slice %arg3[%dma_start3A_49, %dma_start3A_50] : memref<1000192x32xf32, #tpu.memory_space<hbm>> -> memref<1000192x32xf32, #tpu.memory_space<hbm>>
    tpu.enqueue_indirect_dma source(%dma_start3A_51 : memref<1000192x32xf32, #tpu.memory_space<hbm>>) target(%dma_start3A_45 : memref<128x32xf32, #tpu.memory_space<vmem>>) offsets(%dma_start3A_48 : memref<128xi32, #tpu.memory_space<vmem>>) semaphore(%arg9 : memref<!tpu.dma_semaphore, #tpu.memory_space<semaphore_mem>>)
    %min3A_52 = arith.constant 4 : i32
    %min3A_53 = arith.constant 127 : i32
    %min3A_54 = arith.minsi %min3A_52, %min3A_53 : i32
    %dma_start3A_55 = arith.constant 512 : i32
    %dma_start3A_56 = arith.constant 0 : i32
    %dma_start3A_57 = tpu.memref_slice %arg6[%dma_start3A_55, %dma_start3A_56] : memref<1024x32xf32, #tpu.memory_space<vmem>> -> memref<128x32xf32, #tpu.memory_space<vmem>>
    %dma_start3A_58 = arith.constant 0 : i32
    %dma_start3A_59 = tpu.memref_slice %arg5[%min3A_54, %dma_start3A_58] : memref<128x128xi32, #tpu.memory_space<vmem>> -> memref<1x128xi32, #tpu.memory_space<vmem>>
    %dma_start3A_60 = tpu.memref_squeeze %dma_start3A_59 : memref<1x128xi32, #tpu.memory_space<vmem>> -> memref<128xi32, #tpu.memory_space<vmem>>
    %dma_start3A_61 = arith.constant 0 : i32
    %dma_start3A_62 = arith.constant 0 : i32
    %dma_start3A_63 = tpu.memref_slice %arg3[%dma_start3A_61, %dma_start3A_62] : memref<1000192x32xf32, #tpu.memory_space<hbm>> -> memref<1000192x32xf32, #tpu.memory_space<hbm>>
    tpu.enqueue_indirect_dma source(%dma_start3A_63 : memref<1000192x32xf32, #tpu.memory_space<hbm>>) target(%dma_start3A_57 : memref<128x32xf32, #tpu.memory_space<vmem>>) offsets(%dma_start3A_60 : memref<128xi32, #tpu.memory_space<vmem>>) semaphore(%arg9 : memref<!tpu.dma_semaphore, #tpu.memory_space<semaphore_mem>>)
    %min3A_64 = arith.constant 5 : i32
    %min3A_65 = arith.constant 127 : i32
    %min3A_66 = arith.minsi %min3A_64, %min3A_65 : i32
    %dma_start3A_67 = arith.constant 640 : i32
    %dma_start3A_68 = arith.constant 0 : i32
    %dma_start3A_69 = tpu.memref_slice %arg6[%dma_start3A_67, %dma_start3A_68] : memref<1024x32xf32, #tpu.memory_space<vmem>> -> memref<128x32xf32, #tpu.memory_space<vmem>>
    %dma_start3A_70 = arith.constant 0 : i32
    %dma_start3A_71 = tpu.memref_slice %arg5[%min3A_66, %dma_start3A_70] : memref<128x128xi32, #tpu.memory_space<vmem>> -> memref<1x128xi32, #tpu.memory_space<vmem>>
    %dma_start3A_72 = tpu.memref_squeeze %dma_start3A_71 : memref<1x128xi32, #tpu.memory_space<vmem>> -> memref<128xi32, #tpu.memory_space<vmem>>
    %dma_start3A_73 = arith.constant 0 : i32
    %dma_start3A_74 = arith.constant 0 : i32
    %dma_start3A_75 = tpu.memref_slice %arg3[%dma_start3A_73, %dma_start3A_74] : memref<1000192x32xf32, #tpu.memory_space<hbm>> -> memref<1000192x32xf32, #tpu.memory_space<hbm>>
    tpu.enqueue_indirect_dma source(%dma_start3A_75 : memref<1000192x32xf32, #tpu.memory_space<hbm>>) target(%dma_start3A_69 : memref<128x32xf32, #tpu.memory_space<vmem>>) offsets(%dma_start3A_72 : memref<128xi32, #tpu.memory_space<vmem>>) semaphore(%arg9 : memref<!tpu.dma_semaphore, #tpu.memory_space<semaphore_mem>>)
    %min3A_76 = arith.constant 6 : i32
    %min3A_77 = arith.constant 127 : i32
    %min3A_78 = arith.minsi %min3A_76, %min3A_77 : i32
    %dma_start3A_79 = arith.constant 768 : i32
    %dma_start3A_80 = arith.constant 0 : i32
    %dma_start3A_81 = tpu.memref_slice %arg6[%dma_start3A_79, %dma_start3A_80] : memref<1024x32xf32, #tpu.memory_space<vmem>> -> memref<128x32xf32, #tpu.memory_space<vmem>>
    %dma_start3A_82 = arith.constant 0 : i32
    %dma_start3A_83 = tpu.memref_slice %arg5[%min3A_78, %dma_start3A_82] : memref<128x128xi32, #tpu.memory_space<vmem>> -> memref<1x128xi32, #tpu.memory_space<vmem>>
    %dma_start3A_84 = tpu.memref_squeeze %dma_start3A_83 : memref<1x128xi32, #tpu.memory_space<vmem>> -> memref<128xi32, #tpu.memory_space<vmem>>
    %dma_start3A_85 = arith.constant 0 : i32
    %dma_start3A_86 = arith.constant 0 : i32
    %dma_start3A_87 = tpu.memref_slice %arg3[%dma_start3A_85, %dma_start3A_86] : memref<1000192x32xf32, #tpu.memory_space<hbm>> -> memref<1000192x32xf32, #tpu.memory_space<hbm>>
    tpu.enqueue_indirect_dma source(%dma_start3A_87 : memref<1000192x32xf32, #tpu.memory_space<hbm>>) target(%dma_start3A_81 : memref<128x32xf32, #tpu.memory_space<vmem>>) offsets(%dma_start3A_84 : memref<128xi32, #tpu.memory_space<vmem>>) semaphore(%arg9 : memref<!tpu.dma_semaphore, #tpu.memory_space<semaphore_mem>>)
    %min3A_88 = arith.constant 7 : i32
    %min3A_89 = arith.constant 127 : i32
    %min3A_90 = arith.minsi %min3A_88, %min3A_89 : i32
    %dma_start3A_91 = arith.constant 896 : i32
    %dma_start3A_92 = arith.constant 0 : i32
    %dma_start3A_93 = tpu.memref_slice %arg6[%dma_start3A_91, %dma_start3A_92] : memref<1024x32xf32, #tpu.memory_space<vmem>> -> memref<128x32xf32, #tpu.memory_space<vmem>>
    %dma_start3A_94 = arith.constant 0 : i32
    %dma_start3A_95 = tpu.memref_slice %arg5[%min3A_90, %dma_start3A_94] : memref<128x128xi32, #tpu.memory_space<vmem>> -> memref<1x128xi32, #tpu.memory_space<vmem>>
    %dma_start3A_96 = tpu.memref_squeeze %dma_start3A_95 : memref<1x128xi32, #tpu.memory_space<vmem>> -> memref<128xi32, #tpu.memory_space<vmem>>
    %dma_start3A_97 = arith.constant 0 : i32
    %dma_start3A_98 = arith.constant 0 : i32
    %dma_start3A_99 = tpu.memref_slice %arg3[%dma_start3A_97, %dma_start3A_98] : memref<1000192x32xf32, #tpu.memory_space<hbm>> -> memref<1000192x32xf32, #tpu.memory_space<hbm>>
    tpu.enqueue_indirect_dma source(%dma_start3A_99 : memref<1000192x32xf32, #tpu.memory_space<hbm>>) target(%dma_start3A_93 : memref<128x32xf32, #tpu.memory_space<vmem>>) offsets(%dma_start3A_96 : memref<128xi32, #tpu.memory_space<vmem>>) semaphore(%arg9 : memref<!tpu.dma_semaphore, #tpu.memory_space<semaphore_mem>>)
    tpu.enqueue_dma source(%arg7 : memref<1024x32xf32, #tpu.memory_space<vmem>>) target(%arg8 : memref<1024x32xf32, #tpu.memory_space<hbm>>) target_semaphore(%arg12 : memref<!tpu.dma_semaphore, #tpu.memory_space<semaphore_mem>>)
    %scan3A_100 = arith.constant 0 : i32
    %scan3A_101 = arith.constant 0 : i32
    %scan3A_102 = arith.constant 8 : i32
    %scan3A_103 = arith.addi %scan3A_101, %scan3A_102 : i32
    %scan3A_104 = arith.constant 1 : i32
    scf.for %scan3A_117 = %scan3A_101 to %scan3A_103 step %scan3A_104  : i32 {
      %mul3A_118 = arith.constant 2 : i32
      %mul3A_119 = arith.muli %mul3A_118, %scan3A_117 : i32
      %dma_wait3A_120 = arith.constant 0 : i32
      %dma_wait3A_121 = arith.constant 0 : i32
      %dma_wait3A_122 = tpu.memref_slice %arg3[%dma_wait3A_120, %dma_wait3A_121] : memref<1000192x32xf32, #tpu.memory_space<hbm>> -> memref<1024x32xf32, #tpu.memory_space<hbm>>
      %dma_wait3A_123 = arith.constant 0 : i32
      %dma_wait3A_124 = arith.constant 0 : i32
      %dma_wait3A_125 = tpu.memref_slice %arg3[%dma_wait3A_123, %dma_wait3A_124] : memref<1000192x32xf32, #tpu.memory_space<hbm>> -> memref<1024x32xf32, #tpu.memory_space<hbm>>
      tpu.wait_dma2 semaphore(%arg9 : memref<!tpu.dma_semaphore, #tpu.memory_space<semaphore_mem>>) src(%dma_wait3A_125 : memref<1024x32xf32, #tpu.memory_space<hbm>>) dst(%arg6 : memref<1024x32xf32, #tpu.memory_space<vmem>>)
      %dma_wait3A_126 = arith.constant 0 : i32
      %dma_wait3A_127 = arith.constant 0 : i32
      %dma_wait3A_128 = tpu.memref_slice %arg4[%dma_wait3A_126, %dma_wait3A_127] : memref<524288x32xf32, #tpu.memory_space<hbm>> -> memref<1024x32xf32, #tpu.memory_space<hbm>>
      %dma_wait3A_129 = arith.constant 0 : i32
      %dma_wait3A_130 = arith.constant 0 : i32
      %dma_wait3A_131 = tpu.memref_slice %arg4[%dma_wait3A_129, %dma_wait3A_130] : memref<524288x32xf32, #tpu.memory_space<hbm>> -> memref<1024x32xf32, #tpu.memory_space<hbm>>
      tpu.wait_dma2 semaphore(%arg12 : memref<!tpu.dma_semaphore, #tpu.memory_space<semaphore_mem>>) src(%arg7 : memref<1024x32xf32, #tpu.memory_space<vmem>>) dst(%dma_wait3A_131 : memref<1024x32xf32, #tpu.memory_space<hbm>>)
      %add3A_132 = arith.constant 1 : i32
      %add3A_133 = arith.addi %mul3A_119, %add3A_132 : i32
      %mul3A_134 = arith.constant 8 : i32
      %mul3A_135 = arith.muli %add3A_133, %mul3A_134 : i32
      %add3A_136 = arith.constant 0 : i32
      %add3A_137 = arith.addi %mul3A_135, %add3A_136 : i32
      %min3A_138 = arith.constant 127 : i32
      %min3A_139 = arith.minsi %add3A_137, %min3A_138 : i32
      %dma_start3A_140 = arith.constant 0 : i32
      %dma_start3A_141 = arith.constant 0 : i32
      %dma_start3A_142 = tpu.memref_slice %arg7[%dma_start3A_140, %dma_start3A_141] : memref<1024x32xf32, #tpu.memory_space<vmem>> -> memref<128x32xf32, #tpu.memory_space<vmem>>
      %dma_start3A_143 = arith.constant 0 : i32
      %dma_start3A_144 = tpu.memref_slice %arg5[%min3A_139, %dma_start3A_143] : memref<128x128xi32, #tpu.memory_space<vmem>> -> memref<1x128xi32, #tpu.memory_space<vmem>>
      %dma_start3A_145 = tpu.memref_squeeze %dma_start3A_144 : memref<1x128xi32, #tpu.memory_space<vmem>> -> memref<128xi32, #tpu.memory_space<vmem>>
      %dma_start3A_146 = arith.constant 0 : i32
      %dma_start3A_147 = arith.constant 0 : i32
      %dma_start3A_148 = tpu.memref_slice %arg3[%dma_start3A_146, %dma_start3A_147] : memref<1000192x32xf32, #tpu.memory_space<hbm>> -> memref<1000192x32xf32, #tpu.memory_space<hbm>>
      tpu.enqueue_indirect_dma source(%dma_start3A_148 : memref<1000192x32xf32, #tpu.memory_space<hbm>>) target(%dma_start3A_142 : memref<128x32xf32, #tpu.memory_space<vmem>>) offsets(%dma_start3A_145 : memref<128xi32, #tpu.memory_space<vmem>>) semaphore(%arg10 : memref<!tpu.dma_semaphore, #tpu.memory_space<semaphore_mem>>)
      %mul3A_149 = arith.constant 8 : i32
      %mul3A_150 = arith.muli %add3A_133, %mul3A_149 : i32
      %add3A_151 = arith.constant 1 : i32
      %add3A_152 = arith.addi %mul3A_150, %add3A_151 : i32
      %min3A_153 = arith.constant 127 : i32
      %min3A_154 = arith.minsi %add3A_152, %min3A_153 : i32
      %dma_start3A_155 = arith.constant 128 : i32
      %dma_start3A_156 = arith.constant 0 : i32
      %dma_start3A_157 = tpu.memref_slice %arg7[%dma_start3A_155, %dma_start3A_156] : memref<1024x32xf32, #tpu.memory_space<vmem>> -> memref<128x32xf32, #tpu.memory_space<vmem>>
      %dma_start3A_158 = arith.constant 0 : i32
      %dma_start3A_159 = tpu.memref_slice %arg5[%min3A_154, %dma_start3A_158] : memref<128x128xi32, #tpu.memory_space<vmem>> -> memref<1x128xi32, #tpu.memory_space<vmem>>
      %dma_start3A_160 = tpu.memref_squeeze %dma_start3A_159 : memref<1x128xi32, #tpu.memory_space<vmem>> -> memref<128xi32, #tpu.memory_space<vmem>>
      %dma_start3A_161 = arith.constant 0 : i32
      %dma_start3A_162 = arith.constant 0 : i32
      %dma_start3A_163 = tpu.memref_slice %arg3[%dma_start3A_161, %dma_start3A_162] : memref<1000192x32xf32, #tpu.memory_space<hbm>> -> memref<1000192x32xf32, #tpu.memory_space<hbm>>
      tpu.enqueue_indirect_dma source(%dma_start3A_163 : memref<1000192x32xf32, #tpu.memory_space<hbm>>) target(%dma_start3A_157 : memref<128x32xf32, #tpu.memory_space<vmem>>) offsets(%dma_start3A_160 : memref<128xi32, #tpu.memory_space<vmem>>) semaphore(%arg10 : memref<!tpu.dma_semaphore, #tpu.memory_space<semaphore_mem>>)
      %mul3A_164 = arith.constant 8 : i32
      %mul3A_165 = arith.muli %add3A_133, %mul3A_164 : i32
      %add3A_166 = arith.constant 2 : i32
      %add3A_167 = arith.addi %mul3A_165, %add3A_166 : i32
      %min3A_168 = arith.constant 127 : i32
      %min3A_169 = arith.minsi %add3A_167, %min3A_168 : i32
      %dma_start3A_170 = arith.constant 256 : i32
      %dma_start3A_171 = arith.constant 0 : i32
      %dma_start3A_172 = tpu.memref_slice %arg7[%dma_start3A_170, %dma_start3A_171] : memref<1024x32xf32, #tpu.memory_space<vmem>> -> memref<128x32xf32, #tpu.memory_space<vmem>>
      %dma_start3A_173 = arith.constant 0 : i32
      %dma_start3A_174 = tpu.memref_slice %arg5[%min3A_169, %dma_start3A_173] : memref<128x128xi32, #tpu.memory_space<vmem>> -> memref<1x128xi32, #tpu.memory_space<vmem>>
      %dma_start3A_175 = tpu.memref_squeeze %dma_start3A_174 : memref<1x128xi32, #tpu.memory_space<vmem>> -> memref<128xi32, #tpu.memory_space<vmem>>
      %dma_start3A_176 = arith.constant 0 : i32
      %dma_start3A_177 = arith.constant 0 : i32
      %dma_start3A_178 = tpu.memref_slice %arg3[%dma_start3A_176, %dma_start3A_177] : memref<1000192x32xf32, #tpu.memory_space<hbm>> -> memref<1000192x32xf32, #tpu.memory_space<hbm>>
      tpu.enqueue_indirect_dma source(%dma_start3A_178 : memref<1000192x32xf32, #tpu.memory_space<hbm>>) target(%dma_start3A_172 : memref<128x32xf32, #tpu.memory_space<vmem>>) offsets(%dma_start3A_175 : memref<128xi32, #tpu.memory_space<vmem>>) semaphore(%arg10 : memref<!tpu.dma_semaphore, #tpu.memory_space<semaphore_mem>>)
      %mul3A_179 = arith.constant 8 : i32
      %mul3A_180 = arith.muli %add3A_133, %mul3A_179 : i32
      %add3A_181 = arith.constant 3 : i32
      %add3A_182 = arith.addi %mul3A_180, %add3A_181 : i32
      %min3A_183 = arith.constant 127 : i32
      %min3A_184 = arith.minsi %add3A_182, %min3A_183 : i32
      %dma_start3A_185 = arith.constant 384 : i32
      %dma_start3A_186 = arith.constant 0 : i32
      %dma_start3A_187 = tpu.memref_slice %arg7[%dma_start3A_185, %dma_start3A_186] : memref<1024x32xf32, #tpu.memory_space<vmem>> -> memref<128x32xf32, #tpu.memory_space<vmem>>
      %dma_start3A_188 = arith.constant 0 : i32
      %dma_start3A_189 = tpu.memref_slice %arg5[%min3A_184, %dma_start3A_188] : memref<128x128xi32, #tpu.memory_space<vmem>> -> memref<1x128xi32, #tpu.memory_space<vmem>>
      %dma_start3A_190 = tpu.memref_squeeze %dma_start3A_189 : memref<1x128xi32, #tpu.memory_space<vmem>> -> memref<128xi32, #tpu.memory_space<vmem>>
      %dma_start3A_191 = arith.constant 0 : i32
      %dma_start3A_192 = arith.constant 0 : i32
      %dma_start3A_193 = tpu.memref_slice %arg3[%dma_start3A_191, %dma_start3A_192] : memref<1000192x32xf32, #tpu.memory_space<hbm>> -> memref<1000192x32xf32, #tpu.memory_space<hbm>>
      tpu.enqueue_indirect_dma source(%dma_start3A_193 : memref<1000192x32xf32, #tpu.memory_space<hbm>>) target(%dma_start3A_187 : memref<128x32xf32, #tpu.memory_space<vmem>>) offsets(%dma_start3A_190 : memref<128xi32, #tpu.memory_space<vmem>>) semaphore(%arg10 : memref<!tpu.dma_semaphore, #tpu.memory_space<semaphore_mem>>)
      %mul3A_194 = arith.constant 8 : i32
      %mul3A_195 = arith.muli %add3A_133, %mul3A_194 : i32
      %add3A_196 = arith.constant 4 : i32
      %add3A_197 = arith.addi %mul3A_195, %add3A_196 : i32
      %min3A_198 = arith.constant 127 : i32
      %min3A_199 = arith.minsi %add3A_197, %min3A_198 : i32
      %dma_start3A_200 = arith.constant 512 : i32
      %dma_start3A_201 = arith.constant 0 : i32
      %dma_start3A_202 = tpu.memref_slice %arg7[%dma_start3A_200, %dma_start3A_201] : memref<1024x32xf32, #tpu.memory_space<vmem>> -> memref<128x32xf32, #tpu.memory_space<vmem>>
      %dma_start3A_203 = arith.constant 0 : i32
      %dma_start3A_204 = tpu.memref_slice %arg5[%min3A_199, %dma_start3A_203] : memref<128x128xi32, #tpu.memory_space<vmem>> -> memref<1x128xi32, #tpu.memory_space<vmem>>
      %dma_start3A_205 = tpu.memref_squeeze %dma_start3A_204 : memref<1x128xi32, #tpu.memory_space<vmem>> -> memref<128xi32, #tpu.memory_space<vmem>>
      %dma_start3A_206 = arith.constant 0 : i32
      %dma_start3A_207 = arith.constant 0 : i32
      %dma_start3A_208 = tpu.memref_slice %arg3[%dma_start3A_206, %dma_start3A_207] : memref<1000192x32xf32, #tpu.memory_space<hbm>> -> memref<1000192x32xf32, #tpu.memory_space<hbm>>
      tpu.enqueue_indirect_dma source(%dma_start3A_208 : memref<1000192x32xf32, #tpu.memory_space<hbm>>) target(%dma_start3A_202 : memref<128x32xf32, #tpu.memory_space<vmem>>) offsets(%dma_start3A_205 : memref<128xi32, #tpu.memory_space<vmem>>) semaphore(%arg10 : memref<!tpu.dma_semaphore, #tpu.memory_space<semaphore_mem>>)
      %mul3A_209 = arith.constant 8 : i32
      %mul3A_210 = arith.muli %add3A_133, %mul3A_209 : i32
      %add3A_211 = arith.constant 5 : i32
      %add3A_212 = arith.addi %mul3A_210, %add3A_211 : i32
      %min3A_213 = arith.constant 127 : i32
      %min3A_214 = arith.minsi %add3A_212, %min3A_213 : i32
      %dma_start3A_215 = arith.constant 640 : i32
      %dma_start3A_216 = arith.constant 0 : i32
      %dma_start3A_217 = tpu.memref_slice %arg7[%dma_start3A_215, %dma_start3A_216] : memref<1024x32xf32, #tpu.memory_space<vmem>> -> memref<128x32xf32, #tpu.memory_space<vmem>>
      %dma_start3A_218 = arith.constant 0 : i32
      %dma_start3A_219 = tpu.memref_slice %arg5[%min3A_214, %dma_start3A_218] : memref<128x128xi32, #tpu.memory_space<vmem>> -> memref<1x128xi32, #tpu.memory_space<vmem>>
      %dma_start3A_220 = tpu.memref_squeeze %dma_start3A_219 : memref<1x128xi32, #tpu.memory_space<vmem>> -> memref<128xi32, #tpu.memory_space<vmem>>
      %dma_start3A_221 = arith.constant 0 : i32
      %dma_start3A_222 = arith.constant 0 : i32
      %dma_start3A_223 = tpu.memref_slice %arg3[%dma_start3A_221, %dma_start3A_222] : memref<1000192x32xf32, #tpu.memory_space<hbm>> -> memref<1000192x32xf32, #tpu.memory_space<hbm>>
      tpu.enqueue_indirect_dma source(%dma_start3A_223 : memref<1000192x32xf32, #tpu.memory_space<hbm>>) target(%dma_start3A_217 : memref<128x32xf32, #tpu.memory_space<vmem>>) offsets(%dma_start3A_220 : memref<128xi32, #tpu.memory_space<vmem>>) semaphore(%arg10 : memref<!tpu.dma_semaphore, #tpu.memory_space<semaphore_mem>>)
      %mul3A_224 = arith.constant 8 : i32
      %mul3A_225 = arith.muli %add3A_133, %mul3A_224 : i32
      %add3A_226 = arith.constant 6 : i32
      %add3A_227 = arith.addi %mul3A_225, %add3A_226 : i32
      %min3A_228 = arith.constant 127 : i32
      %min3A_229 = arith.minsi %add3A_227, %min3A_228 : i32
      %dma_start3A_230 = arith.constant 768 : i32
      %dma_start3A_231 = arith.constant 0 : i32
      %dma_start3A_232 = tpu.memref_slice %arg7[%dma_start3A_230, %dma_start3A_231] : memref<1024x32xf32, #tpu.memory_space<vmem>> -> memref<128x32xf32, #tpu.memory_space<vmem>>
      %dma_start3A_233 = arith.constant 0 : i32
      %dma_start3A_234 = tpu.memref_slice %arg5[%min3A_229, %dma_start3A_233] : memref<128x128xi32, #tpu.memory_space<vmem>> -> memref<1x128xi32, #tpu.memory_space<vmem>>
      %dma_start3A_235 = tpu.memref_squeeze %dma_start3A_234 : memref<1x128xi32, #tpu.memory_space<vmem>> -> memref<128xi32, #tpu.memory_space<vmem>>
      %dma_start3A_236 = arith.constant 0 : i32
      %dma_start3A_237 = arith.constant 0 : i32
      %dma_start3A_238 = tpu.memref_slice %arg3[%dma_start3A_236, %dma_start3A_237] : memref<1000192x32xf32, #tpu.memory_space<hbm>> -> memref<1000192x32xf32, #tpu.memory_space<hbm>>
      tpu.enqueue_indirect_dma source(%dma_start3A_238 : memref<1000192x32xf32, #tpu.memory_space<hbm>>) target(%dma_start3A_232 : memref<128x32xf32, #tpu.memory_space<vmem>>) offsets(%dma_start3A_235 : memref<128xi32, #tpu.memory_space<vmem>>) semaphore(%arg10 : memref<!tpu.dma_semaphore, #tpu.memory_space<semaphore_mem>>)
      %mul3A_239 = arith.constant 8 : i32
      %mul3A_240 = arith.muli %add3A_133, %mul3A_239 : i32
      %add3A_241 = arith.constant 7 : i32
      %add3A_242 = arith.addi %mul3A_240, %add3A_241 : i32
      %min3A_243 = arith.constant 127 : i32
      %min3A_244 = arith.minsi %add3A_242, %min3A_243 : i32
      %dma_start3A_245 = arith.constant 896 : i32
      %dma_start3A_246 = arith.constant 0 : i32
      %dma_start3A_247 = tpu.memref_slice %arg7[%dma_start3A_245, %dma_start3A_246] : memref<1024x32xf32, #tpu.memory_space<vmem>> -> memref<128x32xf32, #tpu.memory_space<vmem>>
      %dma_start3A_248 = arith.constant 0 : i32
      %dma_start3A_249 = tpu.memref_slice %arg5[%min3A_244, %dma_start3A_248] : memref<128x128xi32, #tpu.memory_space<vmem>> -> memref<1x128xi32, #tpu.memory_space<vmem>>
      %dma_start3A_250 = tpu.memref_squeeze %dma_start3A_249 : memref<1x128xi32, #tpu.memory_space<vmem>> -> memref<128xi32, #tpu.memory_space<vmem>>
      %dma_start3A_251 = arith.constant 0 : i32
      %dma_start3A_252 = arith.constant 0 : i32
      %dma_start3A_253 = tpu.memref_slice %arg3[%dma_start3A_251, %dma_start3A_252] : memref<1000192x32xf32, #tpu.memory_space<hbm>> -> memref<1000192x32xf32, #tpu.memory_space<hbm>>
      tpu.enqueue_indirect_dma source(%dma_start3A_253 : memref<1000192x32xf32, #tpu.memory_space<hbm>>) target(%dma_start3A_247 : memref<128x32xf32, #tpu.memory_space<vmem>>) offsets(%dma_start3A_250 : memref<128xi32, #tpu.memory_space<vmem>>) semaphore(%arg10 : memref<!tpu.dma_semaphore, #tpu.memory_space<semaphore_mem>>)
      %scan3A_254 = arith.constant 0 : i32
      %scan3A_255 = arith.constant 0 : i32
      %scan3A_256 = arith.constant 32 : i32
      %scan3A_257 = arith.addi %scan3A_255, %scan3A_256 : i32
      %scan3A_258 = arith.constant 1 : i32
      scf.for %scan3A_488 = %scan3A_255 to %scan3A_257 step %scan3A_258  : i32 {
        %mul3A_489 = arith.constant 32 : i32
        %mul3A_490 = arith.muli %scan3A_488, %mul3A_489 : i32
        %broadcast_in_dim3A = arith.constant 0.000000e+00 : f32
        %broadcast_in_dim3A_491 = vector.broadcast %broadcast_in_dim3A : f32 to vector<16xf32>
        %add3A_492 = arith.constant 0 : i32
        %add3A_493 = arith.addi %mul3A_490, %add3A_492 : i32
        %get3A = arith.index_cast %add3A_493 : i32 to index
        %get3A_494 = arith.constant 0 : index
        %get3A_495 = tpu.vector_load %arg6[%get3A, %get3A_494] {strides = array<i32>} : memref<1024x32xf32, #tpu.memory_space<vmem>>, vector<1x16xf32>,
        %get3A_496 = vector.shape_cast %get3A_495 : vector<1x16xf32> to vector<16xf32>
        %mul3A_497 = arith.mulf %get3A_496, %get3A_496 : vector<16xf32>
        %add3A_498 = arith.addf %broadcast_in_dim3A_491, %mul3A_497 : vector<16xf32>
        %add3A_499 = arith.constant 0 : i32
        %add3A_500 = arith.addi %mul3A_490, %add3A_499 : i32
        %get3A_501 = arith.index_cast %add3A_500 : i32 to index
        %get3A_502 = arith.constant 16 : index
        %get3A_503 = tpu.vector_load %arg6[%get3A_501, %get3A_502] {strides = array<i32>} : memref<1024x32xf32, #tpu.memory_space<vmem>>, vector<1x16xf32>,
        %get3A_504 = vector.shape_cast %get3A_503 : vector<1x16xf32> to vector<16xf32>
        %mul3A_505 = arith.mulf %get3A_504, %get3A_504 : vector<16xf32>
        %add3A_506 = arith.addf %add3A_498, %mul3A_505 : vector<16xf32>
        %add3A_507 = arith.constant 1 : i32
        %add3A_508 = arith.addi %mul3A_490, %add3A_507 : i32
        %get3A_509 = arith.index_cast %add3A_508 : i32 to index
        %get3A_510 = arith.constant 0 : index
        %get3A_511 = tpu.vector_load %arg6[%get3A_509, %get3A_510] {strides = array<i32>} : memref<1024x32xf32, #tpu.memory_space<vmem>>, vector<1x16xf32>,
        %get3A_512 = vector.shape_cast %get3A_511 : vector<1x16xf32> to vector<16xf32>
        %mul3A_513 = arith.mulf %get3A_512, %get3A_512 : vector<16xf32>
        %add3A_514 = arith.addf %add3A_506, %mul3A_513 : vector<16xf32>
        %add3A_515 = arith.constant 1 : i32
        %add3A_516 = arith.addi %mul3A_490, %add3A_515 : i32
        %get3A_517 = arith.index_cast %add3A_516 : i32 to index
        %get3A_518 = arith.constant 16 : index
        %get3A_519 = tpu.vector_load %arg6[%get3A_517, %get3A_518] {strides = array<i32>} : memref<1024x32xf32, #tpu.memory_space<vmem>>, vector<1x16xf32>,
        %get3A_520 = vector.shape_cast %get3A_519 : vector<1x16xf32> to vector<16xf32>
        %mul3A_521 = arith.mulf %get3A_520, %get3A_520 : vector<16xf32>
        %add3A_522 = arith.addf %add3A_514, %mul3A_521 : vector<16xf32>
        %add3A_523 = arith.constant 2 : i32
        %add3A_524 = arith.addi %mul3A_490, %add3A_523 : i32
        %get3A_525 = arith.index_cast %add3A_524 : i32 to index
        %get3A_526 = arith.constant 0 : index
        %get3A_527 = tpu.vector_load %arg6[%get3A_525, %get3A_526] {strides = array<i32>} : memref<1024x32xf32, #tpu.memory_space<vmem>>, vector<1x16xf32>,
        %get3A_528 = vector.shape_cast %get3A_527 : vector<1x16xf32> to vector<16xf32>
        %mul3A_529 = arith.mulf %get3A_528, %get3A_528 : vector<16xf32>
        %add3A_530 = arith.addf %add3A_522, %mul3A_529 : vector<16xf32>
        %add3A_531 = arith.constant 2 : i32
        %add3A_532 = arith.addi %mul3A_490, %add3A_531 : i32
        %get3A_533 = arith.index_cast %add3A_532 : i32 to index
        %get3A_534 = arith.constant 16 : index
        %get3A_535 = tpu.vector_load %arg6[%get3A_533, %get3A_534] {strides = array<i32>} : memref<1024x32xf32, #tpu.memory_space<vmem>>, vector<1x16xf32>,
        %get3A_536 = vector.shape_cast %get3A_535 : vector<1x16xf32> to vector<16xf32>
        %mul3A_537 = arith.mulf %get3A_536, %get3A_536 : vector<16xf32>
        %add3A_538 = arith.addf %add3A_530, %mul3A_537 : vector<16xf32>
        %add3A_539 = arith.constant 3 : i32
        %add3A_540 = arith.addi %mul3A_490, %add3A_539 : i32
        %get3A_541 = arith.index_cast %add3A_540 : i32 to index
        %get3A_542 = arith.constant 0 : index
        %get3A_543 = tpu.vector_load %arg6[%get3A_541, %get3A_542] {strides = array<i32>} : memref<1024x32xf32, #tpu.memory_space<vmem>>, vector<1x16xf32>,
        %get3A_544 = vector.shape_cast %get3A_543 : vector<1x16xf32> to vector<16xf32>
        %mul3A_545 = arith.mulf %get3A_544, %get3A_544 : vector<16xf32>
        %add3A_546 = arith.addf %add3A_538, %mul3A_545 : vector<16xf32>
        %add3A_547 = arith.constant 3 : i32
        %add3A_548 = arith.addi %mul3A_490, %add3A_547 : i32
        %get3A_549 = arith.index_cast %add3A_548 : i32 to index
        %get3A_550 = arith.constant 16 : index
        %get3A_551 = tpu.vector_load %arg6[%get3A_549, %get3A_550] {strides = array<i32>} : memref<1024x32xf32, #tpu.memory_space<vmem>>, vector<1x16xf32>,
        %get3A_552 = vector.shape_cast %get3A_551 : vector<1x16xf32> to vector<16xf32>
        %mul3A_553 = arith.mulf %get3A_552, %get3A_552 : vector<16xf32>
        %add3A_554 = arith.addf %add3A_546, %mul3A_553 : vector<16xf32>
        %add3A_555 = arith.constant 4 : i32
        %add3A_556 = arith.addi %mul3A_490, %add3A_555 : i32
        %get3A_557 = arith.index_cast %add3A_556 : i32 to index
        %get3A_558 = arith.constant 0 : index
        %get3A_559 = tpu.vector_load %arg6[%get3A_557, %get3A_558] {strides = array<i32>} : memref<1024x32xf32, #tpu.memory_space<vmem>>, vector<1x16xf32>,
        %get3A_560 = vector.shape_cast %get3A_559 : vector<1x16xf32> to vector<16xf32>
        %mul3A_561 = arith.mulf %get3A_560, %get3A_560 : vector<16xf32>
        %add3A_562 = arith.addf %add3A_554, %mul3A_561 : vector<16xf32>
        %add3A_563 = arith.constant 4 : i32
        %add3A_564 = arith.addi %mul3A_490, %add3A_563 : i32
        %get3A_565 = arith.index_cast %add3A_564 : i32 to index
        %get3A_566 = arith.constant 16 : index
        %get3A_567 = tpu.vector_load %arg6[%get3A_565, %get3A_566] {strides = array<i32>} : memref<1024x32xf32, #tpu.memory_space<vmem>>, vector<1x16xf32>,
        %get3A_568 = vector.shape_cast %get3A_567 : vector<1x16xf32> to vector<16xf32>
        %mul3A_569 = arith.mulf %get3A_568, %get3A_568 : vector<16xf32>
        %add3A_570 = arith.addf %add3A_562, %mul3A_569 : vector<16xf32>
        %add3A_571 = arith.constant 5 : i32
        %add3A_572 = arith.addi %mul3A_490, %add3A_571 : i32
        %get3A_573 = arith.index_cast %add3A_572 : i32 to index
        %get3A_574 = arith.constant 0 : index
        %get3A_575 = tpu.vector_load %arg6[%get3A_573, %get3A_574] {strides = array<i32>} : memref<1024x32xf32, #tpu.memory_space<vmem>>, vector<1x16xf32>,
        %get3A_576 = vector.shape_cast %get3A_575 : vector<1x16xf32> to vector<16xf32>
        %mul3A_577 = arith.mulf %get3A_576, %get3A_576 : vector<16xf32>
        %add3A_578 = arith.addf %add3A_570, %mul3A_577 : vector<16xf32>
        %add3A_579 = arith.constant 5 : i32
        %add3A_580 = arith.addi %mul3A_490, %add3A_579 : i32
        %get3A_581 = arith.index_cast %add3A_580 : i32 to index
        %get3A_582 = arith.constant 16 : index
        %get3A_583 = tpu.vector_load %arg6[%get3A_581, %get3A_582] {strides = array<i32>} : memref<1024x32xf32, #tpu.memory_space<vmem>>, vector<1x16xf32>,
        %get3A_584 = vector.shape_cast %get3A_583 : vector<1x16xf32> to vector<16xf32>
        %mul3A_585 = arith.mulf %get3A_584, %get3A_584 : vector<16xf32>
        %add3A_586 = arith.addf %add3A_578, %mul3A_585 : vector<16xf32>
        %add3A_587 = arith.constant 6 : i32
        %add3A_588 = arith.addi %mul3A_490, %add3A_587 : i32
        %get3A_589 = arith.index_cast %add3A_588 : i32 to index
        %get3A_590 = arith.constant 0 : index
        %get3A_591 = tpu.vector_load %arg6[%get3A_589, %get3A_590] {strides = array<i32>} : memref<1024x32xf32, #tpu.memory_space<vmem>>, vector<1x16xf32>,
        %get3A_592 = vector.shape_cast %get3A_591 : vector<1x16xf32> to vector<16xf32>
        %mul3A_593 = arith.mulf %get3A_592, %get3A_592 : vector<16xf32>
        %add3A_594 = arith.addf %add3A_586, %mul3A_593 : vector<16xf32>
        %add3A_595 = arith.constant 6 : i32
        %add3A_596 = arith.addi %mul3A_490, %add3A_595 : i32
        %get3A_597 = arith.index_cast %add3A_596 : i32 to index
        %get3A_598 = arith.constant 16 : index
        %get3A_599 = tpu.vector_load %arg6[%get3A_597, %get3A_598] {strides = array<i32>} : memref<1024x32xf32, #tpu.memory_space<vmem>>, vector<1x16xf32>,
        %get3A_600 = vector.shape_cast %get3A_599 : vector<1x16xf32> to vector<16xf32>
        %mul3A_601 = arith.mulf %get3A_600, %get3A_600 : vector<16xf32>
        %add3A_602 = arith.addf %add3A_594, %mul3A_601 : vector<16xf32>
        %add3A_603 = arith.constant 7 : i32
        %add3A_604 = arith.addi %mul3A_490, %add3A_603 : i32
        %get3A_605 = arith.index_cast %add3A_604 : i32 to index
        %get3A_606 = arith.constant 0 : index
        %get3A_607 = tpu.vector_load %arg6[%get3A_605, %get3A_606] {strides = array<i32>} : memref<1024x32xf32, #tpu.memory_space<vmem>>, vector<1x16xf32>,
        %get3A_608 = vector.shape_cast %get3A_607 : vector<1x16xf32> to vector<16xf32>
        %mul3A_609 = arith.mulf %get3A_608, %get3A_608 : vector<16xf32>
        %add3A_610 = arith.addf %add3A_602, %mul3A_609 : vector<16xf32>
        %add3A_611 = arith.constant 7 : i32
        %add3A_612 = arith.addi %mul3A_490, %add3A_611 : i32
        %get3A_613 = arith.index_cast %add3A_612 : i32 to index
        %get3A_614 = arith.constant 16 : index
        %get3A_615 = tpu.vector_load %arg6[%get3A_613, %get3A_614] {strides = array<i32>} : memref<1024x32xf32, #tpu.memory_space<vmem>>, vector<1x16xf32>,
        %get3A_616 = vector.shape_cast %get3A_615 : vector<1x16xf32> to vector<16xf32>
        %mul3A_617 = arith.mulf %get3A_616, %get3A_616 : vector<16xf32>
        %add3A_618 = arith.addf %add3A_610, %mul3A_617 : vector<16xf32>
        %add3A_619 = arith.constant 8 : i32
        %add3A_620 = arith.addi %mul3A_490, %add3A_619 : i32
        %get3A_621 = arith.index_cast %add3A_620 : i32 to index
        %get3A_622 = arith.constant 0 : index
        %get3A_623 = tpu.vector_load %arg6[%get3A_621, %get3A_622] {strides = array<i32>} : memref<1024x32xf32, #tpu.memory_space<vmem>>, vector<1x16xf32>,
        %get3A_624 = vector.shape_cast %get3A_623 : vector<1x16xf32> to vector<16xf32>
        %mul3A_625 = arith.mulf %get3A_624, %get3A_624 : vector<16xf32>
        %add3A_626 = arith.addf %add3A_618, %mul3A_625 : vector<16xf32>
        %add3A_627 = arith.constant 8 : i32
        %add3A_628 = arith.addi %mul3A_490, %add3A_627 : i32
        %get3A_629 = arith.index_cast %add3A_628 : i32 to index
        %get3A_630 = arith.constant 16 : index
        %get3A_631 = tpu.vector_load %arg6[%get3A_629, %get3A_630] {strides = array<i32>} : memref<1024x32xf32, #tpu.memory_space<vmem>>, vector<1x16xf32>,
        %get3A_632 = vector.shape_cast %get3A_631 : vector<1x16xf32> to vector<16xf32>
        %mul3A_633 = arith.mulf %get3A_632, %get3A_632 : vector<16xf32>
        %add3A_634 = arith.addf %add3A_626, %mul3A_633 : vector<16xf32>
        %add3A_635 = arith.constant 9 : i32
        %add3A_636 = arith.addi %mul3A_490, %add3A_635 : i32
        %get3A_637 = arith.index_cast %add3A_636 : i32 to index
        %get3A_638 = arith.constant 0 : index
        %get3A_639 = tpu.vector_load %arg6[%get3A_637, %get3A_638] {strides = array<i32>} : memref<1024x32xf32, #tpu.memory_space<vmem>>, vector<1x16xf32>,
        %get3A_640 = vector.shape_cast %get3A_639 : vector<1x16xf32> to vector<16xf32>
        %mul3A_641 = arith.mulf %get3A_640, %get3A_640 : vector<16xf32>
        %add3A_642 = arith.addf %add3A_634, %mul3A_641 : vector<16xf32>
        %add3A_643 = arith.constant 9 : i32
        %add3A_644 = arith.addi %mul3A_490, %add3A_643 : i32
        %get3A_645 = arith.index_cast %add3A_644 : i32 to index
        %get3A_646 = arith.constant 16 : index
        %get3A_647 = tpu.vector_load %arg6[%get3A_645, %get3A_646] {strides = array<i32>} : memref<1024x32xf32, #tpu.memory_space<vmem>>, vector<1x16xf32>,
        %get3A_648 = vector.shape_cast %get3A_647 : vector<1x16xf32> to vector<16xf32>
        %mul3A_649 = arith.mulf %get3A_648, %get3A_648 : vector<16xf32>
        %add3A_650 = arith.addf %add3A_642, %mul3A_649 : vector<16xf32>
        %add3A_651 = arith.constant 10 : i32
        %add3A_652 = arith.addi %mul3A_490, %add3A_651 : i32
        %get3A_653 = arith.index_cast %add3A_652 : i32 to index
        %get3A_654 = arith.constant 0 : index
        %get3A_655 = tpu.vector_load %arg6[%get3A_653, %get3A_654] {strides = array<i32>} : memref<1024x32xf32, #tpu.memory_space<vmem>>, vector<1x16xf32>,
        %get3A_656 = vector.shape_cast %get3A_655 : vector<1x16xf32> to vector<16xf32>
        %mul3A_657 = arith.mulf %get3A_656, %get3A_656 : vector<16xf32>
        %add3A_658 = arith.addf %add3A_650, %mul3A_657 : vector<16xf32>
        %add3A_659 = arith.constant 10 : i32
        %add3A_660 = arith.addi %mul3A_490, %add3A_659 : i32
        %get3A_661 = arith.index_cast %add3A_660 : i32 to index
        %get3A_662 = arith.constant 16 : index
        %get3A_663 = tpu.vector_load %arg6[%get3A_661, %get3A_662] {strides = array<i32>} : memref<1024x32xf32, #tpu.memory_space<vmem>>, vector<1x16xf32>,
        %get3A_664 = vector.shape_cast %get3A_663 : vector<1x16xf32> to vector<16xf32>
        %mul3A_665 = arith.mulf %get3A_664, %get3A_664 : vector<16xf32>
        %add3A_666 = arith.addf %add3A_658, %mul3A_665 : vector<16xf32>
        %add3A_667 = arith.constant 11 : i32
        %add3A_668 = arith.addi %mul3A_490, %add3A_667 : i32
        %get3A_669 = arith.index_cast %add3A_668 : i32 to index
        %get3A_670 = arith.constant 0 : index
        %get3A_671 = tpu.vector_load %arg6[%get3A_669, %get3A_670] {strides = array<i32>} : memref<1024x32xf32, #tpu.memory_space<vmem>>, vector<1x16xf32>,
        %get3A_672 = vector.shape_cast %get3A_671 : vector<1x16xf32> to vector<16xf32>
        %mul3A_673 = arith.mulf %get3A_672, %get3A_672 : vector<16xf32>
        %add3A_674 = arith.addf %add3A_666, %mul3A_673 : vector<16xf32>
        %add3A_675 = arith.constant 11 : i32
        %add3A_676 = arith.addi %mul3A_490, %add3A_675 : i32
        %get3A_677 = arith.index_cast %add3A_676 : i32 to index
        %get3A_678 = arith.constant 16 : index
        %get3A_679 = tpu.vector_load %arg6[%get3A_677, %get3A_678] {strides = array<i32>} : memref<1024x32xf32, #tpu.memory_space<vmem>>, vector<1x16xf32>,
        %get3A_680 = vector.shape_cast %get3A_679 : vector<1x16xf32> to vector<16xf32>
        %mul3A_681 = arith.mulf %get3A_680, %get3A_680 : vector<16xf32>
        %add3A_682 = arith.addf %add3A_674, %mul3A_681 : vector<16xf32>
        %add3A_683 = arith.constant 12 : i32
        %add3A_684 = arith.addi %mul3A_490, %add3A_683 : i32
        %get3A_685 = arith.index_cast %add3A_684 : i32 to index
        %get3A_686 = arith.constant 0 : index
        %get3A_687 = tpu.vector_load %arg6[%get3A_685, %get3A_686] {strides = array<i32>} : memref<1024x32xf32, #tpu.memory_space<vmem>>, vector<1x16xf32>,
        %get3A_688 = vector.shape_cast %get3A_687 : vector<1x16xf32> to vector<16xf32>
        %mul3A_689 = arith.mulf %get3A_688, %get3A_688 : vector<16xf32>
        %add3A_690 = arith.addf %add3A_682, %mul3A_689 : vector<16xf32>
        %add3A_691 = arith.constant 12 : i32
        %add3A_692 = arith.addi %mul3A_490, %add3A_691 : i32
        %get3A_693 = arith.index_cast %add3A_692 : i32 to index
        %get3A_694 = arith.constant 16 : index
        %get3A_695 = tpu.vector_load %arg6[%get3A_693, %get3A_694] {strides = array<i32>} : memref<1024x32xf32, #tpu.memory_space<vmem>>, vector<1x16xf32>,
        %get3A_696 = vector.shape_cast %get3A_695 : vector<1x16xf32> to vector<16xf32>
        %mul3A_697 = arith.mulf %get3A_696, %get3A_696 : vector<16xf32>
        %add3A_698 = arith.addf %add3A_690, %mul3A_697 : vector<16xf32>
        %add3A_699 = arith.constant 13 : i32
        %add3A_700 = arith.addi %mul3A_490, %add3A_699 : i32
        %get3A_701 = arith.index_cast %add3A_700 : i32 to index
        %get3A_702 = arith.constant 0 : index
        %get3A_703 = tpu.vector_load %arg6[%get3A_701, %get3A_702] {strides = array<i32>} : memref<1024x32xf32, #tpu.memory_space<vmem>>, vector<1x16xf32>,
        %get3A_704 = vector.shape_cast %get3A_703 : vector<1x16xf32> to vector<16xf32>
        %mul3A_705 = arith.mulf %get3A_704, %get3A_704 : vector<16xf32>
        %add3A_706 = arith.addf %add3A_698, %mul3A_705 : vector<16xf32>
        %add3A_707 = arith.constant 13 : i32
        %add3A_708 = arith.addi %mul3A_490, %add3A_707 : i32
        %get3A_709 = arith.index_cast %add3A_708 : i32 to index
        %get3A_710 = arith.constant 16 : index
        %get3A_711 = tpu.vector_load %arg6[%get3A_709, %get3A_710] {strides = array<i32>} : memref<1024x32xf32, #tpu.memory_space<vmem>>, vector<1x16xf32>,
        %get3A_712 = vector.shape_cast %get3A_711 : vector<1x16xf32> to vector<16xf32>
        %mul3A_713 = arith.mulf %get3A_712, %get3A_712 : vector<16xf32>
        %add3A_714 = arith.addf %add3A_706, %mul3A_713 : vector<16xf32>
        %add3A_715 = arith.constant 14 : i32
        %add3A_716 = arith.addi %mul3A_490, %add3A_715 : i32
        %get3A_717 = arith.index_cast %add3A_716 : i32 to index
        %get3A_718 = arith.constant 0 : index
        %get3A_719 = tpu.vector_load %arg6[%get3A_717, %get3A_718] {strides = array<i32>} : memref<1024x32xf32, #tpu.memory_space<vmem>>, vector<1x16xf32>,
        %get3A_720 = vector.shape_cast %get3A_719 : vector<1x16xf32> to vector<16xf32>
        %mul3A_721 = arith.mulf %get3A_720, %get3A_720 : vector<16xf32>
        %add3A_722 = arith.addf %add3A_714, %mul3A_721 : vector<16xf32>
        %add3A_723 = arith.constant 14 : i32
        %add3A_724 = arith.addi %mul3A_490, %add3A_723 : i32
        %get3A_725 = arith.index_cast %add3A_724 : i32 to index
        %get3A_726 = arith.constant 16 : index
        %get3A_727 = tpu.vector_load %arg6[%get3A_725, %get3A_726] {strides = array<i32>} : memref<1024x32xf32, #tpu.memory_space<vmem>>, vector<1x16xf32>,
        %get3A_728 = vector.shape_cast %get3A_727 : vector<1x16xf32> to vector<16xf32>
        %mul3A_729 = arith.mulf %get3A_728, %get3A_728 : vector<16xf32>
        %add3A_730 = arith.addf %add3A_722, %mul3A_729 : vector<16xf32>
        %add3A_731 = arith.constant 15 : i32
        %add3A_732 = arith.addi %mul3A_490, %add3A_731 : i32
        %get3A_733 = arith.index_cast %add3A_732 : i32 to index
        %get3A_734 = arith.constant 0 : index
        %get3A_735 = tpu.vector_load %arg6[%get3A_733, %get3A_734] {strides = array<i32>} : memref<1024x32xf32, #tpu.memory_space<vmem>>, vector<1x16xf32>,
        %get3A_736 = vector.shape_cast %get3A_735 : vector<1x16xf32> to vector<16xf32>
        %mul3A_737 = arith.mulf %get3A_736, %get3A_736 : vector<16xf32>
        %add3A_738 = arith.addf %add3A_730, %mul3A_737 : vector<16xf32>
        %add3A_739 = arith.constant 15 : i32
        %add3A_740 = arith.addi %mul3A_490, %add3A_739 : i32
        %get3A_741 = arith.index_cast %add3A_740 : i32 to index
        %get3A_742 = arith.constant 16 : index
        %get3A_743 = tpu.vector_load %arg6[%get3A_741, %get3A_742] {strides = array<i32>} : memref<1024x32xf32, #tpu.memory_space<vmem>>, vector<1x16xf32>,
        %get3A_744 = vector.shape_cast %get3A_743 : vector<1x16xf32> to vector<16xf32>
        %mul3A_745 = arith.mulf %get3A_744, %get3A_744 : vector<16xf32>
        %add3A_746 = arith.addf %add3A_738, %mul3A_745 : vector<16xf32>
        %add3A_747 = arith.constant 16 : i32
        %add3A_748 = arith.addi %mul3A_490, %add3A_747 : i32
        %get3A_749 = arith.index_cast %add3A_748 : i32 to index
        %get3A_750 = arith.constant 0 : index
        %get3A_751 = tpu.vector_load %arg6[%get3A_749, %get3A_750] {strides = array<i32>} : memref<1024x32xf32, #tpu.memory_space<vmem>>, vector<1x16xf32>,
        %get3A_752 = vector.shape_cast %get3A_751 : vector<1x16xf32> to vector<16xf32>
        %mul3A_753 = arith.mulf %get3A_752, %get3A_752 : vector<16xf32>
        %add3A_754 = arith.addf %add3A_746, %mul3A_753 : vector<16xf32>
        %add3A_755 = arith.constant 16 : i32
        %add3A_756 = arith.addi %mul3A_490, %add3A_755 : i32
        %get3A_757 = arith.index_cast %add3A_756 : i32 to index
        %get3A_758 = arith.constant 16 : index
        %get3A_759 = tpu.vector_load %arg6[%get3A_757, %get3A_758] {strides = array<i32>} : memref<1024x32xf32, #tpu.memory_space<vmem>>, vector<1x16xf32>,
        %get3A_760 = vector.shape_cast %get3A_759 : vector<1x16xf32> to vector<16xf32>
        %mul3A_761 = arith.mulf %get3A_760, %get3A_760 : vector<16xf32>
        %add3A_762 = arith.addf %add3A_754, %mul3A_761 : vector<16xf32>
        %add3A_763 = arith.constant 17 : i32
        %add3A_764 = arith.addi %mul3A_490, %add3A_763 : i32
        %get3A_765 = arith.index_cast %add3A_764 : i32 to index
        %get3A_766 = arith.constant 0 : index
        %get3A_767 = tpu.vector_load %arg6[%get3A_765, %get3A_766] {strides = array<i32>} : memref<1024x32xf32, #tpu.memory_space<vmem>>, vector<1x16xf32>,
        %get3A_768 = vector.shape_cast %get3A_767 : vector<1x16xf32> to vector<16xf32>
        %mul3A_769 = arith.mulf %get3A_768, %get3A_768 : vector<16xf32>
        %add3A_770 = arith.addf %add3A_762, %mul3A_769 : vector<16xf32>
        %add3A_771 = arith.constant 17 : i32
        %add3A_772 = arith.addi %mul3A_490, %add3A_771 : i32
        %get3A_773 = arith.index_cast %add3A_772 : i32 to index
        %get3A_774 = arith.constant 16 : index
        %get3A_775 = tpu.vector_load %arg6[%get3A_773, %get3A_774] {strides = array<i32>} : memref<1024x32xf32, #tpu.memory_space<vmem>>, vector<1x16xf32>,
        %get3A_776 = vector.shape_cast %get3A_775 : vector<1x16xf32> to vector<16xf32>
        %mul3A_777 = arith.mulf %get3A_776, %get3A_776 : vector<16xf32>
        %add3A_778 = arith.addf %add3A_770, %mul3A_777 : vector<16xf32>
        %add3A_779 = arith.constant 18 : i32
        %add3A_780 = arith.addi %mul3A_490, %add3A_779 : i32
        %get3A_781 = arith.index_cast %add3A_780 : i32 to index
        %get3A_782 = arith.constant 0 : index
        %get3A_783 = tpu.vector_load %arg6[%get3A_781, %get3A_782] {strides = array<i32>} : memref<1024x32xf32, #tpu.memory_space<vmem>>, vector<1x16xf32>,
        %get3A_784 = vector.shape_cast %get3A_783 : vector<1x16xf32> to vector<16xf32>
        %mul3A_785 = arith.mulf %get3A_784, %get3A_784 : vector<16xf32>
        %add3A_786 = arith.addf %add3A_778, %mul3A_785 : vector<16xf32>
        %add3A_787 = arith.constant 18 : i32
        %add3A_788 = arith.addi %mul3A_490, %add3A_787 : i32
        %get3A_789 = arith.index_cast %add3A_788 : i32 to index
        %get3A_790 = arith.constant 16 : index
        %get3A_791 = tpu.vector_load %arg6[%get3A_789, %get3A_790] {strides = array<i32>} : memref<1024x32xf32, #tpu.memory_space<vmem>>, vector<1x16xf32>,
        %get3A_792 = vector.shape_cast %get3A_791 : vector<1x16xf32> to vector<16xf32>
        %mul3A_793 = arith.mulf %get3A_792, %get3A_792 : vector<16xf32>
        %add3A_794 = arith.addf %add3A_786, %mul3A_793 : vector<16xf32>
        %add3A_795 = arith.constant 19 : i32
        %add3A_796 = arith.addi %mul3A_490, %add3A_795 : i32
        %get3A_797 = arith.index_cast %add3A_796 : i32 to index
        %get3A_798 = arith.constant 0 : index
        %get3A_799 = tpu.vector_load %arg6[%get3A_797, %get3A_798] {strides = array<i32>} : memref<1024x32xf32, #tpu.memory_space<vmem>>, vector<1x16xf32>,
        %get3A_800 = vector.shape_cast %get3A_799 : vector<1x16xf32> to vector<16xf32>
        %mul3A_801 = arith.mulf %get3A_800, %get3A_800 : vector<16xf32>
        %add3A_802 = arith.addf %add3A_794, %mul3A_801 : vector<16xf32>
        %add3A_803 = arith.constant 19 : i32
        %add3A_804 = arith.addi %mul3A_490, %add3A_803 : i32
        %get3A_805 = arith.index_cast %add3A_804 : i32 to index
        %get3A_806 = arith.constant 16 : index
        %get3A_807 = tpu.vector_load %arg6[%get3A_805, %get3A_806] {strides = array<i32>} : memref<1024x32xf32, #tpu.memory_space<vmem>>, vector<1x16xf32>,
        %get3A_808 = vector.shape_cast %get3A_807 : vector<1x16xf32> to vector<16xf32>
        %mul3A_809 = arith.mulf %get3A_808, %get3A_808 : vector<16xf32>
        %add3A_810 = arith.addf %add3A_802, %mul3A_809 : vector<16xf32>
        %add3A_811 = arith.constant 20 : i32
        %add3A_812 = arith.addi %mul3A_490, %add3A_811 : i32
        %get3A_813 = arith.index_cast %add3A_812 : i32 to index
        %get3A_814 = arith.constant 0 : index
        %get3A_815 = tpu.vector_load %arg6[%get3A_813, %get3A_814] {strides = array<i32>} : memref<1024x32xf32, #tpu.memory_space<vmem>>, vector<1x16xf32>,
        %get3A_816 = vector.shape_cast %get3A_815 : vector<1x16xf32> to vector<16xf32>
        %mul3A_817 = arith.mulf %get3A_816, %get3A_816 : vector<16xf32>
        %add3A_818 = arith.addf %add3A_810, %mul3A_817 : vector<16xf32>
        %add3A_819 = arith.constant 20 : i32
        %add3A_820 = arith.addi %mul3A_490, %add3A_819 : i32
        %get3A_821 = arith.index_cast %add3A_820 : i32 to index
        %get3A_822 = arith.constant 16 : index
        %get3A_823 = tpu.vector_load %arg6[%get3A_821, %get3A_822] {strides = array<i32>} : memref<1024x32xf32, #tpu.memory_space<vmem>>, vector<1x16xf32>,
        %get3A_824 = vector.shape_cast %get3A_823 : vector<1x16xf32> to vector<16xf32>
        %mul3A_825 = arith.mulf %get3A_824, %get3A_824 : vector<16xf32>
        %add3A_826 = arith.addf %add3A_818, %mul3A_825 : vector<16xf32>
        %add3A_827 = arith.constant 21 : i32
        %add3A_828 = arith.addi %mul3A_490, %add3A_827 : i32
        %get3A_829 = arith.index_cast %add3A_828 : i32 to index
        %get3A_830 = arith.constant 0 : index
        %get3A_831 = tpu.vector_load %arg6[%get3A_829, %get3A_830] {strides = array<i32>} : memref<1024x32xf32, #tpu.memory_space<vmem>>, vector<1x16xf32>,
        %get3A_832 = vector.shape_cast %get3A_831 : vector<1x16xf32> to vector<16xf32>
        %mul3A_833 = arith.mulf %get3A_832, %get3A_832 : vector<16xf32>
        %add3A_834 = arith.addf %add3A_826, %mul3A_833 : vector<16xf32>
        %add3A_835 = arith.constant 21 : i32
        %add3A_836 = arith.addi %mul3A_490, %add3A_835 : i32
        %get3A_837 = arith.index_cast %add3A_836 : i32 to index
        %get3A_838 = arith.constant 16 : index
        %get3A_839 = tpu.vector_load %arg6[%get3A_837, %get3A_838] {strides = array<i32>} : memref<1024x32xf32, #tpu.memory_space<vmem>>, vector<1x16xf32>,
        %get3A_840 = vector.shape_cast %get3A_839 : vector<1x16xf32> to vector<16xf32>
        %mul3A_841 = arith.mulf %get3A_840, %get3A_840 : vector<16xf32>
        %add3A_842 = arith.addf %add3A_834, %mul3A_841 : vector<16xf32>
        %add3A_843 = arith.constant 22 : i32
        %add3A_844 = arith.addi %mul3A_490, %add3A_843 : i32
        %get3A_845 = arith.index_cast %add3A_844 : i32 to index
        %get3A_846 = arith.constant 0 : index
        %get3A_847 = tpu.vector_load %arg6[%get3A_845, %get3A_846] {strides = array<i32>} : memref<1024x32xf32, #tpu.memory_space<vmem>>, vector<1x16xf32>,
        %get3A_848 = vector.shape_cast %get3A_847 : vector<1x16xf32> to vector<16xf32>
        %mul3A_849 = arith.mulf %get3A_848, %get3A_848 : vector<16xf32>
        %add3A_850 = arith.addf %add3A_842, %mul3A_849 : vector<16xf32>
        %add3A_851 = arith.constant 22 : i32
        %add3A_852 = arith.addi %mul3A_490, %add3A_851 : i32
        %get3A_853 = arith.index_cast %add3A_852 : i32 to index
        %get3A_854 = arith.constant 16 : index
        %get3A_855 = tpu.vector_load %arg6[%get3A_853, %get3A_854] {strides = array<i32>} : memref<1024x32xf32, #tpu.memory_space<vmem>>, vector<1x16xf32>,
        %get3A_856 = vector.shape_cast %get3A_855 : vector<1x16xf32> to vector<16xf32>
        %mul3A_857 = arith.mulf %get3A_856, %get3A_856 : vector<16xf32>
        %add3A_858 = arith.addf %add3A_850, %mul3A_857 : vector<16xf32>
        %add3A_859 = arith.constant 23 : i32
        %add3A_860 = arith.addi %mul3A_490, %add3A_859 : i32
        %get3A_861 = arith.index_cast %add3A_860 : i32 to index
        %get3A_862 = arith.constant 0 : index
        %get3A_863 = tpu.vector_load %arg6[%get3A_861, %get3A_862] {strides = array<i32>} : memref<1024x32xf32, #tpu.memory_space<vmem>>, vector<1x16xf32>,
        %get3A_864 = vector.shape_cast %get3A_863 : vector<1x16xf32> to vector<16xf32>
        %mul3A_865 = arith.mulf %get3A_864, %get3A_864 : vector<16xf32>
        %add3A_866 = arith.addf %add3A_858, %mul3A_865 : vector<16xf32>
        %add3A_867 = arith.constant 23 : i32
        %add3A_868 = arith.addi %mul3A_490, %add3A_867 : i32
        %get3A_869 = arith.index_cast %add3A_868 : i32 to index
        %get3A_870 = arith.constant 16 : index
        %get3A_871 = tpu.vector_load %arg6[%get3A_869, %get3A_870] {strides = array<i32>} : memref<1024x32xf32, #tpu.memory_space<vmem>>, vector<1x16xf32>,
        %get3A_872 = vector.shape_cast %get3A_871 : vector<1x16xf32> to vector<16xf32>
        %mul3A_873 = arith.mulf %get3A_872, %get3A_872 : vector<16xf32>
        %add3A_874 = arith.addf %add3A_866, %mul3A_873 : vector<16xf32>
        %add3A_875 = arith.constant 24 : i32
        %add3A_876 = arith.addi %mul3A_490, %add3A_875 : i32
        %get3A_877 = arith.index_cast %add3A_876 : i32 to index
        %get3A_878 = arith.constant 0 : index
        %get3A_879 = tpu.vector_load %arg6[%get3A_877, %get3A_878] {strides = array<i32>} : memref<1024x32xf32, #tpu.memory_space<vmem>>, vector<1x16xf32>,
        %get3A_880 = vector.shape_cast %get3A_879 : vector<1x16xf32> to vector<16xf32>
        %mul3A_881 = arith.mulf %get3A_880, %get3A_880 : vector<16xf32>
        %add3A_882 = arith.addf %add3A_874, %mul3A_881 : vector<16xf32>
        %add3A_883 = arith.constant 24 : i32
        %add3A_884 = arith.addi %mul3A_490, %add3A_883 : i32
        %get3A_885 = arith.index_cast %add3A_884 : i32 to index
        %get3A_886 = arith.constant 16 : index
        %get3A_887 = tpu.vector_load %arg6[%get3A_885, %get3A_886] {strides = array<i32>} : memref<1024x32xf32, #tpu.memory_space<vmem>>, vector<1x16xf32>,
        %get3A_888 = vector.shape_cast %get3A_887 : vector<1x16xf32> to vector<16xf32>
        %mul3A_889 = arith.mulf %get3A_888, %get3A_888 : vector<16xf32>
        %add3A_890 = arith.addf %add3A_882, %mul3A_889 : vector<16xf32>
        %add3A_891 = arith.constant 25 : i32
        %add3A_892 = arith.addi %mul3A_490, %add3A_891 : i32
        %get3A_893 = arith.index_cast %add3A_892 : i32 to index
        %get3A_894 = arith.constant 0 : index
        %get3A_895 = tpu.vector_load %arg6[%get3A_893, %get3A_894] {strides = array<i32>} : memref<1024x32xf32, #tpu.memory_space<vmem>>, vector<1x16xf32>,
        %get3A_896 = vector.shape_cast %get3A_895 : vector<1x16xf32> to vector<16xf32>
        %mul3A_897 = arith.mulf %get3A_896, %get3A_896 : vector<16xf32>
        %add3A_898 = arith.addf %add3A_890, %mul3A_897 : vector<16xf32>
        %add3A_899 = arith.constant 25 : i32
        %add3A_900 = arith.addi %mul3A_490, %add3A_899 : i32
        %get3A_901 = arith.index_cast %add3A_900 : i32 to index
        %get3A_902 = arith.constant 16 : index
        %get3A_903 = tpu.vector_load %arg6[%get3A_901, %get3A_902] {strides = array<i32>} : memref<1024x32xf32, #tpu.memory_space<vmem>>, vector<1x16xf32>,
        %get3A_904 = vector.shape_cast %get3A_903 : vector<1x16xf32> to vector<16xf32>
        %mul3A_905 = arith.mulf %get3A_904, %get3A_904 : vector<16xf32>
        %add3A_906 = arith.addf %add3A_898, %mul3A_905 : vector<16xf32>
        %iota3A = tpu.iota {dimensions = array<i32: 0>} : vector<16xi32>
        %xor3A = arith.constant 8 : i32
        %xor3A_907 = vector.broadcast %xor3A : i32 to vector<16xi32>
        %xor3A_908 = arith.xori %iota3A, %xor3A_907 : vector<16xi32>
        %broadcast_in_dim3A_909 = vector.shape_cast %xor3A_908 : vector<16xi32> to vector<16x1xi32>
        %gather3A = vector.shape_cast %broadcast_in_dim3A_909 : vector<16x1xi32> to vector<16xi32>
        %gather3A_910 = tpu.dynamic_gather %add3A_906[%gather3A] in [0] : vector<16xf32>, vector<16xi32> -> vector<16xf32>
        %add3A_911 = arith.addf %add3A_906, %gather3A_910 : vector<16xf32>
        %xor3A_912 = arith.constant 4 : i32
        %xor3A_913 = vector.broadcast %xor3A_912 : i32 to vector<16xi32>
        %xor3A_914 = arith.xori %iota3A, %xor3A_913 : vector<16xi32>
        %broadcast_in_dim3A_915 = vector.shape_cast %xor3A_914 : vector<16xi32> to vector<16x1xi32>
        %gather3A_916 = vector.shape_cast %broadcast_in_dim3A_915 : vector<16x1xi32> to vector<16xi32>
        %gather3A_917 = tpu.dynamic_gather %add3A_911[%gather3A_916] in [0] : vector<16xf32>, vector<16xi32> -> vector<16xf32>
        %add3A_918 = arith.addf %add3A_911, %gather3A_917 : vector<16xf32>
        %xor3A_919 = arith.constant 2 : i32
        %xor3A_920 = vector.broadcast %xor3A_919 : i32 to vector<16xi32>
        %xor3A_921 = arith.xori %iota3A, %xor3A_920 : vector<16xi32>
        %broadcast_in_dim3A_922 = vector.shape_cast %xor3A_921 : vector<16xi32> to vector<16x1xi32>
        %gather3A_923 = vector.shape_cast %broadcast_in_dim3A_922 : vector<16x1xi32> to vector<16xi32>
        %gather3A_924 = tpu.dynamic_gather %add3A_918[%gather3A_923] in [0] : vector<16xf32>, vector<16xi32> -> vector<16xf32>
        %add3A_925 = arith.addf %add3A_918, %gather3A_924 : vector<16xf32>
        %xor3A_926 = arith.constant 1 : i32
        %xor3A_927 = vector.broadcast %xor3A_926 : i32 to vector<16xi32>
        %xor3A_928 = arith.xori %iota3A, %xor3A_927 : vector<16xi32>
        %broadcast_in_dim3A_929 = vector.shape_cast %xor3A_928 : vector<16xi32> to vector<16x1xi32>
        %gather3A_930 = vector.shape_cast %broadcast_in_dim3A_929 : vector<16x1xi32> to vector<16xi32>
        %gather3A_931 = tpu.dynamic_gather %add3A_925[%gather3A_930] in [0] : vector<16xf32>, vector<16xi32> -> vector<16xf32>
        %add3A_932 = arith.addf %add3A_925, %gather3A_931 : vector<16xf32>
        %max3A = arith.constant 1.000000e-24 : f32
        %max3A_933 = vector.broadcast %max3A : f32 to vector<16xf32>
        %max3A_934 = arith.maximumf %add3A_932, %max3A_933 : vector<16xf32>
        %bitcast_convert_type3A = tpu.bitcast %max3A_934 : vector<16xf32> -> vector<16xi32>
        %shift_right_arithmetic3A = arith.constant 1 : i32
        %shift_right_arithmetic3A_935 = vector.broadcast %shift_right_arithmetic3A : i32 to vector<16xi32>
        %shift_right_arithmetic3A_936 = arith.shrsi %bitcast_convert_type3A, %shift_right_arithmetic3A_935 : vector<16xi32>
        %sub3A = arith.constant 1597463007 : i32
        %sub3A_937 = vector.broadcast %sub3A : i32 to vector<16xi32>
        %sub3A_938 = arith.subi %sub3A_937, %shift_right_arithmetic3A_936 : vector<16xi32>
        %bitcast_convert_type3A_939 = tpu.bitcast %sub3A_938 : vector<16xi32> -> vector<16xf32>
        %mul3A_940 = arith.constant 5.000000e-01 : f32
        %mul3A_941 = vector.broadcast %mul3A_940 : f32 to vector<16xf32>
        %mul3A_942 = arith.mulf %mul3A_941, %max3A_934 : vector<16xf32>
        %mul3A_943 = arith.mulf %mul3A_942, %bitcast_convert_type3A_939 : vector<16xf32>
        %mul3A_944 = arith.mulf %mul3A_943, %bitcast_convert_type3A_939 : vector<16xf32>
        %sub3A_945 = arith.constant 1.500000e+00 : f32
        %sub3A_946 = vector.broadcast %sub3A_945 : f32 to vector<16xf32>
        %sub3A_947 = arith.subf %sub3A_946, %mul3A_944 : vector<16xf32>
        %mul3A_948 = arith.mulf %bitcast_convert_type3A_939, %sub3A_947 : vector<16xf32>
        %mul3A_949 = arith.constant 5.000000e-01 : f32
        %mul3A_950 = vector.broadcast %mul3A_949 : f32 to vector<16xf32>
        %mul3A_951 = arith.mulf %mul3A_950, %max3A_934 : vector<16xf32>
        %mul3A_952 = arith.mulf %mul3A_951, %mul3A_948 : vector<16xf32>
        %mul3A_953 = arith.mulf %mul3A_952, %mul3A_948 : vector<16xf32>
        %sub3A_954 = arith.constant 1.500000e+00 : f32
        %sub3A_955 = vector.broadcast %sub3A_954 : f32 to vector<16xf32>
        %sub3A_956 = arith.subf %sub3A_955, %mul3A_953 : vector<16xf32>
        %mul3A_957 = arith.mulf %mul3A_948, %sub3A_956 : vector<16xf32>
        %mul3A_958 = arith.constant 5.000000e-01 : f32
        %mul3A_959 = vector.broadcast %mul3A_958 : f32 to vector<16xf32>
        %mul3A_960 = arith.mulf %mul3A_959, %max3A_934 : vector<16xf32>
        %mul3A_961 = arith.mulf %mul3A_960, %mul3A_957 : vector<16xf32>
        %mul3A_962 = arith.mulf %mul3A_961, %mul3A_957 : vector<16xf32>
        %sub3A_963 = arith.constant 1.500000e+00 : f32
        %sub3A_964 = vector.broadcast %sub3A_963 : f32 to vector<16xf32>
        %sub3A_965 = arith.subf %sub3A_964, %mul3A_962 : vector<16xf32>
        %mul3A_966 = arith.mulf %mul3A_957, %sub3A_965 : vector<16xf32>
        %add3A_967 = arith.constant 0 : i32
        %add3A_968 = arith.addi %mul3A_490, %add3A_967 : i32
        %get3A_969 = arith.index_cast %add3A_968 : i32 to index
        %get3A_970 = arith.constant 0 : index
        %get3A_971 = tpu.vector_load %arg6[%get3A_969, %get3A_970] {strides = array<i32>} : memref<1024x32xf32, #tpu.memory_space<vmem>>, vector<1x16xf32>,
        %get3A_972 = vector.shape_cast %get3A_971 : vector<1x16xf32> to vector<16xf32>
        %mul3A_973 = arith.mulf %get3A_972, %mul3A_966 : vector<16xf32>
        %swap3A = arith.index_cast %add3A_968 : i32 to index
        %swap3A_974 = arith.constant 0 : index
        %swap3A_975 = tpu.vector_load %arg6[%swap3A, %swap3A_974] {strides = array<i32>} : memref<1024x32xf32, #tpu.memory_space<vmem>>, vector<1x16xf32>,
        %swap3A_976 = vector.shape_cast %swap3A_975 : vector<1x16xf32> to vector<16xf32>
        %swap3A_977 = vector.shape_cast %mul3A_973 : vector<16xf32> to vector<1x16xf32>
        tpu.vector_store %arg6[%swap3A, %swap3A_974], %swap3A_977 {strides = array<i32>} : memref<1024x32xf32, #tpu.memory_space<vmem>>, vector<1x16xf32>,
        %add3A_978 = arith.constant 0 : i32
        %add3A_979 = arith.addi %mul3A_490, %add3A_978 : i32
        %get3A_980 = arith.index_cast %add3A_979 : i32 to index
        %get3A_981 = arith.constant 16 : index
        %get3A_982 = tpu.vector_load %arg6[%get3A_980, %get3A_981] {strides = array<i32>} : memref<1024x32xf32, #tpu.memory_space<vmem>>, vector<1x16xf32>,
        %get3A_983 = vector.shape_cast %get3A_982 : vector<1x16xf32> to vector<16xf32>
        %mul3A_984 = arith.mulf %get3A_983, %mul3A_966 : vector<16xf32>
        %swap3A_985 = arith.index_cast %add3A_979 : i32 to index
        %swap3A_986 = arith.constant 16 : index
        %swap3A_987 = tpu.vector_load %arg6[%swap3A_985, %swap3A_986] {strides = array<i32>} : memref<1024x32xf32, #tpu.memory_space<vmem>>, vector<1x16xf32>,
        %swap3A_988 = vector.shape_cast %swap3A_987 : vector<1x16xf32> to vector<16xf32>
        %swap3A_989 = vector.shape_cast %mul3A_984 : vector<16xf32> to vector<1x16xf32>
        tpu.vector_store %arg6[%swap3A_985, %swap3A_986], %swap3A_989 {strides = array<i32>} : memref<1024x32xf32, #tpu.memory_space<vmem>>, vector<1x16xf32>,
        %add3A_990 = arith.constant 1 : i32
        %add3A_991 = arith.addi %mul3A_490, %add3A_990 : i32
        %get3A_992 = arith.index_cast %add3A_991 : i32 to index
        %get3A_993 = arith.constant 0 : index
        %get3A_994 = tpu.vector_load %arg6[%get3A_992, %get3A_993] {strides = array<i32>} : memref<1024x32xf32, #tpu.memory_space<vmem>>, vector<1x16xf32>,
        %get3A_995 = vector.shape_cast %get3A_994 : vector<1x16xf32> to vector<16xf32>
        %mul3A_996 = arith.mulf %get3A_995, %mul3A_966 : vector<16xf32>
        %swap3A_997 = arith.index_cast %add3A_991 : i32 to index
        %swap3A_998 = arith.constant 0 : index
        %swap3A_999 = tpu.vector_load %arg6[%swap3A_997, %swap3A_998] {strides = array<i32>} : memref<1024x32xf32, #tpu.memory_space<vmem>>, vector<1x16xf32>,
        %swap3A_1000 = vector.shape_cast %swap3A_999 : vector<1x16xf32> to vector<16xf32>
        %swap3A_1001 = vector.shape_cast %mul3A_996 : vector<16xf32> to vector<1x16xf32>
        tpu.vector_store %arg6[%swap3A_997, %swap3A_998], %swap3A_1001 {strides = array<i32>} : memref<1024x32xf32, #tpu.memory_space<vmem>>, vector<1x16xf32>,
        %add3A_1002 = arith.constant 1 : i32
        %add3A_1003 = arith.addi %mul3A_490, %add3A_1002 : i32
        %get3A_1004 = arith.index_cast %add3A_1003 : i32 to index
        %get3A_1005 = arith.constant 16 : index
        %get3A_1006 = tpu.vector_load %arg6[%get3A_1004, %get3A_1005] {strides = array<i32>} : memref<1024x32xf32, #tpu.memory_space<vmem>>, vector<1x16xf32>,
        %get3A_1007 = vector.shape_cast %get3A_1006 : vector<1x16xf32> to vector<16xf32>
        %mul3A_1008 = arith.mulf %get3A_1007, %mul3A_966 : vector<16xf32>
        %swap3A_1009 = arith.index_cast %add3A_1003 : i32 to index
        %swap3A_1010 = arith.constant 16 : index
        %swap3A_1011 = tpu.vector_load %arg6[%swap3A_1009, %swap3A_1010] {strides = array<i32>} : memref<1024x32xf32, #tpu.memory_space<vmem>>, vector<1x16xf32>,
        %swap3A_1012 = vector.shape_cast %swap3A_1011 : vector<1x16xf32> to vector<16xf32>
        %swap3A_1013 = vector.shape_cast %mul3A_1008 : vector<16xf32> to vector<1x16xf32>
        tpu.vector_store %arg6[%swap3A_1009, %swap3A_1010], %swap3A_1013 {strides = array<i32>} : memref<1024x32xf32, #tpu.memory_space<vmem>>, vector<1x16xf32>,
        %add3A_1014 = arith.constant 2 : i32
        %add3A_1015 = arith.addi %mul3A_490, %add3A_1014 : i32
        %get3A_1016 = arith.index_cast %add3A_1015 : i32 to index
        %get3A_1017 = arith.constant 0 : index
        %get3A_1018 = tpu.vector_load %arg6[%get3A_1016, %get3A_1017] {strides = array<i32>} : memref<1024x32xf32, #tpu.memory_space<vmem>>, vector<1x16xf32>,
        %get3A_1019 = vector.shape_cast %get3A_1018 : vector<1x16xf32> to vector<16xf32>
        %mul3A_1020 = arith.mulf %get3A_1019, %mul3A_966 : vector<16xf32>
        %swap3A_1021 = arith.index_cast %add3A_1015 : i32 to index
        %swap3A_1022 = arith.constant 0 : index
        %swap3A_1023 = tpu.vector_load %arg6[%swap3A_1021, %swap3A_1022] {strides = array<i32>} : memref<1024x32xf32, #tpu.memory_space<vmem>>, vector<1x16xf32>,
        %swap3A_1024 = vector.shape_cast %swap3A_1023 : vector<1x16xf32> to vector<16xf32>
        %swap3A_1025 = vector.shape_cast %mul3A_1020 : vector<16xf32> to vector<1x16xf32>
        tpu.vector_store %arg6[%swap3A_1021, %swap3A_1022], %swap3A_1025 {strides = array<i32>} : memref<1024x32xf32, #tpu.memory_space<vmem>>, vector<1x16xf32>,
        %add3A_1026 = arith.constant 2 : i32
        %add3A_1027 = arith.addi %mul3A_490, %add3A_1026 : i32
        %get3A_1028 = arith.index_cast %add3A_1027 : i32 to index
        %get3A_1029 = arith.constant 16 : index
        %get3A_1030 = tpu.vector_load %arg6[%get3A_1028, %get3A_1029] {strides = array<i32>} : memref<1024x32xf32, #tpu.memory_space<vmem>>, vector<1x16xf32>,
        %get3A_1031 = vector.shape_cast %get3A_1030 : vector<1x16xf32> to vector<16xf32>
        %mul3A_1032 = arith.mulf %get3A_1031, %mul3A_966 : vector<16xf32>
        %swap3A_1033 = arith.index_cast %add3A_1027 : i32 to index
        %swap3A_1034 = arith.constant 16 : index
        %swap3A_1035 = tpu.vector_load %arg6[%swap3A_1033, %swap3A_1034] {strides = array<i32>} : memref<1024x32xf32, #tpu.memory_space<vmem>>, vector<1x16xf32>,
        %swap3A_1036 = vector.shape_cast %swap3A_1035 : vector<1x16xf32> to vector<16xf32>
        %swap3A_1037 = vector.shape_cast %mul3A_1032 : vector<16xf32> to vector<1x16xf32>
        tpu.vector_store %arg6[%swap3A_1033, %swap3A_1034], %swap3A_1037 {strides = array<i32>} : memref<1024x32xf32, #tpu.memory_space<vmem>>, vector<1x16xf32>,
        %add3A_1038 = arith.constant 3 : i32
        %add3A_1039 = arith.addi %mul3A_490, %add3A_1038 : i32
        %get3A_1040 = arith.index_cast %add3A_1039 : i32 to index
        %get3A_1041 = arith.constant 0 : index
        %get3A_1042 = tpu.vector_load %arg6[%get3A_1040, %get3A_1041] {strides = array<i32>} : memref<1024x32xf32, #tpu.memory_space<vmem>>, vector<1x16xf32>,
        %get3A_1043 = vector.shape_cast %get3A_1042 : vector<1x16xf32> to vector<16xf32>
        %mul3A_1044 = arith.mulf %get3A_1043, %mul3A_966 : vector<16xf32>
        %swap3A_1045 = arith.index_cast %add3A_1039 : i32 to index
        %swap3A_1046 = arith.constant 0 : index
        %swap3A_1047 = tpu.vector_load %arg6[%swap3A_1045, %swap3A_1046] {strides = array<i32>} : memref<1024x32xf32, #tpu.memory_space<vmem>>, vector<1x16xf32>,
        %swap3A_1048 = vector.shape_cast %swap3A_1047 : vector<1x16xf32> to vector<16xf32>
        %swap3A_1049 = vector.shape_cast %mul3A_1044 : vector<16xf32> to vector<1x16xf32>
        tpu.vector_store %arg6[%swap3A_1045, %swap3A_1046], %swap3A_1049 {strides = array<i32>} : memref<1024x32xf32, #tpu.memory_space<vmem>>, vector<1x16xf32>,
        %add3A_1050 = arith.constant 3 : i32
        %add3A_1051 = arith.addi %mul3A_490, %add3A_1050 : i32
        %get3A_1052 = arith.index_cast %add3A_1051 : i32 to index
        %get3A_1053 = arith.constant 16 : index
        %get3A_1054 = tpu.vector_load %arg6[%get3A_1052, %get3A_1053] {strides = array<i32>} : memref<1024x32xf32, #tpu.memory_space<vmem>>, vector<1x16xf32>,
        %get3A_1055 = vector.shape_cast %get3A_1054 : vector<1x16xf32> to vector<16xf32>
        %mul3A_1056 = arith.mulf %get3A_1055, %mul3A_966 : vector<16xf32>
        %swap3A_1057 = arith.index_cast %add3A_1051 : i32 to index
        %swap3A_1058 = arith.constant 16 : index
        %swap3A_1059 = tpu.vector_load %arg6[%swap3A_1057, %swap3A_1058] {strides = array<i32>} : memref<1024x32xf32, #tpu.memory_space<vmem>>, vector<1x16xf32>,
        %swap3A_1060 = vector.shape_cast %swap3A_1059 : vector<1x16xf32> to vector<16xf32>
        %swap3A_1061 = vector.shape_cast %mul3A_1056 : vector<16xf32> to vector<1x16xf32>
        tpu.vector_store %arg6[%swap3A_1057, %swap3A_1058], %swap3A_1061 {strides = array<i32>} : memref<1024x32xf32, #tpu.memory_space<vmem>>, vector<1x16xf32>,
        %add3A_1062 = arith.constant 4 : i32
        %add3A_1063 = arith.addi %mul3A_490, %add3A_1062 : i32
        %get3A_1064 = arith.index_cast %add3A_1063 : i32 to index
        %get3A_1065 = arith.constant 0 : index
        %get3A_1066 = tpu.vector_load %arg6[%get3A_1064, %get3A_1065] {strides = array<i32>} : memref<1024x32xf32, #tpu.memory_space<vmem>>, vector<1x16xf32>,
        %get3A_1067 = vector.shape_cast %get3A_1066 : vector<1x16xf32> to vector<16xf32>
        %mul3A_1068 = arith.mulf %get3A_1067, %mul3A_966 : vector<16xf32>
        %swap3A_1069 = arith.index_cast %add3A_1063 : i32 to index
        %swap3A_1070 = arith.constant 0 : index
        %swap3A_1071 = tpu.vector_load %arg6[%swap3A_1069, %swap3A_1070] {strides = array<i32>} : memref<1024x32xf32, #tpu.memory_space<vmem>>, vector<1x16xf32>,
        %swap3A_1072 = vector.shape_cast %swap3A_1071 : vector<1x16xf32> to vector<16xf32>
        %swap3A_1073 = vector.shape_cast %mul3A_1068 : vector<16xf32> to vector<1x16xf32>
        tpu.vector_store %arg6[%swap3A_1069, %swap3A_1070], %swap3A_1073 {strides = array<i32>} : memref<1024x32xf32, #tpu.memory_space<vmem>>, vector<1x16xf32>,
        %add3A_1074 = arith.constant 4 : i32
        %add3A_1075 = arith.addi %mul3A_490, %add3A_1074 : i32
        %get3A_1076 = arith.index_cast %add3A_1075 : i32 to index
        %get3A_1077 = arith.constant 16 : index
        %get3A_1078 = tpu.vector_load %arg6[%get3A_1076, %get3A_1077] {strides = array<i32>} : memref<1024x32xf32, #tpu.memory_space<vmem>>, vector<1x16xf32>,
        %get3A_1079 = vector.shape_cast %get3A_1078 : vector<1x16xf32> to vector<16xf32>
        %mul3A_1080 = arith.mulf %get3A_1079, %mul3A_966 : vector<16xf32>
        %swap3A_1081 = arith.index_cast %add3A_1075 : i32 to index
        %swap3A_1082 = arith.constant 16 : index
        %swap3A_1083 = tpu.vector_load %arg6[%swap3A_1081, %swap3A_1082] {strides = array<i32>} : memref<1024x32xf32, #tpu.memory_space<vmem>>, vector<1x16xf32>,
        %swap3A_1084 = vector.shape_cast %swap3A_1083 : vector<1x16xf32> to vector<16xf32>
        %swap3A_1085 = vector.shape_cast %mul3A_1080 : vector<16xf32> to vector<1x16xf32>
        tpu.vector_store %arg6[%swap3A_1081, %swap3A_1082], %swap3A_1085 {strides = array<i32>} : memref<1024x32xf32, #tpu.memory_space<vmem>>, vector<1x16xf32>,
        %add3A_1086 = arith.constant 5 : i32
        %add3A_1087 = arith.addi %mul3A_490, %add3A_1086 : i32
        %get3A_1088 = arith.index_cast %add3A_1087 : i32 to index
        %get3A_1089 = arith.constant 0 : index
        %get3A_1090 = tpu.vector_load %arg6[%get3A_1088, %get3A_1089] {strides = array<i32>} : memref<1024x32xf32, #tpu.memory_space<vmem>>, vector<1x16xf32>,
        %get3A_1091 = vector.shape_cast %get3A_1090 : vector<1x16xf32> to vector<16xf32>
        %mul3A_1092 = arith.mulf %get3A_1091, %mul3A_966 : vector<16xf32>
        %swap3A_1093 = arith.index_cast %add3A_1087 : i32 to index
        %swap3A_1094 = arith.constant 0 : index
        %swap3A_1095 = tpu.vector_load %arg6[%swap3A_1093, %swap3A_1094] {strides = array<i32>} : memref<1024x32xf32, #tpu.memory_space<vmem>>, vector<1x16xf32>,
        %swap3A_1096 = vector.shape_cast %swap3A_1095 : vector<1x16xf32> to vector<16xf32>
        %swap3A_1097 = vector.shape_cast %mul3A_1092 : vector<16xf32> to vector<1x16xf32>
        tpu.vector_store %arg6[%swap3A_1093, %swap3A_1094], %swap3A_1097 {strides = array<i32>} : memref<1024x32xf32, #tpu.memory_space<vmem>>, vector<1x16xf32>,
        %add3A_1098 = arith.constant 5 : i32
        %add3A_1099 = arith.addi %mul3A_490, %add3A_1098 : i32
        %get3A_1100 = arith.index_cast %add3A_1099 : i32 to index
        %get3A_1101 = arith.constant 16 : index
        %get3A_1102 = tpu.vector_load %arg6[%get3A_1100, %get3A_1101] {strides = array<i32>} : memref<1024x32xf32, #tpu.memory_space<vmem>>, vector<1x16xf32>,
        %get3A_1103 = vector.shape_cast %get3A_1102 : vector<1x16xf32> to vector<16xf32>
        %mul3A_1104 = arith.mulf %get3A_1103, %mul3A_966 : vector<16xf32>
        %swap3A_1105 = arith.index_cast %add3A_1099 : i32 to index
        %swap3A_1106 = arith.constant 16 : index
        %swap3A_1107 = tpu.vector_load %arg6[%swap3A_1105, %swap3A_1106] {strides = array<i32>} : memref<1024x32xf32, #tpu.memory_space<vmem>>, vector<1x16xf32>,
        %swap3A_1108 = vector.shape_cast %swap3A_1107 : vector<1x16xf32> to vector<16xf32>
        %swap3A_1109 = vector.shape_cast %mul3A_1104 : vector<16xf32> to vector<1x16xf32>
        tpu.vector_store %arg6[%swap3A_1105, %swap3A_1106], %swap3A_1109 {strides = array<i32>} : memref<1024x32xf32, #tpu.memory_space<vmem>>, vector<1x16xf32>,
        %add3A_1110 = arith.constant 6 : i32
        %add3A_1111 = arith.addi %mul3A_490, %add3A_1110 : i32
        %get3A_1112 = arith.index_cast %add3A_1111 : i32 to index
        %get3A_1113 = arith.constant 0 : index
        %get3A_1114 = tpu.vector_load %arg6[%get3A_1112, %get3A_1113] {strides = array<i32>} : memref<1024x32xf32, #tpu.memory_space<vmem>>, vector<1x16xf32>,
        %get3A_1115 = vector.shape_cast %get3A_1114 : vector<1x16xf32> to vector<16xf32>
        %mul3A_1116 = arith.mulf %get3A_1115, %mul3A_966 : vector<16xf32>
        %swap3A_1117 = arith.index_cast %add3A_1111 : i32 to index
        %swap3A_1118 = arith.constant 0 : index
        %swap3A_1119 = tpu.vector_load %arg6[%swap3A_1117, %swap3A_1118] {strides = array<i32>} : memref<1024x32xf32, #tpu.memory_space<vmem>>, vector<1x16xf32>,
        %swap3A_1120 = vector.shape_cast %swap3A_1119 : vector<1x16xf32> to vector<16xf32>
        %swap3A_1121 = vector.shape_cast %mul3A_1116 : vector<16xf32> to vector<1x16xf32>
        tpu.vector_store %arg6[%swap3A_1117, %swap3A_1118], %swap3A_1121 {strides = array<i32>} : memref<1024x32xf32, #tpu.memory_space<vmem>>, vector<1x16xf32>,
        %add3A_1122 = arith.constant 6 : i32
        %add3A_1123 = arith.addi %mul3A_490, %add3A_1122 : i32
        %get3A_1124 = arith.index_cast %add3A_1123 : i32 to index
        %get3A_1125 = arith.constant 16 : index
        %get3A_1126 = tpu.vector_load %arg6[%get3A_1124, %get3A_1125] {strides = array<i32>} : memref<1024x32xf32, #tpu.memory_space<vmem>>, vector<1x16xf32>,
        %get3A_1127 = vector.shape_cast %get3A_1126 : vector<1x16xf32> to vector<16xf32>
        %mul3A_1128 = arith.mulf %get3A_1127, %mul3A_966 : vector<16xf32>
        %swap3A_1129 = arith.index_cast %add3A_1123 : i32 to index
        %swap3A_1130 = arith.constant 16 : index
        %swap3A_1131 = tpu.vector_load %arg6[%swap3A_1129, %swap3A_1130] {strides = array<i32>} : memref<1024x32xf32, #tpu.memory_space<vmem>>, vector<1x16xf32>,
        %swap3A_1132 = vector.shape_cast %swap3A_1131 : vector<1x16xf32> to vector<16xf32>
        %swap3A_1133 = vector.shape_cast %mul3A_1128 : vector<16xf32> to vector<1x16xf32>
        tpu.vector_store %arg6[%swap3A_1129, %swap3A_1130], %swap3A_1133 {strides = array<i32>} : memref<1024x32xf32, #tpu.memory_space<vmem>>, vector<1x16xf32>,
        %add3A_1134 = arith.constant 7 : i32
        %add3A_1135 = arith.addi %mul3A_490, %add3A_1134 : i32
        %get3A_1136 = arith.index_cast %add3A_1135 : i32 to index
        %get3A_1137 = arith.constant 0 : index
        %get3A_1138 = tpu.vector_load %arg6[%get3A_1136, %get3A_1137] {strides = array<i32>} : memref<1024x32xf32, #tpu.memory_space<vmem>>, vector<1x16xf32>,
        %get3A_1139 = vector.shape_cast %get3A_1138 : vector<1x16xf32> to vector<16xf32>
        %mul3A_1140 = arith.mulf %get3A_1139, %mul3A_966 : vector<16xf32>
        %swap3A_1141 = arith.index_cast %add3A_1135 : i32 to index
        %swap3A_1142 = arith.constant 0 : index
        %swap3A_1143 = tpu.vector_load %arg6[%swap3A_1141, %swap3A_1142] {strides = array<i32>} : memref<1024x32xf32, #tpu.memory_space<vmem>>, vector<1x16xf32>,
        %swap3A_1144 = vector.shape_cast %swap3A_1143 : vector<1x16xf32> to vector<16xf32>
        %swap3A_1145 = vector.shape_cast %mul3A_1140 : vector<16xf32> to vector<1x16xf32>
        tpu.vector_store %arg6[%swap3A_1141, %swap3A_1142], %swap3A_1145 {strides = array<i32>} : memref<1024x32xf32, #tpu.memory_space<vmem>>, vector<1x16xf32>,
        %add3A_1146 = arith.constant 7 : i32
        %add3A_1147 = arith.addi %mul3A_490, %add3A_1146 : i32
        %get3A_1148 = arith.index_cast %add3A_1147 : i32 to index
        %get3A_1149 = arith.constant 16 : index
        %get3A_1150 = tpu.vector_load %arg6[%get3A_1148, %get3A_1149] {strides = array<i32>} : memref<1024x32xf32, #tpu.memory_space<vmem>>, vector<1x16xf32>,
        %get3A_1151 = vector.shape_cast %get3A_1150 : vector<1x16xf32> to vector<16xf32>
        %mul3A_1152 = arith.mulf %get3A_1151, %mul3A_966 : vector<16xf32>
        %swap3A_1153 = arith.index_cast %add3A_1147 : i32 to index
        %swap3A_1154 = arith.constant 16 : index
        %swap3A_1155 = tpu.vector_load %arg6[%swap3A_1153, %swap3A_1154] {strides = array<i32>} : memref<1024x32xf32, #tpu.memory_space<vmem>>, vector<1x16xf32>,
        %swap3A_1156 = vector.shape_cast %swap3A_1155 : vector<1x16xf32> to vector<16xf32>
        %swap3A_1157 = vector.shape_cast %mul3A_1152 : vector<16xf32> to vector<1x16xf32>
        tpu.vector_store %arg6[%swap3A_1153, %swap3A_1154], %swap3A_1157 {strides = array<i32>} : memref<1024x32xf32, #tpu.memory_space<vmem>>, vector<1x16xf32>,
        %add3A_1158 = arith.constant 8 : i32
        %add3A_1159 = arith.addi %mul3A_490, %add3A_1158 : i32
        %get3A_1160 = arith.index_cast %add3A_1159 : i32 to index
        %get3A_1161 = arith.constant 0 : index
        %get3A_1162 = tpu.vector_load %arg6[%get3A_1160, %get3A_1161] {strides = array<i32>} : memref<1024x32xf32, #tpu.memory_space<vmem>>, vector<1x16xf32>,
        %get3A_1163 = vector.shape_cast %get3A_1162 : vector<1x16xf32> to vector<16xf32>
        %mul3A_1164 = arith.mulf %get3A_1163, %mul3A_966 : vector<16xf32>
        %swap3A_1165 = arith.index_cast %add3A_1159 : i32 to index
        %swap3A_1166 = arith.constant 0 : index
        %swap3A_1167 = tpu.vector_load %arg6[%swap3A_1165, %swap3A_1166] {strides = array<i32>} : memref<1024x32xf32, #tpu.memory_space<vmem>>, vector<1x16xf32>,
        %swap3A_1168 = vector.shape_cast %swap3A_1167 : vector<1x16xf32> to vector<16xf32>
        %swap3A_1169 = vector.shape_cast %mul3A_1164 : vector<16xf32> to vector<1x16xf32>
        tpu.vector_store %arg6[%swap3A_1165, %swap3A_1166], %swap3A_1169 {strides = array<i32>} : memref<1024x32xf32, #tpu.memory_space<vmem>>, vector<1x16xf32>,
        %add3A_1170 = arith.constant 8 : i32
        %add3A_1171 = arith.addi %mul3A_490, %add3A_1170 : i32
        %get3A_1172 = arith.index_cast %add3A_1171 : i32 to index
        %get3A_1173 = arith.constant 16 : index
        %get3A_1174 = tpu.vector_load %arg6[%get3A_1172, %get3A_1173] {strides = array<i32>} : memref<1024x32xf32, #tpu.memory_space<vmem>>, vector<1x16xf32>,
        %get3A_1175 = vector.shape_cast %get3A_1174 : vector<1x16xf32> to vector<16xf32>
        %mul3A_1176 = arith.mulf %get3A_1175, %mul3A_966 : vector<16xf32>
        %swap3A_1177 = arith.index_cast %add3A_1171 : i32 to index
        %swap3A_1178 = arith.constant 16 : index
        %swap3A_1179 = tpu.vector_load %arg6[%swap3A_1177, %swap3A_1178] {strides = array<i32>} : memref<1024x32xf32, #tpu.memory_space<vmem>>, vector<1x16xf32>,
        %swap3A_1180 = vector.shape_cast %swap3A_1179 : vector<1x16xf32> to vector<16xf32>
        %swap3A_1181 = vector.shape_cast %mul3A_1176 : vector<16xf32> to vector<1x16xf32>
        tpu.vector_store %arg6[%swap3A_1177, %swap3A_1178], %swap3A_1181 {strides = array<i32>} : memref<1024x32xf32, #tpu.memory_space<vmem>>, vector<1x16xf32>,
        %add3A_1182 = arith.constant 9 : i32
        %add3A_1183 = arith.addi %mul3A_490, %add3A_1182 : i32
        %get3A_1184 = arith.index_cast %add3A_1183 : i32 to index
        %get3A_1185 = arith.constant 0 : index
        %get3A_1186 = tpu.vector_load %arg6[%get3A_1184, %get3A_1185] {strides = array<i32>} : memref<1024x32xf32, #tpu.memory_space<vmem>>, vector<1x16xf32>,
        %get3A_1187 = vector.shape_cast %get3A_1186 : vector<1x16xf32> to vector<16xf32>
        %mul3A_1188 = arith.mulf %get3A_1187, %mul3A_966 : vector<16xf32>
        %swap3A_1189 = arith.index_cast %add3A_1183 : i32 to index
        %swap3A_1190 = arith.constant 0 : index
        %swap3A_1191 = tpu.vector_load %arg6[%swap3A_1189, %swap3A_1190] {strides = array<i32>} : memref<1024x32xf32, #tpu.memory_space<vmem>>, vector<1x16xf32>,
        %swap3A_1192 = vector.shape_cast %swap3A_1191 : vector<1x16xf32> to vector<16xf32>
        %swap3A_1193 = vector.shape_cast %mul3A_1188 : vector<16xf32> to vector<1x16xf32>
        tpu.vector_store %arg6[%swap3A_1189, %swap3A_1190], %swap3A_1193 {strides = array<i32>} : memref<1024x32xf32, #tpu.memory_space<vmem>>, vector<1x16xf32>,
        %add3A_1194 = arith.constant 9 : i32
        %add3A_1195 = arith.addi %mul3A_490, %add3A_1194 : i32
        %get3A_1196 = arith.index_cast %add3A_1195 : i32 to index
        %get3A_1197 = arith.constant 16 : index
        %get3A_1198 = tpu.vector_load %arg6[%get3A_1196, %get3A_1197] {strides = array<i32>} : memref<1024x32xf32, #tpu.memory_space<vmem>>, vector<1x16xf32>,
        %get3A_1199 = vector.shape_cast %get3A_1198 : vector<1x16xf32> to vector<16xf32>
        %mul3A_1200 = arith.mulf %get3A_1199, %mul3A_966 : vector<16xf32>
        %swap3A_1201 = arith.index_cast %add3A_1195 : i32 to index
        %swap3A_1202 = arith.constant 16 : index
        %swap3A_1203 = tpu.vector_load %arg6[%swap3A_1201, %swap3A_1202] {strides = array<i32>} : memref<1024x32xf32, #tpu.memory_space<vmem>>, vector<1x16xf32>,
        %swap3A_1204 = vector.shape_cast %swap3A_1203 : vector<1x16xf32> to vector<16xf32>
        %swap3A_1205 = vector.shape_cast %mul3A_1200 : vector<16xf32> to vector<1x16xf32>
        tpu.vector_store %arg6[%swap3A_1201, %swap3A_1202], %swap3A_1205 {strides = array<i32>} : memref<1024x32xf32, #tpu.memory_space<vmem>>, vector<1x16xf32>,
        %add3A_1206 = arith.constant 10 : i32
        %add3A_1207 = arith.addi %mul3A_490, %add3A_1206 : i32
        %get3A_1208 = arith.index_cast %add3A_1207 : i32 to index
        %get3A_1209 = arith.constant 0 : index
        %get3A_1210 = tpu.vector_load %arg6[%get3A_1208, %get3A_1209] {strides = array<i32>} : memref<1024x32xf32, #tpu.memory_space<vmem>>, vector<1x16xf32>,
        %get3A_1211 = vector.shape_cast %get3A_1210 : vector<1x16xf32> to vector<16xf32>
        %mul3A_1212 = arith.mulf %get3A_1211, %mul3A_966 : vector<16xf32>
        %swap3A_1213 = arith.index_cast %add3A_1207 : i32 to index
        %swap3A_1214 = arith.constant 0 : index
        %swap3A_1215 = tpu.vector_load %arg6[%swap3A_1213, %swap3A_1214] {strides = array<i32>} : memref<1024x32xf32, #tpu.memory_space<vmem>>, vector<1x16xf32>,
        %swap3A_1216 = vector.shape_cast %swap3A_1215 : vector<1x16xf32> to vector<16xf32>
        %swap3A_1217 = vector.shape_cast %mul3A_1212 : vector<16xf32> to vector<1x16xf32>
        tpu.vector_store %arg6[%swap3A_1213, %swap3A_1214], %swap3A_1217 {strides = array<i32>} : memref<1024x32xf32, #tpu.memory_space<vmem>>, vector<1x16xf32>,
        %add3A_1218 = arith.constant 10 : i32
        %add3A_1219 = arith.addi %mul3A_490, %add3A_1218 : i32
        %get3A_1220 = arith.index_cast %add3A_1219 : i32 to index
        %get3A_1221 = arith.constant 16 : index
        %get3A_1222 = tpu.vector_load %arg6[%get3A_1220, %get3A_1221] {strides = array<i32>} : memref<1024x32xf32, #tpu.memory_space<vmem>>, vector<1x16xf32>,
        %get3A_1223 = vector.shape_cast %get3A_1222 : vector<1x16xf32> to vector<16xf32>
        %mul3A_1224 = arith.mulf %get3A_1223, %mul3A_966 : vector<16xf32>
        %swap3A_1225 = arith.index_cast %add3A_1219 : i32 to index
        %swap3A_1226 = arith.constant 16 : index
        %swap3A_1227 = tpu.vector_load %arg6[%swap3A_1225, %swap3A_1226] {strides = array<i32>} : memref<1024x32xf32, #tpu.memory_space<vmem>>, vector<1x16xf32>,
        %swap3A_1228 = vector.shape_cast %swap3A_1227 : vector<1x16xf32> to vector<16xf32>
        %swap3A_1229 = vector.shape_cast %mul3A_1224 : vector<16xf32> to vector<1x16xf32>
        tpu.vector_store %arg6[%swap3A_1225, %swap3A_1226], %swap3A_1229 {strides = array<i32>} : memref<1024x32xf32, #tpu.memory_space<vmem>>, vector<1x16xf32>,
        %add3A_1230 = arith.constant 11 : i32
        %add3A_1231 = arith.addi %mul3A_490, %add3A_1230 : i32
        %get3A_1232 = arith.index_cast %add3A_1231 : i32 to index
        %get3A_1233 = arith.constant 0 : index
        %get3A_1234 = tpu.vector_load %arg6[%get3A_1232, %get3A_1233] {strides = array<i32>} : memref<1024x32xf32, #tpu.memory_space<vmem>>, vector<1x16xf32>,
        %get3A_1235 = vector.shape_cast %get3A_1234 : vector<1x16xf32> to vector<16xf32>
        %mul3A_1236 = arith.mulf %get3A_1235, %mul3A_966 : vector<16xf32>
        %swap3A_1237 = arith.index_cast %add3A_1231 : i32 to index
        %swap3A_1238 = arith.constant 0 : index
        %swap3A_1239 = tpu.vector_load %arg6[%swap3A_1237, %swap3A_1238] {strides = array<i32>} : memref<1024x32xf32, #tpu.memory_space<vmem>>, vector<1x16xf32>,
        %swap3A_1240 = vector.shape_cast %swap3A_1239 : vector<1x16xf32> to vector<16xf32>
        %swap3A_1241 = vector.shape_cast %mul3A_1236 : vector<16xf32> to vector<1x16xf32>
        tpu.vector_store %arg6[%swap3A_1237, %swap3A_1238], %swap3A_1241 {strides = array<i32>} : memref<1024x32xf32, #tpu.memory_space<vmem>>, vector<1x16xf32>,
        %add3A_1242 = arith.constant 11 : i32
        %add3A_1243 = arith.addi %mul3A_490, %add3A_1242 : i32
        %get3A_1244 = arith.index_cast %add3A_1243 : i32 to index
        %get3A_1245 = arith.constant 16 : index
        %get3A_1246 = tpu.vector_load %arg6[%get3A_1244, %get3A_1245] {strides = array<i32>} : memref<1024x32xf32, #tpu.memory_space<vmem>>, vector<1x16xf32>,
        %get3A_1247 = vector.shape_cast %get3A_1246 : vector<1x16xf32> to vector<16xf32>
        %mul3A_1248 = arith.mulf %get3A_1247, %mul3A_966 : vector<16xf32>
        %swap3A_1249 = arith.index_cast %add3A_1243 : i32 to index
        %swap3A_1250 = arith.constant 16 : index
        %swap3A_1251 = tpu.vector_load %arg6[%swap3A_1249, %swap3A_1250] {strides = array<i32>} : memref<1024x32xf32, #tpu.memory_space<vmem>>, vector<1x16xf32>,
        %swap3A_1252 = vector.shape_cast %swap3A_1251 : vector<1x16xf32> to vector<16xf32>
        %swap3A_1253 = vector.shape_cast %mul3A_1248 : vector<16xf32> to vector<1x16xf32>
        tpu.vector_store %arg6[%swap3A_1249, %swap3A_1250], %swap3A_1253 {strides = array<i32>} : memref<1024x32xf32, #tpu.memory_space<vmem>>, vector<1x16xf32>,
        %add3A_1254 = arith.constant 12 : i32
        %add3A_1255 = arith.addi %mul3A_490, %add3A_1254 : i32
        %get3A_1256 = arith.index_cast %add3A_1255 : i32 to index
        %get3A_1257 = arith.constant 0 : index
        %get3A_1258 = tpu.vector_load %arg6[%get3A_1256, %get3A_1257] {strides = array<i32>} : memref<1024x32xf32, #tpu.memory_space<vmem>>, vector<1x16xf32>,
        %get3A_1259 = vector.shape_cast %get3A_1258 : vector<1x16xf32> to vector<16xf32>
        %mul3A_1260 = arith.mulf %get3A_1259, %mul3A_966 : vector<16xf32>
        %swap3A_1261 = arith.index_cast %add3A_1255 : i32 to index
        %swap3A_1262 = arith.constant 0 : index
        %swap3A_1263 = tpu.vector_load %arg6[%swap3A_1261, %swap3A_1262] {strides = array<i32>} : memref<1024x32xf32, #tpu.memory_space<vmem>>, vector<1x16xf32>,
        %swap3A_1264 = vector.shape_cast %swap3A_1263 : vector<1x16xf32> to vector<16xf32>
        %swap3A_1265 = vector.shape_cast %mul3A_1260 : vector<16xf32> to vector<1x16xf32>
        tpu.vector_store %arg6[%swap3A_1261, %swap3A_1262], %swap3A_1265 {strides = array<i32>} : memref<1024x32xf32, #tpu.memory_space<vmem>>, vector<1x16xf32>,
        %add3A_1266 = arith.constant 12 : i32
        %add3A_1267 = arith.addi %mul3A_490, %add3A_1266 : i32
        %get3A_1268 = arith.index_cast %add3A_1267 : i32 to index
        %get3A_1269 = arith.constant 16 : index
        %get3A_1270 = tpu.vector_load %arg6[%get3A_1268, %get3A_1269] {strides = array<i32>} : memref<1024x32xf32, #tpu.memory_space<vmem>>, vector<1x16xf32>,
        %get3A_1271 = vector.shape_cast %get3A_1270 : vector<1x16xf32> to vector<16xf32>
        %mul3A_1272 = arith.mulf %get3A_1271, %mul3A_966 : vector<16xf32>
        %swap3A_1273 = arith.index_cast %add3A_1267 : i32 to index
        %swap3A_1274 = arith.constant 16 : index
        %swap3A_1275 = tpu.vector_load %arg6[%swap3A_1273, %swap3A_1274] {strides = array<i32>} : memref<1024x32xf32, #tpu.memory_space<vmem>>, vector<1x16xf32>,
        %swap3A_1276 = vector.shape_cast %swap3A_1275 : vector<1x16xf32> to vector<16xf32>
        %swap3A_1277 = vector.shape_cast %mul3A_1272 : vector<16xf32> to vector<1x16xf32>
        tpu.vector_store %arg6[%swap3A_1273, %swap3A_1274], %swap3A_1277 {strides = array<i32>} : memref<1024x32xf32, #tpu.memory_space<vmem>>, vector<1x16xf32>,
        %add3A_1278 = arith.constant 13 : i32
        %add3A_1279 = arith.addi %mul3A_490, %add3A_1278 : i32
        %get3A_1280 = arith.index_cast %add3A_1279 : i32 to index
        %get3A_1281 = arith.constant 0 : index
        %get3A_1282 = tpu.vector_load %arg6[%get3A_1280, %get3A_1281] {strides = array<i32>} : memref<1024x32xf32, #tpu.memory_space<vmem>>, vector<1x16xf32>,
        %get3A_1283 = vector.shape_cast %get3A_1282 : vector<1x16xf32> to vector<16xf32>
        %mul3A_1284 = arith.mulf %get3A_1283, %mul3A_966 : vector<16xf32>
        %swap3A_1285 = arith.index_cast %add3A_1279 : i32 to index
        %swap3A_1286 = arith.constant 0 : index
        %swap3A_1287 = tpu.vector_load %arg6[%swap3A_1285, %swap3A_1286] {strides = array<i32>} : memref<1024x32xf32, #tpu.memory_space<vmem>>, vector<1x16xf32>,
        %swap3A_1288 = vector.shape_cast %swap3A_1287 : vector<1x16xf32> to vector<16xf32>
        %swap3A_1289 = vector.shape_cast %mul3A_1284 : vector<16xf32> to vector<1x16xf32>
        tpu.vector_store %arg6[%swap3A_1285, %swap3A_1286], %swap3A_1289 {strides = array<i32>} : memref<1024x32xf32, #tpu.memory_space<vmem>>, vector<1x16xf32>,
        %add3A_1290 = arith.constant 13 : i32
        %add3A_1291 = arith.addi %mul3A_490, %add3A_1290 : i32
        %get3A_1292 = arith.index_cast %add3A_1291 : i32 to index
        %get3A_1293 = arith.constant 16 : index
        %get3A_1294 = tpu.vector_load %arg6[%get3A_1292, %get3A_1293] {strides = array<i32>} : memref<1024x32xf32, #tpu.memory_space<vmem>>, vector<1x16xf32>,
        %get3A_1295 = vector.shape_cast %get3A_1294 : vector<1x16xf32> to vector<16xf32>
        %mul3A_1296 = arith.mulf %get3A_1295, %mul3A_966 : vector<16xf32>
        %swap3A_1297 = arith.index_cast %add3A_1291 : i32 to index
        %swap3A_1298 = arith.constant 16 : index
        %swap3A_1299 = tpu.vector_load %arg6[%swap3A_1297, %swap3A_1298] {strides = array<i32>} : memref<1024x32xf32, #tpu.memory_space<vmem>>, vector<1x16xf32>,
        %swap3A_1300 = vector.shape_cast %swap3A_1299 : vector<1x16xf32> to vector<16xf32>
        %swap3A_1301 = vector.shape_cast %mul3A_1296 : vector<16xf32> to vector<1x16xf32>
        tpu.vector_store %arg6[%swap3A_1297, %swap3A_1298], %swap3A_1301 {strides = array<i32>} : memref<1024x32xf32, #tpu.memory_space<vmem>>, vector<1x16xf32>,
        %add3A_1302 = arith.constant 14 : i32
        %add3A_1303 = arith.addi %mul3A_490, %add3A_1302 : i32
        %get3A_1304 = arith.index_cast %add3A_1303 : i32 to index
        %get3A_1305 = arith.constant 0 : index
        %get3A_1306 = tpu.vector_load %arg6[%get3A_1304, %get3A_1305] {strides = array<i32>} : memref<1024x32xf32, #tpu.memory_space<vmem>>, vector<1x16xf32>,
        %get3A_1307 = vector.shape_cast %get3A_1306 : vector<1x16xf32> to vector<16xf32>
        %mul3A_1308 = arith.mulf %get3A_1307, %mul3A_966 : vector<16xf32>
        %swap3A_1309 = arith.index_cast %add3A_1303 : i32 to index
        %swap3A_1310 = arith.constant 0 : index
        %swap3A_1311 = tpu.vector_load %arg6[%swap3A_1309, %swap3A_1310] {strides = array<i32>} : memref<1024x32xf32, #tpu.memory_space<vmem>>, vector<1x16xf32>,
        %swap3A_1312 = vector.shape_cast %swap3A_1311 : vector<1x16xf32> to vector<16xf32>
        %swap3A_1313 = vector.shape_cast %mul3A_1308 : vector<16xf32> to vector<1x16xf32>
        tpu.vector_store %arg6[%swap3A_1309, %swap3A_1310], %swap3A_1313 {strides = array<i32>} : memref<1024x32xf32, #tpu.memory_space<vmem>>, vector<1x16xf32>,
        %add3A_1314 = arith.constant 14 : i32
        %add3A_1315 = arith.addi %mul3A_490, %add3A_1314 : i32
        %get3A_1316 = arith.index_cast %add3A_1315 : i32 to index
        %get3A_1317 = arith.constant 16 : index
        %get3A_1318 = tpu.vector_load %arg6[%get3A_1316, %get3A_1317] {strides = array<i32>} : memref<1024x32xf32, #tpu.memory_space<vmem>>, vector<1x16xf32>,
        %get3A_1319 = vector.shape_cast %get3A_1318 : vector<1x16xf32> to vector<16xf32>
        %mul3A_1320 = arith.mulf %get3A_1319, %mul3A_966 : vector<16xf32>
        %swap3A_1321 = arith.index_cast %add3A_1315 : i32 to index
        %swap3A_1322 = arith.constant 16 : index
        %swap3A_1323 = tpu.vector_load %arg6[%swap3A_1321, %swap3A_1322] {strides = array<i32>} : memref<1024x32xf32, #tpu.memory_space<vmem>>, vector<1x16xf32>,
        %swap3A_1324 = vector.shape_cast %swap3A_1323 : vector<1x16xf32> to vector<16xf32>
        %swap3A_1325 = vector.shape_cast %mul3A_1320 : vector<16xf32> to vector<1x16xf32>
        tpu.vector_store %arg6[%swap3A_1321, %swap3A_1322], %swap3A_1325 {strides = array<i32>} : memref<1024x32xf32, #tpu.memory_space<vmem>>, vector<1x16xf32>,
        %add3A_1326 = arith.constant 15 : i32
        %add3A_1327 = arith.addi %mul3A_490, %add3A_1326 : i32
        %get3A_1328 = arith.index_cast %add3A_1327 : i32 to index
        %get3A_1329 = arith.constant 0 : index
        %get3A_1330 = tpu.vector_load %arg6[%get3A_1328, %get3A_1329] {strides = array<i32>} : memref<1024x32xf32, #tpu.memory_space<vmem>>, vector<1x16xf32>,
        %get3A_1331 = vector.shape_cast %get3A_1330 : vector<1x16xf32> to vector<16xf32>
        %mul3A_1332 = arith.mulf %get3A_1331, %mul3A_966 : vector<16xf32>
        %swap3A_1333 = arith.index_cast %add3A_1327 : i32 to index
        %swap3A_1334 = arith.constant 0 : index
        %swap3A_1335 = tpu.vector_load %arg6[%swap3A_1333, %swap3A_1334] {strides = array<i32>} : memref<1024x32xf32, #tpu.memory_space<vmem>>, vector<1x16xf32>,
        %swap3A_1336 = vector.shape_cast %swap3A_1335 : vector<1x16xf32> to vector<16xf32>
        %swap3A_1337 = vector.shape_cast %mul3A_1332 : vector<16xf32> to vector<1x16xf32>
        tpu.vector_store %arg6[%swap3A_1333, %swap3A_1334], %swap3A_1337 {strides = array<i32>} : memref<1024x32xf32, #tpu.memory_space<vmem>>, vector<1x16xf32>,
        %add3A_1338 = arith.constant 15 : i32
        %add3A_1339 = arith.addi %mul3A_490, %add3A_1338 : i32
        %get3A_1340 = arith.index_cast %add3A_1339 : i32 to index
        %get3A_1341 = arith.constant 16 : index
        %get3A_1342 = tpu.vector_load %arg6[%get3A_1340, %get3A_1341] {strides = array<i32>} : memref<1024x32xf32, #tpu.memory_space<vmem>>, vector<1x16xf32>,
        %get3A_1343 = vector.shape_cast %get3A_1342 : vector<1x16xf32> to vector<16xf32>
        %mul3A_1344 = arith.mulf %get3A_1343, %mul3A_966 : vector<16xf32>
        %swap3A_1345 = arith.index_cast %add3A_1339 : i32 to index
        %swap3A_1346 = arith.constant 16 : index
        %swap3A_1347 = tpu.vector_load %arg6[%swap3A_1345, %swap3A_1346] {strides = array<i32>} : memref<1024x32xf32, #tpu.memory_space<vmem>>, vector<1x16xf32>,
        %swap3A_1348 = vector.shape_cast %swap3A_1347 : vector<1x16xf32> to vector<16xf32>
        %swap3A_1349 = vector.shape_cast %mul3A_1344 : vector<16xf32> to vector<1x16xf32>
        tpu.vector_store %arg6[%swap3A_1345, %swap3A_1346], %swap3A_1349 {strides = array<i32>} : memref<1024x32xf32, #tpu.memory_space<vmem>>, vector<1x16xf32>,
        %add3A_1350 = arith.constant 16 : i32
        %add3A_1351 = arith.addi %mul3A_490, %add3A_1350 : i32
        %get3A_1352 = arith.index_cast %add3A_1351 : i32 to index
        %get3A_1353 = arith.constant 0 : index
        %get3A_1354 = tpu.vector_load %arg6[%get3A_1352, %get3A_1353] {strides = array<i32>} : memref<1024x32xf32, #tpu.memory_space<vmem>>, vector<1x16xf32>,
        %get3A_1355 = vector.shape_cast %get3A_1354 : vector<1x16xf32> to vector<16xf32>
        %mul3A_1356 = arith.mulf %get3A_1355, %mul3A_966 : vector<16xf32>
        %swap3A_1357 = arith.index_cast %add3A_1351 : i32 to index
        %swap3A_1358 = arith.constant 0 : index
        %swap3A_1359 = tpu.vector_load %arg6[%swap3A_1357, %swap3A_1358] {strides = array<i32>} : memref<1024x32xf32, #tpu.memory_space<vmem>>, vector<1x16xf32>,
        %swap3A_1360 = vector.shape_cast %swap3A_1359 : vector<1x16xf32> to vector<16xf32>
        %swap3A_1361 = vector.shape_cast %mul3A_1356 : vector<16xf32> to vector<1x16xf32>
        tpu.vector_store %arg6[%swap3A_1357, %swap3A_1358], %swap3A_1361 {strides = array<i32>} : memref<1024x32xf32, #tpu.memory_space<vmem>>, vector<1x16xf32>,
        %add3A_1362 = arith.constant 16 : i32
        %add3A_1363 = arith.addi %mul3A_490, %add3A_1362 : i32
        %get3A_1364 = arith.index_cast %add3A_1363 : i32 to index
        %get3A_1365 = arith.constant 16 : index
        %get3A_1366 = tpu.vector_load %arg6[%get3A_1364, %get3A_1365] {strides = array<i32>} : memref<1024x32xf32, #tpu.memory_space<vmem>>, vector<1x16xf32>,
        %get3A_1367 = vector.shape_cast %get3A_1366 : vector<1x16xf32> to vector<16xf32>
        %mul3A_1368 = arith.mulf %get3A_1367, %mul3A_966 : vector<16xf32>
        %swap3A_1369 = arith.index_cast %add3A_1363 : i32 to index
        %swap3A_1370 = arith.constant 16 : index
        %swap3A_1371 = tpu.vector_load %arg6[%swap3A_1369, %swap3A_1370] {strides = array<i32>} : memref<1024x32xf32, #tpu.memory_space<vmem>>, vector<1x16xf32>,
        %swap3A_1372 = vector.shape_cast %swap3A_1371 : vector<1x16xf32> to vector<16xf32>
        %swap3A_1373 = vector.shape_cast %mul3A_1368 : vector<16xf32> to vector<1x16xf32>
        tpu.vector_store %arg6[%swap3A_1369, %swap3A_1370], %swap3A_1373 {strides = array<i32>} : memref<1024x32xf32, #tpu.memory_space<vmem>>, vector<1x16xf32>,
        %add3A_1374 = arith.constant 17 : i32
        %add3A_1375 = arith.addi %mul3A_490, %add3A_1374 : i32
        %get3A_1376 = arith.index_cast %add3A_1375 : i32 to index
        %get3A_1377 = arith.constant 0 : index
        %get3A_1378 = tpu.vector_load %arg6[%get3A_1376, %get3A_1377] {strides = array<i32>} : memref<1024x32xf32, #tpu.memory_space<vmem>>, vector<1x16xf32>,
        %get3A_1379 = vector.shape_cast %get3A_1378 : vector<1x16xf32> to vector<16xf32>
        %mul3A_1380 = arith.mulf %get3A_1379, %mul3A_966 : vector<16xf32>
        %swap3A_1381 = arith.index_cast %add3A_1375 : i32 to index
        %swap3A_1382 = arith.constant 0 : index
        %swap3A_1383 = tpu.vector_load %arg6[%swap3A_1381, %swap3A_1382] {strides = array<i32>} : memref<1024x32xf32, #tpu.memory_space<vmem>>, vector<1x16xf32>,
        %swap3A_1384 = vector.shape_cast %swap3A_1383 : vector<1x16xf32> to vector<16xf32>
        %swap3A_1385 = vector.shape_cast %mul3A_1380 : vector<16xf32> to vector<1x16xf32>
        tpu.vector_store %arg6[%swap3A_1381, %swap3A_1382], %swap3A_1385 {strides = array<i32>} : memref<1024x32xf32, #tpu.memory_space<vmem>>, vector<1x16xf32>,
        %add3A_1386 = arith.constant 17 : i32
        %add3A_1387 = arith.addi %mul3A_490, %add3A_1386 : i32
        %get3A_1388 = arith.index_cast %add3A_1387 : i32 to index
        %get3A_1389 = arith.constant 16 : index
        %get3A_1390 = tpu.vector_load %arg6[%get3A_1388, %get3A_1389] {strides = array<i32>} : memref<1024x32xf32, #tpu.memory_space<vmem>>, vector<1x16xf32>,
        %get3A_1391 = vector.shape_cast %get3A_1390 : vector<1x16xf32> to vector<16xf32>
        %mul3A_1392 = arith.mulf %get3A_1391, %mul3A_966 : vector<16xf32>
        %swap3A_1393 = arith.index_cast %add3A_1387 : i32 to index
        %swap3A_1394 = arith.constant 16 : index
        %swap3A_1395 = tpu.vector_load %arg6[%swap3A_1393, %swap3A_1394] {strides = array<i32>} : memref<1024x32xf32, #tpu.memory_space<vmem>>, vector<1x16xf32>,
        %swap3A_1396 = vector.shape_cast %swap3A_1395 : vector<1x16xf32> to vector<16xf32>
        %swap3A_1397 = vector.shape_cast %mul3A_1392 : vector<16xf32> to vector<1x16xf32>
        tpu.vector_store %arg6[%swap3A_1393, %swap3A_1394], %swap3A_1397 {strides = array<i32>} : memref<1024x32xf32, #tpu.memory_space<vmem>>, vector<1x16xf32>,
        %add3A_1398 = arith.constant 18 : i32
        %add3A_1399 = arith.addi %mul3A_490, %add3A_1398 : i32
        %get3A_1400 = arith.index_cast %add3A_1399 : i32 to index
        %get3A_1401 = arith.constant 0 : index
        %get3A_1402 = tpu.vector_load %arg6[%get3A_1400, %get3A_1401] {strides = array<i32>} : memref<1024x32xf32, #tpu.memory_space<vmem>>, vector<1x16xf32>,
        %get3A_1403 = vector.shape_cast %get3A_1402 : vector<1x16xf32> to vector<16xf32>
        %mul3A_1404 = arith.mulf %get3A_1403, %mul3A_966 : vector<16xf32>
        %swap3A_1405 = arith.index_cast %add3A_1399 : i32 to index
        %swap3A_1406 = arith.constant 0 : index
        %swap3A_1407 = tpu.vector_load %arg6[%swap3A_1405, %swap3A_1406] {strides = array<i32>} : memref<1024x32xf32, #tpu.memory_space<vmem>>, vector<1x16xf32>,
        %swap3A_1408 = vector.shape_cast %swap3A_1407 : vector<1x16xf32> to vector<16xf32>
        %swap3A_1409 = vector.shape_cast %mul3A_1404 : vector<16xf32> to vector<1x16xf32>
        tpu.vector_store %arg6[%swap3A_1405, %swap3A_1406], %swap3A_1409 {strides = array<i32>} : memref<1024x32xf32, #tpu.memory_space<vmem>>, vector<1x16xf32>,
        %add3A_1410 = arith.constant 18 : i32
        %add3A_1411 = arith.addi %mul3A_490, %add3A_1410 : i32
        %get3A_1412 = arith.index_cast %add3A_1411 : i32 to index
        %get3A_1413 = arith.constant 16 : index
        %get3A_1414 = tpu.vector_load %arg6[%get3A_1412, %get3A_1413] {strides = array<i32>} : memref<1024x32xf32, #tpu.memory_space<vmem>>, vector<1x16xf32>,
        %get3A_1415 = vector.shape_cast %get3A_1414 : vector<1x16xf32> to vector<16xf32>
        %mul3A_1416 = arith.mulf %get3A_1415, %mul3A_966 : vector<16xf32>
        %swap3A_1417 = arith.index_cast %add3A_1411 : i32 to index
        %swap3A_1418 = arith.constant 16 : index
        %swap3A_1419 = tpu.vector_load %arg6[%swap3A_1417, %swap3A_1418] {strides = array<i32>} : memref<1024x32xf32, #tpu.memory_space<vmem>>, vector<1x16xf32>,
        %swap3A_1420 = vector.shape_cast %swap3A_1419 : vector<1x16xf32> to vector<16xf32>
        %swap3A_1421 = vector.shape_cast %mul3A_1416 : vector<16xf32> to vector<1x16xf32>
        tpu.vector_store %arg6[%swap3A_1417, %swap3A_1418], %swap3A_1421 {strides = array<i32>} : memref<1024x32xf32, #tpu.memory_space<vmem>>, vector<1x16xf32>,
        %add3A_1422 = arith.constant 19 : i32
        %add3A_1423 = arith.addi %mul3A_490, %add3A_1422 : i32
        %get3A_1424 = arith.index_cast %add3A_1423 : i32 to index
        %get3A_1425 = arith.constant 0 : index
        %get3A_1426 = tpu.vector_load %arg6[%get3A_1424, %get3A_1425] {strides = array<i32>} : memref<1024x32xf32, #tpu.memory_space<vmem>>, vector<1x16xf32>,
        %get3A_1427 = vector.shape_cast %get3A_1426 : vector<1x16xf32> to vector<16xf32>
        %mul3A_1428 = arith.mulf %get3A_1427, %mul3A_966 : vector<16xf32>
        %swap3A_1429 = arith.index_cast %add3A_1423 : i32 to index
        %swap3A_1430 = arith.constant 0 : index
        %swap3A_1431 = tpu.vector_load %arg6[%swap3A_1429, %swap3A_1430] {strides = array<i32>} : memref<1024x32xf32, #tpu.memory_space<vmem>>, vector<1x16xf32>,
        %swap3A_1432 = vector.shape_cast %swap3A_1431 : vector<1x16xf32> to vector<16xf32>
        %swap3A_1433 = vector.shape_cast %mul3A_1428 : vector<16xf32> to vector<1x16xf32>
        tpu.vector_store %arg6[%swap3A_1429, %swap3A_1430], %swap3A_1433 {strides = array<i32>} : memref<1024x32xf32, #tpu.memory_space<vmem>>, vector<1x16xf32>,
        %add3A_1434 = arith.constant 19 : i32
        %add3A_1435 = arith.addi %mul3A_490, %add3A_1434 : i32
        %get3A_1436 = arith.index_cast %add3A_1435 : i32 to index
        %get3A_1437 = arith.constant 16 : index
        %get3A_1438 = tpu.vector_load %arg6[%get3A_1436, %get3A_1437] {strides = array<i32>} : memref<1024x32xf32, #tpu.memory_space<vmem>>, vector<1x16xf32>,
        %get3A_1439 = vector.shape_cast %get3A_1438 : vector<1x16xf32> to vector<16xf32>
        %mul3A_1440 = arith.mulf %get3A_1439, %mul3A_966 : vector<16xf32>
        %swap3A_1441 = arith.index_cast %add3A_1435 : i32 to index
        %swap3A_1442 = arith.constant 16 : index
        %swap3A_1443 = tpu.vector_load %arg6[%swap3A_1441, %swap3A_1442] {strides = array<i32>} : memref<1024x32xf32, #tpu.memory_space<vmem>>, vector<1x16xf32>,
        %swap3A_1444 = vector.shape_cast %swap3A_1443 : vector<1x16xf32> to vector<16xf32>
        %swap3A_1445 = vector.shape_cast %mul3A_1440 : vector<16xf32> to vector<1x16xf32>
        tpu.vector_store %arg6[%swap3A_1441, %swap3A_1442], %swap3A_1445 {strides = array<i32>} : memref<1024x32xf32, #tpu.memory_space<vmem>>, vector<1x16xf32>,
        %add3A_1446 = arith.constant 20 : i32
        %add3A_1447 = arith.addi %mul3A_490, %add3A_1446 : i32
        %get3A_1448 = arith.index_cast %add3A_1447 : i32 to index
        %get3A_1449 = arith.constant 0 : index
        %get3A_1450 = tpu.vector_load %arg6[%get3A_1448, %get3A_1449] {strides = array<i32>} : memref<1024x32xf32, #tpu.memory_space<vmem>>, vector<1x16xf32>,
        %get3A_1451 = vector.shape_cast %get3A_1450 : vector<1x16xf32> to vector<16xf32>
        %mul3A_1452 = arith.mulf %get3A_1451, %mul3A_966 : vector<16xf32>
        %swap3A_1453 = arith.index_cast %add3A_1447 : i32 to index
        %swap3A_1454 = arith.constant 0 : index
        %swap3A_1455 = tpu.vector_load %arg6[%swap3A_1453, %swap3A_1454] {strides = array<i32>} : memref<1024x32xf32, #tpu.memory_space<vmem>>, vector<1x16xf32>,
        %swap3A_1456 = vector.shape_cast %swap3A_1455 : vector<1x16xf32> to vector<16xf32>
        %swap3A_1457 = vector.shape_cast %mul3A_1452 : vector<16xf32> to vector<1x16xf32>
        tpu.vector_store %arg6[%swap3A_1453, %swap3A_1454], %swap3A_1457 {strides = array<i32>} : memref<1024x32xf32, #tpu.memory_space<vmem>>, vector<1x16xf32>,
        %add3A_1458 = arith.constant 20 : i32
        %add3A_1459 = arith.addi %mul3A_490, %add3A_1458 : i32
        %get3A_1460 = arith.index_cast %add3A_1459 : i32 to index
        %get3A_1461 = arith.constant 16 : index
        %get3A_1462 = tpu.vector_load %arg6[%get3A_1460, %get3A_1461] {strides = array<i32>} : memref<1024x32xf32, #tpu.memory_space<vmem>>, vector<1x16xf32>,
        %get3A_1463 = vector.shape_cast %get3A_1462 : vector<1x16xf32> to vector<16xf32>
        %mul3A_1464 = arith.mulf %get3A_1463, %mul3A_966 : vector<16xf32>
        %swap3A_1465 = arith.index_cast %add3A_1459 : i32 to index
        %swap3A_1466 = arith.constant 16 : index
        %swap3A_1467 = tpu.vector_load %arg6[%swap3A_1465, %swap3A_1466] {strides = array<i32>} : memref<1024x32xf32, #tpu.memory_space<vmem>>, vector<1x16xf32>,
        %swap3A_1468 = vector.shape_cast %swap3A_1467 : vector<1x16xf32> to vector<16xf32>
        %swap3A_1469 = vector.shape_cast %mul3A_1464 : vector<16xf32> to vector<1x16xf32>
        tpu.vector_store %arg6[%swap3A_1465, %swap3A_1466], %swap3A_1469 {strides = array<i32>} : memref<1024x32xf32, #tpu.memory_space<vmem>>, vector<1x16xf32>,
        %add3A_1470 = arith.constant 21 : i32
        %add3A_1471 = arith.addi %mul3A_490, %add3A_1470 : i32
        %get3A_1472 = arith.index_cast %add3A_1471 : i32 to index
        %get3A_1473 = arith.constant 0 : index
        %get3A_1474 = tpu.vector_load %arg6[%get3A_1472, %get3A_1473] {strides = array<i32>} : memref<1024x32xf32, #tpu.memory_space<vmem>>, vector<1x16xf32>,
        %get3A_1475 = vector.shape_cast %get3A_1474 : vector<1x16xf32> to vector<16xf32>
        %mul3A_1476 = arith.mulf %get3A_1475, %mul3A_966 : vector<16xf32>
        %swap3A_1477 = arith.index_cast %add3A_1471 : i32 to index
        %swap3A_1478 = arith.constant 0 : index
        %swap3A_1479 = tpu.vector_load %arg6[%swap3A_1477, %swap3A_1478] {strides = array<i32>} : memref<1024x32xf32, #tpu.memory_space<vmem>>, vector<1x16xf32>,
        %swap3A_1480 = vector.shape_cast %swap3A_1479 : vector<1x16xf32> to vector<16xf32>
        %swap3A_1481 = vector.shape_cast %mul3A_1476 : vector<16xf32> to vector<1x16xf32>
        tpu.vector_store %arg6[%swap3A_1477, %swap3A_1478], %swap3A_1481 {strides = array<i32>} : memref<1024x32xf32, #tpu.memory_space<vmem>>, vector<1x16xf32>,
        %add3A_1482 = arith.constant 21 : i32
        %add3A_1483 = arith.addi %mul3A_490, %add3A_1482 : i32
        %get3A_1484 = arith.index_cast %add3A_1483 : i32 to index
        %get3A_1485 = arith.constant 16 : index
        %get3A_1486 = tpu.vector_load %arg6[%get3A_1484, %get3A_1485] {strides = array<i32>} : memref<1024x32xf32, #tpu.memory_space<vmem>>, vector<1x16xf32>,
        %get3A_1487 = vector.shape_cast %get3A_1486 : vector<1x16xf32> to vector<16xf32>
        %mul3A_1488 = arith.mulf %get3A_1487, %mul3A_966 : vector<16xf32>
        %swap3A_1489 = arith.index_cast %add3A_1483 : i32 to index
        %swap3A_1490 = arith.constant 16 : index
        %swap3A_1491 = tpu.vector_load %arg6[%swap3A_1489, %swap3A_1490] {strides = array<i32>} : memref<1024x32xf32, #tpu.memory_space<vmem>>, vector<1x16xf32>,
        %swap3A_1492 = vector.shape_cast %swap3A_1491 : vector<1x16xf32> to vector<16xf32>
        %swap3A_1493 = vector.shape_cast %mul3A_1488 : vector<16xf32> to vector<1x16xf32>
        tpu.vector_store %arg6[%swap3A_1489, %swap3A_1490], %swap3A_1493 {strides = array<i32>} : memref<1024x32xf32, #tpu.memory_space<vmem>>, vector<1x16xf32>,
        %add3A_1494 = arith.constant 22 : i32
        %add3A_1495 = arith.addi %mul3A_490, %add3A_1494 : i32
        %get3A_1496 = arith.index_cast %add3A_1495 : i32 to index
        %get3A_1497 = arith.constant 0 : index
        %get3A_1498 = tpu.vector_load %arg6[%get3A_1496, %get3A_1497] {strides = array<i32>} : memref<1024x32xf32, #tpu.memory_space<vmem>>, vector<1x16xf32>,
        %get3A_1499 = vector.shape_cast %get3A_1498 : vector<1x16xf32> to vector<16xf32>
        %mul3A_1500 = arith.mulf %get3A_1499, %mul3A_966 : vector<16xf32>
        %swap3A_1501 = arith.index_cast %add3A_1495 : i32 to index
        %swap3A_1502 = arith.constant 0 : index
        %swap3A_1503 = tpu.vector_load %arg6[%swap3A_1501, %swap3A_1502] {strides = array<i32>} : memref<1024x32xf32, #tpu.memory_space<vmem>>, vector<1x16xf32>,
        %swap3A_1504 = vector.shape_cast %swap3A_1503 : vector<1x16xf32> to vector<16xf32>
        %swap3A_1505 = vector.shape_cast %mul3A_1500 : vector<16xf32> to vector<1x16xf32>
        tpu.vector_store %arg6[%swap3A_1501, %swap3A_1502], %swap3A_1505 {strides = array<i32>} : memref<1024x32xf32, #tpu.memory_space<vmem>>, vector<1x16xf32>,
        %add3A_1506 = arith.constant 22 : i32
        %add3A_1507 = arith.addi %mul3A_490, %add3A_1506 : i32
        %get3A_1508 = arith.index_cast %add3A_1507 : i32 to index
        %get3A_1509 = arith.constant 16 : index
        %get3A_1510 = tpu.vector_load %arg6[%get3A_1508, %get3A_1509] {strides = array<i32>} : memref<1024x32xf32, #tpu.memory_space<vmem>>, vector<1x16xf32>,
        %get3A_1511 = vector.shape_cast %get3A_1510 : vector<1x16xf32> to vector<16xf32>
        %mul3A_1512 = arith.mulf %get3A_1511, %mul3A_966 : vector<16xf32>
        %swap3A_1513 = arith.index_cast %add3A_1507 : i32 to index
        %swap3A_1514 = arith.constant 16 : index
        %swap3A_1515 = tpu.vector_load %arg6[%swap3A_1513, %swap3A_1514] {strides = array<i32>} : memref<1024x32xf32, #tpu.memory_space<vmem>>, vector<1x16xf32>,
        %swap3A_1516 = vector.shape_cast %swap3A_1515 : vector<1x16xf32> to vector<16xf32>
        %swap3A_1517 = vector.shape_cast %mul3A_1512 : vector<16xf32> to vector<1x16xf32>
        tpu.vector_store %arg6[%swap3A_1513, %swap3A_1514], %swap3A_1517 {strides = array<i32>} : memref<1024x32xf32, #tpu.memory_space<vmem>>, vector<1x16xf32>,
        %add3A_1518 = arith.constant 23 : i32
        %add3A_1519 = arith.addi %mul3A_490, %add3A_1518 : i32
        %get3A_1520 = arith.index_cast %add3A_1519 : i32 to index
        %get3A_1521 = arith.constant 0 : index
        %get3A_1522 = tpu.vector_load %arg6[%get3A_1520, %get3A_1521] {strides = array<i32>} : memref<1024x32xf32, #tpu.memory_space<vmem>>, vector<1x16xf32>,
        %get3A_1523 = vector.shape_cast %get3A_1522 : vector<1x16xf32> to vector<16xf32>
        %mul3A_1524 = arith.mulf %get3A_1523, %mul3A_966 : vector<16xf32>
        %swap3A_1525 = arith.index_cast %add3A_1519 : i32 to index
        %swap3A_1526 = arith.constant 0 : index
        %swap3A_1527 = tpu.vector_load %arg6[%swap3A_1525, %swap3A_1526] {strides = array<i32>} : memref<1024x32xf32, #tpu.memory_space<vmem>>, vector<1x16xf32>,
        %swap3A_1528 = vector.shape_cast %swap3A_1527 : vector<1x16xf32> to vector<16xf32>
        %swap3A_1529 = vector.shape_cast %mul3A_1524 : vector<16xf32> to vector<1x16xf32>
        tpu.vector_store %arg6[%swap3A_1525, %swap3A_1526], %swap3A_1529 {strides = array<i32>} : memref<1024x32xf32, #tpu.memory_space<vmem>>, vector<1x16xf32>,
        %add3A_1530 = arith.constant 23 : i32
        %add3A_1531 = arith.addi %mul3A_490, %add3A_1530 : i32
        %get3A_1532 = arith.index_cast %add3A_1531 : i32 to index
        %get3A_1533 = arith.constant 16 : index
        %get3A_1534 = tpu.vector_load %arg6[%get3A_1532, %get3A_1533] {strides = array<i32>} : memref<1024x32xf32, #tpu.memory_space<vmem>>, vector<1x16xf32>,
        %get3A_1535 = vector.shape_cast %get3A_1534 : vector<1x16xf32> to vector<16xf32>
        %mul3A_1536 = arith.mulf %get3A_1535, %mul3A_966 : vector<16xf32>
        %swap3A_1537 = arith.index_cast %add3A_1531 : i32 to index
        %swap3A_1538 = arith.constant 16 : index
        %swap3A_1539 = tpu.vector_load %arg6[%swap3A_1537, %swap3A_1538] {strides = array<i32>} : memref<1024x32xf32, #tpu.memory_space<vmem>>, vector<1x16xf32>,
        %swap3A_1540 = vector.shape_cast %swap3A_1539 : vector<1x16xf32> to vector<16xf32>
        %swap3A_1541 = vector.shape_cast %mul3A_1536 : vector<16xf32> to vector<1x16xf32>
        tpu.vector_store %arg6[%swap3A_1537, %swap3A_1538], %swap3A_1541 {strides = array<i32>} : memref<1024x32xf32, #tpu.memory_space<vmem>>, vector<1x16xf32>,
        %add3A_1542 = arith.constant 24 : i32
        %add3A_1543 = arith.addi %mul3A_490, %add3A_1542 : i32
        %get3A_1544 = arith.index_cast %add3A_1543 : i32 to index
        %get3A_1545 = arith.constant 0 : index
        %get3A_1546 = tpu.vector_load %arg6[%get3A_1544, %get3A_1545] {strides = array<i32>} : memref<1024x32xf32, #tpu.memory_space<vmem>>, vector<1x16xf32>,
        %get3A_1547 = vector.shape_cast %get3A_1546 : vector<1x16xf32> to vector<16xf32>
        %mul3A_1548 = arith.mulf %get3A_1547, %mul3A_966 : vector<16xf32>
        %swap3A_1549 = arith.index_cast %add3A_1543 : i32 to index
        %swap3A_1550 = arith.constant 0 : index
        %swap3A_1551 = tpu.vector_load %arg6[%swap3A_1549, %swap3A_1550] {strides = array<i32>} : memref<1024x32xf32, #tpu.memory_space<vmem>>, vector<1x16xf32>,
        %swap3A_1552 = vector.shape_cast %swap3A_1551 : vector<1x16xf32> to vector<16xf32>
        %swap3A_1553 = vector.shape_cast %mul3A_1548 : vector<16xf32> to vector<1x16xf32>
        tpu.vector_store %arg6[%swap3A_1549, %swap3A_1550], %swap3A_1553 {strides = array<i32>} : memref<1024x32xf32, #tpu.memory_space<vmem>>, vector<1x16xf32>,
        %add3A_1554 = arith.constant 24 : i32
        %add3A_1555 = arith.addi %mul3A_490, %add3A_1554 : i32
        %get3A_1556 = arith.index_cast %add3A_1555 : i32 to index
        %get3A_1557 = arith.constant 16 : index
        %get3A_1558 = tpu.vector_load %arg6[%get3A_1556, %get3A_1557] {strides = array<i32>} : memref<1024x32xf32, #tpu.memory_space<vmem>>, vector<1x16xf32>,
        %get3A_1559 = vector.shape_cast %get3A_1558 : vector<1x16xf32> to vector<16xf32>
        %mul3A_1560 = arith.mulf %get3A_1559, %mul3A_966 : vector<16xf32>
        %swap3A_1561 = arith.index_cast %add3A_1555 : i32 to index
        %swap3A_1562 = arith.constant 16 : index
        %swap3A_1563 = tpu.vector_load %arg6[%swap3A_1561, %swap3A_1562] {strides = array<i32>} : memref<1024x32xf32, #tpu.memory_space<vmem>>, vector<1x16xf32>,
        %swap3A_1564 = vector.shape_cast %swap3A_1563 : vector<1x16xf32> to vector<16xf32>
        %swap3A_1565 = vector.shape_cast %mul3A_1560 : vector<16xf32> to vector<1x16xf32>
        tpu.vector_store %arg6[%swap3A_1561, %swap3A_1562], %swap3A_1565 {strides = array<i32>} : memref<1024x32xf32, #tpu.memory_space<vmem>>, vector<1x16xf32>,
        %add3A_1566 = arith.constant 25 : i32
        %add3A_1567 = arith.addi %mul3A_490, %add3A_1566 : i32
        %get3A_1568 = arith.index_cast %add3A_1567 : i32 to index
        %get3A_1569 = arith.constant 0 : index
        %get3A_1570 = tpu.vector_load %arg6[%get3A_1568, %get3A_1569] {strides = array<i32>} : memref<1024x32xf32, #tpu.memory_space<vmem>>, vector<1x16xf32>,
        %get3A_1571 = vector.shape_cast %get3A_1570 : vector<1x16xf32> to vector<16xf32>
        %mul3A_1572 = arith.mulf %get3A_1571, %mul3A_966 : vector<16xf32>
        %swap3A_1573 = arith.index_cast %add3A_1567 : i32 to index
        %swap3A_1574 = arith.constant 0 : index
        %swap3A_1575 = tpu.vector_load %arg6[%swap3A_1573, %swap3A_1574] {strides = array<i32>} : memref<1024x32xf32, #tpu.memory_space<vmem>>, vector<1x16xf32>,
        %swap3A_1576 = vector.shape_cast %swap3A_1575 : vector<1x16xf32> to vector<16xf32>
        %swap3A_1577 = vector.shape_cast %mul3A_1572 : vector<16xf32> to vector<1x16xf32>
        tpu.vector_store %arg6[%swap3A_1573, %swap3A_1574], %swap3A_1577 {strides = array<i32>} : memref<1024x32xf32, #tpu.memory_space<vmem>>, vector<1x16xf32>,
        %add3A_1578 = arith.constant 25 : i32
        %add3A_1579 = arith.addi %mul3A_490, %add3A_1578 : i32
        %get3A_1580 = arith.index_cast %add3A_1579 : i32 to index
        %get3A_1581 = arith.constant 16 : index
        %get3A_1582 = tpu.vector_load %arg6[%get3A_1580, %get3A_1581] {strides = array<i32>} : memref<1024x32xf32, #tpu.memory_space<vmem>>, vector<1x16xf32>,
        %get3A_1583 = vector.shape_cast %get3A_1582 : vector<1x16xf32> to vector<16xf32>
        %mul3A_1584 = arith.mulf %get3A_1583, %mul3A_966 : vector<16xf32>
        %swap3A_1585 = arith.index_cast %add3A_1579 : i32 to index
        %swap3A_1586 = arith.constant 16 : index
        %swap3A_1587 = tpu.vector_load %arg6[%swap3A_1585, %swap3A_1586] {strides = array<i32>} : memref<1024x32xf32, #tpu.memory_space<vmem>>, vector<1x16xf32>,
        %swap3A_1588 = vector.shape_cast %swap3A_1587 : vector<1x16xf32> to vector<16xf32>
        %swap3A_1589 = vector.shape_cast %mul3A_1584 : vector<16xf32> to vector<1x16xf32>
        tpu.vector_store %arg6[%swap3A_1585, %swap3A_1586], %swap3A_1589 {strides = array<i32>} : memref<1024x32xf32, #tpu.memory_space<vmem>>, vector<1x16xf32>,
      }
      %scan3A_259 = arith.constant 32 : i32
      %mul3A_260 = arith.constant 512 : i32
      %mul3A_261 = arith.muli %add3A, %mul3A_260 : i32
      %mul3A_262 = arith.constant 32 : i32
      %mul3A_263 = arith.muli %mul3A_119, %mul3A_262 : i32
      %add3A_264 = arith.addi %mul3A_261, %mul3A_263 : i32
      %mul3A_265 = arith.constant 32 : i32
      %mul3A_266 = arith.muli %add3A_264, %mul3A_265 : i32
      %dma_start3A_267 = arith.constant 0 : i32
      %dma_start3A_268 = tpu.memref_slice %arg4[%mul3A_266, %dma_start3A_267] : memref<524288x32xf32, #tpu.memory_space<hbm>> -> memref<1024x32xf32, #tpu.memory_space<hbm>>
      %dma_start3A_269 = arith.constant 0 : i32
      %dma_start3A_270 = tpu.memref_slice %arg4[%mul3A_266, %dma_start3A_269] : memref<524288x32xf32, #tpu.memory_space<hbm>> -> memref<1024x32xf32, #tpu.memory_space<hbm>>
      tpu.enqueue_dma source(%arg6 : memref<1024x32xf32, #tpu.memory_space<vmem>>) target(%dma_start3A_270 : memref<1024x32xf32, #tpu.memory_space<hbm>>) target_semaphore(%arg11 : memref<!tpu.dma_semaphore, #tpu.memory_space<semaphore_mem>>)
      %dma_wait3A_271 = arith.constant 0 : i32
      %dma_wait3A_272 = arith.constant 0 : i32
      %dma_wait3A_273 = tpu.memref_slice %arg7[%dma_wait3A_271, %dma_wait3A_272] : memref<1024x32xf32, #tpu.memory_space<vmem>> -> memref<128x32xf32, #tpu.memory_space<vmem>>
      %dma_wait3A_274 = arith.constant 0 : i32
      %dma_wait3A_275 = tpu.memref_slice %arg5[%min3A_139, %dma_wait3A_274] : memref<128x128xi32, #tpu.memory_space<vmem>> -> memref<1x128xi32, #tpu.memory_space<vmem>>
      %dma_wait3A_276 = tpu.memref_squeeze %dma_wait3A_275 : memref<1x128xi32, #tpu.memory_space<vmem>> -> memref<128xi32, #tpu.memory_space<vmem>>
      %dma_wait3A_277 = arith.constant 0 : i32
      %dma_wait3A_278 = arith.constant 0 : i32
      %dma_wait3A_279 = tpu.memref_slice %arg3[%dma_wait3A_277, %dma_wait3A_278] : memref<1000192x32xf32, #tpu.memory_space<hbm>> -> memref<1000192x32xf32, #tpu.memory_space<hbm>>
      tpu.wait_indirect_dma semaphore(%arg10 : memref<!tpu.dma_semaphore, #tpu.memory_space<semaphore_mem>>) src(%dma_wait3A_279 : memref<1000192x32xf32, #tpu.memory_space<hbm>>) dst(%dma_wait3A_273 : memref<128x32xf32, #tpu.memory_space<vmem>>)
      %dma_wait3A_280 = arith.constant 128 : i32
      %dma_wait3A_281 = arith.constant 0 : i32
      %dma_wait3A_282 = tpu.memref_slice %arg7[%dma_wait3A_280, %dma_wait3A_281] : memref<1024x32xf32, #tpu.memory_space<vmem>> -> memref<128x32xf32, #tpu.memory_space<vmem>>
      %dma_wait3A_283 = arith.constant 0 : i32
      %dma_wait3A_284 = tpu.memref_slice %arg5[%min3A_154, %dma_wait3A_283] : memref<128x128xi32, #tpu.memory_space<vmem>> -> memref<1x128xi32, #tpu.memory_space<vmem>>
      %dma_wait3A_285 = tpu.memref_squeeze %dma_wait3A_284 : memref<1x128xi32, #tpu.memory_space<vmem>> -> memref<128xi32, #tpu.memory_space<vmem>>
      %dma_wait3A_286 = arith.constant 0 : i32
      %dma_wait3A_287 = arith.constant 0 : i32
      %dma_wait3A_288 = tpu.memref_slice %arg3[%dma_wait3A_286, %dma_wait3A_287] : memref<1000192x32xf32, #tpu.memory_space<hbm>> -> memref<1000192x32xf32, #tpu.memory_space<hbm>>
      tpu.wait_indirect_dma semaphore(%arg10 : memref<!tpu.dma_semaphore, #tpu.memory_space<semaphore_mem>>) src(%dma_wait3A_288 : memref<1000192x32xf32, #tpu.memory_space<hbm>>) dst(%dma_wait3A_282 : memref<128x32xf32, #tpu.memory_space<vmem>>)
      %dma_wait3A_289 = arith.constant 256 : i32
      %dma_wait3A_290 = arith.constant 0 : i32
      %dma_wait3A_291 = tpu.memref_slice %arg7[%dma_wait3A_289, %dma_wait3A_290] : memref<1024x32xf32, #tpu.memory_space<vmem>> -> memref<128x32xf32, #tpu.memory_space<vmem>>
      %dma_wait3A_292 = arith.constant 0 : i32
      %dma_wait3A_293 = tpu.memref_slice %arg5[%min3A_169, %dma_wait3A_292] : memref<128x128xi32, #tpu.memory_space<vmem>> -> memref<1x128xi32, #tpu.memory_space<vmem>>
      %dma_wait3A_294 = tpu.memref_squeeze %dma_wait3A_293 : memref<1x128xi32, #tpu.memory_space<vmem>> -> memref<128xi32, #tpu.memory_space<vmem>>
      %dma_wait3A_295 = arith.constant 0 : i32
      %dma_wait3A_296 = arith.constant 0 : i32
      %dma_wait3A_297 = tpu.memref_slice %arg3[%dma_wait3A_295, %dma_wait3A_296] : memref<1000192x32xf32, #tpu.memory_space<hbm>> -> memref<1000192x32xf32, #tpu.memory_space<hbm>>
      tpu.wait_indirect_dma semaphore(%arg10 : memref<!tpu.dma_semaphore, #tpu.memory_space<semaphore_mem>>) src(%dma_wait3A_297 : memref<1000192x32xf32, #tpu.memory_space<hbm>>) dst(%dma_wait3A_291 : memref<128x32xf32, #tpu.memory_space<vmem>>)
      %dma_wait3A_298 = arith.constant 384 : i32
      %dma_wait3A_299 = arith.constant 0 : i32
      %dma_wait3A_300 = tpu.memref_slice %arg7[%dma_wait3A_298, %dma_wait3A_299] : memref<1024x32xf32, #tpu.memory_space<vmem>> -> memref<128x32xf32, #tpu.memory_space<vmem>>
      %dma_wait3A_301 = arith.constant 0 : i32
      %dma_wait3A_302 = tpu.memref_slice %arg5[%min3A_184, %dma_wait3A_301] : memref<128x128xi32, #tpu.memory_space<vmem>> -> memref<1x128xi32, #tpu.memory_space<vmem>>
      %dma_wait3A_303 = tpu.memref_squeeze %dma_wait3A_302 : memref<1x128xi32, #tpu.memory_space<vmem>> -> memref<128xi32, #tpu.memory_space<vmem>>
      %dma_wait3A_304 = arith.constant 0 : i32
      %dma_wait3A_305 = arith.constant 0 : i32
      %dma_wait3A_306 = tpu.memref_slice %arg3[%dma_wait3A_304, %dma_wait3A_305] : memref<1000192x32xf32, #tpu.memory_space<hbm>> -> memref<1000192x32xf32, #tpu.memory_space<hbm>>
      tpu.wait_indirect_dma semaphore(%arg10 : memref<!tpu.dma_semaphore, #tpu.memory_space<semaphore_mem>>) src(%dma_wait3A_306 : memref<1000192x32xf32, #tpu.memory_space<hbm>>) dst(%dma_wait3A_300 : memref<128x32xf32, #tpu.memory_space<vmem>>)
      %dma_wait3A_307 = arith.constant 512 : i32
      %dma_wait3A_308 = arith.constant 0 : i32
      %dma_wait3A_309 = tpu.memref_slice %arg7[%dma_wait3A_307, %dma_wait3A_308] : memref<1024x32xf32, #tpu.memory_space<vmem>> -> memref<128x32xf32, #tpu.memory_space<vmem>>
      %dma_wait3A_310 = arith.constant 0 : i32
      %dma_wait3A_311 = tpu.memref_slice %arg5[%min3A_199, %dma_wait3A_310] : memref<128x128xi32, #tpu.memory_space<vmem>> -> memref<1x128xi32, #tpu.memory_space<vmem>>
      %dma_wait3A_312 = tpu.memref_squeeze %dma_wait3A_311 : memref<1x128xi32, #tpu.memory_space<vmem>> -> memref<128xi32, #tpu.memory_space<vmem>>
      %dma_wait3A_313 = arith.constant 0 : i32
      %dma_wait3A_314 = arith.constant 0 : i32
      %dma_wait3A_315 = tpu.memref_slice %arg3[%dma_wait3A_313, %dma_wait3A_314] : memref<1000192x32xf32, #tpu.memory_space<hbm>> -> memref<1000192x32xf32, #tpu.memory_space<hbm>>
      tpu.wait_indirect_dma semaphore(%arg10 : memref<!tpu.dma_semaphore, #tpu.memory_space<semaphore_mem>>) src(%dma_wait3A_315 : memref<1000192x32xf32, #tpu.memory_space<hbm>>) dst(%dma_wait3A_309 : memref<128x32xf32, #tpu.memory_space<vmem>>)
      %dma_wait3A_316 = arith.constant 640 : i32
      %dma_wait3A_317 = arith.constant 0 : i32
      %dma_wait3A_318 = tpu.memref_slice %arg7[%dma_wait3A_316, %dma_wait3A_317] : memref<1024x32xf32, #tpu.memory_space<vmem>> -> memref<128x32xf32, #tpu.memory_space<vmem>>
      %dma_wait3A_319 = arith.constant 0 : i32
      %dma_wait3A_320 = tpu.memref_slice %arg5[%min3A_214, %dma_wait3A_319] : memref<128x128xi32, #tpu.memory_space<vmem>> -> memref<1x128xi32, #tpu.memory_space<vmem>>
      %dma_wait3A_321 = tpu.memref_squeeze %dma_wait3A_320 : memref<1x128xi32, #tpu.memory_space<vmem>> -> memref<128xi32, #tpu.memory_space<vmem>>
      %dma_wait3A_322 = arith.constant 0 : i32
      %dma_wait3A_323 = arith.constant 0 : i32
      %dma_wait3A_324 = tpu.memref_slice %arg3[%dma_wait3A_322, %dma_wait3A_323] : memref<1000192x32xf32, #tpu.memory_space<hbm>> -> memref<1000192x32xf32, #tpu.memory_space<hbm>>
      tpu.wait_indirect_dma semaphore(%arg10 : memref<!tpu.dma_semaphore, #tpu.memory_space<semaphore_mem>>) src(%dma_wait3A_324 : memref<1000192x32xf32, #tpu.memory_space<hbm>>) dst(%dma_wait3A_318 : memref<128x32xf32, #tpu.memory_space<vmem>>)
      %dma_wait3A_325 = arith.constant 768 : i32
      %dma_wait3A_326 = arith.constant 0 : i32
      %dma_wait3A_327 = tpu.memref_slice %arg7[%dma_wait3A_325, %dma_wait3A_326] : memref<1024x32xf32, #tpu.memory_space<vmem>> -> memref<128x32xf32, #tpu.memory_space<vmem>>
      %dma_wait3A_328 = arith.constant 0 : i32
      %dma_wait3A_329 = tpu.memref_slice %arg5[%min3A_229, %dma_wait3A_328] : memref<128x128xi32, #tpu.memory_space<vmem>> -> memref<1x128xi32, #tpu.memory_space<vmem>>
      %dma_wait3A_330 = tpu.memref_squeeze %dma_wait3A_329 : memref<1x128xi32, #tpu.memory_space<vmem>> -> memref<128xi32, #tpu.memory_space<vmem>>
      %dma_wait3A_331 = arith.constant 0 : i32
      %dma_wait3A_332 = arith.constant 0 : i32
      %dma_wait3A_333 = tpu.memref_slice %arg3[%dma_wait3A_331, %dma_wait3A_332] : memref<1000192x32xf32, #tpu.memory_space<hbm>> -> memref<1000192x32xf32, #tpu.memory_space<hbm>>
      tpu.wait_indirect_dma semaphore(%arg10 : memref<!tpu.dma_semaphore, #tpu.memory_space<semaphore_mem>>) src(%dma_wait3A_333 : memref<1000192x32xf32, #tpu.memory_space<hbm>>) dst(%dma_wait3A_327 : memref<128x32xf32, #tpu.memory_space<vmem>>)
      %dma_wait3A_334 = arith.constant 896 : i32
      %dma_wait3A_335 = arith.constant 0 : i32
      %dma_wait3A_336 = tpu.memref_slice %arg7[%dma_wait3A_334, %dma_wait3A_335] : memref<1024x32xf32, #tpu.memory_space<vmem>> -> memref<128x32xf32, #tpu.memory_space<vmem>>
      %dma_wait3A_337 = arith.constant 0 : i32
      %dma_wait3A_338 = tpu.memref_slice %arg5[%min3A_244, %dma_wait3A_337] : memref<128x128xi32, #tpu.memory_space<vmem>> -> memref<1x128xi32, #tpu.memory_space<vmem>>
      %dma_wait3A_339 = tpu.memref_squeeze %dma_wait3A_338 : memref<1x128xi32, #tpu.memory_space<vmem>> -> memref<128xi32, #tpu.memory_space<vmem>>
      %dma_wait3A_340 = arith.constant 0 : i32
      %dma_wait3A_341 = arith.constant 0 : i32
      %dma_wait3A_342 = tpu.memref_slice %arg3[%dma_wait3A_340, %dma_wait3A_341] : memref<1000192x32xf32, #tpu.memory_space<hbm>> -> memref<1000192x32xf32, #tpu.memory_space<hbm>>
      tpu.wait_indirect_dma semaphore(%arg10 : memref<!tpu.dma_semaphore, #tpu.memory_space<semaphore_mem>>) src(%dma_wait3A_342 : memref<1000192x32xf32, #tpu.memory_space<hbm>>) dst(%dma_wait3A_336 : memref<128x32xf32, #tpu.memory_space<vmem>>)
      %dma_wait3A_343 = arith.constant 0 : i32
      %dma_wait3A_344 = tpu.memref_slice %arg4[%mul3A_266, %dma_wait3A_343] : memref<524288x32xf32, #tpu.memory_space<hbm>> -> memref<1024x32xf32, #tpu.memory_space<hbm>>
      %dma_wait3A_345 = arith.constant 0 : i32
      %dma_wait3A_346 = tpu.memref_slice %arg4[%mul3A_266, %dma_wait3A_345] : memref<524288x32xf32, #tpu.memory_space<hbm>> -> memref<1024x32xf32, #tpu.memory_space<hbm>>
      tpu.wait_dma2 semaphore(%arg11 : memref<!tpu.dma_semaphore, #tpu.memory_space<semaphore_mem>>) src(%arg6 : memref<1024x32xf32, #tpu.memory_space<vmem>>) dst(%dma_wait3A_346 : memref<1024x32xf32, #tpu.memory_space<hbm>>)
      %add3A_347 = arith.constant 2 : i32
      %add3A_348 = arith.addi %mul3A_119, %add3A_347 : i32
      %mul3A_349 = arith.constant 8 : i32
      %mul3A_350 = arith.muli %add3A_348, %mul3A_349 : i32
      %add3A_351 = arith.constant 0 : i32
      %add3A_352 = arith.addi %mul3A_350, %add3A_351 : i32
      %min3A_353 = arith.constant 127 : i32
      %min3A_354 = arith.minsi %add3A_352, %min3A_353 : i32
      %dma_start3A_355 = arith.constant 0 : i32
      %dma_start3A_356 = arith.constant 0 : i32
      %dma_start3A_357 = tpu.memref_slice %arg6[%dma_start3A_355, %dma_start3A_356] : memref<1024x32xf32, #tpu.memory_space<vmem>> -> memref<128x32xf32, #tpu.memory_space<vmem>>
      %dma_start3A_358 = arith.constant 0 : i32
      %dma_start3A_359 = tpu.memref_slice %arg5[%min3A_354, %dma_start3A_358] : memref<128x128xi32, #tpu.memory_space<vmem>> -> memref<1x128xi32, #tpu.memory_space<vmem>>
      %dma_start3A_360 = tpu.memref_squeeze %dma_start3A_359 : memref<1x128xi32, #tpu.memory_space<vmem>> -> memref<128xi32, #tpu.memory_space<vmem>>
      %dma_start3A_361 = arith.constant 0 : i32
      %dma_start3A_362 = arith.constant 0 : i32
      %dma_start3A_363 = tpu.memref_slice %arg3[%dma_start3A_361, %dma_start3A_362] : memref<1000192x32xf32, #tpu.memory_space<hbm>> -> memref<1000192x32xf32, #tpu.memory_space<hbm>>
      tpu.enqueue_indirect_dma source(%dma_start3A_363 : memref<1000192x32xf32, #tpu.memory_space<hbm>>) target(%dma_start3A_357 : memref<128x32xf32, #tpu.memory_space<vmem>>) offsets(%dma_start3A_360 : memref<128xi32, #tpu.memory_space<vmem>>) semaphore(%arg9 : memref<!tpu.dma_semaphore, #tpu.memory_space<semaphore_mem>>)
      %mul3A_364 = arith.constant 8 : i32
      %mul3A_365 = arith.muli %add3A_348, %mul3A_364 : i32
      %add3A_366 = arith.constant 1 : i32
      %add3A_367 = arith.addi %mul3A_365, %add3A_366 : i32
      %min3A_368 = arith.constant 127 : i32
      %min3A_369 = arith.minsi %add3A_367, %min3A_368 : i32
      %dma_start3A_370 = arith.constant 128 : i32
      %dma_start3A_371 = arith.constant 0 : i32
      %dma_start3A_372 = tpu.memref_slice %arg6[%dma_start3A_370, %dma_start3A_371] : memref<1024x32xf32, #tpu.memory_space<vmem>> -> memref<128x32xf32, #tpu.memory_space<vmem>>
      %dma_start3A_373 = arith.constant 0 : i32
      %dma_start3A_374 = tpu.memref_slice %arg5[%min3A_369, %dma_start3A_373] : memref<128x128xi32, #tpu.memory_space<vmem>> -> memref<1x128xi32, #tpu.memory_space<vmem>>
      %dma_start3A_375 = tpu.memref_squeeze %dma_start3A_374 : memref<1x128xi32, #tpu.memory_space<vmem>> -> memref<128xi32, #tpu.memory_space<vmem>>
      %dma_start3A_376 = arith.constant 0 : i32
      %dma_start3A_377 = arith.constant 0 : i32
      %dma_start3A_378 = tpu.memref_slice %arg3[%dma_start3A_376, %dma_start3A_377] : memref<1000192x32xf32, #tpu.memory_space<hbm>> -> memref<1000192x32xf32, #tpu.memory_space<hbm>>
      tpu.enqueue_indirect_dma source(%dma_start3A_378 : memref<1000192x32xf32, #tpu.memory_space<hbm>>) target(%dma_start3A_372 : memref<128x32xf32, #tpu.memory_space<vmem>>) offsets(%dma_start3A_375 : memref<128xi32, #tpu.memory_space<vmem>>) semaphore(%arg9 : memref<!tpu.dma_semaphore, #tpu.memory_space<semaphore_mem>>)
      %mul3A_379 = arith.constant 8 : i32
      %mul3A_380 = arith.muli %add3A_348, %mul3A_379 : i32
      %add3A_381 = arith.constant 2 : i32
      %add3A_382 = arith.addi %mul3A_380, %add3A_381 : i32
      %min3A_383 = arith.constant 127 : i32
      %min3A_384 = arith.minsi %add3A_382, %min3A_383 : i32
      %dma_start3A_385 = arith.constant 256 : i32
      %dma_start3A_386 = arith.constant 0 : i32
      %dma_start3A_387 = tpu.memref_slice %arg6[%dma_start3A_385, %dma_start3A_386] : memref<1024x32xf32, #tpu.memory_space<vmem>> -> memref<128x32xf32, #tpu.memory_space<vmem>>
      %dma_start3A_388 = arith.constant 0 : i32
      %dma_start3A_389 = tpu.memref_slice %arg5[%min3A_384, %dma_start3A_388] : memref<128x128xi32, #tpu.memory_space<vmem>> -> memref<1x128xi32, #tpu.memory_space<vmem>>
      %dma_start3A_390 = tpu.memref_squeeze %dma_start3A_389 : memref<1x128xi32, #tpu.memory_space<vmem>> -> memref<128xi32, #tpu.memory_space<vmem>>
      %dma_start3A_391 = arith.constant 0 : i32
      %dma_start3A_392 = arith.constant 0 : i32
      %dma_start3A_393 = tpu.memref_slice %arg3[%dma_start3A_391, %dma_start3A_392] : memref<1000192x32xf32, #tpu.memory_space<hbm>> -> memref<1000192x32xf32, #tpu.memory_space<hbm>>
      tpu.enqueue_indirect_dma source(%dma_start3A_393 : memref<1000192x32xf32, #tpu.memory_space<hbm>>) target(%dma_start3A_387 : memref<128x32xf32, #tpu.memory_space<vmem>>) offsets(%dma_start3A_390 : memref<128xi32, #tpu.memory_space<vmem>>) semaphore(%arg9 : memref<!tpu.dma_semaphore, #tpu.memory_space<semaphore_mem>>)
      %mul3A_394 = arith.constant 8 : i32
      %mul3A_395 = arith.muli %add3A_348, %mul3A_394 : i32
      %add3A_396 = arith.constant 3 : i32
      %add3A_397 = arith.addi %mul3A_395, %add3A_396 : i32
      %min3A_398 = arith.constant 127 : i32
      %min3A_399 = arith.minsi %add3A_397, %min3A_398 : i32
      %dma_start3A_400 = arith.constant 384 : i32
      %dma_start3A_401 = arith.constant 0 : i32
      %dma_start3A_402 = tpu.memref_slice %arg6[%dma_start3A_400, %dma_start3A_401] : memref<1024x32xf32, #tpu.memory_space<vmem>> -> memref<128x32xf32, #tpu.memory_space<vmem>>
      %dma_start3A_403 = arith.constant 0 : i32
      %dma_start3A_404 = tpu.memref_slice %arg5[%min3A_399, %dma_start3A_403] : memref<128x128xi32, #tpu.memory_space<vmem>> -> memref<1x128xi32, #tpu.memory_space<vmem>>
      %dma_start3A_405 = tpu.memref_squeeze %dma_start3A_404 : memref<1x128xi32, #tpu.memory_space<vmem>> -> memref<128xi32, #tpu.memory_space<vmem>>
      %dma_start3A_406 = arith.constant 0 : i32
      %dma_start3A_407 = arith.constant 0 : i32
      %dma_start3A_408 = tpu.memref_slice %arg3[%dma_start3A_406, %dma_start3A_407] : memref<1000192x32xf32, #tpu.memory_space<hbm>> -> memref<1000192x32xf32, #tpu.memory_space<hbm>>
      tpu.enqueue_indirect_dma source(%dma_start3A_408 : memref<1000192x32xf32, #tpu.memory_space<hbm>>) target(%dma_start3A_402 : memref<128x32xf32, #tpu.memory_space<vmem>>) offsets(%dma_start3A_405 : memref<128xi32, #tpu.memory_space<vmem>>) semaphore(%arg9 : memref<!tpu.dma_semaphore, #tpu.memory_space<semaphore_mem>>)
      %mul3A_409 = arith.constant 8 : i32
      %mul3A_410 = arith.muli %add3A_348, %mul3A_409 : i32
      %add3A_411 = arith.constant 4 : i32
      %add3A_412 = arith.addi %mul3A_410, %add3A_411 : i32
      %min3A_413 = arith.constant 127 : i32
      %min3A_414 = arith.minsi %add3A_412, %min3A_413 : i32
      %dma_start3A_415 = arith.constant 512 : i32
      %dma_start3A_416 = arith.constant 0 : i32
      %dma_start3A_417 = tpu.memref_slice %arg6[%dma_start3A_415, %dma_start3A_416] : memref<1024x32xf32, #tpu.memory_space<vmem>> -> memref<128x32xf32, #tpu.memory_space<vmem>>
      %dma_start3A_418 = arith.constant 0 : i32
      %dma_start3A_419 = tpu.memref_slice %arg5[%min3A_414, %dma_start3A_418] : memref<128x128xi32, #tpu.memory_space<vmem>> -> memref<1x128xi32, #tpu.memory_space<vmem>>
      %dma_start3A_420 = tpu.memref_squeeze %dma_start3A_419 : memref<1x128xi32, #tpu.memory_space<vmem>> -> memref<128xi32, #tpu.memory_space<vmem>>
      %dma_start3A_421 = arith.constant 0 : i32
      %dma_start3A_422 = arith.constant 0 : i32
      %dma_start3A_423 = tpu.memref_slice %arg3[%dma_start3A_421, %dma_start3A_422] : memref<1000192x32xf32, #tpu.memory_space<hbm>> -> memref<1000192x32xf32, #tpu.memory_space<hbm>>
      tpu.enqueue_indirect_dma source(%dma_start3A_423 : memref<1000192x32xf32, #tpu.memory_space<hbm>>) target(%dma_start3A_417 : memref<128x32xf32, #tpu.memory_space<vmem>>) offsets(%dma_start3A_420 : memref<128xi32, #tpu.memory_space<vmem>>) semaphore(%arg9 : memref<!tpu.dma_semaphore, #tpu.memory_space<semaphore_mem>>)
      %mul3A_424 = arith.constant 8 : i32
      %mul3A_425 = arith.muli %add3A_348, %mul3A_424 : i32
      %add3A_426 = arith.constant 5 : i32
      %add3A_427 = arith.addi %mul3A_425, %add3A_426 : i32
      %min3A_428 = arith.constant 127 : i32
      %min3A_429 = arith.minsi %add3A_427, %min3A_428 : i32
      %dma_start3A_430 = arith.constant 640 : i32
      %dma_start3A_431 = arith.constant 0 : i32
      %dma_start3A_432 = tpu.memref_slice %arg6[%dma_start3A_430, %dma_start3A_431] : memref<1024x32xf32, #tpu.memory_space<vmem>> -> memref<128x32xf32, #tpu.memory_space<vmem>>
      %dma_start3A_433 = arith.constant 0 : i32
      %dma_start3A_434 = tpu.memref_slice %arg5[%min3A_429, %dma_start3A_433] : memref<128x128xi32, #tpu.memory_space<vmem>> -> memref<1x128xi32, #tpu.memory_space<vmem>>
      %dma_start3A_435 = tpu.memref_squeeze %dma_start3A_434 : memref<1x128xi32, #tpu.memory_space<vmem>> -> memref<128xi32, #tpu.memory_space<vmem>>
      %dma_start3A_436 = arith.constant 0 : i32
      %dma_start3A_437 = arith.constant 0 : i32
      %dma_start3A_438 = tpu.memref_slice %arg3[%dma_start3A_436, %dma_start3A_437] : memref<1000192x32xf32, #tpu.memory_space<hbm>> -> memref<1000192x32xf32, #tpu.memory_space<hbm>>
      tpu.enqueue_indirect_dma source(%dma_start3A_438 : memref<1000192x32xf32, #tpu.memory_space<hbm>>) target(%dma_start3A_432 : memref<128x32xf32, #tpu.memory_space<vmem>>) offsets(%dma_start3A_435 : memref<128xi32, #tpu.memory_space<vmem>>) semaphore(%arg9 : memref<!tpu.dma_semaphore, #tpu.memory_space<semaphore_mem>>)
      %mul3A_439 = arith.constant 8 : i32
      %mul3A_440 = arith.muli %add3A_348, %mul3A_439 : i32
      %add3A_441 = arith.constant 6 : i32
      %add3A_442 = arith.addi %mul3A_440, %add3A_441 : i32
      %min3A_443 = arith.constant 127 : i32
      %min3A_444 = arith.minsi %add3A_442, %min3A_443 : i32
      %dma_start3A_445 = arith.constant 768 : i32
      %dma_start3A_446 = arith.constant 0 : i32
      %dma_start3A_447 = tpu.memref_slice %arg6[%dma_start3A_445, %dma_start3A_446] : memref<1024x32xf32, #tpu.memory_space<vmem>> -> memref<128x32xf32, #tpu.memory_space<vmem>>
      %dma_start3A_448 = arith.constant 0 : i32
      %dma_start3A_449 = tpu.memref_slice %arg5[%min3A_444, %dma_start3A_448] : memref<128x128xi32, #tpu.memory_space<vmem>> -> memref<1x128xi32, #tpu.memory_space<vmem>>
      %dma_start3A_450 = tpu.memref_squeeze %dma_start3A_449 : memref<1x128xi32, #tpu.memory_space<vmem>> -> memref<128xi32, #tpu.memory_space<vmem>>
      %dma_start3A_451 = arith.constant 0 : i32
      %dma_start3A_452 = arith.constant 0 : i32
      %dma_start3A_453 = tpu.memref_slice %arg3[%dma_start3A_451, %dma_start3A_452] : memref<1000192x32xf32, #tpu.memory_space<hbm>> -> memref<1000192x32xf32, #tpu.memory_space<hbm>>
      tpu.enqueue_indirect_dma source(%dma_start3A_453 : memref<1000192x32xf32, #tpu.memory_space<hbm>>) target(%dma_start3A_447 : memref<128x32xf32, #tpu.memory_space<vmem>>) offsets(%dma_start3A_450 : memref<128xi32, #tpu.memory_space<vmem>>) semaphore(%arg9 : memref<!tpu.dma_semaphore, #tpu.memory_space<semaphore_mem>>)
      %mul3A_454 = arith.constant 8 : i32
      %mul3A_455 = arith.muli %add3A_348, %mul3A_454 : i32
      %add3A_456 = arith.constant 7 : i32
      %add3A_457 = arith.addi %mul3A_455, %add3A_456 : i32
      %min3A_458 = arith.constant 127 : i32
      %min3A_459 = arith.minsi %add3A_457, %min3A_458 : i32
      %dma_start3A_460 = arith.constant 896 : i32
      %dma_start3A_461 = arith.constant 0 : i32
      %dma_start3A_462 = tpu.memref_slice %arg6[%dma_start3A_460, %dma_start3A_461] : memref<1024x32xf32, #tpu.memory_space<vmem>> -> memref<128x32xf32, #tpu.memory_space<vmem>>
      %dma_start3A_463 = arith.constant 0 : i32
      %dma_start3A_464 = tpu.memref_slice %arg5[%min3A_459, %dma_start3A_463] : memref<128x128xi32, #tpu.memory_space<vmem>> -> memref<1x128xi32, #tpu.memory_space<vmem>>
      %dma_start3A_465 = tpu.memref_squeeze %dma_start3A_464 : memref<1x128xi32, #tpu.memory_space<vmem>> -> memref<128xi32, #tpu.memory_space<vmem>>
      %dma_start3A_466 = arith.constant 0 : i32
      %dma_start3A_467 = arith.constant 0 : i32
      %dma_start3A_468 = tpu.memref_slice %arg3[%dma_start3A_466, %dma_start3A_467] : memref<1000192x32xf32, #tpu.memory_space<hbm>> -> memref<1000192x32xf32, #tpu.memory_space<hbm>>
      tpu.enqueue_indirect_dma source(%dma_start3A_468 : memref<1000192x32xf32, #tpu.memory_space<hbm>>) target(%dma_start3A_462 : memref<128x32xf32, #tpu.memory_space<vmem>>) offsets(%dma_start3A_465 : memref<128xi32, #tpu.memory_space<vmem>>) semaphore(%arg9 : memref<!tpu.dma_semaphore, #tpu.memory_space<semaphore_mem>>)
      %scan3A_469 = arith.constant 0 : i32
      %scan3A_470 = arith.constant 0 : i32
      %scan3A_471 = arith.constant 32 : i32
      %scan3A_472 = arith.addi %scan3A_470, %scan3A_471 : i32
      %scan3A_473 = arith.constant 1 : i32
      scf.for %scan3A_488 = %scan3A_470 to %scan3A_472 step %scan3A_473  : i32 {
        %mul3A_489 = arith.constant 32 : i32
        %mul3A_490 = arith.muli %scan3A_488, %mul3A_489 : i32
        %broadcast_in_dim3A = arith.constant 0.000000e+00 : f32
        %broadcast_in_dim3A_491 = vector.broadcast %broadcast_in_dim3A : f32 to vector<16xf32>
        %add3A_492 = arith.constant 0 : i32
        %add3A_493 = arith.addi %mul3A_490, %add3A_492 : i32
        %get3A = arith.index_cast %add3A_493 : i32 to index
        %get3A_494 = arith.constant 0 : index
        %get3A_495 = tpu.vector_load %arg7[%get3A, %get3A_494] {strides = array<i32>} : memref<1024x32xf32, #tpu.memory_space<vmem>>, vector<1x16xf32>,
        %get3A_496 = vector.shape_cast %get3A_495 : vector<1x16xf32> to vector<16xf32>
        %mul3A_497 = arith.mulf %get3A_496, %get3A_496 : vector<16xf32>
        %add3A_498 = arith.addf %broadcast_in_dim3A_491, %mul3A_497 : vector<16xf32>
        %add3A_499 = arith.constant 0 : i32
        %add3A_500 = arith.addi %mul3A_490, %add3A_499 : i32
        %get3A_501 = arith.index_cast %add3A_500 : i32 to index
        %get3A_502 = arith.constant 16 : index
        %get3A_503 = tpu.vector_load %arg7[%get3A_501, %get3A_502] {strides = array<i32>} : memref<1024x32xf32, #tpu.memory_space<vmem>>, vector<1x16xf32>,
        %get3A_504 = vector.shape_cast %get3A_503 : vector<1x16xf32> to vector<16xf32>
        %mul3A_505 = arith.mulf %get3A_504, %get3A_504 : vector<16xf32>
        %add3A_506 = arith.addf %add3A_498, %mul3A_505 : vector<16xf32>
        %add3A_507 = arith.constant 1 : i32
        %add3A_508 = arith.addi %mul3A_490, %add3A_507 : i32
        %get3A_509 = arith.index_cast %add3A_508 : i32 to index
        %get3A_510 = arith.constant 0 : index
        %get3A_511 = tpu.vector_load %arg7[%get3A_509, %get3A_510] {strides = array<i32>} : memref<1024x32xf32, #tpu.memory_space<vmem>>, vector<1x16xf32>,
        %get3A_512 = vector.shape_cast %get3A_511 : vector<1x16xf32> to vector<16xf32>
        %mul3A_513 = arith.mulf %get3A_512, %get3A_512 : vector<16xf32>
        %add3A_514 = arith.addf %add3A_506, %mul3A_513 : vector<16xf32>
        %add3A_515 = arith.constant 1 : i32
        %add3A_516 = arith.addi %mul3A_490, %add3A_515 : i32
        %get3A_517 = arith.index_cast %add3A_516 : i32 to index
        %get3A_518 = arith.constant 16 : index
        %get3A_519 = tpu.vector_load %arg7[%get3A_517, %get3A_518] {strides = array<i32>} : memref<1024x32xf32, #tpu.memory_space<vmem>>, vector<1x16xf32>,
        %get3A_520 = vector.shape_cast %get3A_519 : vector<1x16xf32> to vector<16xf32>
        %mul3A_521 = arith.mulf %get3A_520, %get3A_520 : vector<16xf32>
        %add3A_522 = arith.addf %add3A_514, %mul3A_521 : vector<16xf32>
        %add3A_523 = arith.constant 2 : i32
        %add3A_524 = arith.addi %mul3A_490, %add3A_523 : i32
        %get3A_525 = arith.index_cast %add3A_524 : i32 to index
        %get3A_526 = arith.constant 0 : index
        %get3A_527 = tpu.vector_load %arg7[%get3A_525, %get3A_526] {strides = array<i32>} : memref<1024x32xf32, #tpu.memory_space<vmem>>, vector<1x16xf32>,
        %get3A_528 = vector.shape_cast %get3A_527 : vector<1x16xf32> to vector<16xf32>
        %mul3A_529 = arith.mulf %get3A_528, %get3A_528 : vector<16xf32>
        %add3A_530 = arith.addf %add3A_522, %mul3A_529 : vector<16xf32>
        %add3A_531 = arith.constant 2 : i32
        %add3A_532 = arith.addi %mul3A_490, %add3A_531 : i32
        %get3A_533 = arith.index_cast %add3A_532 : i32 to index
        %get3A_534 = arith.constant 16 : index
        %get3A_535 = tpu.vector_load %arg7[%get3A_533, %get3A_534] {strides = array<i32>} : memref<1024x32xf32, #tpu.memory_space<vmem>>, vector<1x16xf32>,
        %get3A_536 = vector.shape_cast %get3A_535 : vector<1x16xf32> to vector<16xf32>
        %mul3A_537 = arith.mulf %get3A_536, %get3A_536 : vector<16xf32>
        %add3A_538 = arith.addf %add3A_530, %mul3A_537 : vector<16xf32>
        %add3A_539 = arith.constant 3 : i32
        %add3A_540 = arith.addi %mul3A_490, %add3A_539 : i32
        %get3A_541 = arith.index_cast %add3A_540 : i32 to index
        %get3A_542 = arith.constant 0 : index
        %get3A_543 = tpu.vector_load %arg7[%get3A_541, %get3A_542] {strides = array<i32>} : memref<1024x32xf32, #tpu.memory_space<vmem>>, vector<1x16xf32>,
        %get3A_544 = vector.shape_cast %get3A_543 : vector<1x16xf32> to vector<16xf32>
        %mul3A_545 = arith.mulf %get3A_544, %get3A_544 : vector<16xf32>
        %add3A_546 = arith.addf %add3A_538, %mul3A_545 : vector<16xf32>
        %add3A_547 = arith.constant 3 : i32
        %add3A_548 = arith.addi %mul3A_490, %add3A_547 : i32
        %get3A_549 = arith.index_cast %add3A_548 : i32 to index
        %get3A_550 = arith.constant 16 : index
        %get3A_551 = tpu.vector_load %arg7[%get3A_549, %get3A_550] {strides = array<i32>} : memref<1024x32xf32, #tpu.memory_space<vmem>>, vector<1x16xf32>,
        %get3A_552 = vector.shape_cast %get3A_551 : vector<1x16xf32> to vector<16xf32>
        %mul3A_553 = arith.mulf %get3A_552, %get3A_552 : vector<16xf32>
        %add3A_554 = arith.addf %add3A_546, %mul3A_553 : vector<16xf32>
        %add3A_555 = arith.constant 4 : i32
        %add3A_556 = arith.addi %mul3A_490, %add3A_555 : i32
        %get3A_557 = arith.index_cast %add3A_556 : i32 to index
        %get3A_558 = arith.constant 0 : index
        %get3A_559 = tpu.vector_load %arg7[%get3A_557, %get3A_558] {strides = array<i32>} : memref<1024x32xf32, #tpu.memory_space<vmem>>, vector<1x16xf32>,
        %get3A_560 = vector.shape_cast %get3A_559 : vector<1x16xf32> to vector<16xf32>
        %mul3A_561 = arith.mulf %get3A_560, %get3A_560 : vector<16xf32>
        %add3A_562 = arith.addf %add3A_554, %mul3A_561 : vector<16xf32>
        %add3A_563 = arith.constant 4 : i32
        %add3A_564 = arith.addi %mul3A_490, %add3A_563 : i32
        %get3A_565 = arith.index_cast %add3A_564 : i32 to index
        %get3A_566 = arith.constant 16 : index
        %get3A_567 = tpu.vector_load %arg7[%get3A_565, %get3A_566] {strides = array<i32>} : memref<1024x32xf32, #tpu.memory_space<vmem>>, vector<1x16xf32>,
        %get3A_568 = vector.shape_cast %get3A_567 : vector<1x16xf32> to vector<16xf32>
        %mul3A_569 = arith.mulf %get3A_568, %get3A_568 : vector<16xf32>
        %add3A_570 = arith.addf %add3A_562, %mul3A_569 : vector<16xf32>
        %add3A_571 = arith.constant 5 : i32
        %add3A_572 = arith.addi %mul3A_490, %add3A_571 : i32
        %get3A_573 = arith.index_cast %add3A_572 : i32 to index
        %get3A_574 = arith.constant 0 : index
        %get3A_575 = tpu.vector_load %arg7[%get3A_573, %get3A_574] {strides = array<i32>} : memref<1024x32xf32, #tpu.memory_space<vmem>>, vector<1x16xf32>,
        %get3A_576 = vector.shape_cast %get3A_575 : vector<1x16xf32> to vector<16xf32>
        %mul3A_577 = arith.mulf %get3A_576, %get3A_576 : vector<16xf32>
        %add3A_578 = arith.addf %add3A_570, %mul3A_577 : vector<16xf32>
        %add3A_579 = arith.constant 5 : i32
        %add3A_580 = arith.addi %mul3A_490, %add3A_579 : i32
        %get3A_581 = arith.index_cast %add3A_580 : i32 to index
        %get3A_582 = arith.constant 16 : index
        %get3A_583 = tpu.vector_load %arg7[%get3A_581, %get3A_582] {strides = array<i32>} : memref<1024x32xf32, #tpu.memory_space<vmem>>, vector<1x16xf32>,
        %get3A_584 = vector.shape_cast %get3A_583 : vector<1x16xf32> to vector<16xf32>
        %mul3A_585 = arith.mulf %get3A_584, %get3A_584 : vector<16xf32>
        %add3A_586 = arith.addf %add3A_578, %mul3A_585 : vector<16xf32>
        %add3A_587 = arith.constant 6 : i32
        %add3A_588 = arith.addi %mul3A_490, %add3A_587 : i32
        %get3A_589 = arith.index_cast %add3A_588 : i32 to index
        %get3A_590 = arith.constant 0 : index
        %get3A_591 = tpu.vector_load %arg7[%get3A_589, %get3A_590] {strides = array<i32>} : memref<1024x32xf32, #tpu.memory_space<vmem>>, vector<1x16xf32>,
        %get3A_592 = vector.shape_cast %get3A_591 : vector<1x16xf32> to vector<16xf32>
        %mul3A_593 = arith.mulf %get3A_592, %get3A_592 : vector<16xf32>
        %add3A_594 = arith.addf %add3A_586, %mul3A_593 : vector<16xf32>
        %add3A_595 = arith.constant 6 : i32
        %add3A_596 = arith.addi %mul3A_490, %add3A_595 : i32
        %get3A_597 = arith.index_cast %add3A_596 : i32 to index
        %get3A_598 = arith.constant 16 : index
        %get3A_599 = tpu.vector_load %arg7[%get3A_597, %get3A_598] {strides = array<i32>} : memref<1024x32xf32, #tpu.memory_space<vmem>>, vector<1x16xf32>,
        %get3A_600 = vector.shape_cast %get3A_599 : vector<1x16xf32> to vector<16xf32>
        %mul3A_601 = arith.mulf %get3A_600, %get3A_600 : vector<16xf32>
        %add3A_602 = arith.addf %add3A_594, %mul3A_601 : vector<16xf32>
        %add3A_603 = arith.constant 7 : i32
        %add3A_604 = arith.addi %mul3A_490, %add3A_603 : i32
        %get3A_605 = arith.index_cast %add3A_604 : i32 to index
        %get3A_606 = arith.constant 0 : index
        %get3A_607 = tpu.vector_load %arg7[%get3A_605, %get3A_606] {strides = array<i32>} : memref<1024x32xf32, #tpu.memory_space<vmem>>, vector<1x16xf32>,
        %get3A_608 = vector.shape_cast %get3A_607 : vector<1x16xf32> to vector<16xf32>
        %mul3A_609 = arith.mulf %get3A_608, %get3A_608 : vector<16xf32>
        %add3A_610 = arith.addf %add3A_602, %mul3A_609 : vector<16xf32>
        %add3A_611 = arith.constant 7 : i32
        %add3A_612 = arith.addi %mul3A_490, %add3A_611 : i32
        %get3A_613 = arith.index_cast %add3A_612 : i32 to index
        %get3A_614 = arith.constant 16 : index
        %get3A_615 = tpu.vector_load %arg7[%get3A_613, %get3A_614] {strides = array<i32>} : memref<1024x32xf32, #tpu.memory_space<vmem>>, vector<1x16xf32>,
        %get3A_616 = vector.shape_cast %get3A_615 : vector<1x16xf32> to vector<16xf32>
        %mul3A_617 = arith.mulf %get3A_616, %get3A_616 : vector<16xf32>
        %add3A_618 = arith.addf %add3A_610, %mul3A_617 : vector<16xf32>
        %add3A_619 = arith.constant 8 : i32
        %add3A_620 = arith.addi %mul3A_490, %add3A_619 : i32
        %get3A_621 = arith.index_cast %add3A_620 : i32 to index
        %get3A_622 = arith.constant 0 : index
        %get3A_623 = tpu.vector_load %arg7[%get3A_621, %get3A_622] {strides = array<i32>} : memref<1024x32xf32, #tpu.memory_space<vmem>>, vector<1x16xf32>,
        %get3A_624 = vector.shape_cast %get3A_623 : vector<1x16xf32> to vector<16xf32>
        %mul3A_625 = arith.mulf %get3A_624, %get3A_624 : vector<16xf32>
        %add3A_626 = arith.addf %add3A_618, %mul3A_625 : vector<16xf32>
        %add3A_627 = arith.constant 8 : i32
        %add3A_628 = arith.addi %mul3A_490, %add3A_627 : i32
        %get3A_629 = arith.index_cast %add3A_628 : i32 to index
        %get3A_630 = arith.constant 16 : index
        %get3A_631 = tpu.vector_load %arg7[%get3A_629, %get3A_630] {strides = array<i32>} : memref<1024x32xf32, #tpu.memory_space<vmem>>, vector<1x16xf32>,
        %get3A_632 = vector.shape_cast %get3A_631 : vector<1x16xf32> to vector<16xf32>
        %mul3A_633 = arith.mulf %get3A_632, %get3A_632 : vector<16xf32>
        %add3A_634 = arith.addf %add3A_626, %mul3A_633 : vector<16xf32>
        %add3A_635 = arith.constant 9 : i32
        %add3A_636 = arith.addi %mul3A_490, %add3A_635 : i32
        %get3A_637 = arith.index_cast %add3A_636 : i32 to index
        %get3A_638 = arith.constant 0 : index
        %get3A_639 = tpu.vector_load %arg7[%get3A_637, %get3A_638] {strides = array<i32>} : memref<1024x32xf32, #tpu.memory_space<vmem>>, vector<1x16xf32>,
        %get3A_640 = vector.shape_cast %get3A_639 : vector<1x16xf32> to vector<16xf32>
        %mul3A_641 = arith.mulf %get3A_640, %get3A_640 : vector<16xf32>
        %add3A_642 = arith.addf %add3A_634, %mul3A_641 : vector<16xf32>
        %add3A_643 = arith.constant 9 : i32
        %add3A_644 = arith.addi %mul3A_490, %add3A_643 : i32
        %get3A_645 = arith.index_cast %add3A_644 : i32 to index
        %get3A_646 = arith.constant 16 : index
        %get3A_647 = tpu.vector_load %arg7[%get3A_645, %get3A_646] {strides = array<i32>} : memref<1024x32xf32, #tpu.memory_space<vmem>>, vector<1x16xf32>,
        %get3A_648 = vector.shape_cast %get3A_647 : vector<1x16xf32> to vector<16xf32>
        %mul3A_649 = arith.mulf %get3A_648, %get3A_648 : vector<16xf32>
        %add3A_650 = arith.addf %add3A_642, %mul3A_649 : vector<16xf32>
        %add3A_651 = arith.constant 10 : i32
        %add3A_652 = arith.addi %mul3A_490, %add3A_651 : i32
        %get3A_653 = arith.index_cast %add3A_652 : i32 to index
        %get3A_654 = arith.constant 0 : index
        %get3A_655 = tpu.vector_load %arg7[%get3A_653, %get3A_654] {strides = array<i32>} : memref<1024x32xf32, #tpu.memory_space<vmem>>, vector<1x16xf32>,
        %get3A_656 = vector.shape_cast %get3A_655 : vector<1x16xf32> to vector<16xf32>
        %mul3A_657 = arith.mulf %get3A_656, %get3A_656 : vector<16xf32>
        %add3A_658 = arith.addf %add3A_650, %mul3A_657 : vector<16xf32>
        %add3A_659 = arith.constant 10 : i32
        %add3A_660 = arith.addi %mul3A_490, %add3A_659 : i32
        %get3A_661 = arith.index_cast %add3A_660 : i32 to index
        %get3A_662 = arith.constant 16 : index
        %get3A_663 = tpu.vector_load %arg7[%get3A_661, %get3A_662] {strides = array<i32>} : memref<1024x32xf32, #tpu.memory_space<vmem>>, vector<1x16xf32>,
        %get3A_664 = vector.shape_cast %get3A_663 : vector<1x16xf32> to vector<16xf32>
        %mul3A_665 = arith.mulf %get3A_664, %get3A_664 : vector<16xf32>
        %add3A_666 = arith.addf %add3A_658, %mul3A_665 : vector<16xf32>
        %add3A_667 = arith.constant 11 : i32
        %add3A_668 = arith.addi %mul3A_490, %add3A_667 : i32
        %get3A_669 = arith.index_cast %add3A_668 : i32 to index
        %get3A_670 = arith.constant 0 : index
        %get3A_671 = tpu.vector_load %arg7[%get3A_669, %get3A_670] {strides = array<i32>} : memref<1024x32xf32, #tpu.memory_space<vmem>>, vector<1x16xf32>,
        %get3A_672 = vector.shape_cast %get3A_671 : vector<1x16xf32> to vector<16xf32>
        %mul3A_673 = arith.mulf %get3A_672, %get3A_672 : vector<16xf32>
        %add3A_674 = arith.addf %add3A_666, %mul3A_673 : vector<16xf32>
        %add3A_675 = arith.constant 11 : i32
        %add3A_676 = arith.addi %mul3A_490, %add3A_675 : i32
        %get3A_677 = arith.index_cast %add3A_676 : i32 to index
        %get3A_678 = arith.constant 16 : index
        %get3A_679 = tpu.vector_load %arg7[%get3A_677, %get3A_678] {strides = array<i32>} : memref<1024x32xf32, #tpu.memory_space<vmem>>, vector<1x16xf32>,
        %get3A_680 = vector.shape_cast %get3A_679 : vector<1x16xf32> to vector<16xf32>
        %mul3A_681 = arith.mulf %get3A_680, %get3A_680 : vector<16xf32>
        %add3A_682 = arith.addf %add3A_674, %mul3A_681 : vector<16xf32>
        %add3A_683 = arith.constant 12 : i32
        %add3A_684 = arith.addi %mul3A_490, %add3A_683 : i32
        %get3A_685 = arith.index_cast %add3A_684 : i32 to index
        %get3A_686 = arith.constant 0 : index
        %get3A_687 = tpu.vector_load %arg7[%get3A_685, %get3A_686] {strides = array<i32>} : memref<1024x32xf32, #tpu.memory_space<vmem>>, vector<1x16xf32>,
        %get3A_688 = vector.shape_cast %get3A_687 : vector<1x16xf32> to vector<16xf32>
        %mul3A_689 = arith.mulf %get3A_688, %get3A_688 : vector<16xf32>
        %add3A_690 = arith.addf %add3A_682, %mul3A_689 : vector<16xf32>
        %add3A_691 = arith.constant 12 : i32
        %add3A_692 = arith.addi %mul3A_490, %add3A_691 : i32
        %get3A_693 = arith.index_cast %add3A_692 : i32 to index
        %get3A_694 = arith.constant 16 : index
        %get3A_695 = tpu.vector_load %arg7[%get3A_693, %get3A_694] {strides = array<i32>} : memref<1024x32xf32, #tpu.memory_space<vmem>>, vector<1x16xf32>,
        %get3A_696 = vector.shape_cast %get3A_695 : vector<1x16xf32> to vector<16xf32>
        %mul3A_697 = arith.mulf %get3A_696, %get3A_696 : vector<16xf32>
        %add3A_698 = arith.addf %add3A_690, %mul3A_697 : vector<16xf32>
        %add3A_699 = arith.constant 13 : i32
        %add3A_700 = arith.addi %mul3A_490, %add3A_699 : i32
        %get3A_701 = arith.index_cast %add3A_700 : i32 to index
        %get3A_702 = arith.constant 0 : index
        %get3A_703 = tpu.vector_load %arg7[%get3A_701, %get3A_702] {strides = array<i32>} : memref<1024x32xf32, #tpu.memory_space<vmem>>, vector<1x16xf32>,
        %get3A_704 = vector.shape_cast %get3A_703 : vector<1x16xf32> to vector<16xf32>
        %mul3A_705 = arith.mulf %get3A_704, %get3A_704 : vector<16xf32>
        %add3A_706 = arith.addf %add3A_698, %mul3A_705 : vector<16xf32>
        %add3A_707 = arith.constant 13 : i32
        %add3A_708 = arith.addi %mul3A_490, %add3A_707 : i32
        %get3A_709 = arith.index_cast %add3A_708 : i32 to index
        %get3A_710 = arith.constant 16 : index
        %get3A_711 = tpu.vector_load %arg7[%get3A_709, %get3A_710] {strides = array<i32>} : memref<1024x32xf32, #tpu.memory_space<vmem>>, vector<1x16xf32>,
        %get3A_712 = vector.shape_cast %get3A_711 : vector<1x16xf32> to vector<16xf32>
        %mul3A_713 = arith.mulf %get3A_712, %get3A_712 : vector<16xf32>
        %add3A_714 = arith.addf %add3A_706, %mul3A_713 : vector<16xf32>
        %add3A_715 = arith.constant 14 : i32
        %add3A_716 = arith.addi %mul3A_490, %add3A_715 : i32
        %get3A_717 = arith.index_cast %add3A_716 : i32 to index
        %get3A_718 = arith.constant 0 : index
        %get3A_719 = tpu.vector_load %arg7[%get3A_717, %get3A_718] {strides = array<i32>} : memref<1024x32xf32, #tpu.memory_space<vmem>>, vector<1x16xf32>,
        %get3A_720 = vector.shape_cast %get3A_719 : vector<1x16xf32> to vector<16xf32>
        %mul3A_721 = arith.mulf %get3A_720, %get3A_720 : vector<16xf32>
        %add3A_722 = arith.addf %add3A_714, %mul3A_721 : vector<16xf32>
        %add3A_723 = arith.constant 14 : i32
        %add3A_724 = arith.addi %mul3A_490, %add3A_723 : i32
        %get3A_725 = arith.index_cast %add3A_724 : i32 to index
        %get3A_726 = arith.constant 16 : index
        %get3A_727 = tpu.vector_load %arg7[%get3A_725, %get3A_726] {strides = array<i32>} : memref<1024x32xf32, #tpu.memory_space<vmem>>, vector<1x16xf32>,
        %get3A_728 = vector.shape_cast %get3A_727 : vector<1x16xf32> to vector<16xf32>
        %mul3A_729 = arith.mulf %get3A_728, %get3A_728 : vector<16xf32>
        %add3A_730 = arith.addf %add3A_722, %mul3A_729 : vector<16xf32>
        %add3A_731 = arith.constant 15 : i32
        %add3A_732 = arith.addi %mul3A_490, %add3A_731 : i32
        %get3A_733 = arith.index_cast %add3A_732 : i32 to index
        %get3A_734 = arith.constant 0 : index
        %get3A_735 = tpu.vector_load %arg7[%get3A_733, %get3A_734] {strides = array<i32>} : memref<1024x32xf32, #tpu.memory_space<vmem>>, vector<1x16xf32>,
        %get3A_736 = vector.shape_cast %get3A_735 : vector<1x16xf32> to vector<16xf32>
        %mul3A_737 = arith.mulf %get3A_736, %get3A_736 : vector<16xf32>
        %add3A_738 = arith.addf %add3A_730, %mul3A_737 : vector<16xf32>
        %add3A_739 = arith.constant 15 : i32
        %add3A_740 = arith.addi %mul3A_490, %add3A_739 : i32
        %get3A_741 = arith.index_cast %add3A_740 : i32 to index
        %get3A_742 = arith.constant 16 : index
        %get3A_743 = tpu.vector_load %arg7[%get3A_741, %get3A_742] {strides = array<i32>} : memref<1024x32xf32, #tpu.memory_space<vmem>>, vector<1x16xf32>,
        %get3A_744 = vector.shape_cast %get3A_743 : vector<1x16xf32> to vector<16xf32>
        %mul3A_745 = arith.mulf %get3A_744, %get3A_744 : vector<16xf32>
        %add3A_746 = arith.addf %add3A_738, %mul3A_745 : vector<16xf32>
        %add3A_747 = arith.constant 16 : i32
        %add3A_748 = arith.addi %mul3A_490, %add3A_747 : i32
        %get3A_749 = arith.index_cast %add3A_748 : i32 to index
        %get3A_750 = arith.constant 0 : index
        %get3A_751 = tpu.vector_load %arg7[%get3A_749, %get3A_750] {strides = array<i32>} : memref<1024x32xf32, #tpu.memory_space<vmem>>, vector<1x16xf32>,
        %get3A_752 = vector.shape_cast %get3A_751 : vector<1x16xf32> to vector<16xf32>
        %mul3A_753 = arith.mulf %get3A_752, %get3A_752 : vector<16xf32>
        %add3A_754 = arith.addf %add3A_746, %mul3A_753 : vector<16xf32>
        %add3A_755 = arith.constant 16 : i32
        %add3A_756 = arith.addi %mul3A_490, %add3A_755 : i32
        %get3A_757 = arith.index_cast %add3A_756 : i32 to index
        %get3A_758 = arith.constant 16 : index
        %get3A_759 = tpu.vector_load %arg7[%get3A_757, %get3A_758] {strides = array<i32>} : memref<1024x32xf32, #tpu.memory_space<vmem>>, vector<1x16xf32>,
        %get3A_760 = vector.shape_cast %get3A_759 : vector<1x16xf32> to vector<16xf32>
        %mul3A_761 = arith.mulf %get3A_760, %get3A_760 : vector<16xf32>
        %add3A_762 = arith.addf %add3A_754, %mul3A_761 : vector<16xf32>
        %add3A_763 = arith.constant 17 : i32
        %add3A_764 = arith.addi %mul3A_490, %add3A_763 : i32
        %get3A_765 = arith.index_cast %add3A_764 : i32 to index
        %get3A_766 = arith.constant 0 : index
        %get3A_767 = tpu.vector_load %arg7[%get3A_765, %get3A_766] {strides = array<i32>} : memref<1024x32xf32, #tpu.memory_space<vmem>>, vector<1x16xf32>,
        %get3A_768 = vector.shape_cast %get3A_767 : vector<1x16xf32> to vector<16xf32>
        %mul3A_769 = arith.mulf %get3A_768, %get3A_768 : vector<16xf32>
        %add3A_770 = arith.addf %add3A_762, %mul3A_769 : vector<16xf32>
        %add3A_771 = arith.constant 17 : i32
        %add3A_772 = arith.addi %mul3A_490, %add3A_771 : i32
        %get3A_773 = arith.index_cast %add3A_772 : i32 to index
        %get3A_774 = arith.constant 16 : index
        %get3A_775 = tpu.vector_load %arg7[%get3A_773, %get3A_774] {strides = array<i32>} : memref<1024x32xf32, #tpu.memory_space<vmem>>, vector<1x16xf32>,
        %get3A_776 = vector.shape_cast %get3A_775 : vector<1x16xf32> to vector<16xf32>
        %mul3A_777 = arith.mulf %get3A_776, %get3A_776 : vector<16xf32>
        %add3A_778 = arith.addf %add3A_770, %mul3A_777 : vector<16xf32>
        %add3A_779 = arith.constant 18 : i32
        %add3A_780 = arith.addi %mul3A_490, %add3A_779 : i32
        %get3A_781 = arith.index_cast %add3A_780 : i32 to index
        %get3A_782 = arith.constant 0 : index
        %get3A_783 = tpu.vector_load %arg7[%get3A_781, %get3A_782] {strides = array<i32>} : memref<1024x32xf32, #tpu.memory_space<vmem>>, vector<1x16xf32>,
        %get3A_784 = vector.shape_cast %get3A_783 : vector<1x16xf32> to vector<16xf32>
        %mul3A_785 = arith.mulf %get3A_784, %get3A_784 : vector<16xf32>
        %add3A_786 = arith.addf %add3A_778, %mul3A_785 : vector<16xf32>
        %add3A_787 = arith.constant 18 : i32
        %add3A_788 = arith.addi %mul3A_490, %add3A_787 : i32
        %get3A_789 = arith.index_cast %add3A_788 : i32 to index
        %get3A_790 = arith.constant 16 : index
        %get3A_791 = tpu.vector_load %arg7[%get3A_789, %get3A_790] {strides = array<i32>} : memref<1024x32xf32, #tpu.memory_space<vmem>>, vector<1x16xf32>,
        %get3A_792 = vector.shape_cast %get3A_791 : vector<1x16xf32> to vector<16xf32>
        %mul3A_793 = arith.mulf %get3A_792, %get3A_792 : vector<16xf32>
        %add3A_794 = arith.addf %add3A_786, %mul3A_793 : vector<16xf32>
        %add3A_795 = arith.constant 19 : i32
        %add3A_796 = arith.addi %mul3A_490, %add3A_795 : i32
        %get3A_797 = arith.index_cast %add3A_796 : i32 to index
        %get3A_798 = arith.constant 0 : index
        %get3A_799 = tpu.vector_load %arg7[%get3A_797, %get3A_798] {strides = array<i32>} : memref<1024x32xf32, #tpu.memory_space<vmem>>, vector<1x16xf32>,
        %get3A_800 = vector.shape_cast %get3A_799 : vector<1x16xf32> to vector<16xf32>
        %mul3A_801 = arith.mulf %get3A_800, %get3A_800 : vector<16xf32>
        %add3A_802 = arith.addf %add3A_794, %mul3A_801 : vector<16xf32>
        %add3A_803 = arith.constant 19 : i32
        %add3A_804 = arith.addi %mul3A_490, %add3A_803 : i32
        %get3A_805 = arith.index_cast %add3A_804 : i32 to index
        %get3A_806 = arith.constant 16 : index
        %get3A_807 = tpu.vector_load %arg7[%get3A_805, %get3A_806] {strides = array<i32>} : memref<1024x32xf32, #tpu.memory_space<vmem>>, vector<1x16xf32>,
        %get3A_808 = vector.shape_cast %get3A_807 : vector<1x16xf32> to vector<16xf32>
        %mul3A_809 = arith.mulf %get3A_808, %get3A_808 : vector<16xf32>
        %add3A_810 = arith.addf %add3A_802, %mul3A_809 : vector<16xf32>
        %add3A_811 = arith.constant 20 : i32
        %add3A_812 = arith.addi %mul3A_490, %add3A_811 : i32
        %get3A_813 = arith.index_cast %add3A_812 : i32 to index
        %get3A_814 = arith.constant 0 : index
        %get3A_815 = tpu.vector_load %arg7[%get3A_813, %get3A_814] {strides = array<i32>} : memref<1024x32xf32, #tpu.memory_space<vmem>>, vector<1x16xf32>,
        %get3A_816 = vector.shape_cast %get3A_815 : vector<1x16xf32> to vector<16xf32>
        %mul3A_817 = arith.mulf %get3A_816, %get3A_816 : vector<16xf32>
        %add3A_818 = arith.addf %add3A_810, %mul3A_817 : vector<16xf32>
        %add3A_819 = arith.constant 20 : i32
        %add3A_820 = arith.addi %mul3A_490, %add3A_819 : i32
        %get3A_821 = arith.index_cast %add3A_820 : i32 to index
        %get3A_822 = arith.constant 16 : index
        %get3A_823 = tpu.vector_load %arg7[%get3A_821, %get3A_822] {strides = array<i32>} : memref<1024x32xf32, #tpu.memory_space<vmem>>, vector<1x16xf32>,
        %get3A_824 = vector.shape_cast %get3A_823 : vector<1x16xf32> to vector<16xf32>
        %mul3A_825 = arith.mulf %get3A_824, %get3A_824 : vector<16xf32>
        %add3A_826 = arith.addf %add3A_818, %mul3A_825 : vector<16xf32>
        %add3A_827 = arith.constant 21 : i32
        %add3A_828 = arith.addi %mul3A_490, %add3A_827 : i32
        %get3A_829 = arith.index_cast %add3A_828 : i32 to index
        %get3A_830 = arith.constant 0 : index
        %get3A_831 = tpu.vector_load %arg7[%get3A_829, %get3A_830] {strides = array<i32>} : memref<1024x32xf32, #tpu.memory_space<vmem>>, vector<1x16xf32>,
        %get3A_832 = vector.shape_cast %get3A_831 : vector<1x16xf32> to vector<16xf32>
        %mul3A_833 = arith.mulf %get3A_832, %get3A_832 : vector<16xf32>
        %add3A_834 = arith.addf %add3A_826, %mul3A_833 : vector<16xf32>
        %add3A_835 = arith.constant 21 : i32
        %add3A_836 = arith.addi %mul3A_490, %add3A_835 : i32
        %get3A_837 = arith.index_cast %add3A_836 : i32 to index
        %get3A_838 = arith.constant 16 : index
        %get3A_839 = tpu.vector_load %arg7[%get3A_837, %get3A_838] {strides = array<i32>} : memref<1024x32xf32, #tpu.memory_space<vmem>>, vector<1x16xf32>,
        %get3A_840 = vector.shape_cast %get3A_839 : vector<1x16xf32> to vector<16xf32>
        %mul3A_841 = arith.mulf %get3A_840, %get3A_840 : vector<16xf32>
        %add3A_842 = arith.addf %add3A_834, %mul3A_841 : vector<16xf32>
        %add3A_843 = arith.constant 22 : i32
        %add3A_844 = arith.addi %mul3A_490, %add3A_843 : i32
        %get3A_845 = arith.index_cast %add3A_844 : i32 to index
        %get3A_846 = arith.constant 0 : index
        %get3A_847 = tpu.vector_load %arg7[%get3A_845, %get3A_846] {strides = array<i32>} : memref<1024x32xf32, #tpu.memory_space<vmem>>, vector<1x16xf32>,
        %get3A_848 = vector.shape_cast %get3A_847 : vector<1x16xf32> to vector<16xf32>
        %mul3A_849 = arith.mulf %get3A_848, %get3A_848 : vector<16xf32>
        %add3A_850 = arith.addf %add3A_842, %mul3A_849 : vector<16xf32>
        %add3A_851 = arith.constant 22 : i32
        %add3A_852 = arith.addi %mul3A_490, %add3A_851 : i32
        %get3A_853 = arith.index_cast %add3A_852 : i32 to index
        %get3A_854 = arith.constant 16 : index
        %get3A_855 = tpu.vector_load %arg7[%get3A_853, %get3A_854] {strides = array<i32>} : memref<1024x32xf32, #tpu.memory_space<vmem>>, vector<1x16xf32>,
        %get3A_856 = vector.shape_cast %get3A_855 : vector<1x16xf32> to vector<16xf32>
        %mul3A_857 = arith.mulf %get3A_856, %get3A_856 : vector<16xf32>
        %add3A_858 = arith.addf %add3A_850, %mul3A_857 : vector<16xf32>
        %add3A_859 = arith.constant 23 : i32
        %add3A_860 = arith.addi %mul3A_490, %add3A_859 : i32
        %get3A_861 = arith.index_cast %add3A_860 : i32 to index
        %get3A_862 = arith.constant 0 : index
        %get3A_863 = tpu.vector_load %arg7[%get3A_861, %get3A_862] {strides = array<i32>} : memref<1024x32xf32, #tpu.memory_space<vmem>>, vector<1x16xf32>,
        %get3A_864 = vector.shape_cast %get3A_863 : vector<1x16xf32> to vector<16xf32>
        %mul3A_865 = arith.mulf %get3A_864, %get3A_864 : vector<16xf32>
        %add3A_866 = arith.addf %add3A_858, %mul3A_865 : vector<16xf32>
        %add3A_867 = arith.constant 23 : i32
        %add3A_868 = arith.addi %mul3A_490, %add3A_867 : i32
        %get3A_869 = arith.index_cast %add3A_868 : i32 to index
        %get3A_870 = arith.constant 16 : index
        %get3A_871 = tpu.vector_load %arg7[%get3A_869, %get3A_870] {strides = array<i32>} : memref<1024x32xf32, #tpu.memory_space<vmem>>, vector<1x16xf32>,
        %get3A_872 = vector.shape_cast %get3A_871 : vector<1x16xf32> to vector<16xf32>
        %mul3A_873 = arith.mulf %get3A_872, %get3A_872 : vector<16xf32>
        %add3A_874 = arith.addf %add3A_866, %mul3A_873 : vector<16xf32>
        %add3A_875 = arith.constant 24 : i32
        %add3A_876 = arith.addi %mul3A_490, %add3A_875 : i32
        %get3A_877 = arith.index_cast %add3A_876 : i32 to index
        %get3A_878 = arith.constant 0 : index
        %get3A_879 = tpu.vector_load %arg7[%get3A_877, %get3A_878] {strides = array<i32>} : memref<1024x32xf32, #tpu.memory_space<vmem>>, vector<1x16xf32>,
        %get3A_880 = vector.shape_cast %get3A_879 : vector<1x16xf32> to vector<16xf32>
        %mul3A_881 = arith.mulf %get3A_880, %get3A_880 : vector<16xf32>
        %add3A_882 = arith.addf %add3A_874, %mul3A_881 : vector<16xf32>
        %add3A_883 = arith.constant 24 : i32
        %add3A_884 = arith.addi %mul3A_490, %add3A_883 : i32
        %get3A_885 = arith.index_cast %add3A_884 : i32 to index
        %get3A_886 = arith.constant 16 : index
        %get3A_887 = tpu.vector_load %arg7[%get3A_885, %get3A_886] {strides = array<i32>} : memref<1024x32xf32, #tpu.memory_space<vmem>>, vector<1x16xf32>,
        %get3A_888 = vector.shape_cast %get3A_887 : vector<1x16xf32> to vector<16xf32>
        %mul3A_889 = arith.mulf %get3A_888, %get3A_888 : vector<16xf32>
        %add3A_890 = arith.addf %add3A_882, %mul3A_889 : vector<16xf32>
        %add3A_891 = arith.constant 25 : i32
        %add3A_892 = arith.addi %mul3A_490, %add3A_891 : i32
        %get3A_893 = arith.index_cast %add3A_892 : i32 to index
        %get3A_894 = arith.constant 0 : index
        %get3A_895 = tpu.vector_load %arg7[%get3A_893, %get3A_894] {strides = array<i32>} : memref<1024x32xf32, #tpu.memory_space<vmem>>, vector<1x16xf32>,
        %get3A_896 = vector.shape_cast %get3A_895 : vector<1x16xf32> to vector<16xf32>
        %mul3A_897 = arith.mulf %get3A_896, %get3A_896 : vector<16xf32>
        %add3A_898 = arith.addf %add3A_890, %mul3A_897 : vector<16xf32>
        %add3A_899 = arith.constant 25 : i32
        %add3A_900 = arith.addi %mul3A_490, %add3A_899 : i32
        %get3A_901 = arith.index_cast %add3A_900 : i32 to index
        %get3A_902 = arith.constant 16 : index
        %get3A_903 = tpu.vector_load %arg7[%get3A_901, %get3A_902] {strides = array<i32>} : memref<1024x32xf32, #tpu.memory_space<vmem>>, vector<1x16xf32>,
        %get3A_904 = vector.shape_cast %get3A_903 : vector<1x16xf32> to vector<16xf32>
        %mul3A_905 = arith.mulf %get3A_904, %get3A_904 : vector<16xf32>
        %add3A_906 = arith.addf %add3A_898, %mul3A_905 : vector<16xf32>
        %iota3A = tpu.iota {dimensions = array<i32: 0>} : vector<16xi32>
        %xor3A = arith.constant 8 : i32
        %xor3A_907 = vector.broadcast %xor3A : i32 to vector<16xi32>
        %xor3A_908 = arith.xori %iota3A, %xor3A_907 : vector<16xi32>
        %broadcast_in_dim3A_909 = vector.shape_cast %xor3A_908 : vector<16xi32> to vector<16x1xi32>
        %gather3A = vector.shape_cast %broadcast_in_dim3A_909 : vector<16x1xi32> to vector<16xi32>
        %gather3A_910 = tpu.dynamic_gather %add3A_906[%gather3A] in [0] : vector<16xf32>, vector<16xi32> -> vector<16xf32>
        %add3A_911 = arith.addf %add3A_906, %gather3A_910 : vector<16xf32>
        %xor3A_912 = arith.constant 4 : i32
        %xor3A_913 = vector.broadcast %xor3A_912 : i32 to vector<16xi32>
        %xor3A_914 = arith.xori %iota3A, %xor3A_913 : vector<16xi32>
        %broadcast_in_dim3A_915 = vector.shape_cast %xor3A_914 : vector<16xi32> to vector<16x1xi32>
        %gather3A_916 = vector.shape_cast %broadcast_in_dim3A_915 : vector<16x1xi32> to vector<16xi32>
        %gather3A_917 = tpu.dynamic_gather %add3A_911[%gather3A_916] in [0] : vector<16xf32>, vector<16xi32> -> vector<16xf32>
        %add3A_918 = arith.addf %add3A_911, %gather3A_917 : vector<16xf32>
        %xor3A_919 = arith.constant 2 : i32
        %xor3A_920 = vector.broadcast %xor3A_919 : i32 to vector<16xi32>
        %xor3A_921 = arith.xori %iota3A, %xor3A_920 : vector<16xi32>
        %broadcast_in_dim3A_922 = vector.shape_cast %xor3A_921 : vector<16xi32> to vector<16x1xi32>
        %gather3A_923 = vector.shape_cast %broadcast_in_dim3A_922 : vector<16x1xi32> to vector<16xi32>
        %gather3A_924 = tpu.dynamic_gather %add3A_918[%gather3A_923] in [0] : vector<16xf32>, vector<16xi32> -> vector<16xf32>
        %add3A_925 = arith.addf %add3A_918, %gather3A_924 : vector<16xf32>
        %xor3A_926 = arith.constant 1 : i32
        %xor3A_927 = vector.broadcast %xor3A_926 : i32 to vector<16xi32>
        %xor3A_928 = arith.xori %iota3A, %xor3A_927 : vector<16xi32>
        %broadcast_in_dim3A_929 = vector.shape_cast %xor3A_928 : vector<16xi32> to vector<16x1xi32>
        %gather3A_930 = vector.shape_cast %broadcast_in_dim3A_929 : vector<16x1xi32> to vector<16xi32>
        %gather3A_931 = tpu.dynamic_gather %add3A_925[%gather3A_930] in [0] : vector<16xf32>, vector<16xi32> -> vector<16xf32>
        %add3A_932 = arith.addf %add3A_925, %gather3A_931 : vector<16xf32>
        %max3A = arith.constant 1.000000e-24 : f32
        %max3A_933 = vector.broadcast %max3A : f32 to vector<16xf32>
        %max3A_934 = arith.maximumf %add3A_932, %max3A_933 : vector<16xf32>
        %bitcast_convert_type3A = tpu.bitcast %max3A_934 : vector<16xf32> -> vector<16xi32>
        %shift_right_arithmetic3A = arith.constant 1 : i32
        %shift_right_arithmetic3A_935 = vector.broadcast %shift_right_arithmetic3A : i32 to vector<16xi32>
        %shift_right_arithmetic3A_936 = arith.shrsi %bitcast_convert_type3A, %shift_right_arithmetic3A_935 : vector<16xi32>
        %sub3A = arith.constant 1597463007 : i32
        %sub3A_937 = vector.broadcast %sub3A : i32 to vector<16xi32>
        %sub3A_938 = arith.subi %sub3A_937, %shift_right_arithmetic3A_936 : vector<16xi32>
        %bitcast_convert_type3A_939 = tpu.bitcast %sub3A_938 : vector<16xi32> -> vector<16xf32>
        %mul3A_940 = arith.constant 5.000000e-01 : f32
        %mul3A_941 = vector.broadcast %mul3A_940 : f32 to vector<16xf32>
        %mul3A_942 = arith.mulf %mul3A_941, %max3A_934 : vector<16xf32>
        %mul3A_943 = arith.mulf %mul3A_942, %bitcast_convert_type3A_939 : vector<16xf32>
        %mul3A_944 = arith.mulf %mul3A_943, %bitcast_convert_type3A_939 : vector<16xf32>
        %sub3A_945 = arith.constant 1.500000e+00 : f32
        %sub3A_946 = vector.broadcast %sub3A_945 : f32 to vector<16xf32>
        %sub3A_947 = arith.subf %sub3A_946, %mul3A_944 : vector<16xf32>
        %mul3A_948 = arith.mulf %bitcast_convert_type3A_939, %sub3A_947 : vector<16xf32>
        %mul3A_949 = arith.constant 5.000000e-01 : f32
        %mul3A_950 = vector.broadcast %mul3A_949 : f32 to vector<16xf32>
        %mul3A_951 = arith.mulf %mul3A_950, %max3A_934 : vector<16xf32>
        %mul3A_952 = arith.mulf %mul3A_951, %mul3A_948 : vector<16xf32>
        %mul3A_953 = arith.mulf %mul3A_952, %mul3A_948 : vector<16xf32>
        %sub3A_954 = arith.constant 1.500000e+00 : f32
        %sub3A_955 = vector.broadcast %sub3A_954 : f32 to vector<16xf32>
        %sub3A_956 = arith.subf %sub3A_955, %mul3A_953 : vector<16xf32>
        %mul3A_957 = arith.mulf %mul3A_948, %sub3A_956 : vector<16xf32>
        %mul3A_958 = arith.constant 5.000000e-01 : f32
        %mul3A_959 = vector.broadcast %mul3A_958 : f32 to vector<16xf32>
        %mul3A_960 = arith.mulf %mul3A_959, %max3A_934 : vector<16xf32>
        %mul3A_961 = arith.mulf %mul3A_960, %mul3A_957 : vector<16xf32>
        %mul3A_962 = arith.mulf %mul3A_961, %mul3A_957 : vector<16xf32>
        %sub3A_963 = arith.constant 1.500000e+00 : f32
        %sub3A_964 = vector.broadcast %sub3A_963 : f32 to vector<16xf32>
        %sub3A_965 = arith.subf %sub3A_964, %mul3A_962 : vector<16xf32>
        %mul3A_966 = arith.mulf %mul3A_957, %sub3A_965 : vector<16xf32>
        %add3A_967 = arith.constant 0 : i32
        %add3A_968 = arith.addi %mul3A_490, %add3A_967 : i32
        %get3A_969 = arith.index_cast %add3A_968 : i32 to index
        %get3A_970 = arith.constant 0 : index
        %get3A_971 = tpu.vector_load %arg7[%get3A_969, %get3A_970] {strides = array<i32>} : memref<1024x32xf32, #tpu.memory_space<vmem>>, vector<1x16xf32>,
        %get3A_972 = vector.shape_cast %get3A_971 : vector<1x16xf32> to vector<16xf32>
        %mul3A_973 = arith.mulf %get3A_972, %mul3A_966 : vector<16xf32>
        %swap3A = arith.index_cast %add3A_968 : i32 to index
        %swap3A_974 = arith.constant 0 : index
        %swap3A_975 = tpu.vector_load %arg7[%swap3A, %swap3A_974] {strides = array<i32>} : memref<1024x32xf32, #tpu.memory_space<vmem>>, vector<1x16xf32>,
        %swap3A_976 = vector.shape_cast %swap3A_975 : vector<1x16xf32> to vector<16xf32>
        %swap3A_977 = vector.shape_cast %mul3A_973 : vector<16xf32> to vector<1x16xf32>
        tpu.vector_store %arg7[%swap3A, %swap3A_974], %swap3A_977 {strides = array<i32>} : memref<1024x32xf32, #tpu.memory_space<vmem>>, vector<1x16xf32>,
        %add3A_978 = arith.constant 0 : i32
        %add3A_979 = arith.addi %mul3A_490, %add3A_978 : i32
        %get3A_980 = arith.index_cast %add3A_979 : i32 to index
        %get3A_981 = arith.constant 16 : index
        %get3A_982 = tpu.vector_load %arg7[%get3A_980, %get3A_981] {strides = array<i32>} : memref<1024x32xf32, #tpu.memory_space<vmem>>, vector<1x16xf32>,
        %get3A_983 = vector.shape_cast %get3A_982 : vector<1x16xf32> to vector<16xf32>
        %mul3A_984 = arith.mulf %get3A_983, %mul3A_966 : vector<16xf32>
        %swap3A_985 = arith.index_cast %add3A_979 : i32 to index
        %swap3A_986 = arith.constant 16 : index
        %swap3A_987 = tpu.vector_load %arg7[%swap3A_985, %swap3A_986] {strides = array<i32>} : memref<1024x32xf32, #tpu.memory_space<vmem>>, vector<1x16xf32>,
        %swap3A_988 = vector.shape_cast %swap3A_987 : vector<1x16xf32> to vector<16xf32>
        %swap3A_989 = vector.shape_cast %mul3A_984 : vector<16xf32> to vector<1x16xf32>
        tpu.vector_store %arg7[%swap3A_985, %swap3A_986], %swap3A_989 {strides = array<i32>} : memref<1024x32xf32, #tpu.memory_space<vmem>>, vector<1x16xf32>,
        %add3A_990 = arith.constant 1 : i32
        %add3A_991 = arith.addi %mul3A_490, %add3A_990 : i32
        %get3A_992 = arith.index_cast %add3A_991 : i32 to index
        %get3A_993 = arith.constant 0 : index
        %get3A_994 = tpu.vector_load %arg7[%get3A_992, %get3A_993] {strides = array<i32>} : memref<1024x32xf32, #tpu.memory_space<vmem>>, vector<1x16xf32>,
        %get3A_995 = vector.shape_cast %get3A_994 : vector<1x16xf32> to vector<16xf32>
        %mul3A_996 = arith.mulf %get3A_995, %mul3A_966 : vector<16xf32>
        %swap3A_997 = arith.index_cast %add3A_991 : i32 to index
        %swap3A_998 = arith.constant 0 : index
        %swap3A_999 = tpu.vector_load %arg7[%swap3A_997, %swap3A_998] {strides = array<i32>} : memref<1024x32xf32, #tpu.memory_space<vmem>>, vector<1x16xf32>,
        %swap3A_1000 = vector.shape_cast %swap3A_999 : vector<1x16xf32> to vector<16xf32>
        %swap3A_1001 = vector.shape_cast %mul3A_996 : vector<16xf32> to vector<1x16xf32>
        tpu.vector_store %arg7[%swap3A_997, %swap3A_998], %swap3A_1001 {strides = array<i32>} : memref<1024x32xf32, #tpu.memory_space<vmem>>, vector<1x16xf32>,
        %add3A_1002 = arith.constant 1 : i32
        %add3A_1003 = arith.addi %mul3A_490, %add3A_1002 : i32
        %get3A_1004 = arith.index_cast %add3A_1003 : i32 to index
        %get3A_1005 = arith.constant 16 : index
        %get3A_1006 = tpu.vector_load %arg7[%get3A_1004, %get3A_1005] {strides = array<i32>} : memref<1024x32xf32, #tpu.memory_space<vmem>>, vector<1x16xf32>,
        %get3A_1007 = vector.shape_cast %get3A_1006 : vector<1x16xf32> to vector<16xf32>
        %mul3A_1008 = arith.mulf %get3A_1007, %mul3A_966 : vector<16xf32>
        %swap3A_1009 = arith.index_cast %add3A_1003 : i32 to index
        %swap3A_1010 = arith.constant 16 : index
        %swap3A_1011 = tpu.vector_load %arg7[%swap3A_1009, %swap3A_1010] {strides = array<i32>} : memref<1024x32xf32, #tpu.memory_space<vmem>>, vector<1x16xf32>,
        %swap3A_1012 = vector.shape_cast %swap3A_1011 : vector<1x16xf32> to vector<16xf32>
        %swap3A_1013 = vector.shape_cast %mul3A_1008 : vector<16xf32> to vector<1x16xf32>
        tpu.vector_store %arg7[%swap3A_1009, %swap3A_1010], %swap3A_1013 {strides = array<i32>} : memref<1024x32xf32, #tpu.memory_space<vmem>>, vector<1x16xf32>,
        %add3A_1014 = arith.constant 2 : i32
        %add3A_1015 = arith.addi %mul3A_490, %add3A_1014 : i32
        %get3A_1016 = arith.index_cast %add3A_1015 : i32 to index
        %get3A_1017 = arith.constant 0 : index
        %get3A_1018 = tpu.vector_load %arg7[%get3A_1016, %get3A_1017] {strides = array<i32>} : memref<1024x32xf32, #tpu.memory_space<vmem>>, vector<1x16xf32>,
        %get3A_1019 = vector.shape_cast %get3A_1018 : vector<1x16xf32> to vector<16xf32>
        %mul3A_1020 = arith.mulf %get3A_1019, %mul3A_966 : vector<16xf32>
        %swap3A_1021 = arith.index_cast %add3A_1015 : i32 to index
        %swap3A_1022 = arith.constant 0 : index
        %swap3A_1023 = tpu.vector_load %arg7[%swap3A_1021, %swap3A_1022] {strides = array<i32>} : memref<1024x32xf32, #tpu.memory_space<vmem>>, vector<1x16xf32>,
        %swap3A_1024 = vector.shape_cast %swap3A_1023 : vector<1x16xf32> to vector<16xf32>
        %swap3A_1025 = vector.shape_cast %mul3A_1020 : vector<16xf32> to vector<1x16xf32>
        tpu.vector_store %arg7[%swap3A_1021, %swap3A_1022], %swap3A_1025 {strides = array<i32>} : memref<1024x32xf32, #tpu.memory_space<vmem>>, vector<1x16xf32>,
        %add3A_1026 = arith.constant 2 : i32
        %add3A_1027 = arith.addi %mul3A_490, %add3A_1026 : i32
        %get3A_1028 = arith.index_cast %add3A_1027 : i32 to index
        %get3A_1029 = arith.constant 16 : index
        %get3A_1030 = tpu.vector_load %arg7[%get3A_1028, %get3A_1029] {strides = array<i32>} : memref<1024x32xf32, #tpu.memory_space<vmem>>, vector<1x16xf32>,
        %get3A_1031 = vector.shape_cast %get3A_1030 : vector<1x16xf32> to vector<16xf32>
        %mul3A_1032 = arith.mulf %get3A_1031, %mul3A_966 : vector<16xf32>
        %swap3A_1033 = arith.index_cast %add3A_1027 : i32 to index
        %swap3A_1034 = arith.constant 16 : index
        %swap3A_1035 = tpu.vector_load %arg7[%swap3A_1033, %swap3A_1034] {strides = array<i32>} : memref<1024x32xf32, #tpu.memory_space<vmem>>, vector<1x16xf32>,
        %swap3A_1036 = vector.shape_cast %swap3A_1035 : vector<1x16xf32> to vector<16xf32>
        %swap3A_1037 = vector.shape_cast %mul3A_1032 : vector<16xf32> to vector<1x16xf32>
        tpu.vector_store %arg7[%swap3A_1033, %swap3A_1034], %swap3A_1037 {strides = array<i32>} : memref<1024x32xf32, #tpu.memory_space<vmem>>, vector<1x16xf32>,
        %add3A_1038 = arith.constant 3 : i32
        %add3A_1039 = arith.addi %mul3A_490, %add3A_1038 : i32
        %get3A_1040 = arith.index_cast %add3A_1039 : i32 to index
        %get3A_1041 = arith.constant 0 : index
        %get3A_1042 = tpu.vector_load %arg7[%get3A_1040, %get3A_1041] {strides = array<i32>} : memref<1024x32xf32, #tpu.memory_space<vmem>>, vector<1x16xf32>,
        %get3A_1043 = vector.shape_cast %get3A_1042 : vector<1x16xf32> to vector<16xf32>
        %mul3A_1044 = arith.mulf %get3A_1043, %mul3A_966 : vector<16xf32>
        %swap3A_1045 = arith.index_cast %add3A_1039 : i32 to index
        %swap3A_1046 = arith.constant 0 : index
        %swap3A_1047 = tpu.vector_load %arg7[%swap3A_1045, %swap3A_1046] {strides = array<i32>} : memref<1024x32xf32, #tpu.memory_space<vmem>>, vector<1x16xf32>,
        %swap3A_1048 = vector.shape_cast %swap3A_1047 : vector<1x16xf32> to vector<16xf32>
        %swap3A_1049 = vector.shape_cast %mul3A_1044 : vector<16xf32> to vector<1x16xf32>
        tpu.vector_store %arg7[%swap3A_1045, %swap3A_1046], %swap3A_1049 {strides = array<i32>} : memref<1024x32xf32, #tpu.memory_space<vmem>>, vector<1x16xf32>,
        %add3A_1050 = arith.constant 3 : i32
        %add3A_1051 = arith.addi %mul3A_490, %add3A_1050 : i32
        %get3A_1052 = arith.index_cast %add3A_1051 : i32 to index
        %get3A_1053 = arith.constant 16 : index
        %get3A_1054 = tpu.vector_load %arg7[%get3A_1052, %get3A_1053] {strides = array<i32>} : memref<1024x32xf32, #tpu.memory_space<vmem>>, vector<1x16xf32>,
        %get3A_1055 = vector.shape_cast %get3A_1054 : vector<1x16xf32> to vector<16xf32>
        %mul3A_1056 = arith.mulf %get3A_1055, %mul3A_966 : vector<16xf32>
        %swap3A_1057 = arith.index_cast %add3A_1051 : i32 to index
        %swap3A_1058 = arith.constant 16 : index
        %swap3A_1059 = tpu.vector_load %arg7[%swap3A_1057, %swap3A_1058] {strides = array<i32>} : memref<1024x32xf32, #tpu.memory_space<vmem>>, vector<1x16xf32>,
        %swap3A_1060 = vector.shape_cast %swap3A_1059 : vector<1x16xf32> to vector<16xf32>
        %swap3A_1061 = vector.shape_cast %mul3A_1056 : vector<16xf32> to vector<1x16xf32>
        tpu.vector_store %arg7[%swap3A_1057, %swap3A_1058], %swap3A_1061 {strides = array<i32>} : memref<1024x32xf32, #tpu.memory_space<vmem>>, vector<1x16xf32>,
        %add3A_1062 = arith.constant 4 : i32
        %add3A_1063 = arith.addi %mul3A_490, %add3A_1062 : i32
        %get3A_1064 = arith.index_cast %add3A_1063 : i32 to index
        %get3A_1065 = arith.constant 0 : index
        %get3A_1066 = tpu.vector_load %arg7[%get3A_1064, %get3A_1065] {strides = array<i32>} : memref<1024x32xf32, #tpu.memory_space<vmem>>, vector<1x16xf32>,
        %get3A_1067 = vector.shape_cast %get3A_1066 : vector<1x16xf32> to vector<16xf32>
        %mul3A_1068 = arith.mulf %get3A_1067, %mul3A_966 : vector<16xf32>
        %swap3A_1069 = arith.index_cast %add3A_1063 : i32 to index
        %swap3A_1070 = arith.constant 0 : index
        %swap3A_1071 = tpu.vector_load %arg7[%swap3A_1069, %swap3A_1070] {strides = array<i32>} : memref<1024x32xf32, #tpu.memory_space<vmem>>, vector<1x16xf32>,
        %swap3A_1072 = vector.shape_cast %swap3A_1071 : vector<1x16xf32> to vector<16xf32>
        %swap3A_1073 = vector.shape_cast %mul3A_1068 : vector<16xf32> to vector<1x16xf32>
        tpu.vector_store %arg7[%swap3A_1069, %swap3A_1070], %swap3A_1073 {strides = array<i32>} : memref<1024x32xf32, #tpu.memory_space<vmem>>, vector<1x16xf32>,
        %add3A_1074 = arith.constant 4 : i32
        %add3A_1075 = arith.addi %mul3A_490, %add3A_1074 : i32
        %get3A_1076 = arith.index_cast %add3A_1075 : i32 to index
        %get3A_1077 = arith.constant 16 : index
        %get3A_1078 = tpu.vector_load %arg7[%get3A_1076, %get3A_1077] {strides = array<i32>} : memref<1024x32xf32, #tpu.memory_space<vmem>>, vector<1x16xf32>,
        %get3A_1079 = vector.shape_cast %get3A_1078 : vector<1x16xf32> to vector<16xf32>
        %mul3A_1080 = arith.mulf %get3A_1079, %mul3A_966 : vector<16xf32>
        %swap3A_1081 = arith.index_cast %add3A_1075 : i32 to index
        %swap3A_1082 = arith.constant 16 : index
        %swap3A_1083 = tpu.vector_load %arg7[%swap3A_1081, %swap3A_1082] {strides = array<i32>} : memref<1024x32xf32, #tpu.memory_space<vmem>>, vector<1x16xf32>,
        %swap3A_1084 = vector.shape_cast %swap3A_1083 : vector<1x16xf32> to vector<16xf32>
        %swap3A_1085 = vector.shape_cast %mul3A_1080 : vector<16xf32> to vector<1x16xf32>
        tpu.vector_store %arg7[%swap3A_1081, %swap3A_1082], %swap3A_1085 {strides = array<i32>} : memref<1024x32xf32, #tpu.memory_space<vmem>>, vector<1x16xf32>,
        %add3A_1086 = arith.constant 5 : i32
        %add3A_1087 = arith.addi %mul3A_490, %add3A_1086 : i32
        %get3A_1088 = arith.index_cast %add3A_1087 : i32 to index
        %get3A_1089 = arith.constant 0 : index
        %get3A_1090 = tpu.vector_load %arg7[%get3A_1088, %get3A_1089] {strides = array<i32>} : memref<1024x32xf32, #tpu.memory_space<vmem>>, vector<1x16xf32>,
        %get3A_1091 = vector.shape_cast %get3A_1090 : vector<1x16xf32> to vector<16xf32>
        %mul3A_1092 = arith.mulf %get3A_1091, %mul3A_966 : vector<16xf32>
        %swap3A_1093 = arith.index_cast %add3A_1087 : i32 to index
        %swap3A_1094 = arith.constant 0 : index
        %swap3A_1095 = tpu.vector_load %arg7[%swap3A_1093, %swap3A_1094] {strides = array<i32>} : memref<1024x32xf32, #tpu.memory_space<vmem>>, vector<1x16xf32>,
        %swap3A_1096 = vector.shape_cast %swap3A_1095 : vector<1x16xf32> to vector<16xf32>
        %swap3A_1097 = vector.shape_cast %mul3A_1092 : vector<16xf32> to vector<1x16xf32>
        tpu.vector_store %arg7[%swap3A_1093, %swap3A_1094], %swap3A_1097 {strides = array<i32>} : memref<1024x32xf32, #tpu.memory_space<vmem>>, vector<1x16xf32>,
        %add3A_1098 = arith.constant 5 : i32
        %add3A_1099 = arith.addi %mul3A_490, %add3A_1098 : i32
        %get3A_1100 = arith.index_cast %add3A_1099 : i32 to index
        %get3A_1101 = arith.constant 16 : index
        %get3A_1102 = tpu.vector_load %arg7[%get3A_1100, %get3A_1101] {strides = array<i32>} : memref<1024x32xf32, #tpu.memory_space<vmem>>, vector<1x16xf32>,
        %get3A_1103 = vector.shape_cast %get3A_1102 : vector<1x16xf32> to vector<16xf32>
        %mul3A_1104 = arith.mulf %get3A_1103, %mul3A_966 : vector<16xf32>
        %swap3A_1105 = arith.index_cast %add3A_1099 : i32 to index
        %swap3A_1106 = arith.constant 16 : index
        %swap3A_1107 = tpu.vector_load %arg7[%swap3A_1105, %swap3A_1106] {strides = array<i32>} : memref<1024x32xf32, #tpu.memory_space<vmem>>, vector<1x16xf32>,
        %swap3A_1108 = vector.shape_cast %swap3A_1107 : vector<1x16xf32> to vector<16xf32>
        %swap3A_1109 = vector.shape_cast %mul3A_1104 : vector<16xf32> to vector<1x16xf32>
        tpu.vector_store %arg7[%swap3A_1105, %swap3A_1106], %swap3A_1109 {strides = array<i32>} : memref<1024x32xf32, #tpu.memory_space<vmem>>, vector<1x16xf32>,
        %add3A_1110 = arith.constant 6 : i32
        %add3A_1111 = arith.addi %mul3A_490, %add3A_1110 : i32
        %get3A_1112 = arith.index_cast %add3A_1111 : i32 to index
        %get3A_1113 = arith.constant 0 : index
        %get3A_1114 = tpu.vector_load %arg7[%get3A_1112, %get3A_1113] {strides = array<i32>} : memref<1024x32xf32, #tpu.memory_space<vmem>>, vector<1x16xf32>,
        %get3A_1115 = vector.shape_cast %get3A_1114 : vector<1x16xf32> to vector<16xf32>
        %mul3A_1116 = arith.mulf %get3A_1115, %mul3A_966 : vector<16xf32>
        %swap3A_1117 = arith.index_cast %add3A_1111 : i32 to index
        %swap3A_1118 = arith.constant 0 : index
        %swap3A_1119 = tpu.vector_load %arg7[%swap3A_1117, %swap3A_1118] {strides = array<i32>} : memref<1024x32xf32, #tpu.memory_space<vmem>>, vector<1x16xf32>,
        %swap3A_1120 = vector.shape_cast %swap3A_1119 : vector<1x16xf32> to vector<16xf32>
        %swap3A_1121 = vector.shape_cast %mul3A_1116 : vector<16xf32> to vector<1x16xf32>
        tpu.vector_store %arg7[%swap3A_1117, %swap3A_1118], %swap3A_1121 {strides = array<i32>} : memref<1024x32xf32, #tpu.memory_space<vmem>>, vector<1x16xf32>,
        %add3A_1122 = arith.constant 6 : i32
        %add3A_1123 = arith.addi %mul3A_490, %add3A_1122 : i32
        %get3A_1124 = arith.index_cast %add3A_1123 : i32 to index
        %get3A_1125 = arith.constant 16 : index
        %get3A_1126 = tpu.vector_load %arg7[%get3A_1124, %get3A_1125] {strides = array<i32>} : memref<1024x32xf32, #tpu.memory_space<vmem>>, vector<1x16xf32>,
        %get3A_1127 = vector.shape_cast %get3A_1126 : vector<1x16xf32> to vector<16xf32>
        %mul3A_1128 = arith.mulf %get3A_1127, %mul3A_966 : vector<16xf32>
        %swap3A_1129 = arith.index_cast %add3A_1123 : i32 to index
        %swap3A_1130 = arith.constant 16 : index
        %swap3A_1131 = tpu.vector_load %arg7[%swap3A_1129, %swap3A_1130] {strides = array<i32>} : memref<1024x32xf32, #tpu.memory_space<vmem>>, vector<1x16xf32>,
        %swap3A_1132 = vector.shape_cast %swap3A_1131 : vector<1x16xf32> to vector<16xf32>
        %swap3A_1133 = vector.shape_cast %mul3A_1128 : vector<16xf32> to vector<1x16xf32>
        tpu.vector_store %arg7[%swap3A_1129, %swap3A_1130], %swap3A_1133 {strides = array<i32>} : memref<1024x32xf32, #tpu.memory_space<vmem>>, vector<1x16xf32>,
        %add3A_1134 = arith.constant 7 : i32
        %add3A_1135 = arith.addi %mul3A_490, %add3A_1134 : i32
        %get3A_1136 = arith.index_cast %add3A_1135 : i32 to index
        %get3A_1137 = arith.constant 0 : index
        %get3A_1138 = tpu.vector_load %arg7[%get3A_1136, %get3A_1137] {strides = array<i32>} : memref<1024x32xf32, #tpu.memory_space<vmem>>, vector<1x16xf32>,
        %get3A_1139 = vector.shape_cast %get3A_1138 : vector<1x16xf32> to vector<16xf32>
        %mul3A_1140 = arith.mulf %get3A_1139, %mul3A_966 : vector<16xf32>
        %swap3A_1141 = arith.index_cast %add3A_1135 : i32 to index
        %swap3A_1142 = arith.constant 0 : index
        %swap3A_1143 = tpu.vector_load %arg7[%swap3A_1141, %swap3A_1142] {strides = array<i32>} : memref<1024x32xf32, #tpu.memory_space<vmem>>, vector<1x16xf32>,
        %swap3A_1144 = vector.shape_cast %swap3A_1143 : vector<1x16xf32> to vector<16xf32>
        %swap3A_1145 = vector.shape_cast %mul3A_1140 : vector<16xf32> to vector<1x16xf32>
        tpu.vector_store %arg7[%swap3A_1141, %swap3A_1142], %swap3A_1145 {strides = array<i32>} : memref<1024x32xf32, #tpu.memory_space<vmem>>, vector<1x16xf32>,
        %add3A_1146 = arith.constant 7 : i32
        %add3A_1147 = arith.addi %mul3A_490, %add3A_1146 : i32
        %get3A_1148 = arith.index_cast %add3A_1147 : i32 to index
        %get3A_1149 = arith.constant 16 : index
        %get3A_1150 = tpu.vector_load %arg7[%get3A_1148, %get3A_1149] {strides = array<i32>} : memref<1024x32xf32, #tpu.memory_space<vmem>>, vector<1x16xf32>,
        %get3A_1151 = vector.shape_cast %get3A_1150 : vector<1x16xf32> to vector<16xf32>
        %mul3A_1152 = arith.mulf %get3A_1151, %mul3A_966 : vector<16xf32>
        %swap3A_1153 = arith.index_cast %add3A_1147 : i32 to index
        %swap3A_1154 = arith.constant 16 : index
        %swap3A_1155 = tpu.vector_load %arg7[%swap3A_1153, %swap3A_1154] {strides = array<i32>} : memref<1024x32xf32, #tpu.memory_space<vmem>>, vector<1x16xf32>,
        %swap3A_1156 = vector.shape_cast %swap3A_1155 : vector<1x16xf32> to vector<16xf32>
        %swap3A_1157 = vector.shape_cast %mul3A_1152 : vector<16xf32> to vector<1x16xf32>
        tpu.vector_store %arg7[%swap3A_1153, %swap3A_1154], %swap3A_1157 {strides = array<i32>} : memref<1024x32xf32, #tpu.memory_space<vmem>>, vector<1x16xf32>,
        %add3A_1158 = arith.constant 8 : i32
        %add3A_1159 = arith.addi %mul3A_490, %add3A_1158 : i32
        %get3A_1160 = arith.index_cast %add3A_1159 : i32 to index
        %get3A_1161 = arith.constant 0 : index
        %get3A_1162 = tpu.vector_load %arg7[%get3A_1160, %get3A_1161] {strides = array<i32>} : memref<1024x32xf32, #tpu.memory_space<vmem>>, vector<1x16xf32>,
        %get3A_1163 = vector.shape_cast %get3A_1162 : vector<1x16xf32> to vector<16xf32>
        %mul3A_1164 = arith.mulf %get3A_1163, %mul3A_966 : vector<16xf32>
        %swap3A_1165 = arith.index_cast %add3A_1159 : i32 to index
        %swap3A_1166 = arith.constant 0 : index
        %swap3A_1167 = tpu.vector_load %arg7[%swap3A_1165, %swap3A_1166] {strides = array<i32>} : memref<1024x32xf32, #tpu.memory_space<vmem>>, vector<1x16xf32>,
        %swap3A_1168 = vector.shape_cast %swap3A_1167 : vector<1x16xf32> to vector<16xf32>
        %swap3A_1169 = vector.shape_cast %mul3A_1164 : vector<16xf32> to vector<1x16xf32>
        tpu.vector_store %arg7[%swap3A_1165, %swap3A_1166], %swap3A_1169 {strides = array<i32>} : memref<1024x32xf32, #tpu.memory_space<vmem>>, vector<1x16xf32>,
        %add3A_1170 = arith.constant 8 : i32
        %add3A_1171 = arith.addi %mul3A_490, %add3A_1170 : i32
        %get3A_1172 = arith.index_cast %add3A_1171 : i32 to index
        %get3A_1173 = arith.constant 16 : index
        %get3A_1174 = tpu.vector_load %arg7[%get3A_1172, %get3A_1173] {strides = array<i32>} : memref<1024x32xf32, #tpu.memory_space<vmem>>, vector<1x16xf32>,
        %get3A_1175 = vector.shape_cast %get3A_1174 : vector<1x16xf32> to vector<16xf32>
        %mul3A_1176 = arith.mulf %get3A_1175, %mul3A_966 : vector<16xf32>
        %swap3A_1177 = arith.index_cast %add3A_1171 : i32 to index
        %swap3A_1178 = arith.constant 16 : index
        %swap3A_1179 = tpu.vector_load %arg7[%swap3A_1177, %swap3A_1178] {strides = array<i32>} : memref<1024x32xf32, #tpu.memory_space<vmem>>, vector<1x16xf32>,
        %swap3A_1180 = vector.shape_cast %swap3A_1179 : vector<1x16xf32> to vector<16xf32>
        %swap3A_1181 = vector.shape_cast %mul3A_1176 : vector<16xf32> to vector<1x16xf32>
        tpu.vector_store %arg7[%swap3A_1177, %swap3A_1178], %swap3A_1181 {strides = array<i32>} : memref<1024x32xf32, #tpu.memory_space<vmem>>, vector<1x16xf32>,
        %add3A_1182 = arith.constant 9 : i32
        %add3A_1183 = arith.addi %mul3A_490, %add3A_1182 : i32
        %get3A_1184 = arith.index_cast %add3A_1183 : i32 to index
        %get3A_1185 = arith.constant 0 : index
        %get3A_1186 = tpu.vector_load %arg7[%get3A_1184, %get3A_1185] {strides = array<i32>} : memref<1024x32xf32, #tpu.memory_space<vmem>>, vector<1x16xf32>,
        %get3A_1187 = vector.shape_cast %get3A_1186 : vector<1x16xf32> to vector<16xf32>
        %mul3A_1188 = arith.mulf %get3A_1187, %mul3A_966 : vector<16xf32>
        %swap3A_1189 = arith.index_cast %add3A_1183 : i32 to index
        %swap3A_1190 = arith.constant 0 : index
        %swap3A_1191 = tpu.vector_load %arg7[%swap3A_1189, %swap3A_1190] {strides = array<i32>} : memref<1024x32xf32, #tpu.memory_space<vmem>>, vector<1x16xf32>,
        %swap3A_1192 = vector.shape_cast %swap3A_1191 : vector<1x16xf32> to vector<16xf32>
        %swap3A_1193 = vector.shape_cast %mul3A_1188 : vector<16xf32> to vector<1x16xf32>
        tpu.vector_store %arg7[%swap3A_1189, %swap3A_1190], %swap3A_1193 {strides = array<i32>} : memref<1024x32xf32, #tpu.memory_space<vmem>>, vector<1x16xf32>,
        %add3A_1194 = arith.constant 9 : i32
        %add3A_1195 = arith.addi %mul3A_490, %add3A_1194 : i32
        %get3A_1196 = arith.index_cast %add3A_1195 : i32 to index
        %get3A_1197 = arith.constant 16 : index
        %get3A_1198 = tpu.vector_load %arg7[%get3A_1196, %get3A_1197] {strides = array<i32>} : memref<1024x32xf32, #tpu.memory_space<vmem>>, vector<1x16xf32>,
        %get3A_1199 = vector.shape_cast %get3A_1198 : vector<1x16xf32> to vector<16xf32>
        %mul3A_1200 = arith.mulf %get3A_1199, %mul3A_966 : vector<16xf32>
        %swap3A_1201 = arith.index_cast %add3A_1195 : i32 to index
        %swap3A_1202 = arith.constant 16 : index
        %swap3A_1203 = tpu.vector_load %arg7[%swap3A_1201, %swap3A_1202] {strides = array<i32>} : memref<1024x32xf32, #tpu.memory_space<vmem>>, vector<1x16xf32>,
        %swap3A_1204 = vector.shape_cast %swap3A_1203 : vector<1x16xf32> to vector<16xf32>
        %swap3A_1205 = vector.shape_cast %mul3A_1200 : vector<16xf32> to vector<1x16xf32>
        tpu.vector_store %arg7[%swap3A_1201, %swap3A_1202], %swap3A_1205 {strides = array<i32>} : memref<1024x32xf32, #tpu.memory_space<vmem>>, vector<1x16xf32>,
        %add3A_1206 = arith.constant 10 : i32
        %add3A_1207 = arith.addi %mul3A_490, %add3A_1206 : i32
        %get3A_1208 = arith.index_cast %add3A_1207 : i32 to index
        %get3A_1209 = arith.constant 0 : index
        %get3A_1210 = tpu.vector_load %arg7[%get3A_1208, %get3A_1209] {strides = array<i32>} : memref<1024x32xf32, #tpu.memory_space<vmem>>, vector<1x16xf32>,
        %get3A_1211 = vector.shape_cast %get3A_1210 : vector<1x16xf32> to vector<16xf32>
        %mul3A_1212 = arith.mulf %get3A_1211, %mul3A_966 : vector<16xf32>
        %swap3A_1213 = arith.index_cast %add3A_1207 : i32 to index
        %swap3A_1214 = arith.constant 0 : index
        %swap3A_1215 = tpu.vector_load %arg7[%swap3A_1213, %swap3A_1214] {strides = array<i32>} : memref<1024x32xf32, #tpu.memory_space<vmem>>, vector<1x16xf32>,
        %swap3A_1216 = vector.shape_cast %swap3A_1215 : vector<1x16xf32> to vector<16xf32>
        %swap3A_1217 = vector.shape_cast %mul3A_1212 : vector<16xf32> to vector<1x16xf32>
        tpu.vector_store %arg7[%swap3A_1213, %swap3A_1214], %swap3A_1217 {strides = array<i32>} : memref<1024x32xf32, #tpu.memory_space<vmem>>, vector<1x16xf32>,
        %add3A_1218 = arith.constant 10 : i32
        %add3A_1219 = arith.addi %mul3A_490, %add3A_1218 : i32
        %get3A_1220 = arith.index_cast %add3A_1219 : i32 to index
        %get3A_1221 = arith.constant 16 : index
        %get3A_1222 = tpu.vector_load %arg7[%get3A_1220, %get3A_1221] {strides = array<i32>} : memref<1024x32xf32, #tpu.memory_space<vmem>>, vector<1x16xf32>,
        %get3A_1223 = vector.shape_cast %get3A_1222 : vector<1x16xf32> to vector<16xf32>
        %mul3A_1224 = arith.mulf %get3A_1223, %mul3A_966 : vector<16xf32>
        %swap3A_1225 = arith.index_cast %add3A_1219 : i32 to index
        %swap3A_1226 = arith.constant 16 : index
        %swap3A_1227 = tpu.vector_load %arg7[%swap3A_1225, %swap3A_1226] {strides = array<i32>} : memref<1024x32xf32, #tpu.memory_space<vmem>>, vector<1x16xf32>,
        %swap3A_1228 = vector.shape_cast %swap3A_1227 : vector<1x16xf32> to vector<16xf32>
        %swap3A_1229 = vector.shape_cast %mul3A_1224 : vector<16xf32> to vector<1x16xf32>
        tpu.vector_store %arg7[%swap3A_1225, %swap3A_1226], %swap3A_1229 {strides = array<i32>} : memref<1024x32xf32, #tpu.memory_space<vmem>>, vector<1x16xf32>,
        %add3A_1230 = arith.constant 11 : i32
        %add3A_1231 = arith.addi %mul3A_490, %add3A_1230 : i32
        %get3A_1232 = arith.index_cast %add3A_1231 : i32 to index
        %get3A_1233 = arith.constant 0 : index
        %get3A_1234 = tpu.vector_load %arg7[%get3A_1232, %get3A_1233] {strides = array<i32>} : memref<1024x32xf32, #tpu.memory_space<vmem>>, vector<1x16xf32>,
        %get3A_1235 = vector.shape_cast %get3A_1234 : vector<1x16xf32> to vector<16xf32>
        %mul3A_1236 = arith.mulf %get3A_1235, %mul3A_966 : vector<16xf32>
        %swap3A_1237 = arith.index_cast %add3A_1231 : i32 to index
        %swap3A_1238 = arith.constant 0 : index
        %swap3A_1239 = tpu.vector_load %arg7[%swap3A_1237, %swap3A_1238] {strides = array<i32>} : memref<1024x32xf32, #tpu.memory_space<vmem>>, vector<1x16xf32>,
        %swap3A_1240 = vector.shape_cast %swap3A_1239 : vector<1x16xf32> to vector<16xf32>
        %swap3A_1241 = vector.shape_cast %mul3A_1236 : vector<16xf32> to vector<1x16xf32>
        tpu.vector_store %arg7[%swap3A_1237, %swap3A_1238], %swap3A_1241 {strides = array<i32>} : memref<1024x32xf32, #tpu.memory_space<vmem>>, vector<1x16xf32>,
        %add3A_1242 = arith.constant 11 : i32
        %add3A_1243 = arith.addi %mul3A_490, %add3A_1242 : i32
        %get3A_1244 = arith.index_cast %add3A_1243 : i32 to index
        %get3A_1245 = arith.constant 16 : index
        %get3A_1246 = tpu.vector_load %arg7[%get3A_1244, %get3A_1245] {strides = array<i32>} : memref<1024x32xf32, #tpu.memory_space<vmem>>, vector<1x16xf32>,
        %get3A_1247 = vector.shape_cast %get3A_1246 : vector<1x16xf32> to vector<16xf32>
        %mul3A_1248 = arith.mulf %get3A_1247, %mul3A_966 : vector<16xf32>
        %swap3A_1249 = arith.index_cast %add3A_1243 : i32 to index
        %swap3A_1250 = arith.constant 16 : index
        %swap3A_1251 = tpu.vector_load %arg7[%swap3A_1249, %swap3A_1250] {strides = array<i32>} : memref<1024x32xf32, #tpu.memory_space<vmem>>, vector<1x16xf32>,
        %swap3A_1252 = vector.shape_cast %swap3A_1251 : vector<1x16xf32> to vector<16xf32>
        %swap3A_1253 = vector.shape_cast %mul3A_1248 : vector<16xf32> to vector<1x16xf32>
        tpu.vector_store %arg7[%swap3A_1249, %swap3A_1250], %swap3A_1253 {strides = array<i32>} : memref<1024x32xf32, #tpu.memory_space<vmem>>, vector<1x16xf32>,
        %add3A_1254 = arith.constant 12 : i32
        %add3A_1255 = arith.addi %mul3A_490, %add3A_1254 : i32
        %get3A_1256 = arith.index_cast %add3A_1255 : i32 to index
        %get3A_1257 = arith.constant 0 : index
        %get3A_1258 = tpu.vector_load %arg7[%get3A_1256, %get3A_1257] {strides = array<i32>} : memref<1024x32xf32, #tpu.memory_space<vmem>>, vector<1x16xf32>,
        %get3A_1259 = vector.shape_cast %get3A_1258 : vector<1x16xf32> to vector<16xf32>
        %mul3A_1260 = arith.mulf %get3A_1259, %mul3A_966 : vector<16xf32>
        %swap3A_1261 = arith.index_cast %add3A_1255 : i32 to index
        %swap3A_1262 = arith.constant 0 : index
        %swap3A_1263 = tpu.vector_load %arg7[%swap3A_1261, %swap3A_1262] {strides = array<i32>} : memref<1024x32xf32, #tpu.memory_space<vmem>>, vector<1x16xf32>,
        %swap3A_1264 = vector.shape_cast %swap3A_1263 : vector<1x16xf32> to vector<16xf32>
        %swap3A_1265 = vector.shape_cast %mul3A_1260 : vector<16xf32> to vector<1x16xf32>
        tpu.vector_store %arg7[%swap3A_1261, %swap3A_1262], %swap3A_1265 {strides = array<i32>} : memref<1024x32xf32, #tpu.memory_space<vmem>>, vector<1x16xf32>,
        %add3A_1266 = arith.constant 12 : i32
        %add3A_1267 = arith.addi %mul3A_490, %add3A_1266 : i32
        %get3A_1268 = arith.index_cast %add3A_1267 : i32 to index
        %get3A_1269 = arith.constant 16 : index
        %get3A_1270 = tpu.vector_load %arg7[%get3A_1268, %get3A_1269] {strides = array<i32>} : memref<1024x32xf32, #tpu.memory_space<vmem>>, vector<1x16xf32>,
        %get3A_1271 = vector.shape_cast %get3A_1270 : vector<1x16xf32> to vector<16xf32>
        %mul3A_1272 = arith.mulf %get3A_1271, %mul3A_966 : vector<16xf32>
        %swap3A_1273 = arith.index_cast %add3A_1267 : i32 to index
        %swap3A_1274 = arith.constant 16 : index
        %swap3A_1275 = tpu.vector_load %arg7[%swap3A_1273, %swap3A_1274] {strides = array<i32>} : memref<1024x32xf32, #tpu.memory_space<vmem>>, vector<1x16xf32>,
        %swap3A_1276 = vector.shape_cast %swap3A_1275 : vector<1x16xf32> to vector<16xf32>
        %swap3A_1277 = vector.shape_cast %mul3A_1272 : vector<16xf32> to vector<1x16xf32>
        tpu.vector_store %arg7[%swap3A_1273, %swap3A_1274], %swap3A_1277 {strides = array<i32>} : memref<1024x32xf32, #tpu.memory_space<vmem>>, vector<1x16xf32>,
        %add3A_1278 = arith.constant 13 : i32
        %add3A_1279 = arith.addi %mul3A_490, %add3A_1278 : i32
        %get3A_1280 = arith.index_cast %add3A_1279 : i32 to index
        %get3A_1281 = arith.constant 0 : index
        %get3A_1282 = tpu.vector_load %arg7[%get3A_1280, %get3A_1281] {strides = array<i32>} : memref<1024x32xf32, #tpu.memory_space<vmem>>, vector<1x16xf32>,
        %get3A_1283 = vector.shape_cast %get3A_1282 : vector<1x16xf32> to vector<16xf32>
        %mul3A_1284 = arith.mulf %get3A_1283, %mul3A_966 : vector<16xf32>
        %swap3A_1285 = arith.index_cast %add3A_1279 : i32 to index
        %swap3A_1286 = arith.constant 0 : index
        %swap3A_1287 = tpu.vector_load %arg7[%swap3A_1285, %swap3A_1286] {strides = array<i32>} : memref<1024x32xf32, #tpu.memory_space<vmem>>, vector<1x16xf32>,
        %swap3A_1288 = vector.shape_cast %swap3A_1287 : vector<1x16xf32> to vector<16xf32>
        %swap3A_1289 = vector.shape_cast %mul3A_1284 : vector<16xf32> to vector<1x16xf32>
        tpu.vector_store %arg7[%swap3A_1285, %swap3A_1286], %swap3A_1289 {strides = array<i32>} : memref<1024x32xf32, #tpu.memory_space<vmem>>, vector<1x16xf32>,
        %add3A_1290 = arith.constant 13 : i32
        %add3A_1291 = arith.addi %mul3A_490, %add3A_1290 : i32
        %get3A_1292 = arith.index_cast %add3A_1291 : i32 to index
        %get3A_1293 = arith.constant 16 : index
        %get3A_1294 = tpu.vector_load %arg7[%get3A_1292, %get3A_1293] {strides = array<i32>} : memref<1024x32xf32, #tpu.memory_space<vmem>>, vector<1x16xf32>,
        %get3A_1295 = vector.shape_cast %get3A_1294 : vector<1x16xf32> to vector<16xf32>
        %mul3A_1296 = arith.mulf %get3A_1295, %mul3A_966 : vector<16xf32>
        %swap3A_1297 = arith.index_cast %add3A_1291 : i32 to index
        %swap3A_1298 = arith.constant 16 : index
        %swap3A_1299 = tpu.vector_load %arg7[%swap3A_1297, %swap3A_1298] {strides = array<i32>} : memref<1024x32xf32, #tpu.memory_space<vmem>>, vector<1x16xf32>,
        %swap3A_1300 = vector.shape_cast %swap3A_1299 : vector<1x16xf32> to vector<16xf32>
        %swap3A_1301 = vector.shape_cast %mul3A_1296 : vector<16xf32> to vector<1x16xf32>
        tpu.vector_store %arg7[%swap3A_1297, %swap3A_1298], %swap3A_1301 {strides = array<i32>} : memref<1024x32xf32, #tpu.memory_space<vmem>>, vector<1x16xf32>,
        %add3A_1302 = arith.constant 14 : i32
        %add3A_1303 = arith.addi %mul3A_490, %add3A_1302 : i32
        %get3A_1304 = arith.index_cast %add3A_1303 : i32 to index
        %get3A_1305 = arith.constant 0 : index
        %get3A_1306 = tpu.vector_load %arg7[%get3A_1304, %get3A_1305] {strides = array<i32>} : memref<1024x32xf32, #tpu.memory_space<vmem>>, vector<1x16xf32>,
        %get3A_1307 = vector.shape_cast %get3A_1306 : vector<1x16xf32> to vector<16xf32>
        %mul3A_1308 = arith.mulf %get3A_1307, %mul3A_966 : vector<16xf32>
        %swap3A_1309 = arith.index_cast %add3A_1303 : i32 to index
        %swap3A_1310 = arith.constant 0 : index
        %swap3A_1311 = tpu.vector_load %arg7[%swap3A_1309, %swap3A_1310] {strides = array<i32>} : memref<1024x32xf32, #tpu.memory_space<vmem>>, vector<1x16xf32>,
        %swap3A_1312 = vector.shape_cast %swap3A_1311 : vector<1x16xf32> to vector<16xf32>
        %swap3A_1313 = vector.shape_cast %mul3A_1308 : vector<16xf32> to vector<1x16xf32>
        tpu.vector_store %arg7[%swap3A_1309, %swap3A_1310], %swap3A_1313 {strides = array<i32>} : memref<1024x32xf32, #tpu.memory_space<vmem>>, vector<1x16xf32>,
        %add3A_1314 = arith.constant 14 : i32
        %add3A_1315 = arith.addi %mul3A_490, %add3A_1314 : i32
        %get3A_1316 = arith.index_cast %add3A_1315 : i32 to index
        %get3A_1317 = arith.constant 16 : index
        %get3A_1318 = tpu.vector_load %arg7[%get3A_1316, %get3A_1317] {strides = array<i32>} : memref<1024x32xf32, #tpu.memory_space<vmem>>, vector<1x16xf32>,
        %get3A_1319 = vector.shape_cast %get3A_1318 : vector<1x16xf32> to vector<16xf32>
        %mul3A_1320 = arith.mulf %get3A_1319, %mul3A_966 : vector<16xf32>
        %swap3A_1321 = arith.index_cast %add3A_1315 : i32 to index
        %swap3A_1322 = arith.constant 16 : index
        %swap3A_1323 = tpu.vector_load %arg7[%swap3A_1321, %swap3A_1322] {strides = array<i32>} : memref<1024x32xf32, #tpu.memory_space<vmem>>, vector<1x16xf32>,
        %swap3A_1324 = vector.shape_cast %swap3A_1323 : vector<1x16xf32> to vector<16xf32>
        %swap3A_1325 = vector.shape_cast %mul3A_1320 : vector<16xf32> to vector<1x16xf32>
        tpu.vector_store %arg7[%swap3A_1321, %swap3A_1322], %swap3A_1325 {strides = array<i32>} : memref<1024x32xf32, #tpu.memory_space<vmem>>, vector<1x16xf32>,
        %add3A_1326 = arith.constant 15 : i32
        %add3A_1327 = arith.addi %mul3A_490, %add3A_1326 : i32
        %get3A_1328 = arith.index_cast %add3A_1327 : i32 to index
        %get3A_1329 = arith.constant 0 : index
        %get3A_1330 = tpu.vector_load %arg7[%get3A_1328, %get3A_1329] {strides = array<i32>} : memref<1024x32xf32, #tpu.memory_space<vmem>>, vector<1x16xf32>,
        %get3A_1331 = vector.shape_cast %get3A_1330 : vector<1x16xf32> to vector<16xf32>
        %mul3A_1332 = arith.mulf %get3A_1331, %mul3A_966 : vector<16xf32>
        %swap3A_1333 = arith.index_cast %add3A_1327 : i32 to index
        %swap3A_1334 = arith.constant 0 : index
        %swap3A_1335 = tpu.vector_load %arg7[%swap3A_1333, %swap3A_1334] {strides = array<i32>} : memref<1024x32xf32, #tpu.memory_space<vmem>>, vector<1x16xf32>,
        %swap3A_1336 = vector.shape_cast %swap3A_1335 : vector<1x16xf32> to vector<16xf32>
        %swap3A_1337 = vector.shape_cast %mul3A_1332 : vector<16xf32> to vector<1x16xf32>
        tpu.vector_store %arg7[%swap3A_1333, %swap3A_1334], %swap3A_1337 {strides = array<i32>} : memref<1024x32xf32, #tpu.memory_space<vmem>>, vector<1x16xf32>,
        %add3A_1338 = arith.constant 15 : i32
        %add3A_1339 = arith.addi %mul3A_490, %add3A_1338 : i32
        %get3A_1340 = arith.index_cast %add3A_1339 : i32 to index
        %get3A_1341 = arith.constant 16 : index
        %get3A_1342 = tpu.vector_load %arg7[%get3A_1340, %get3A_1341] {strides = array<i32>} : memref<1024x32xf32, #tpu.memory_space<vmem>>, vector<1x16xf32>,
        %get3A_1343 = vector.shape_cast %get3A_1342 : vector<1x16xf32> to vector<16xf32>
        %mul3A_1344 = arith.mulf %get3A_1343, %mul3A_966 : vector<16xf32>
        %swap3A_1345 = arith.index_cast %add3A_1339 : i32 to index
        %swap3A_1346 = arith.constant 16 : index
        %swap3A_1347 = tpu.vector_load %arg7[%swap3A_1345, %swap3A_1346] {strides = array<i32>} : memref<1024x32xf32, #tpu.memory_space<vmem>>, vector<1x16xf32>,
        %swap3A_1348 = vector.shape_cast %swap3A_1347 : vector<1x16xf32> to vector<16xf32>
        %swap3A_1349 = vector.shape_cast %mul3A_1344 : vector<16xf32> to vector<1x16xf32>
        tpu.vector_store %arg7[%swap3A_1345, %swap3A_1346], %swap3A_1349 {strides = array<i32>} : memref<1024x32xf32, #tpu.memory_space<vmem>>, vector<1x16xf32>,
        %add3A_1350 = arith.constant 16 : i32
        %add3A_1351 = arith.addi %mul3A_490, %add3A_1350 : i32
        %get3A_1352 = arith.index_cast %add3A_1351 : i32 to index
        %get3A_1353 = arith.constant 0 : index
        %get3A_1354 = tpu.vector_load %arg7[%get3A_1352, %get3A_1353] {strides = array<i32>} : memref<1024x32xf32, #tpu.memory_space<vmem>>, vector<1x16xf32>,
        %get3A_1355 = vector.shape_cast %get3A_1354 : vector<1x16xf32> to vector<16xf32>
        %mul3A_1356 = arith.mulf %get3A_1355, %mul3A_966 : vector<16xf32>
        %swap3A_1357 = arith.index_cast %add3A_1351 : i32 to index
        %swap3A_1358 = arith.constant 0 : index
        %swap3A_1359 = tpu.vector_load %arg7[%swap3A_1357, %swap3A_1358] {strides = array<i32>} : memref<1024x32xf32, #tpu.memory_space<vmem>>, vector<1x16xf32>,
        %swap3A_1360 = vector.shape_cast %swap3A_1359 : vector<1x16xf32> to vector<16xf32>
        %swap3A_1361 = vector.shape_cast %mul3A_1356 : vector<16xf32> to vector<1x16xf32>
        tpu.vector_store %arg7[%swap3A_1357, %swap3A_1358], %swap3A_1361 {strides = array<i32>} : memref<1024x32xf32, #tpu.memory_space<vmem>>, vector<1x16xf32>,
        %add3A_1362 = arith.constant 16 : i32
        %add3A_1363 = arith.addi %mul3A_490, %add3A_1362 : i32
        %get3A_1364 = arith.index_cast %add3A_1363 : i32 to index
        %get3A_1365 = arith.constant 16 : index
        %get3A_1366 = tpu.vector_load %arg7[%get3A_1364, %get3A_1365] {strides = array<i32>} : memref<1024x32xf32, #tpu.memory_space<vmem>>, vector<1x16xf32>,
        %get3A_1367 = vector.shape_cast %get3A_1366 : vector<1x16xf32> to vector<16xf32>
        %mul3A_1368 = arith.mulf %get3A_1367, %mul3A_966 : vector<16xf32>
        %swap3A_1369 = arith.index_cast %add3A_1363 : i32 to index
        %swap3A_1370 = arith.constant 16 : index
        %swap3A_1371 = tpu.vector_load %arg7[%swap3A_1369, %swap3A_1370] {strides = array<i32>} : memref<1024x32xf32, #tpu.memory_space<vmem>>, vector<1x16xf32>,
        %swap3A_1372 = vector.shape_cast %swap3A_1371 : vector<1x16xf32> to vector<16xf32>
        %swap3A_1373 = vector.shape_cast %mul3A_1368 : vector<16xf32> to vector<1x16xf32>
        tpu.vector_store %arg7[%swap3A_1369, %swap3A_1370], %swap3A_1373 {strides = array<i32>} : memref<1024x32xf32, #tpu.memory_space<vmem>>, vector<1x16xf32>,
        %add3A_1374 = arith.constant 17 : i32
        %add3A_1375 = arith.addi %mul3A_490, %add3A_1374 : i32
        %get3A_1376 = arith.index_cast %add3A_1375 : i32 to index
        %get3A_1377 = arith.constant 0 : index
        %get3A_1378 = tpu.vector_load %arg7[%get3A_1376, %get3A_1377] {strides = array<i32>} : memref<1024x32xf32, #tpu.memory_space<vmem>>, vector<1x16xf32>,
        %get3A_1379 = vector.shape_cast %get3A_1378 : vector<1x16xf32> to vector<16xf32>
        %mul3A_1380 = arith.mulf %get3A_1379, %mul3A_966 : vector<16xf32>
        %swap3A_1381 = arith.index_cast %add3A_1375 : i32 to index
        %swap3A_1382 = arith.constant 0 : index
        %swap3A_1383 = tpu.vector_load %arg7[%swap3A_1381, %swap3A_1382] {strides = array<i32>} : memref<1024x32xf32, #tpu.memory_space<vmem>>, vector<1x16xf32>,
        %swap3A_1384 = vector.shape_cast %swap3A_1383 : vector<1x16xf32> to vector<16xf32>
        %swap3A_1385 = vector.shape_cast %mul3A_1380 : vector<16xf32> to vector<1x16xf32>
        tpu.vector_store %arg7[%swap3A_1381, %swap3A_1382], %swap3A_1385 {strides = array<i32>} : memref<1024x32xf32, #tpu.memory_space<vmem>>, vector<1x16xf32>,
        %add3A_1386 = arith.constant 17 : i32
        %add3A_1387 = arith.addi %mul3A_490, %add3A_1386 : i32
        %get3A_1388 = arith.index_cast %add3A_1387 : i32 to index
        %get3A_1389 = arith.constant 16 : index
        %get3A_1390 = tpu.vector_load %arg7[%get3A_1388, %get3A_1389] {strides = array<i32>} : memref<1024x32xf32, #tpu.memory_space<vmem>>, vector<1x16xf32>,
        %get3A_1391 = vector.shape_cast %get3A_1390 : vector<1x16xf32> to vector<16xf32>
        %mul3A_1392 = arith.mulf %get3A_1391, %mul3A_966 : vector<16xf32>
        %swap3A_1393 = arith.index_cast %add3A_1387 : i32 to index
        %swap3A_1394 = arith.constant 16 : index
        %swap3A_1395 = tpu.vector_load %arg7[%swap3A_1393, %swap3A_1394] {strides = array<i32>} : memref<1024x32xf32, #tpu.memory_space<vmem>>, vector<1x16xf32>,
        %swap3A_1396 = vector.shape_cast %swap3A_1395 : vector<1x16xf32> to vector<16xf32>
        %swap3A_1397 = vector.shape_cast %mul3A_1392 : vector<16xf32> to vector<1x16xf32>
        tpu.vector_store %arg7[%swap3A_1393, %swap3A_1394], %swap3A_1397 {strides = array<i32>} : memref<1024x32xf32, #tpu.memory_space<vmem>>, vector<1x16xf32>,
        %add3A_1398 = arith.constant 18 : i32
        %add3A_1399 = arith.addi %mul3A_490, %add3A_1398 : i32
        %get3A_1400 = arith.index_cast %add3A_1399 : i32 to index
        %get3A_1401 = arith.constant 0 : index
        %get3A_1402 = tpu.vector_load %arg7[%get3A_1400, %get3A_1401] {strides = array<i32>} : memref<1024x32xf32, #tpu.memory_space<vmem>>, vector<1x16xf32>,
        %get3A_1403 = vector.shape_cast %get3A_1402 : vector<1x16xf32> to vector<16xf32>
        %mul3A_1404 = arith.mulf %get3A_1403, %mul3A_966 : vector<16xf32>
        %swap3A_1405 = arith.index_cast %add3A_1399 : i32 to index
        %swap3A_1406 = arith.constant 0 : index
        %swap3A_1407 = tpu.vector_load %arg7[%swap3A_1405, %swap3A_1406] {strides = array<i32>} : memref<1024x32xf32, #tpu.memory_space<vmem>>, vector<1x16xf32>,
        %swap3A_1408 = vector.shape_cast %swap3A_1407 : vector<1x16xf32> to vector<16xf32>
        %swap3A_1409 = vector.shape_cast %mul3A_1404 : vector<16xf32> to vector<1x16xf32>
        tpu.vector_store %arg7[%swap3A_1405, %swap3A_1406], %swap3A_1409 {strides = array<i32>} : memref<1024x32xf32, #tpu.memory_space<vmem>>, vector<1x16xf32>,
        %add3A_1410 = arith.constant 18 : i32
        %add3A_1411 = arith.addi %mul3A_490, %add3A_1410 : i32
        %get3A_1412 = arith.index_cast %add3A_1411 : i32 to index
        %get3A_1413 = arith.constant 16 : index
        %get3A_1414 = tpu.vector_load %arg7[%get3A_1412, %get3A_1413] {strides = array<i32>} : memref<1024x32xf32, #tpu.memory_space<vmem>>, vector<1x16xf32>,
        %get3A_1415 = vector.shape_cast %get3A_1414 : vector<1x16xf32> to vector<16xf32>
        %mul3A_1416 = arith.mulf %get3A_1415, %mul3A_966 : vector<16xf32>
        %swap3A_1417 = arith.index_cast %add3A_1411 : i32 to index
        %swap3A_1418 = arith.constant 16 : index
        %swap3A_1419 = tpu.vector_load %arg7[%swap3A_1417, %swap3A_1418] {strides = array<i32>} : memref<1024x32xf32, #tpu.memory_space<vmem>>, vector<1x16xf32>,
        %swap3A_1420 = vector.shape_cast %swap3A_1419 : vector<1x16xf32> to vector<16xf32>
        %swap3A_1421 = vector.shape_cast %mul3A_1416 : vector<16xf32> to vector<1x16xf32>
        tpu.vector_store %arg7[%swap3A_1417, %swap3A_1418], %swap3A_1421 {strides = array<i32>} : memref<1024x32xf32, #tpu.memory_space<vmem>>, vector<1x16xf32>,
        %add3A_1422 = arith.constant 19 : i32
        %add3A_1423 = arith.addi %mul3A_490, %add3A_1422 : i32
        %get3A_1424 = arith.index_cast %add3A_1423 : i32 to index
        %get3A_1425 = arith.constant 0 : index
        %get3A_1426 = tpu.vector_load %arg7[%get3A_1424, %get3A_1425] {strides = array<i32>} : memref<1024x32xf32, #tpu.memory_space<vmem>>, vector<1x16xf32>,
        %get3A_1427 = vector.shape_cast %get3A_1426 : vector<1x16xf32> to vector<16xf32>
        %mul3A_1428 = arith.mulf %get3A_1427, %mul3A_966 : vector<16xf32>
        %swap3A_1429 = arith.index_cast %add3A_1423 : i32 to index
        %swap3A_1430 = arith.constant 0 : index
        %swap3A_1431 = tpu.vector_load %arg7[%swap3A_1429, %swap3A_1430] {strides = array<i32>} : memref<1024x32xf32, #tpu.memory_space<vmem>>, vector<1x16xf32>,
        %swap3A_1432 = vector.shape_cast %swap3A_1431 : vector<1x16xf32> to vector<16xf32>
        %swap3A_1433 = vector.shape_cast %mul3A_1428 : vector<16xf32> to vector<1x16xf32>
        tpu.vector_store %arg7[%swap3A_1429, %swap3A_1430], %swap3A_1433 {strides = array<i32>} : memref<1024x32xf32, #tpu.memory_space<vmem>>, vector<1x16xf32>,
        %add3A_1434 = arith.constant 19 : i32
        %add3A_1435 = arith.addi %mul3A_490, %add3A_1434 : i32
        %get3A_1436 = arith.index_cast %add3A_1435 : i32 to index
        %get3A_1437 = arith.constant 16 : index
        %get3A_1438 = tpu.vector_load %arg7[%get3A_1436, %get3A_1437] {strides = array<i32>} : memref<1024x32xf32, #tpu.memory_space<vmem>>, vector<1x16xf32>,
        %get3A_1439 = vector.shape_cast %get3A_1438 : vector<1x16xf32> to vector<16xf32>
        %mul3A_1440 = arith.mulf %get3A_1439, %mul3A_966 : vector<16xf32>
        %swap3A_1441 = arith.index_cast %add3A_1435 : i32 to index
        %swap3A_1442 = arith.constant 16 : index
        %swap3A_1443 = tpu.vector_load %arg7[%swap3A_1441, %swap3A_1442] {strides = array<i32>} : memref<1024x32xf32, #tpu.memory_space<vmem>>, vector<1x16xf32>,
        %swap3A_1444 = vector.shape_cast %swap3A_1443 : vector<1x16xf32> to vector<16xf32>
        %swap3A_1445 = vector.shape_cast %mul3A_1440 : vector<16xf32> to vector<1x16xf32>
        tpu.vector_store %arg7[%swap3A_1441, %swap3A_1442], %swap3A_1445 {strides = array<i32>} : memref<1024x32xf32, #tpu.memory_space<vmem>>, vector<1x16xf32>,
        %add3A_1446 = arith.constant 20 : i32
        %add3A_1447 = arith.addi %mul3A_490, %add3A_1446 : i32
        %get3A_1448 = arith.index_cast %add3A_1447 : i32 to index
        %get3A_1449 = arith.constant 0 : index
        %get3A_1450 = tpu.vector_load %arg7[%get3A_1448, %get3A_1449] {strides = array<i32>} : memref<1024x32xf32, #tpu.memory_space<vmem>>, vector<1x16xf32>,
        %get3A_1451 = vector.shape_cast %get3A_1450 : vector<1x16xf32> to vector<16xf32>
        %mul3A_1452 = arith.mulf %get3A_1451, %mul3A_966 : vector<16xf32>
        %swap3A_1453 = arith.index_cast %add3A_1447 : i32 to index
        %swap3A_1454 = arith.constant 0 : index
        %swap3A_1455 = tpu.vector_load %arg7[%swap3A_1453, %swap3A_1454] {strides = array<i32>} : memref<1024x32xf32, #tpu.memory_space<vmem>>, vector<1x16xf32>,
        %swap3A_1456 = vector.shape_cast %swap3A_1455 : vector<1x16xf32> to vector<16xf32>
        %swap3A_1457 = vector.shape_cast %mul3A_1452 : vector<16xf32> to vector<1x16xf32>
        tpu.vector_store %arg7[%swap3A_1453, %swap3A_1454], %swap3A_1457 {strides = array<i32>} : memref<1024x32xf32, #tpu.memory_space<vmem>>, vector<1x16xf32>,
        %add3A_1458 = arith.constant 20 : i32
        %add3A_1459 = arith.addi %mul3A_490, %add3A_1458 : i32
        %get3A_1460 = arith.index_cast %add3A_1459 : i32 to index
        %get3A_1461 = arith.constant 16 : index
        %get3A_1462 = tpu.vector_load %arg7[%get3A_1460, %get3A_1461] {strides = array<i32>} : memref<1024x32xf32, #tpu.memory_space<vmem>>, vector<1x16xf32>,
        %get3A_1463 = vector.shape_cast %get3A_1462 : vector<1x16xf32> to vector<16xf32>
        %mul3A_1464 = arith.mulf %get3A_1463, %mul3A_966 : vector<16xf32>
        %swap3A_1465 = arith.index_cast %add3A_1459 : i32 to index
        %swap3A_1466 = arith.constant 16 : index
        %swap3A_1467 = tpu.vector_load %arg7[%swap3A_1465, %swap3A_1466] {strides = array<i32>} : memref<1024x32xf32, #tpu.memory_space<vmem>>, vector<1x16xf32>,
        %swap3A_1468 = vector.shape_cast %swap3A_1467 : vector<1x16xf32> to vector<16xf32>
        %swap3A_1469 = vector.shape_cast %mul3A_1464 : vector<16xf32> to vector<1x16xf32>
        tpu.vector_store %arg7[%swap3A_1465, %swap3A_1466], %swap3A_1469 {strides = array<i32>} : memref<1024x32xf32, #tpu.memory_space<vmem>>, vector<1x16xf32>,
        %add3A_1470 = arith.constant 21 : i32
        %add3A_1471 = arith.addi %mul3A_490, %add3A_1470 : i32
        %get3A_1472 = arith.index_cast %add3A_1471 : i32 to index
        %get3A_1473 = arith.constant 0 : index
        %get3A_1474 = tpu.vector_load %arg7[%get3A_1472, %get3A_1473] {strides = array<i32>} : memref<1024x32xf32, #tpu.memory_space<vmem>>, vector<1x16xf32>,
        %get3A_1475 = vector.shape_cast %get3A_1474 : vector<1x16xf32> to vector<16xf32>
        %mul3A_1476 = arith.mulf %get3A_1475, %mul3A_966 : vector<16xf32>
        %swap3A_1477 = arith.index_cast %add3A_1471 : i32 to index
        %swap3A_1478 = arith.constant 0 : index
        %swap3A_1479 = tpu.vector_load %arg7[%swap3A_1477, %swap3A_1478] {strides = array<i32>} : memref<1024x32xf32, #tpu.memory_space<vmem>>, vector<1x16xf32>,
        %swap3A_1480 = vector.shape_cast %swap3A_1479 : vector<1x16xf32> to vector<16xf32>
        %swap3A_1481 = vector.shape_cast %mul3A_1476 : vector<16xf32> to vector<1x16xf32>
        tpu.vector_store %arg7[%swap3A_1477, %swap3A_1478], %swap3A_1481 {strides = array<i32>} : memref<1024x32xf32, #tpu.memory_space<vmem>>, vector<1x16xf32>,
        %add3A_1482 = arith.constant 21 : i32
        %add3A_1483 = arith.addi %mul3A_490, %add3A_1482 : i32
        %get3A_1484 = arith.index_cast %add3A_1483 : i32 to index
        %get3A_1485 = arith.constant 16 : index
        %get3A_1486 = tpu.vector_load %arg7[%get3A_1484, %get3A_1485] {strides = array<i32>} : memref<1024x32xf32, #tpu.memory_space<vmem>>, vector<1x16xf32>,
        %get3A_1487 = vector.shape_cast %get3A_1486 : vector<1x16xf32> to vector<16xf32>
        %mul3A_1488 = arith.mulf %get3A_1487, %mul3A_966 : vector<16xf32>
        %swap3A_1489 = arith.index_cast %add3A_1483 : i32 to index
        %swap3A_1490 = arith.constant 16 : index
        %swap3A_1491 = tpu.vector_load %arg7[%swap3A_1489, %swap3A_1490] {strides = array<i32>} : memref<1024x32xf32, #tpu.memory_space<vmem>>, vector<1x16xf32>,
        %swap3A_1492 = vector.shape_cast %swap3A_1491 : vector<1x16xf32> to vector<16xf32>
        %swap3A_1493 = vector.shape_cast %mul3A_1488 : vector<16xf32> to vector<1x16xf32>
        tpu.vector_store %arg7[%swap3A_1489, %swap3A_1490], %swap3A_1493 {strides = array<i32>} : memref<1024x32xf32, #tpu.memory_space<vmem>>, vector<1x16xf32>,
        %add3A_1494 = arith.constant 22 : i32
        %add3A_1495 = arith.addi %mul3A_490, %add3A_1494 : i32
        %get3A_1496 = arith.index_cast %add3A_1495 : i32 to index
        %get3A_1497 = arith.constant 0 : index
        %get3A_1498 = tpu.vector_load %arg7[%get3A_1496, %get3A_1497] {strides = array<i32>} : memref<1024x32xf32, #tpu.memory_space<vmem>>, vector<1x16xf32>,
        %get3A_1499 = vector.shape_cast %get3A_1498 : vector<1x16xf32> to vector<16xf32>
        %mul3A_1500 = arith.mulf %get3A_1499, %mul3A_966 : vector<16xf32>
        %swap3A_1501 = arith.index_cast %add3A_1495 : i32 to index
        %swap3A_1502 = arith.constant 0 : index
        %swap3A_1503 = tpu.vector_load %arg7[%swap3A_1501, %swap3A_1502] {strides = array<i32>} : memref<1024x32xf32, #tpu.memory_space<vmem>>, vector<1x16xf32>,
        %swap3A_1504 = vector.shape_cast %swap3A_1503 : vector<1x16xf32> to vector<16xf32>
        %swap3A_1505 = vector.shape_cast %mul3A_1500 : vector<16xf32> to vector<1x16xf32>
        tpu.vector_store %arg7[%swap3A_1501, %swap3A_1502], %swap3A_1505 {strides = array<i32>} : memref<1024x32xf32, #tpu.memory_space<vmem>>, vector<1x16xf32>,
        %add3A_1506 = arith.constant 22 : i32
        %add3A_1507 = arith.addi %mul3A_490, %add3A_1506 : i32
        %get3A_1508 = arith.index_cast %add3A_1507 : i32 to index
        %get3A_1509 = arith.constant 16 : index
        %get3A_1510 = tpu.vector_load %arg7[%get3A_1508, %get3A_1509] {strides = array<i32>} : memref<1024x32xf32, #tpu.memory_space<vmem>>, vector<1x16xf32>,
        %get3A_1511 = vector.shape_cast %get3A_1510 : vector<1x16xf32> to vector<16xf32>
        %mul3A_1512 = arith.mulf %get3A_1511, %mul3A_966 : vector<16xf32>
        %swap3A_1513 = arith.index_cast %add3A_1507 : i32 to index
        %swap3A_1514 = arith.constant 16 : index
        %swap3A_1515 = tpu.vector_load %arg7[%swap3A_1513, %swap3A_1514] {strides = array<i32>} : memref<1024x32xf32, #tpu.memory_space<vmem>>, vector<1x16xf32>,
        %swap3A_1516 = vector.shape_cast %swap3A_1515 : vector<1x16xf32> to vector<16xf32>
        %swap3A_1517 = vector.shape_cast %mul3A_1512 : vector<16xf32> to vector<1x16xf32>
        tpu.vector_store %arg7[%swap3A_1513, %swap3A_1514], %swap3A_1517 {strides = array<i32>} : memref<1024x32xf32, #tpu.memory_space<vmem>>, vector<1x16xf32>,
        %add3A_1518 = arith.constant 23 : i32
        %add3A_1519 = arith.addi %mul3A_490, %add3A_1518 : i32
        %get3A_1520 = arith.index_cast %add3A_1519 : i32 to index
        %get3A_1521 = arith.constant 0 : index
        %get3A_1522 = tpu.vector_load %arg7[%get3A_1520, %get3A_1521] {strides = array<i32>} : memref<1024x32xf32, #tpu.memory_space<vmem>>, vector<1x16xf32>,
        %get3A_1523 = vector.shape_cast %get3A_1522 : vector<1x16xf32> to vector<16xf32>
        %mul3A_1524 = arith.mulf %get3A_1523, %mul3A_966 : vector<16xf32>
        %swap3A_1525 = arith.index_cast %add3A_1519 : i32 to index
        %swap3A_1526 = arith.constant 0 : index
        %swap3A_1527 = tpu.vector_load %arg7[%swap3A_1525, %swap3A_1526] {strides = array<i32>} : memref<1024x32xf32, #tpu.memory_space<vmem>>, vector<1x16xf32>,
        %swap3A_1528 = vector.shape_cast %swap3A_1527 : vector<1x16xf32> to vector<16xf32>
        %swap3A_1529 = vector.shape_cast %mul3A_1524 : vector<16xf32> to vector<1x16xf32>
        tpu.vector_store %arg7[%swap3A_1525, %swap3A_1526], %swap3A_1529 {strides = array<i32>} : memref<1024x32xf32, #tpu.memory_space<vmem>>, vector<1x16xf32>,
        %add3A_1530 = arith.constant 23 : i32
        %add3A_1531 = arith.addi %mul3A_490, %add3A_1530 : i32
        %get3A_1532 = arith.index_cast %add3A_1531 : i32 to index
        %get3A_1533 = arith.constant 16 : index
        %get3A_1534 = tpu.vector_load %arg7[%get3A_1532, %get3A_1533] {strides = array<i32>} : memref<1024x32xf32, #tpu.memory_space<vmem>>, vector<1x16xf32>,
        %get3A_1535 = vector.shape_cast %get3A_1534 : vector<1x16xf32> to vector<16xf32>
        %mul3A_1536 = arith.mulf %get3A_1535, %mul3A_966 : vector<16xf32>
        %swap3A_1537 = arith.index_cast %add3A_1531 : i32 to index
        %swap3A_1538 = arith.constant 16 : index
        %swap3A_1539 = tpu.vector_load %arg7[%swap3A_1537, %swap3A_1538] {strides = array<i32>} : memref<1024x32xf32, #tpu.memory_space<vmem>>, vector<1x16xf32>,
        %swap3A_1540 = vector.shape_cast %swap3A_1539 : vector<1x16xf32> to vector<16xf32>
        %swap3A_1541 = vector.shape_cast %mul3A_1536 : vector<16xf32> to vector<1x16xf32>
        tpu.vector_store %arg7[%swap3A_1537, %swap3A_1538], %swap3A_1541 {strides = array<i32>} : memref<1024x32xf32, #tpu.memory_space<vmem>>, vector<1x16xf32>,
        %add3A_1542 = arith.constant 24 : i32
        %add3A_1543 = arith.addi %mul3A_490, %add3A_1542 : i32
        %get3A_1544 = arith.index_cast %add3A_1543 : i32 to index
        %get3A_1545 = arith.constant 0 : index
        %get3A_1546 = tpu.vector_load %arg7[%get3A_1544, %get3A_1545] {strides = array<i32>} : memref<1024x32xf32, #tpu.memory_space<vmem>>, vector<1x16xf32>,
        %get3A_1547 = vector.shape_cast %get3A_1546 : vector<1x16xf32> to vector<16xf32>
        %mul3A_1548 = arith.mulf %get3A_1547, %mul3A_966 : vector<16xf32>
        %swap3A_1549 = arith.index_cast %add3A_1543 : i32 to index
        %swap3A_1550 = arith.constant 0 : index
        %swap3A_1551 = tpu.vector_load %arg7[%swap3A_1549, %swap3A_1550] {strides = array<i32>} : memref<1024x32xf32, #tpu.memory_space<vmem>>, vector<1x16xf32>,
        %swap3A_1552 = vector.shape_cast %swap3A_1551 : vector<1x16xf32> to vector<16xf32>
        %swap3A_1553 = vector.shape_cast %mul3A_1548 : vector<16xf32> to vector<1x16xf32>
        tpu.vector_store %arg7[%swap3A_1549, %swap3A_1550], %swap3A_1553 {strides = array<i32>} : memref<1024x32xf32, #tpu.memory_space<vmem>>, vector<1x16xf32>,
        %add3A_1554 = arith.constant 24 : i32
        %add3A_1555 = arith.addi %mul3A_490, %add3A_1554 : i32
        %get3A_1556 = arith.index_cast %add3A_1555 : i32 to index
        %get3A_1557 = arith.constant 16 : index
        %get3A_1558 = tpu.vector_load %arg7[%get3A_1556, %get3A_1557] {strides = array<i32>} : memref<1024x32xf32, #tpu.memory_space<vmem>>, vector<1x16xf32>,
        %get3A_1559 = vector.shape_cast %get3A_1558 : vector<1x16xf32> to vector<16xf32>
        %mul3A_1560 = arith.mulf %get3A_1559, %mul3A_966 : vector<16xf32>
        %swap3A_1561 = arith.index_cast %add3A_1555 : i32 to index
        %swap3A_1562 = arith.constant 16 : index
        %swap3A_1563 = tpu.vector_load %arg7[%swap3A_1561, %swap3A_1562] {strides = array<i32>} : memref<1024x32xf32, #tpu.memory_space<vmem>>, vector<1x16xf32>,
        %swap3A_1564 = vector.shape_cast %swap3A_1563 : vector<1x16xf32> to vector<16xf32>
        %swap3A_1565 = vector.shape_cast %mul3A_1560 : vector<16xf32> to vector<1x16xf32>
        tpu.vector_store %arg7[%swap3A_1561, %swap3A_1562], %swap3A_1565 {strides = array<i32>} : memref<1024x32xf32, #tpu.memory_space<vmem>>, vector<1x16xf32>,
        %add3A_1566 = arith.constant 25 : i32
        %add3A_1567 = arith.addi %mul3A_490, %add3A_1566 : i32
        %get3A_1568 = arith.index_cast %add3A_1567 : i32 to index
        %get3A_1569 = arith.constant 0 : index
        %get3A_1570 = tpu.vector_load %arg7[%get3A_1568, %get3A_1569] {strides = array<i32>} : memref<1024x32xf32, #tpu.memory_space<vmem>>, vector<1x16xf32>,
        %get3A_1571 = vector.shape_cast %get3A_1570 : vector<1x16xf32> to vector<16xf32>
        %mul3A_1572 = arith.mulf %get3A_1571, %mul3A_966 : vector<16xf32>
        %swap3A_1573 = arith.index_cast %add3A_1567 : i32 to index
        %swap3A_1574 = arith.constant 0 : index
        %swap3A_1575 = tpu.vector_load %arg7[%swap3A_1573, %swap3A_1574] {strides = array<i32>} : memref<1024x32xf32, #tpu.memory_space<vmem>>, vector<1x16xf32>,
        %swap3A_1576 = vector.shape_cast %swap3A_1575 : vector<1x16xf32> to vector<16xf32>
        %swap3A_1577 = vector.shape_cast %mul3A_1572 : vector<16xf32> to vector<1x16xf32>
        tpu.vector_store %arg7[%swap3A_1573, %swap3A_1574], %swap3A_1577 {strides = array<i32>} : memref<1024x32xf32, #tpu.memory_space<vmem>>, vector<1x16xf32>,
        %add3A_1578 = arith.constant 25 : i32
        %add3A_1579 = arith.addi %mul3A_490, %add3A_1578 : i32
        %get3A_1580 = arith.index_cast %add3A_1579 : i32 to index
        %get3A_1581 = arith.constant 16 : index
        %get3A_1582 = tpu.vector_load %arg7[%get3A_1580, %get3A_1581] {strides = array<i32>} : memref<1024x32xf32, #tpu.memory_space<vmem>>, vector<1x16xf32>,
        %get3A_1583 = vector.shape_cast %get3A_1582 : vector<1x16xf32> to vector<16xf32>
        %mul3A_1584 = arith.mulf %get3A_1583, %mul3A_966 : vector<16xf32>
        %swap3A_1585 = arith.index_cast %add3A_1579 : i32 to index
        %swap3A_1586 = arith.constant 16 : index
        %swap3A_1587 = tpu.vector_load %arg7[%swap3A_1585, %swap3A_1586] {strides = array<i32>} : memref<1024x32xf32, #tpu.memory_space<vmem>>, vector<1x16xf32>,
        %swap3A_1588 = vector.shape_cast %swap3A_1587 : vector<1x16xf32> to vector<16xf32>
        %swap3A_1589 = vector.shape_cast %mul3A_1584 : vector<16xf32> to vector<1x16xf32>
        tpu.vector_store %arg7[%swap3A_1585, %swap3A_1586], %swap3A_1589 {strides = array<i32>} : memref<1024x32xf32, #tpu.memory_space<vmem>>, vector<1x16xf32>,
      }
      %scan3A_474 = arith.constant 32 : i32
      %add3A_475 = arith.constant 1 : i32
      %add3A_476 = arith.addi %mul3A_119, %add3A_475 : i32
      %mul3A_477 = arith.constant 512 : i32
      %mul3A_478 = arith.muli %add3A, %mul3A_477 : i32
      %mul3A_479 = arith.constant 32 : i32
      %mul3A_480 = arith.muli %add3A_476, %mul3A_479 : i32
      %add3A_481 = arith.addi %mul3A_478, %mul3A_480 : i32
      %mul3A_482 = arith.constant 32 : i32
      %mul3A_483 = arith.muli %add3A_481, %mul3A_482 : i32
      %dma_start3A_484 = arith.constant 0 : i32
      %dma_start3A_485 = tpu.memref_slice %arg4[%mul3A_483, %dma_start3A_484] : memref<524288x32xf32, #tpu.memory_space<hbm>> -> memref<1024x32xf32, #tpu.memory_space<hbm>>
      %dma_start3A_486 = arith.constant 0 : i32
      %dma_start3A_487 = tpu.memref_slice %arg4[%mul3A_483, %dma_start3A_486] : memref<524288x32xf32, #tpu.memory_space<hbm>> -> memref<1024x32xf32, #tpu.memory_space<hbm>>
      tpu.enqueue_dma source(%arg7 : memref<1024x32xf32, #tpu.memory_space<vmem>>) target(%dma_start3A_487 : memref<1024x32xf32, #tpu.memory_space<hbm>>) target_semaphore(%arg12 : memref<!tpu.dma_semaphore, #tpu.memory_space<semaphore_mem>>)
    }
    %scan3A_105 = arith.constant 8 : i32
    %dma_wait3A = arith.constant 0 : i32
    %dma_wait3A_106 = arith.constant 0 : i32
    %dma_wait3A_107 = tpu.memref_slice %arg4[%dma_wait3A, %dma_wait3A_106] : memref<524288x32xf32, #tpu.memory_space<hbm>> -> memref<1024x32xf32, #tpu.memory_space<hbm>>
    %dma_wait3A_108 = arith.constant 0 : i32
    %dma_wait3A_109 = arith.constant 0 : i32
    %dma_wait3A_110 = tpu.memref_slice %arg4[%dma_wait3A_108, %dma_wait3A_109] : memref<524288x32xf32, #tpu.memory_space<hbm>> -> memref<1024x32xf32, #tpu.memory_space<hbm>>
    tpu.wait_dma2 semaphore(%arg12 : memref<!tpu.dma_semaphore, #tpu.memory_space<semaphore_mem>>) src(%arg7 : memref<1024x32xf32, #tpu.memory_space<vmem>>) dst(%dma_wait3A_110 : memref<1024x32xf32, #tpu.memory_space<hbm>>)
    %dma_wait3A_111 = arith.constant 0 : i32
    %dma_wait3A_112 = arith.constant 0 : i32
    %dma_wait3A_113 = tpu.memref_slice %arg3[%dma_wait3A_111, %dma_wait3A_112] : memref<1000192x32xf32, #tpu.memory_space<hbm>> -> memref<1024x32xf32, #tpu.memory_space<hbm>>
    %dma_wait3A_114 = arith.constant 0 : i32
    %dma_wait3A_115 = arith.constant 0 : i32
    %dma_wait3A_116 = tpu.memref_slice %arg3[%dma_wait3A_114, %dma_wait3A_115] : memref<1000192x32xf32, #tpu.memory_space<hbm>> -> memref<1024x32xf32, #tpu.memory_space<hbm>>
    tpu.wait_dma2 semaphore(%arg9 : memref<!tpu.dma_semaphore, #tpu.memory_space<semaphore_mem>>) src(%dma_wait3A_116 : memref<1024x32xf32, #tpu.memory_space<hbm>>) dst(%arg6 : memref<1024x32xf32, #tpu.memory_space<vmem>>)
    return
  }
}

module attributes {stable_mosaic.version = 14 : i64} {
  func.func @_transpose_body(%arg0: i32, %arg1: memref<32x11904xf32, #tpu.memory_space<vmem>>, %arg2: memref<32x11904xf32, #tpu.memory_space<vmem>>, %arg3: memref<32x11904xf32, #tpu.memory_space<vmem>>, %arg4: memref<32x11904xf32, #tpu.memory_space<vmem>>, %arg5: memref<11904x128xf32, #tpu.memory_space<vmem>>) attributes {dimension_semantics = [#tpu.dimension_semantics<arbitrary>], iteration_bounds = array<i64: 22>, scalar_prefetch = 0 : i64, scratch_operands = 0 : i64, tpu.core_type = #tpu.core_type<tc>, window_params = [{transform_indices = @transform_0, window_bounds = array<i64: 32, 11904>}, {transform_indices = @transform_1, window_bounds = array<i64: 32, 11904>}, {transform_indices = @transform_2, window_bounds = array<i64: 32, 11904>}, {transform_indices = @transform_3, window_bounds = array<i64: 32, 11904>}, {transform_indices = @transform_4, window_bounds = array<i64: 11904, 128>}]} {
    %get3A = arith.constant 0 : index
    %get3A_0 = arith.constant 0 : index
    %get3A_1 = vector.load %arg1[%get3A, %get3A_0] : memref<32x11904xf32, #tpu.memory_space<vmem>>, vector<32x11904xf32>
    %get3A_2 = arith.constant 0 : index
    %get3A_3 = arith.constant 0 : index
    %get3A_4 = vector.load %arg2[%get3A_2, %get3A_3] : memref<32x11904xf32, #tpu.memory_space<vmem>>, vector<32x11904xf32>
    %get3A_5 = arith.constant 0 : index
    %get3A_6 = arith.constant 0 : index
    %get3A_7 = vector.load %arg3[%get3A_5, %get3A_6] : memref<32x11904xf32, #tpu.memory_space<vmem>>, vector<32x11904xf32>
    %get3A_8 = arith.constant 0 : index
    %get3A_9 = arith.constant 0 : index
    %get3A_10 = vector.load %arg4[%get3A_8, %get3A_9] : memref<32x11904xf32, #tpu.memory_space<vmem>>, vector<32x11904xf32>
    %concatenate3A = tpu.concatenate %get3A_1, %get3A_4, %get3A_7, %get3A_10 in 0 : vector<32x11904xf32>, vector<32x11904xf32>, vector<32x11904xf32>, vector<32x11904xf32> -> vector<128x11904xf32>
    %transpose3A = tpu.transpose %concatenate3A, [1, 0] : vector<128x11904xf32> -> vector<11904x128xf32>
    %swap3A = arith.constant 0 : index
    %swap3A_11 = arith.constant 0 : index
    %swap3A_12 = vector.load %arg5[%swap3A, %swap3A_11] : memref<11904x128xf32, #tpu.memory_space<vmem>>, vector<11904x128xf32>
    tpu.vector_store %arg5[%swap3A, %swap3A_11], %transpose3A {strides = array<i32>} : memref<11904x128xf32, #tpu.memory_space<vmem>>, vector<11904x128xf32>,
    return
  }
  func.func @transform_0(%arg0: i32) -> (i32, i32) {
    %add3A = arith.constant 0 : i32
    %add3A_0 = arith.addi %add3A, %arg0 : i32
    %c0_i32 = arith.constant 0 : i32
    %c0_i32_1 = arith.constant 0 : i32
    return %c0_i32, %add3A_0 : i32, i32
  }
  func.func @transform_1(%arg0: i32) -> (i32, i32) {
    %add3A = arith.constant 21 : i32
    %add3A_0 = arith.addi %add3A, %arg0 : i32
    %c0_i32 = arith.constant 0 : i32
    %c0_i32_1 = arith.constant 0 : i32
    return %c0_i32, %add3A_0 : i32, i32
  }
  func.func @transform_2(%arg0: i32) -> (i32, i32) {
    %add3A = arith.constant 42 : i32
    %add3A_0 = arith.addi %add3A, %arg0 : i32
    %c0_i32 = arith.constant 0 : i32
    %c0_i32_1 = arith.constant 0 : i32
    return %c0_i32, %add3A_0 : i32, i32
  }
  func.func @transform_3(%arg0: i32) -> (i32, i32) {
    %add3A = arith.constant 63 : i32
    %add3A_0 = arith.addi %add3A, %arg0 : i32
    %c0_i32 = arith.constant 0 : i32
    %c0_i32_1 = arith.constant 0 : i32
    return %c0_i32, %add3A_0 : i32, i32
  }
  func.func @transform_4(%arg0: i32) -> (i32, i32) {
    %c0_i32 = arith.constant 0 : i32
    %c0_i32_0 = arith.constant 0 : i32
    return %arg0, %c0_i32 : i32, i32
  }
}

module attributes {stable_mosaic.version = 14 : i64} {
  func.func @_out_transpose_body(%arg0: i32, %arg1: memref<2048x8x128xf32, #tpu.memory_space<vmem>>, %arg2: memref<832x2048xf32, #tpu.memory_space<vmem>>) attributes {dimension_semantics = [#tpu.dimension_semantics<arbitrary>], iteration_bounds = array<i64: 8>, scalar_prefetch = 0 : i64, scratch_operands = 0 : i64, tpu.core_type = #tpu.core_type<tc>, window_params = [{transform_indices = @transform_0, window_bounds = array<i64: 2048, 8, 128>}, {transform_indices = @transform_1, window_bounds = array<i64: 832, 2048>}]} {
    %get3A = arith.constant 0 : index
    %get3A_0 = arith.constant 0 : index
    %get3A_1 = arith.constant 0 : index
    %get3A_2 = vector.load %arg1[%get3A, %get3A_0, %get3A_1] : memref<2048x8x128xf32, #tpu.memory_space<vmem>>, vector<2048x1x128xf32>
    %get3A_3 = vector.shape_cast %get3A_2 : vector<2048x1x128xf32> to vector<2048x128xf32>
    %transpose3A = tpu.transpose %get3A_3, [1, 0] : vector<2048x128xf32> -> vector<128x2048xf32>
    %swap3A = arith.constant 0 : index
    %swap3A_4 = arith.constant 0 : index
    %swap3A_5 = vector.load %arg2[%swap3A, %swap3A_4] : memref<832x2048xf32, #tpu.memory_space<vmem>>, vector<128x2048xf32>
    tpu.vector_store %arg2[%swap3A, %swap3A_4], %transpose3A {strides = array<i32>} : memref<832x2048xf32, #tpu.memory_space<vmem>>, vector<128x2048xf32>,
    %get3A_6 = arith.constant 0 : index
    %get3A_7 = arith.constant 1 : index
    %get3A_8 = arith.constant 0 : index
    %get3A_9 = vector.load %arg1[%get3A_6, %get3A_7, %get3A_8] : memref<2048x8x128xf32, #tpu.memory_space<vmem>>, vector<2048x1x128xf32>
    %get3A_10 = vector.shape_cast %get3A_9 : vector<2048x1x128xf32> to vector<2048x128xf32>
    %transpose3A_11 = tpu.transpose %get3A_10, [1, 0] : vector<2048x128xf32> -> vector<128x2048xf32>
    %swap3A_12 = arith.constant 128 : index
    %swap3A_13 = arith.constant 0 : index
    %swap3A_14 = vector.load %arg2[%swap3A_12, %swap3A_13] : memref<832x2048xf32, #tpu.memory_space<vmem>>, vector<128x2048xf32>
    tpu.vector_store %arg2[%swap3A_12, %swap3A_13], %transpose3A_11 {strides = array<i32>} : memref<832x2048xf32, #tpu.memory_space<vmem>>, vector<128x2048xf32>,
    %get3A_15 = arith.constant 0 : index
    %get3A_16 = arith.constant 2 : index
    %get3A_17 = arith.constant 0 : index
    %get3A_18 = vector.load %arg1[%get3A_15, %get3A_16, %get3A_17] : memref<2048x8x128xf32, #tpu.memory_space<vmem>>, vector<2048x1x128xf32>
    %get3A_19 = vector.shape_cast %get3A_18 : vector<2048x1x128xf32> to vector<2048x128xf32>
    %transpose3A_20 = tpu.transpose %get3A_19, [1, 0] : vector<2048x128xf32> -> vector<128x2048xf32>
    %swap3A_21 = arith.constant 256 : index
    %swap3A_22 = arith.constant 0 : index
    %swap3A_23 = vector.load %arg2[%swap3A_21, %swap3A_22] : memref<832x2048xf32, #tpu.memory_space<vmem>>, vector<128x2048xf32>
    tpu.vector_store %arg2[%swap3A_21, %swap3A_22], %transpose3A_20 {strides = array<i32>} : memref<832x2048xf32, #tpu.memory_space<vmem>>, vector<128x2048xf32>,
    %get3A_24 = arith.constant 0 : index
    %get3A_25 = arith.constant 3 : index
    %get3A_26 = arith.constant 0 : index
    %get3A_27 = vector.load %arg1[%get3A_24, %get3A_25, %get3A_26] : memref<2048x8x128xf32, #tpu.memory_space<vmem>>, vector<2048x1x128xf32>
    %get3A_28 = vector.shape_cast %get3A_27 : vector<2048x1x128xf32> to vector<2048x128xf32>
    %transpose3A_29 = tpu.transpose %get3A_28, [1, 0] : vector<2048x128xf32> -> vector<128x2048xf32>
    %swap3A_30 = arith.constant 384 : index
    %swap3A_31 = arith.constant 0 : index
    %swap3A_32 = vector.load %arg2[%swap3A_30, %swap3A_31] : memref<832x2048xf32, #tpu.memory_space<vmem>>, vector<128x2048xf32>
    tpu.vector_store %arg2[%swap3A_30, %swap3A_31], %transpose3A_29 {strides = array<i32>} : memref<832x2048xf32, #tpu.memory_space<vmem>>, vector<128x2048xf32>,
    %get3A_33 = arith.constant 0 : index
    %get3A_34 = arith.constant 4 : index
    %get3A_35 = arith.constant 0 : index
    %get3A_36 = vector.load %arg1[%get3A_33, %get3A_34, %get3A_35] : memref<2048x8x128xf32, #tpu.memory_space<vmem>>, vector<2048x1x128xf32>
    %get3A_37 = vector.shape_cast %get3A_36 : vector<2048x1x128xf32> to vector<2048x128xf32>
    %transpose3A_38 = tpu.transpose %get3A_37, [1, 0] : vector<2048x128xf32> -> vector<128x2048xf32>
    %swap3A_39 = arith.constant 512 : index
    %swap3A_40 = arith.constant 0 : index
    %swap3A_41 = vector.load %arg2[%swap3A_39, %swap3A_40] : memref<832x2048xf32, #tpu.memory_space<vmem>>, vector<128x2048xf32>
    tpu.vector_store %arg2[%swap3A_39, %swap3A_40], %transpose3A_38 {strides = array<i32>} : memref<832x2048xf32, #tpu.memory_space<vmem>>, vector<128x2048xf32>,
    %get3A_42 = arith.constant 0 : index
    %get3A_43 = arith.constant 5 : index
    %get3A_44 = arith.constant 0 : index
    %get3A_45 = vector.load %arg1[%get3A_42, %get3A_43, %get3A_44] : memref<2048x8x128xf32, #tpu.memory_space<vmem>>, vector<2048x1x128xf32>
    %get3A_46 = vector.shape_cast %get3A_45 : vector<2048x1x128xf32> to vector<2048x128xf32>
    %transpose3A_47 = tpu.transpose %get3A_46, [1, 0] : vector<2048x128xf32> -> vector<128x2048xf32>
    %swap3A_48 = arith.constant 640 : index
    %swap3A_49 = arith.constant 0 : index
    %swap3A_50 = vector.load %arg2[%swap3A_48, %swap3A_49] : memref<832x2048xf32, #tpu.memory_space<vmem>>, vector<128x2048xf32>
    tpu.vector_store %arg2[%swap3A_48, %swap3A_49], %transpose3A_47 {strides = array<i32>} : memref<832x2048xf32, #tpu.memory_space<vmem>>, vector<128x2048xf32>,
    %get3A_51 = arith.constant 0 : index
    %get3A_52 = arith.constant 6 : index
    %get3A_53 = arith.constant 0 : index
    %get3A_54 = vector.load %arg1[%get3A_51, %get3A_52, %get3A_53] : memref<2048x8x128xf32, #tpu.memory_space<vmem>>, vector<2048x1x128xf32>
    %get3A_55 = vector.shape_cast %get3A_54 : vector<2048x1x128xf32> to vector<2048x128xf32>
    %transpose3A_56 = tpu.transpose %get3A_55, [1, 0] : vector<2048x128xf32> -> vector<128x2048xf32>
    %slice3A = vector.extract_strided_slice %transpose3A_56 {offsets = [0, 0], sizes = [64, 2048], strides = [1, 1]} : vector<128x2048xf32> to vector<64x2048xf32>
    %swap3A_57 = arith.constant 768 : index
    %swap3A_58 = arith.constant 0 : index
    %swap3A_59 = vector.load %arg2[%swap3A_57, %swap3A_58] : memref<832x2048xf32, #tpu.memory_space<vmem>>, vector<64x2048xf32>
    tpu.vector_store %arg2[%swap3A_57, %swap3A_58], %slice3A {strides = array<i32>} : memref<832x2048xf32, #tpu.memory_space<vmem>>, vector<64x2048xf32>,
    return
  }
  func.func @transform_0(%arg0: i32) -> (i32, i32, i32) {
    %c0_i32 = arith.constant 0 : i32
    %c0_i32_0 = arith.constant 0 : i32
    %c0_i32_1 = arith.constant 0 : i32
    return %arg0, %c0_i32, %c0_i32_0 : i32, i32, i32
  }
  func.func @transform_1(%arg0: i32) -> (i32, i32) {
    %c0_i32 = arith.constant 0 : i32
    %c0_i32_0 = arith.constant 0 : i32
    return %c0_i32, %arg0 : i32, i32
  }
}

</mosaic_0001>

<sc_bundles>
// kernel: kernel.5.cloned.1.call-start
scs
__scs_entry_jumppad:
0x0: {  	(pc) =	sbr.rel $0x88, $3  }
0x1: {  	(tag) =	ssettag $0x0;
	lr =	simm.s32 $0x1  }
0x2: {  	[smem:$0x3F9F] =	sst lr;
	_ =	strace $0xD0000000  }
0x3: {  	_ = 	snop  }
0x4: {  	_ = 	snop  }
0x5: {  	_ = 	snop  }
0x6: {  	_ = 	snop  }
0x7: {  	_ = 	snop  }
__scs_overlays_trampoline_lowered:
0x8: {  	[smem:$0x3FAE] =	sst s0  }
0x9: {  	[smem:$0x3FAF] =	sst s1  }
0xa: {  	[smem:$0x3FB0] =	sst s2  }
0xb: {  	[smem:$0x3FB1] =	sst s3  }
0xc: {  	[smem:$0x3FB2] =	sst s4  }
0xd: {  	[smem:$0x3FB3] =	sst s5  }
0xe: {  	[smem:$0x3FB4] =	sst s6  }
0xf: {  	[smem:$0x3FB5] =	sst s7  }
0x10: {  	[smem:$0x3FB6] =	sst s8  }
0x11: {  	[smem:$0x3FB7] =	sst s9;
	s0 =	simm.s32 @!p0 $0x0  }
0x12: {  	s1 =	sld [smem:$0x3F9D];
	s0 =	simm.s32 @p0 $0x1  }
0x13: {  	[smem:$0x3FB8] =	sst s0;
	s0 =	simm.s32 @!p1 $0x0  }
0x14: {  	s2 =	sld [smem:$0x3F9C];
	s0 =	simm.s32 @p1 $0x1  }
0x15: {  	[smem:$0x3FB9] =	sst s0;
	s0 =	simm.s32 @!p2 $0x0  }
0x16: {  	s3 =	sld [smem:$0x3FDB];
	s0 =	simm.s32 @p2 $0x1  }
0x17: {  	s4 =	simm.s32 $0x1BF5;
	[smem:$0x3FBB] =	sst s0  }
0x18: {  	s0 =	sld [smem:$0x3F9E];
	_ =	swait.ge [sflag:s4], $0x0  }
0x19: {  	s7 =	sld [smem:$0x3F9F]  }
0x1a: {  	s8 =	sadd.s32 $0xFFFFE003, lr  }
0x1b: {  	s9 =	sadd.s32 $0xFFFFFEF7, lr;
	s5 =	simm.s32 $0xFFFFFFFF;
	p2 =	slt.u32 s8, $0xFFFFF086  }
0x1c: {  	p1 =	slt.u32 s9, $0xF7A;
	s5 =	simm.s32 @!p2 $0x0  }
0x1d: {  	s5 =	simm.s32 @p1 $0x1;
	p0 =	seq.s32 s7, s2  }
0x1e: {  	s7 =	smul.u32 @!p0 $0xF7A, s2;
	p2 =	seq.s32 @!p0 s5, $0x0  }
0x1f: {  	s9 =	smul.u32 $0xF7A, s1;
	s8 =	simm.s32 @!p0 $0x1BF5;
	p2 =	por !p2, p0  }
0x20: {  	[sflag:s8] =	ssyncset.s32 @!p0 $0xFFFFF086;
	s6 =	sadd.s32 @!p0 s3, s7;
	s7 =	simm.s32 @!p0 $0x108  }
0x21: {  	s3 =	sadd.s32 s3, s9;
	s6 =	sadd.s32 @!p0 $0x88, s6;
	s7 =	simm.s32 @p2 $0x1082  }
0x22: {  	[simem:s7], [sflag:s8] =	dma.local @!p0 [hbm:s6], $0xF7A  }
0x23: {  	s9 =	sor.u32 $0xD0000000, s2;
	s6 =	simm.s32 $0x108;
	_ =	swait.ge @!p0 [sflag:s8], $0x0  }
0x24: {  	s3 =	sadd.s32 $0x88, s3;
	s6 =	simm.s32 @!p1 $0x1082;
	[sflag:s4] =	ssyncset.s32 $0xFFFFF086  }
0x25: {  	[simem:s6], [sflag:s4] =	dma.local [hbm:s3], $0xF7A  }
0x26: {  	[smem:$0x3F9F] =	sst s1;
	(tag) =	ssettag s2;
	_ =	strace s9  }
0x27: {  	s1 =	sld [smem:$0x3FAF]  }
0x28: {  	s2 =	sld [smem:$0x3FB0]  }
0x29: {  	s4 =	sld [smem:$0x3FB2]  }
0x2a: {  	p0 =	seq.s32 s5, $0x0;
	s5 =	sld [smem:$0x3FB3]  }
0x2b: {  	s6 =	sld [smem:$0x3FB4]  }
0x2c: {  	s7 =	sld [smem:$0x3FB5]  }
0x2d: {  	s3 =	simm.s32 $0x108;
	s8 =	sld [smem:$0x3FB6]  }
0x2e: {  	s3 =	simm.s32 @!p0 $0x1082;
	s9 =	sld [smem:$0x3FB7]  }
0x2f: {  	lr =	sadd.s32 s0, s3;
	s0 =	sld [smem:$0x3FAE]  }
0x30: {  	s3 =	sld [smem:$0x3FB1]  }
0x31: {  	[smem:$0x3FBA] =	sst s10  }
0x32: {  	s10 =	sld [smem:$0x3FB8];
	_ =	sdelay $0x3  }
0x33: {  	p0 =	seq.s32 s10, $0x1;
	s10 =	sld [smem:$0x3FBA];
	_ =	sdelay $0x3  }
0x34: {  	[smem:$0x3FBA] =	sst s10  }
0x35: {  	s10 =	sld [smem:$0x3FB9];
	_ =	sdelay $0x3  }
0x36: {  	p1 =	seq.s32 s10, $0x1;
	s10 =	sld [smem:$0x3FBA];
	_ =	sdelay $0x3  }
0x37: {  	[smem:$0x3FBA] =	sst s10  }
0x38: {  	s10 =	sld [smem:$0x3FBB]  }
0x39: {  	_ = 	snop;
	(pc) =	sbr.ind lr, $3  }
0x3a: {  	_ = 	snop  }
0x3b: {  	_ = 	snop  }
0x3c: {  	p2 =	seq.s32 s10, $0x1;
	s10 =	sld [smem:$0x3FBA]  }
0x3d: {  	_ =	shalt  }
0x3e: {  	_ =	shalt  }
0x3f: {  	_ =	shalt  }
0x40: {  	_ =	shalt  }
0x41: {  	_ =	shalt  }
0x42: {  	_ =	shalt  }
0x43: {  	_ =	shalt  }
0x44: {  	_ =	shalt  }
0x45: {  	_ =	shalt  }
0x46: {  	_ =	shalt  }
0x47: {  	_ =	shalt  }
0x48: {  	_ =	shalt  }
0x49: {  	_ =	shalt  }
0x4a: {  	_ =	shalt  }
0x4b: {  	_ =	shalt  }
0x4c: {  	_ =	shalt  }
0x4d: {  	_ =	shalt  }
0x4e: {  	_ =	shalt  }
0x4f: {  	_ =	shalt  }
0x50: {  	_ =	shalt  }
0x51: {  	_ =	shalt  }
0x52: {  	_ =	shalt  }
0x53: {  	_ =	shalt  }
0x54: {  	_ =	shalt  }
0x55: {  	_ =	shalt  }
0x56: {  	_ =	shalt  }
0x57: {  	_ =	shalt  }
0x58: {  	_ =	shalt  }
0x59: {  	_ =	shalt  }
0x5a: {  	_ =	shalt  }
0x5b: {  	_ =	shalt  }
0x5c: {  	_ =	shalt  }
0x5d: {  	_ =	shalt  }
0x5e: {  	_ =	shalt  }
0x5f: {  	_ =	shalt  }
0x60: {  	_ =	shalt  }
0x61: {  	_ =	shalt  }
0x62: {  	_ =	shalt  }
0x63: {  	_ =	shalt  }
0x64: {  	_ =	shalt  }
0x65: {  	_ =	shalt  }
0x66: {  	_ =	shalt  }
0x67: {  	_ =	shalt  }
0x68: {  	_ =	shalt  }
0x69: {  	_ =	shalt  }
0x6a: {  	_ =	shalt  }
0x6b: {  	_ =	shalt  }
0x6c: {  	_ =	shalt  }
0x6d: {  	_ =	shalt  }
0x6e: {  	_ =	shalt  }
0x6f: {  	_ =	shalt  }
0x70: {  	_ =	shalt  }
0x71: {  	_ =	shalt  }
0x72: {  	_ =	shalt  }
0x73: {  	_ =	shalt  }
0x74: {  	_ =	shalt  }
0x75: {  	_ =	shalt  }
0x76: {  	_ =	shalt  }
0x77: {  	_ =	shalt  }
0x78: {  	_ =	shalt  }
0x79: {  	_ =	shalt  }
0x7a: {  	_ =	shalt  }
0x7b: {  	_ =	shalt  }
0x7c: {  	_ =	shalt  }
0x7d: {  	_ =	shalt  }
0x7e: {  	_ =	shalt  }
0x7f: {  	_ =	shalt  }
0x80: {  	_ =	shalt  }
0x81: {  	_ =	shalt  }
0x82: {  	_ =	shalt  }
0x83: {  	_ =	shalt  }
0x84: {  	_ =	shalt  }
0x85: {  	_ =	shalt  }
0x86: {  	_ =	shalt  }
0x87: {  	_ =	shalt  }
.Lfunc_end0:
.L_simem_size_0:
called_computation_lowered:
.L_overlay_start_0:
0x88: {  	s2 =	sld [smem:$0x3FD9]  }
0x89: {  	s3 =	sld [smem:$0x3FFE];
	_ =	sdelay $0x1  }
0x8a: {  	s1 =	srdreg.scid  }
0x8b: {  	s0 =	sand.u32 $0x1, s1  }
0x8c: {  	s18 =	sshll.u32 s0, $0xA;
	s2 =	sadd.s32 s3, s2  }
0x8d: {  	s3 =	sadd.s32 s2, s18  }
0x8e: {  	[smem:$0x3FC6] =	sst s3  }
0x8f: {  	_ = 	snop  }
0x90: {  	s3 =	sld [smem:$0x3FD0];
	(tm) =	ssettm $0x1  }
0x91: {  	s4 =	sld [smem:$0x3FFB];
	_ =	sdelay $0x3  }
0x92: {  	_ =	strace s4  }
0x93: {  	s4 =	sld [smem:$0x3FFC];
	_ =	sdelay $0x3  }
0x94: {  	_ =	strace s4  }
0x95: {  	s4 =	sld [smem:$0x3FFD];
	_ =	sdelay $0x3  }
0x96: {  	_ =	strace s4  }
0x97: {  	_ =	strace $0x8FFFFFFF  }
0x98: {  	s19 =	sld [smem:$0x3FDB];
	_ =	sdelay $0x1  }
0x99: {  	s5 =	simm.s32 $_scs_section_size  }
0x9a: {  	s6 =	simm.s32 $_size__tile_overlayer_lowered;
	s7 =	simm.s32 $_tile_overlayer_lowered  }
0x9b: {  	s22 =	simm.s32 $0x1BFF;
	s21 =	sshll.u32 s7, $0x1;
	s4 =	sadd.s32 s5, s19  }
0x9c: {  	s8 =	simm.s32 $0x0;
	s20 =	sshll.u32 s6, $0x1;
	s6 =	sadd.s32 s21, s4  }
0x9d: {  	[timem:s8], [sflag:s22] =	dma.local [hbm:s6], s20  }
0x9e: {  	_ =	swait.ge [sflag:s22], s20  }
0x9f: {  	s5 =	ssub.s32 $0x0, s20;
	[sflag:s22] =	ssyncset.done $0x0  }
0xa0: {  	[sflag:s22] =	ssyncadd.s32 s5;
	_ =	sdelay $0x1  }
0xa1: {  	s23 =	simm.s32 $0x1B8B  }
0xa2: {  	_ =	swait.ge [sflag:s23], $0x1  }
0xa3: {  	[sflag:s23] =	ssyncset.done $0x0  }
0xa4: {  	s25 =	simm.s32 $0x1B8E;
	s24 =	sld [smem:$0x3FFE];
	[sflag:s23] =	ssyncadd.s32 $0xFFFFFFFF  }
0xa5: {  	s26 =	simm.s32 $execute0_lowered;
	[smem:$0x3FD2] =	sst s25  }
0xa6: {  	s6 =	sshll.u32 s26, $0x1;
	_ =	strace $0x80000046;
	[dreg:$0x1] =	wrdreg $0xFFFFFFFF  }
0xa7: {  	s28 =	simm.s32 $_size_execute0_lowered;
	s4 =	sadd.s32 s4, s6;
	[dreg:$0x0] =	wrdreg $0x0  }
0xa8: {  	s6 =	sshll.u32 s28, $0x1;
	[dreg:$0x2] =	wrdreg s4  }
0xa9: {  	[dreg:$0x3] =	wrdreg s6  }
0xaa: {  	[dreg:$0x4] =	wrdreg $0xC0  }
0xab: {  	_ =	task [dreg:s8], $0x5FFFF  }
0xac: {  	[dreg:$0x1] =	wrdreg $0xFFFFFFFF  }
0xad: {  	[dreg:$0x0] =	wrdreg $0x60  }
0xae: {  	[dreg:$0x2] =	wrdreg s3  }
0xaf: {  	s2 =	sadd.s32 $0x800, s2;
	[dreg:$0x3] =	wrdreg s24  }
0xb0: {  	[dreg:$0x4] =	wrdreg s2  }
0xb1: {  	[dreg:$0x5] =	wrdreg $0x9  }
0xb2: {  	_ =	task.clear_ibuf [dreg:s8], $0x6FFFF;
	_ =	strace $0x90000046  }
0xb3: {  	s29 =	simm.s32 $0x9;
	_ =	strace $0x80000048  }
0xb4: {  	_ =	swait.ge [sflag:s29], $0x1  }
0xb5: {  	[sflag:s29] =	ssyncadd.s32 $0xFFFFFFFF  }
0xb6: {  	_ =	strace $0x90000048  }
0xb7: {  	_ =	sfence  }
0xb8: {  	s30 =	sld [smem:$0x0];
	_ =	sdelay $0x2  }
0xb9: {  	s31 =	sshll.u32 s1, $0xD;
	s1 =	sshrl.u32 s1, $0x2  }
0xba: {  	s3 =	sand.u32 $0x4000, s31;
	s1 =	sadd.s32 s1, s30  }
0xbb: {  	s0 =	sor.u32 s3, s0;
	s1 =	sshll.u32 s1, $0x11  }
0xbc: {  	s0 =	sor.u32 s1, s0  }
0xbd: {  	s0 =	sadd.s32 $0x8F2B, s0  }
0xbe: {  	[sflag:s0] =	ssyncadd.remote.s32 $0x1  }
0xbf: {  	_ =	sfence.sel $0xFFFF  }
0xc0: {  	[dreg:$0x0] =	wrdreg $0xFFFFFFFF;
	(pc) =	sbr.abs _section_cstart, $3  }
0xc1: {  	[dreg:$0x1] =	wrdreg $0xFFFFFFFF  }
0xc2: {  	_ =	task.clear_ibuf [dreg:s8], $0x2FFFF;
	_ =	strace $0x9FFFFFFF  }
0xc3: {  	(tm) =	ssettm $0x7FFFFFFF  }
tec
execute0_lowered:
.L_overlay_start_1:
0x0: {  	(tag) =	ssettag $0x1  }
0x1: {  	s0 =	rddreg [dreg:$0x0]  }
0x2: {  	s1 =	rddreg [dreg:$0x1]  }
0x3: {  	s3 =	simm.s32 $0x0;
	s2 =	srdreg.scid;
	s4 =	stileid.u32  }
0x4: {  	s8 =	simm.s32 $0x6000;
	s10 =	simm.s32 $0x7000;
	s12 =	simm.s32 $0x8000  }
0x5: {  	v0 =	vimm.s32 $0xFEDCBA98;
	v1 =	vimm.s32 $0x76543210;
	s16 =	simm.s32 $0x9000;
	s18 =	simm.s32 $0xA000;
	s20 =	simm.s32 $0x80  }
0x6: {  	v2 =	vimm.s32 $0xBA98FEDC;
	v3 =	vimm.s32 $0x32107654;
	s23 =	simm.s32 $0xB000;
	s24 =	simm.s32 $0xC000;
	s25 =	simm.s32 $0x1  }
0x7: {  	v4 =	vimm.s32 $0xDCFE98BA;
	s28 =	simm.s32 $0xD000;
	s29 =	simm.s32 $0xE000;
	s30 =	simm.s32 $0xF000  }
0x8: {  	v5 =	vimm.s32 $0x54761032;
	v6 =	vimm.s32 $0xEFCDAB89;
	s31 =	simm.s32 $0x10000;
	s11 =	simm.s32 $0x3;
	s13 =	simm.s32 $0x0  }
0x9: {  	v7 =	vimm.s32 $0x67452301;
	[smem:$0x7FF] =	sst s3;
	s2 =	sand.u32 $0x1, s2;
	s4 =	sshll.u32 s4, $0x1;
	v0 =	vunpack.c.l.s4.s8 v0;
	v1 =	vunpack.c.l.s4.s8 v1  }
0xa: {  	v2 =	vunpack.c.l.s4.s8 v2;
	v3 =	vunpack.c.l.s4.s8 v3;
	v4 =	vunpack.c.l.s4.s8 v4;
	_ =	strace $0x80000047;
	s5 =	sor.u32 s2, s4;
	s2 =	ssub.s32 $0x2, s2  }
0xb: {  	v5 =	vunpack.c.l.s4.s8 v5;
	v6 =	vunpack.c.l.s4.s8 v6;
	v7 =	vunpack.c.l.s4.s8 v7;
	s4 =	sadd.s32 $0x400, s1;
	s6 =	sshll.u32 s5, $0x10;
	s7 =	sshrl.u32 s2, $0x1  }
0xc: {  	s9 =	sshll.u32 s5, $0xB;
	v0 =	vunpack.c.0.s8.s32 v0;
	v1 =	vunpack.c.0.s8.s32 v1;
	v2 =	vunpack.c.0.s8.s32 v2;
	s1 =	sadd.s32 s6, s1;
	s2 =	ssub.s32 s2, s7  }
0xd: {  	v3 =	vunpack.c.0.s8.s32 v3;
	v4 =	vunpack.c.0.s8.s32 v4;
	v5 =	vunpack.c.0.s8.s32 v5;
	s6 =	simm.s32 $0x4000;
	s7 =	simm.s32 $0x5000;
	s0 =	sadd.s32 s0, s9  }
0xe: {  	v6 =	vunpack.c.0.s8.s32 v6;
	v7 =	vunpack.c.0.s8.s32 v7;
	s9 =	simm.s32 $0x2;
	s5 =	sadd.s32 $0x3D1000, s1;
	v0 =	vand.u32 $0xF, v0;
	[dreg:$0x4] =	wrdreg s0  }
0xf: {  	s26 =	smax.u32 s2, $0x1;
	s0 =	simm.s32 $0x11000;
	s1 =	simm.s32 $0x12000;
	v0 =	vcombine.low v0, v1;
	v1 =	vcombine.low v3, v2  }
0x10: {  	s2 =	simm.s32 $0x13000;
	[dreg:$0x5] =	wrdreg s26;
	s26 =	simm.s32 $0x4;
	v2 =	vcombine.low v5, v4;
	v3 =	vimm.s32 $0x0;
	v4 =	vcombine.low v7, v6  }
.LBB2_1:
0x11: {  	s14 =	rddreg [dreg:$0x4];
	s22 =	simm.s32 $0x5  }
0x12: {  	[tilespmem:s3], [sflag:$0x5] =	stream.linear.gather [hbm4b:s14+s3], $0x4000, $0x38;
	[tilespmem:$0x14000] =	vst v63  }
0x13: {  	_ =	swait.ge [sflag:s22], $0x4000  }
0x14: {  	[sflag:s22] =	ssyncset.done $0x0  }
0x15: {  	s14 =	simm.s32 $0x0;
	[sflag:s22] =	ssyncadd.s32 $0xFFFFC000  }
0x16: {  	v15 =	vld [tilespmem:s14+$0x50]  }
0x17: {  	v16 =	vld [tilespmem:s14+$0x60]  }
0x18: {  	v5 =	vld [tilespmem:s14+$0x30]  }
0x19: {  	v11 =	vld [tilespmem:s14+$0x70];
	_ =	sdelay $0x1  }
0x1a: {  	vm0 =	vgt.s32 v15, $0xB717F  }
0x1b: {  	v6 =	vld [tilespmem:s14+$0x40];
	vm1 =	vgt.s32 v15, $0x3D07F;
	vm2 =	vgt.s32 v16, $0x3D07F;
	vm3 =	vgt.s32 v16, $0x7A0FF  }
0x1c: {  	vm4 =	vgt.s32 v5, $0x3D07F;
	vm5 =	vgt.s32 v15, $0x7A0FF;
	v7 =	vsel vm2, $0x1, v3  }
0x1d: {  	vm2 =	vgt.s32 v11, $0x7A0FF;
	v8 =	vsel vm3, $0x1, v3;
	vm3 =	vgt.s32 v11, $0xB717F  }
0x1e: {  	v13 =	vsel vm5, $0x1, v3;
	v14 =	vsel vm4, $0x1, v3;
	vm4 =	vgt.s32 v5, $0xB717F  }
0x1f: {  	v18 =	vsel vm1, $0x1, v3;
	vm1 =	vgt.s32 v11, $0x3D07F;
	v9 =	vsel vm2, $0x1, v3  }
0x20: {  	vm2 =	vgt.s32 v6, $0xB717F;
	v17 =	vadd.s32 v8, v7;
	v12 =	vsel vm3, $0x1, v3  }
0x21: {  	vm3 =	vgt.s32 v6, $0x7A0FF;
	v10 =	vsel vm4, $0x1, v3;
	vm4 =	vgt.s32 v16, $0xB717F  }
0x22: {  	v7 =	vld [tilespmem:s14+$0x0];
	v19 =	vsel vm1, $0x1, v3;
	vm1 =	vgt.s32 v5, $0x7A0FF;
	v13 =	vadd.s32 v13, v18  }
0x23: {  	v8 =	vld [tilespmem:s14+$0x20];
	v20 =	vsel vm2, $0x1, v3;
	vm2 =	vgt.s32 v6, $0x3D07F;
	v21 =	vsel vm4, $0x1, v3  }
0x24: {  	v9 =	vadd.s32 v9, v19;
	v22 =	vsel vm3, $0x1, v3;
	v19 =	vsel vm0, $0x1, v3  }
0x25: {  	v23 =	vadd.s32 v12, v9;
	v12 =	vsel vm1, $0x1, v3;
	v13 =	vadd.s32 v19, v13  }
0x26: {  	v24 =	vadd.s32 v21, v17;
	v18 =	vmul.u32 $0x3FFC2F80, v23;
	v12 =	vadd.s32 v12, v14  }
0x27: {  	v9 =	vld [tilespmem:s14+$0x10];
	v17 =	vmul.u32 $0x3FFC2F80, v24;
	vm0 =	vgt.s32 v7, $0x3D07F;
	vm3 =	vgt.s32 v7, $0x7A0FF  }
0x28: {  	vm4 =	vgt.s32 v8, $0x7A0FF;
	vm1 =	vgt.s32 v8, $0xB717F;
	v11 =	vadd.s32 v11, v18  }
0x29: {  	vm5 =	vgt.s32 v8, $0x3D07F;
	vm6 =	vgt.s32 v7, $0xB717F;
	v16 =	vadd.s32 v16, v17  }
0x2a: {  	v18 =	vshll.u32 v11, $0x2;
	v14 =	vsel vm3, $0x1, v3;
	v11 =	vsel vm1, $0x1, v3  }
0x2b: {  	v17 =	vsel vm5, $0x1, v3;
	v23 =	vadd.s32 v23, v18;
	v18 =	vmul.u32 $0x3FFC2F80, v13  }
0x2c: {  	v25 =	vshll.u32 v16, $0x2;
	vm1 =	vgt.s32 v9, $0xB717F;
	vm7 =	vgt.s32 v9, $0x3D07F  }
0x2d: {  	vm3 =	vgt.s32 v9, $0x7A0FF;
	v19 =	vadd.s32 v15, v18;
	v18 =	vsel vm2, $0x1, v3  }
0x2e: {  	v21 =	vsel vm7, $0x1, v3;
	v15 =	vsel vm6, $0x1, v3;
	v22 =	vadd.s32 v22, v18  }
0x2f: {  	s15 =	simm.s32 $0x200;
	[tilespmem:s14+$0x70] =	vst v23;
	v18 =	vsel vm4, $0x1, v3;
	v16 =	vadd.s32 v20, v22;
	v20 =	vadd.s32 v24, v25  }
.LBB2_2:
0x30: {  	s17 =	sshra.s32 s15, $0x2;
	p0 =	sne.s32 s15, $0xFE00;
	s15 =	sadd.s32 $0x200, s15;
	v22 =	vsel vm0, $0x1, v3;
	v23 =	vsel vm3, $0x1, v3;
	v19 =	vshll.u32 v19, $0x2;
	[tilespmem:s14+$0x60] =	vst v20  }
0x31: {  	v20 =	vld [tilespmem:s17+$0x70];
	v21 =	vadd.s32 v23, v21;
	v23 =	vmul.u32 $0x3FFC2F80, v16;
	v13 =	vadd.s32 v13, v19  }
0x32: {  	v17 =	vadd.s32 v18, v17;
	v10 =	vadd.s32 v10, v12;
	v14 =	vadd.s32 v14, v22;
	[tilespmem:s14+$0x50] =	vst v13  }
0x33: {  	v12 =	vsel vm1, $0x1, v3;
	v13 =	vmul.u32 $0x3FFC2F80, v10;
	v18 =	vld [tilespmem:s17+$0x50];
	v6 =	vadd.s32 v6, v23  }
0x34: {  	v14 =	vadd.s32 v15, v14;
	v12 =	vadd.s32 v12, v21;
	v22 =	vld [tilespmem:s17+$0x60];
	v6 =	vshll.u32 v6, $0x2  }
0x35: {  	v15 =	vmul.u32 $0x3FFC2F80, v12;
	v5 =	vadd.s32 v5, v13;
	v6 =	vadd.s32 v16, v6  }
0x36: {  	v11 =	vadd.s32 v11, v17;
	v13 =	vmul.u32 $0x3FFC2F80, v14;
	v5 =	vshll.u32 v5, $0x2;
	[tilespmem:s14+$0x40] =	vst v6  }
0x37: {  	v9 =	vadd.s32 v9, v15;
	v15 =	vmul.u32 $0x3FFC2F80, v11;
	v5 =	vadd.s32 v10, v5;
	v6 =	vld [tilespmem:s17+$0x40]  }
0x38: {  	v7 =	vadd.s32 v7, v13;
	v9 =	vshll.u32 v9, $0x2;
	vm0 =	vgt.s32 v18, $0xB717F;
	[tilespmem:s14+$0x30] =	vst v5  }
0x39: {  	v7 =	vshll.u32 v7, $0x2;
	v8 =	vadd.s32 v8, v15;
	vm1 =	vgt.s32 v18, $0x3D07F;
	v5 =	vld [tilespmem:s17+$0x30]  }
0x3a: {  	v8 =	vshll.u32 v8, $0x2;
	vm2 =	vgt.s32 v22, $0x3D07F;
	vm3 =	vgt.s32 v22, $0x7A0FF  }
0x3b: {  	v8 =	vadd.s32 v11, v8;
	v10 =	vsel vm2, $0x1, v3;
	vm2 =	vgt.s32 v20, $0x7A0FF  }
0x3c: {  	v7 =	vadd.s32 v14, v7;
	v11 =	vsel vm3, $0x1, v3;
	v13 =	vsel vm2, $0x1, v3;
	[tilespmem:s14+$0x20] =	vst v8  }
0x3d: {  	vm3 =	vgt.s32 v20, $0xB717F;
	v15 =	vadd.s32 v11, v10;
	vm2 =	vgt.s32 v6, $0xB717F;
	[tilespmem:s14+$0x0] =	vst v7  }
0x3e: {  	vm5 =	vgt.s32 v18, $0x7A0FF;
	v11 =	vsel vm3, $0x1, v3;
	v7 =	vld [tilespmem:s17+$0x0];
	vm4 =	vgt.s32 v5, $0x3D07F  }
0x3f: {  	v14 =	vsel vm5, $0x1, v3;
	vm3 =	vgt.s32 v6, $0x7A0FF;
	v16 =	vsel vm2, $0x1, v3  }
0x40: {  	v19 =	vsel vm1, $0x1, v3;
	v17 =	vsel vm4, $0x1, v3;
	vm4 =	vgt.s32 v5, $0xB717F;
	v8 =	vld [tilespmem:s17+$0x20]  }
0x41: {  	v9 =	vadd.s32 v12, v9;
	vm1 =	vgt.s32 v20, $0x3D07F;
	vm2 =	vgt.s32 v6, $0x3D07F  }
0x42: {  	v12 =	vsel vm1, $0x1, v3;
	v10 =	vsel vm4, $0x1, v3;
	vm4 =	vgt.s32 v22, $0xB717F;
	[tilespmem:s14+$0x10] =	vst v9;
	s14 =	smov.u32 s17  }
0x43: {  	v12 =	vadd.s32 v13, v12;
	vm1 =	vgt.s32 v5, $0x7A0FF;
	v21 =	vsel vm4, $0x1, v3  }
0x44: {  	v13 =	vsel vm0, $0x1, v3;
	v23 =	vsel vm3, $0x1, v3;
	v24 =	vadd.s32 v11, v12;
	v9 =	vld [tilespmem:s14+$0x10]  }
0x45: {  	v11 =	vadd.s32 v14, v19;
	v14 =	vmul.u32 $0x3FFC2F80, v24;
	vm0 =	vgt.s32 v7, $0x3D07F  }
0x46: {  	v12 =	vsel vm1, $0x1, v3;
	vm3 =	vgt.s32 v7, $0x7A0FF;
	vm4 =	vgt.s32 v8, $0x7A0FF  }
0x47: {  	v12 =	vadd.s32 v12, v17;
	v14 =	vadd.s32 v20, v14;
	vm1 =	vgt.s32 v8, $0xB717F  }
0x48: {  	v13 =	vadd.s32 v13, v11;
	v17 =	vshll.u32 v14, $0x2;
	vm5 =	vgt.s32 v8, $0x3D07F  }
0x49: {  	v17 =	vadd.s32 v24, v17;
	v14 =	vsel vm3, $0x1, v3;
	v11 =	vsel vm1, $0x1, v3  }
0x4a: {  	v19 =	vmul.u32 $0x3FFC2F80, v13;
	v20 =	vadd.s32 v21, v15;
	vm1 =	vgt.s32 v9, $0xB717F;
	[tilespmem:s14+$0x70] =	vst v17  }
.Ltmp0:
0x4b: {  	vm6 =	vgt.s32 v7, $0xB717F;
	v21 =	vmul.u32 $0x3FFC2F80, v20;
	vm7 =	vgt.s32 v9, $0x3D07F;
	(pc) =	sbr.rel @p0 .LBB2_2-.Ltmp0, $4  }
0x4c: {  	v19 =	vadd.s32 v18, v19;
	v24 =	vsel vm2, $0x1, v3;
	vm3 =	vgt.s32 v9, $0x7A0FF  }
0x4d: {  	v15 =	vsel vm6, $0x1, v3;
	v21 =	vadd.s32 v22, v21;
	v17 =	vsel vm5, $0x1, v3  }
0x4e: {  	v22 =	vadd.s32 v23, v24;
	v18 =	vsel vm4, $0x1, v3;
	v23 =	vshll.u32 v21, $0x2  }
0x4f: {  	v16 =	vadd.s32 v16, v22;
	v20 =	vadd.s32 v20, v23;
	v21 =	vsel vm7, $0x1, v3  }
0x50: {  	v22 =	vsel vm0, $0x1, v3;
	v23 =	vsel vm3, $0x1, v3  }
0x51: {  	v19 =	vshll.u32 v19, $0x2;
	v56 =	vmul.u32 $0x3FFC2F80, v16;
	v10 =	vadd.s32 v10, v12  }
0x52: {  	v57 =	vadd.s32 v18, v17;
	v58 =	vsel vm1, $0x1, v3;
	v21 =	vadd.s32 v23, v21  }
0x53: {  	v13 =	vadd.s32 v13, v19;
	v14 =	vadd.s32 v14, v22;
	v59 =	vmul.u32 $0x3FFC2F80, v10  }
0x54: {  	v11 =	vadd.s32 v11, v57;
	v6 =	vadd.s32 v6, v56;
	v14 =	vadd.s32 v15, v14  }
0x55: {  	v60 =	vadd.s32 v58, v21;
	v61 =	vmul.u32 $0x3FFC2F80, v11;
	v6 =	vshll.u32 v6, $0x2  }
0x56: {  	[tilespmem:s14+$0x60] =	vst v20;
	v17 =	vmul.u32 $0x3FFC2F80, v60;
	v5 =	vadd.s32 v5, v59;
	v62 =	vmul.u32 $0x3FFC2F80, v14  }
0x57: {  	[tilespmem:s14+$0x50] =	vst v13;
	v6 =	vadd.s32 v16, v6;
	v5 =	vshll.u32 v5, $0x2;
	v8 =	vadd.s32 v8, v61  }
0x58: {  	[tilespmem:s14+$0x40] =	vst v6;
	v5 =	vadd.s32 v10, v5;
	v6 =	vadd.s32 v7, v62;
	v7 =	vshll.u32 v8, $0x2  }
0x59: {  	v63 =	vadd.s32 v9, v17;
	[tilespmem:s14+$0x30] =	vst v5;
	v5 =	vshll.u32 v6, $0x2;
	v6 =	vadd.s32 v11, v7  }
0x5a: {  	v7 =	vshll.u32 v63, $0x2;
	v5 =	vadd.s32 v14, v5;
	[tilespmem:s14+$0x20] =	vst v6  }
0x5b: {  	[tilespmem:s14+$0x0] =	vst v5;
	v5 =	vadd.s32 v60, v7  }
0x5c: {  	s17 =	simm.s32 $0x0;
	[tilespmem:s14+$0x10] =	vst v5  }
0x5d: {  	[tilespmem:s6], [sflag:$0x1] =	stream.indirect.gather [hbm4b:s4+s20], $0x20, s17, s20, $0xb8;
	[tilespmem:$0x14000] =	vst v63  }
0x5e: {  	_ = 	snop  }
0x5f: {  	[tilespmem:s7], [sflag:$0x1] =	stream.indirect.gather [hbm4b:s4+s20], $0x20, s20, s20, $0xb8;
	[tilespmem:$0x14000] =	vst v63  }
0x60: {  	s19 =	simm.s32 $0x100  }
0x61: {  	[tilespmem:s8], [sflag:$0x1] =	stream.indirect.gather [hbm4b:s4+s20], $0x20, s19, s20, $0xb8;
	[tilespmem:$0x14000] =	vst v63  }
0x62: {  	s21 =	simm.s32 $0x180  }
0x63: {  	[tilespmem:s10], [sflag:$0x1] =	stream.indirect.gather [hbm4b:s4+s20], $0x20, s21, s20, $0xb8;
	[tilespmem:$0x14000] =	vst v63  }
0x64: {  	s22 =	simm.s32 $0x200  }
0x65: {  	[tilespmem:s12], [sflag:$0x1] =	stream.indirect.gather [hbm4b:s4+s20], $0x20, s22, s20, $0xb8;
	[tilespmem:$0x14000] =	vst v63  }
0x66: {  	s15 =	simm.s32 $0x280  }
0x67: {  	[tilespmem:s16], [sflag:$0x1] =	stream.indirect.gather [hbm4b:s4+s20], $0x20, s15, s20, $0xb8;
	[tilespmem:$0x14000] =	vst v63  }
0x68: {  	s19 =	simm.s32 $0x300  }
0x69: {  	[tilespmem:s18], [sflag:$0x1] =	stream.indirect.gather [hbm4b:s4+s20], $0x20, s19, s20, $0xb8;
	[tilespmem:$0x14000] =	vst v63  }
0x6a: {  	s21 =	simm.s32 $0x380  }
0x6b: {  	[tilespmem:s23], [sflag:$0x1] =	stream.indirect.gather [hbm4b:s4+s20], $0x20, s21, s20, $0xb8;
	[tilespmem:$0x14000] =	vst v63  }
0x6c: {  	s22 =	rddreg [dreg:$0x2]  }
0x6d: {  	[hbm4b:s22+s17] =	stream.linear.scatter [tilespmem:s24], [sflag:$0x4], $0x8000, $0x38;
	[tilespmem:$0x14000] =	vst v63  }
.LBB2_4:
0x6e: {  	_ =	swait.ge [sflag:s25], $0x8000  }
0x6f: {  	[sflag:s25] =	ssyncset.done $0x0  }
0x70: {  	[sflag:s25] =	ssyncadd.s32 $0xFFFF8000  }
0x71: {  	s22 =	sshll.u32 s17, $0xD;
	_ =	swait.ge [sflag:s26], $0x8000  }
0x72: {  	s21 =	sor.u32 $0x1000, s22;
	[sflag:s26] =	ssyncset.done $0x0  }
0x73: {  	s14 =	sshrl.u32 s21, $0x2;
	[sflag:s26] =	ssyncadd.s32 $0xFFFF8000  }
0x74: {  	[tilespmem:s24], [sflag:$0x2] =	stream.indirect.gather [hbm4b:s4+s20], $0x20, s14, s20, $0xb8;
	[tilespmem:$0x14000] =	vst v63  }
0x75: {  	s15 =	sor.u32 $0x80, s14  }
0x76: {  	[tilespmem:s28], [sflag:$0x2] =	stream.indirect.gather [hbm4b:s4+s20], $0x20, s15, s20, $0xb8;
	[tilespmem:$0x14000] =	vst v63  }
0x77: {  	s19 =	sor.u32 $0x100, s14  }
0x78: {  	[tilespmem:s29], [sflag:$0x2] =	stream.indirect.gather [hbm4b:s4+s20], $0x20, s19, s20, $0xb8;
	[tilespmem:$0x14000] =	vst v63  }
0x79: {  	s19 =	sor.u32 $0x180, s14  }
0x7a: {  	[tilespmem:s30], [sflag:$0x2] =	stream.indirect.gather [hbm4b:s4+s20], $0x20, s19, s20, $0xb8;
	[tilespmem:$0x14000] =	vst v63  }
0x7b: {  	s19 =	sor.u32 $0x200, s14  }
0x7c: {  	[tilespmem:s31], [sflag:$0x2] =	stream.indirect.gather [hbm4b:s4+s20], $0x20, s19, s20, $0xb8;
	[tilespmem:$0x14000] =	vst v63  }
0x7d: {  	s19 =	sor.u32 $0x280, s14  }
0x7e: {  	[tilespmem:s0], [sflag:$0x2] =	stream.indirect.gather [hbm4b:s4+s20], $0x20, s19, s20, $0xb8;
	[tilespmem:$0x14000] =	vst v63  }
0x7f: {  	s19 =	sor.u32 $0x300, s14  }
0x80: {  	[tilespmem:s1], [sflag:$0x2] =	stream.indirect.gather [hbm4b:s4+s20], $0x20, s19, s20, $0xb8;
	[tilespmem:$0x14000] =	vst v63  }
0x81: {  	s14 =	sor.u32 $0x380, s14  }
0x82: {  	[tilespmem:s2], [sflag:$0x2] =	stream.indirect.gather [hbm4b:s4+s20], $0x20, s14, s20, $0xb8;
	[tilespmem:$0x14000] =	vst v63  }
0x83: {  	s14 =	simm.s32 $0x0  }
0x84: {  	v5 =	vld [tilespmem:s14+$0x4010]  }
0x85: {  	v50 =	vld [tilespmem:s14+$0x4000];
	_ =	sdelay $0x1  }
0x86: {  	v48 =	vld [tilespmem:s14+$0x4020];
	_ =	sdelay $0x1  }
0x87: {  	v49 =	vld [tilespmem:s14+$0x4030]  }
0x88: {  	v6 =	vmul.f32 v50, v50;
	v7 =	vmul.f32 v5, v5  }
0x89: {  	v51 =	vld [tilespmem:s14+$0x4040]  }
0x8a: {  	v6 =	vadd.f32 v7, v6;
	v7 =	vmul.f32 v48, v48  }
0x8b: {  	v52 =	vld [tilespmem:s14+$0x4050]  }
0x8c: {  	v6 =	vadd.f32 v7, v6;
	v7 =	vmul.f32 v49, v49  }
0x8d: {  	v53 =	vld [tilespmem:s14+$0x4060]  }
0x8e: {  	v6 =	vadd.f32 v7, v6;
	v7 =	vmul.f32 v51, v51  }
0x8f: {  	v55 =	vld [tilespmem:s14+$0x4070]  }
0x90: {  	v6 =	vadd.f32 v7, v6;
	v7 =	vmul.f32 v52, v52  }
0x91: {  	v54 =	vld [tilespmem:s14+$0x4080]  }
0x92: {  	v6 =	vadd.f32 v7, v6;
	v7 =	vmul.f32 v53, v53  }
0x93: {  	v56 =	vld [tilespmem:s14+$0x4090]  }
0x94: {  	v8 =	vmul.f32 v55, v55;
	v7 =	vadd.f32 v7, v6  }
0x95: {  	v6 =	vld [tilespmem:s14+$0x40A0]  }
0x96: {  	v9 =	vmul.f32 v54, v54;
	v8 =	vadd.f32 v8, v7  }
0x97: {  	v7 =	vld [tilespmem:s14+$0x40B0]  }
0x98: {  	v10 =	vmul.f32 v56, v56;
	v9 =	vadd.f32 v9, v8  }
0x99: {  	v8 =	vld [tilespmem:s14+$0x40C0]  }
0x9a: {  	v11 =	vmul.f32 v6, v6;
	v10 =	vadd.f32 v10, v9  }
0x9b: {  	v9 =	vld [tilespmem:s14+$0x40D0]  }
0x9c: {  	v12 =	vmul.f32 v7, v7;
	v11 =	vadd.f32 v11, v10  }
0x9d: {  	v10 =	vld [tilespmem:s14+$0x40E0]  }
0x9e: {  	v13 =	vmul.f32 v8, v8;
	v12 =	vadd.f32 v12, v11  }
0x9f: {  	v11 =	vld [tilespmem:s14+$0x40F0]  }
0xa0: {  	v14 =	vmul.f32 v9, v9;
	v13 =	vadd.f32 v13, v12  }
0xa1: {  	v12 =	vld [tilespmem:s14+$0x4100]  }
0xa2: {  	v15 =	vmul.f32 v10, v10;
	v14 =	vadd.f32 v14, v13  }
0xa3: {  	v13 =	vld [tilespmem:s14+$0x4110]  }
0xa4: {  	v16 =	vmul.f32 v11, v11;
	v15 =	vadd.f32 v15, v14  }
0xa5: {  	v14 =	vld [tilespmem:s14+$0x4120]  }
0xa6: {  	v17 =	vmul.f32 v12, v12;
	v16 =	vadd.f32 v16, v15  }
0xa7: {  	v15 =	vld [tilespmem:s14+$0x4130]  }
0xa8: {  	v18 =	vmul.f32 v13, v13;
	v17 =	vadd.f32 v17, v16  }
0xa9: {  	v16 =	vld [tilespmem:s14+$0x4140]  }
0xaa: {  	v19 =	vmul.f32 v14, v14;
	v18 =	vadd.f32 v18, v17  }
0xab: {  	v17 =	vld [tilespmem:s14+$0x4150]  }
0xac: {  	v20 =	vmul.f32 v15, v15;
	v19 =	vadd.f32 v19, v18  }
0xad: {  	v18 =	vld [tilespmem:s14+$0x4160]  }
0xae: {  	v21 =	vmul.f32 v16, v16;
	v20 =	vadd.f32 v20, v19  }
0xaf: {  	v19 =	vld [tilespmem:s14+$0x4170]  }
0xb0: {  	v22 =	vmul.f32 v17, v17;
	v21 =	vadd.f32 v21, v20  }
0xb1: {  	v20 =	vld [tilespmem:s14+$0x4180]  }
0xb2: {  	v23 =	vmul.f32 v18, v18;
	v22 =	vadd.f32 v22, v21  }
0xb3: {  	v21 =	vld [tilespmem:s14+$0x4190]  }
0xb4: {  	v24 =	vmul.f32 v19, v19;
	v23 =	vadd.f32 v23, v22  }
0xb5: {  	v22 =	vld [tilespmem:s14+$0x41A0]  }
0xb6: {  	v23 =	vadd.f32 v24, v23;
	v24 =	vmul.f32 v20, v20  }
0xb7: {  	v25 =	vld [tilespmem:s14+$0x41B0]  }
0xb8: {  	v26 =	vmul.f32 v21, v21;
	v23 =	vadd.f32 v24, v23  }
0xb9: {  	v24 =	vld [tilespmem:s14+$0x41C0]  }
0xba: {  	v27 =	vmul.f32 v22, v22;
	v26 =	vadd.f32 v26, v23  }
0xbb: {  	v23 =	vld [tilespmem:s14+$0x41D0]  }
0xbc: {  	v26 =	vadd.f32 v27, v26;
	v27 =	vmul.f32 v25, v25  }
0xbd: {  	v28 =	vld [tilespmem:s14+$0x41E0]  }
0xbe: {  	v29 =	vmul.f32 v24, v24;
	v27 =	vadd.f32 v27, v26  }
0xbf: {  	v26 =	vld [tilespmem:s14+$0x41F0]  }
0xc0: {  	v30 =	vmul.f32 v23, v23;
	v29 =	vadd.f32 v29, v27  }
0xc1: {  	v27 =	vld [tilespmem:s14+$0x4200]  }
0xc2: {  	v31 =	vmul.f32 v28, v28;
	v30 =	vadd.f32 v30, v29  }
0xc3: {  	v29 =	vld [tilespmem:s14+$0x4210]  }
0xc4: {  	v32 =	vmul.f32 v26, v26;
	v30 =	vadd.f32 v31, v30  }
0xc5: {  	v31 =	vld [tilespmem:s14+$0x4220]  }
0xc6: {  	v33 =	vmul.f32 v27, v27;
	v32 =	vadd.f32 v32, v30  }
0xc7: {  	v30 =	vld [tilespmem:s14+$0x4230]  }
0xc8: {  	v34 =	vmul.f32 v29, v29;
	v32 =	vadd.f32 v33, v32  }
0xc9: {  	v33 =	vld [tilespmem:s14+$0x4240]  }
0xca: {  	v35 =	vmul.f32 v31, v31;
	v34 =	vadd.f32 v34, v32  }
0xcb: {  	v32 =	vld [tilespmem:s14+$0x4250]  }
0xcc: {  	v36 =	vmul.f32 v30, v30;
	v35 =	vadd.f32 v35, v34  }
0xcd: {  	v34 =	vld [tilespmem:s14+$0x4260]  }
0xce: {  	v58 =	vmul.f32 v33, v33;
	v35 =	vadd.f32 v36, v35  }
0xcf: {  	v37 =	vld [tilespmem:s14+$0x4270]  }
0xd0: {  	v38 =	vmul.f32 v32, v32;
	v35 =	vadd.f32 v58, v35  }
0xd1: {  	v36 =	vld [tilespmem:s14+$0x4280]  }
0xd2: {  	v39 =	vmul.f32 v34, v34;
	v38 =	vadd.f32 v38, v35  }
0xd3: {  	v35 =	vld [tilespmem:s14+$0x4290]  }
0xd4: {  	v59 =	vmul.f32 v37, v37;
	v38 =	vadd.f32 v39, v38  }
0xd5: {  	v40 =	vld [tilespmem:s14+$0x42A0]  }
0xd6: {  	v41 =	vmul.f32 v36, v36;
	v39 =	vadd.f32 v59, v38  }
0xd7: {  	v38 =	vld [tilespmem:s14+$0x42B0]  }
0xd8: {  	v42 =	vmul.f32 v35, v35;
	v41 =	vadd.f32 v41, v39  }
0xd9: {  	v39 =	vld [tilespmem:s14+$0x42C0]  }
0xda: {  	v43 =	vmul.f32 v40, v40;
	v42 =	vadd.f32 v42, v41  }
0xdb: {  	v41 =	vld [tilespmem:s14+$0x42D0]  }
0xdc: {  	v44 =	vmul.f32 v38, v38;
	v42 =	vadd.f32 v43, v42  }
0xdd: {  	v43 =	vld [tilespmem:s14+$0x42E0]  }
0xde: {  	v45 =	vmul.f32 v39, v39;
	v44 =	vadd.f32 v44, v42  }
0xdf: {  	v42 =	vld [tilespmem:s14+$0x42F0]  }
0xe0: {  	v46 =	vmul.f32 v41, v41;
	v44 =	vadd.f32 v45, v44  }
0xe1: {  	v45 =	vld [tilespmem:s14+$0x4300]  }
0xe2: {  	v47 =	vmul.f32 v43, v43;
	v46 =	vadd.f32 v46, v44  }
0xe3: {  	v44 =	vld [tilespmem:s14+$0x4310]  }
0xe4: {  	v57 =	vmul.f32 v42, v42;
	v47 =	vadd.f32 v47, v46  }
0xe5: {  	v46 =	vld [tilespmem:s14+$0x4320]  }
0xe6: {  	v58 =	vmul.f32 v45, v45;
	v57 =	vadd.f32 v57, v47  }
0xe7: {  	v47 =	vld [tilespmem:s14+$0x4330]  }
0xe8: {  	v60 =	vmul.f32 v44, v44;
	v57 =	vadd.f32 v58, v57;
	_ =	sdelay $0x1  }
0xe9: {  	v61 =	vmul.f32 v46, v46;
	v57 =	vadd.f32 v60, v57;
	_ =	sdelay $0x1  }
0xea: {  	v62 =	vmul.f32 v47, v47;
	v57 =	vadd.f32 v61, v57;
	_ =	sdelay $0x1  }
0xeb: {  	v57 =	vadd.f32 v62, v57;
	_ =	sdelay $0x1  }
0xec: {  	v58 =	vperm.xlane v57, v0;
	_ =	sdelay $0x1  }
0xed: {  	v57 =	vadd.f32 v57, v58;
	_ =	sdelay $0x1  }
0xee: {  	v58 =	vperm.xlane v57, v1;
	_ =	sdelay $0x1  }
0xef: {  	v57 =	vadd.f32 v57, v58;
	_ =	sdelay $0x1  }
0xf0: {  	v58 =	vperm.xlane v57, v2;
	_ =	sdelay $0x1  }
0xf1: {  	v57 =	vadd.f32 v57, v58;
	_ =	sdelay $0x1  }
0xf2: {  	v58 =	vperm.xlane v57, v4;
	_ =	sdelay $0x1  }
0xf3: {  	v57 =	vadd.f32 v57, v58;
	_ =	sdelay $0x1  }
0xf4: {  	v57 =	vmax.f32 v57, $1.000000020e-24  }
0xf5: {  	v63 =	vshra.s32 v57, $0x1;
	v57 =	vmul.f32 $5.000000000e-01, v57  }
0xf6: {  	v58 =	vsub.s32 $0x5F3759DF, v63  }
0xf7: {  	v59 =	vmul.f32 v58, v57;
	_ =	sdelay $0x1  }
0xf8: {  	v59 =	vmul.f32 v58, v59;
	_ =	sdelay $0x1  }
0xf9: {  	v59 =	vsub.f32 $1.500000000e+00, v59;
	_ =	sdelay $0x1  }
0xfa: {  	v58 =	vmul.f32 v58, v59;
	_ =	sdelay $0x1  }
0xfb: {  	v59 =	vmul.f32 v58, v57;
	_ =	sdelay $0x1  }
0xfc: {  	v59 =	vmul.f32 v59, v58;
	_ =	sdelay $0x1  }
0xfd: {  	v59 =	vsub.f32 $1.500000000e+00, v59;
	_ =	sdelay $0x1  }
0xfe: {  	v58 =	vmul.f32 v59, v58;
	_ =	sdelay $0x1  }
0xff: {  	v57 =	vmul.f32 v58, v57;
	_ =	sdelay $0x1  }
0x100: {  	v57 =	vmul.f32 v57, v58;
	_ =	sdelay $0x1  }
0x101: {  	v57 =	vsub.f32 $1.500000000e+00, v57;
	_ =	sdelay $0x1  }
0x102: {  	v57 =	vmul.f32 v57, v58;
	_ =	sdelay $0x1  }
0x103: {  	v50 =	vmul.f32 v57, v50;
	v5 =	vmul.f32 v57, v5  }
0x104: {  	v48 =	vmul.f32 v57, v48;
	v49 =	vmul.f32 v57, v49  }
0x105: {  	v59 =	vmul.f32 v57, v51;
	v58 =	vmul.f32 v57, v53;
	[tilespmem:s14+$0x4000] =	vst v50  }
0x106: {  	s15 =	simm.s32 $0x400;
	v51 =	vmul.f32 v57, v55;
	v53 =	vmul.f32 v57, v54;
	[tilespmem:s14+$0x4010] =	vst v5  }
0x107: {  	s19 =	simm.s32 $0x2000;
	v50 =	vmul.f32 v57, v52;
	v52 =	vmul.f32 v57, v56;
	v5 =	vld [tilespmem:s15+$0x4010];
	[tilespmem:s14+$0x4020] =	vst v48  }
.LBB2_5:
0x108: {  	p0 =	sne.s32 s19, $0x1F000;
	v48 =	vld [tilespmem:s15+$0x4000];
	[tilespmem:s14+$0x4030] =	vst v49;
	v6 =	vmul.f32 v57, v6;
	v7 =	vmul.f32 v57, v7  }
0x109: {  	v8 =	vmul.f32 v57, v8;
	v9 =	vmul.f32 v57, v9;
	[tilespmem:s14+$0x4040] =	vst v59  }
0x10a: {  	v10 =	vmul.f32 v57, v10;
	v11 =	vmul.f32 v57, v11;
	v49 =	vld [tilespmem:s15+$0x4020];
	[tilespmem:s14+$0x4050] =	vst v50  }
0x10b: {  	v12 =	vmul.f32 v57, v12;
	v13 =	vmul.f32 v57, v13;
	[tilespmem:s14+$0x4060] =	vst v58  }
0x10c: {  	v14 =	vmul.f32 v57, v14;
	v15 =	vmul.f32 v57, v15;
	v50 =	vld [tilespmem:s15+$0x4030];
	[tilespmem:s14+$0x4070] =	vst v51  }
0x10d: {  	v55 =	vmul.f32 v5, v5;
	v54 =	vmul.f32 v48, v48;
	[tilespmem:s14+$0x4080] =	vst v53  }
0x10e: {  	v16 =	vmul.f32 v57, v16;
	v17 =	vmul.f32 v57, v17;
	v51 =	vld [tilespmem:s15+$0x4040];
	[tilespmem:s14+$0x4090] =	vst v52  }
0x10f: {  	v18 =	vmul.f32 v57, v18;
	v53 =	vadd.f32 v55, v54;
	v54 =	vmul.f32 v49, v49;
	[tilespmem:s14+$0x40A0] =	vst v6  }
0x110: {  	v19 =	vmul.f32 v57, v19;
	v20 =	vmul.f32 v57, v20;
	v52 =	vld [tilespmem:s15+$0x4050];
	[tilespmem:s14+$0x40B0] =	vst v7  }
0x111: {  	v21 =	vmul.f32 v57, v21;
	v6 =	vadd.f32 v54, v53;
	v7 =	vmul.f32 v50, v50;
	[tilespmem:s14+$0x40C0] =	vst v8  }
0x112: {  	v53 =	vld [tilespmem:s15+$0x4060];
	[tilespmem:s14+$0x40D0] =	vst v9;
	v9 =	vmul.f32 v57, v22;
	v22 =	vmul.f32 v57, v25  }
0x113: {  	v6 =	vadd.f32 v7, v6;
	v7 =	vmul.f32 v51, v51;
	[tilespmem:s14+$0x40E0] =	vst v10;
	v10 =	vmul.f32 v57, v24  }
0x114: {  	v54 =	vld [tilespmem:s15+$0x4070];
	[tilespmem:s14+$0x40F0] =	vst v11;
	v11 =	vmul.f32 v57, v23;
	v23 =	vmul.f32 v57, v28  }
0x115: {  	v6 =	vadd.f32 v7, v6;
	v7 =	vmul.f32 v52, v52;
	[tilespmem:s14+$0x4100] =	vst v12;
	v12 =	vmul.f32 v57, v26  }
0x116: {  	v24 =	vmul.f32 v57, v29;
	v55 =	vld [tilespmem:s15+$0x4080];
	[tilespmem:s14+$0x4110] =	vst v13;
	v13 =	vmul.f32 v57, v27  }
0x117: {  	v6 =	vadd.f32 v7, v6;
	v7 =	vmul.f32 v53, v53;
	[tilespmem:s14+$0x4120] =	vst v14;
	v14 =	vmul.f32 v57, v31  }
0x118: {  	v25 =	vmul.f32 v57, v33;
	v56 =	vld [tilespmem:s15+$0x4090];
	[tilespmem:s14+$0x4130] =	vst v15;
	v15 =	vmul.f32 v57, v30  }
0x119: {  	v7 =	vadd.f32 v7, v6;
	v8 =	vmul.f32 v54, v54;
	[tilespmem:s14+$0x4140] =	vst v16;
	v16 =	vmul.f32 v57, v32  }
0x11a: {  	v26 =	vmul.f32 v57, v37;
	v6 =	vld [tilespmem:s15+$0x40A0];
	[tilespmem:s14+$0x4150] =	vst v17;
	v17 =	vmul.f32 v57, v34  }
0x11b: {  	v8 =	vadd.f32 v8, v7;
	v27 =	vmul.f32 v55, v55;
	[tilespmem:s14+$0x4160] =	vst v18;
	v18 =	vmul.f32 v57, v36  }
0x11c: {  	v28 =	vmul.f32 v57, v40;
	v7 =	vld [tilespmem:s15+$0x40B0];
	[tilespmem:s14+$0x4170] =	vst v19;
	v19 =	vmul.f32 v57, v35  }
0x11d: {  	v27 =	vadd.f32 v27, v8;
	v29 =	vmul.f32 v56, v56;
	[tilespmem:s14+$0x4180] =	vst v20;
	v20 =	vmul.f32 v57, v38  }
0x11e: {  	v30 =	vmul.f32 v57, v41;
	v8 =	vld [tilespmem:s15+$0x40C0];
	[tilespmem:s14+$0x4190] =	vst v21;
	v21 =	vmul.f32 v57, v39  }
0x11f: {  	v31 =	vmul.f32 v57, v43;
	v27 =	vadd.f32 v29, v27;
	v29 =	vmul.f32 v6, v6;
	[tilespmem:s14+$0x41A0] =	vst v9  }
0x120: {  	v32 =	vmul.f32 v57, v45;
	v9 =	vld [tilespmem:s15+$0x40D0];
	[tilespmem:s14+$0x41B0] =	vst v22;
	v22 =	vmul.f32 v57, v42  }
0x121: {  	v33 =	vmul.f32 v57, v44;
	v27 =	vadd.f32 v29, v27;
	v29 =	vmul.f32 v7, v7;
	[tilespmem:s14+$0x41C0] =	vst v10  }
0x122: {  	v34 =	vmul.f32 v57, v46;
	v35 =	vmul.f32 v57, v47;
	v10 =	vld [tilespmem:s15+$0x40E0];
	[tilespmem:s14+$0x41D0] =	vst v11  }
0x123: {  	v27 =	vadd.f32 v29, v27;
	v29 =	vmul.f32 v8, v8;
	[tilespmem:s14+$0x41E0] =	vst v23  }
0x124: {  	v11 =	vld [tilespmem:s15+$0x40F0];
	[tilespmem:s14+$0x41F0] =	vst v12  }
0x125: {  	v23 =	vadd.f32 v29, v27;
	v27 =	vmul.f32 v9, v9;
	[tilespmem:s14+$0x4200] =	vst v13  }
0x126: {  	v12 =	vld [tilespmem:s15+$0x4100];
	[tilespmem:s14+$0x4210] =	vst v24  }
0x127: {  	v23 =	vadd.f32 v27, v23;
	v24 =	vmul.f32 v10, v10;
	[tilespmem:s14+$0x4220] =	vst v14  }
0x128: {  	v13 =	vld [tilespmem:s15+$0x4110];
	[tilespmem:s14+$0x4230] =	vst v15  }
0x129: {  	v15 =	vadd.f32 v24, v23;
	v23 =	vmul.f32 v11, v11;
	[tilespmem:s14+$0x4240] =	vst v25  }
0x12a: {  	v14 =	vld [tilespmem:s15+$0x4120];
	[tilespmem:s14+$0x4250] =	vst v16  }
0x12b: {  	v16 =	vadd.f32 v23, v15;
	v23 =	vmul.f32 v12, v12;
	[tilespmem:s14+$0x4260] =	vst v17  }
0x12c: {  	v15 =	vld [tilespmem:s15+$0x4130];
	[tilespmem:s14+$0x4270] =	vst v26  }
0x12d: {  	v17 =	vadd.f32 v23, v16;
	v23 =	vmul.f32 v13, v13;
	[tilespmem:s14+$0x4280] =	vst v18  }
0x12e: {  	v16 =	vld [tilespmem:s15+$0x4140];
	[tilespmem:s14+$0x4290] =	vst v19  }
0x12f: {  	v18 =	vadd.f32 v23, v17;
	v19 =	vmul.f32 v14, v14;
	[tilespmem:s14+$0x42A0] =	vst v28  }
0x130: {  	v17 =	vld [tilespmem:s15+$0x4150];
	[tilespmem:s14+$0x42B0] =	vst v20  }
0x131: {  	v19 =	vadd.f32 v19, v18;
	v20 =	vmul.f32 v15, v15;
	[tilespmem:s14+$0x42C0] =	vst v21  }
0x132: {  	v18 =	vld [tilespmem:s15+$0x4160];
	[tilespmem:s14+$0x42D0] =	vst v30  }
0x133: {  	v20 =	vadd.f32 v20, v19;
	v21 =	vmul.f32 v16, v16;
	[tilespmem:s14+$0x42E0] =	vst v31  }
0x134: {  	v19 =	vld [tilespmem:s15+$0x4170];
	[tilespmem:s14+$0x42F0] =	vst v22  }
0x135: {  	v21 =	vadd.f32 v21, v20;
	v22 =	vmul.f32 v17, v17;
	[tilespmem:s14+$0x4300] =	vst v32  }
0x136: {  	v20 =	vld [tilespmem:s15+$0x4180];
	[tilespmem:s14+$0x4310] =	vst v33  }
0x137: {  	v22 =	vadd.f32 v22, v21;
	v23 =	vmul.f32 v18, v18;
	[tilespmem:s14+$0x4320] =	vst v34  }
0x138: {  	v21 =	vld [tilespmem:s15+$0x4190];
	[tilespmem:s14+$0x4330] =	vst v35;
	s14 =	smov.u32 s15  }
0x139: {  	v23 =	vadd.f32 v23, v22;
	v24 =	vmul.f32 v19, v19  }
0x13a: {  	v22 =	vld [tilespmem:s14+$0x41A0]  }
0x13b: {  	v23 =	vadd.f32 v24, v23;
	v24 =	vmul.f32 v20, v20  }
0x13c: {  	v25 =	vld [tilespmem:s14+$0x41B0]  }
0x13d: {  	v23 =	vadd.f32 v24, v23;
	v26 =	vmul.f32 v21, v21  }
0x13e: {  	v24 =	vld [tilespmem:s14+$0x41C0]  }
0x13f: {  	v26 =	vadd.f32 v26, v23;
	v27 =	vmul.f32 v22, v22  }
0x140: {  	v23 =	vld [tilespmem:s14+$0x41D0]  }
0x141: {  	v26 =	vadd.f32 v27, v26;
	v27 =	vmul.f32 v25, v25  }
0x142: {  	v28 =	vld [tilespmem:s14+$0x41E0]  }
0x143: {  	v27 =	vadd.f32 v27, v26;
	v29 =	vmul.f32 v24, v24  }
0x144: {  	v26 =	vld [tilespmem:s14+$0x41F0]  }
0x145: {  	v29 =	vadd.f32 v29, v27;
	v30 =	vmul.f32 v23, v23  }
0x146: {  	v27 =	vld [tilespmem:s14+$0x4200]  }
0x147: {  	v30 =	vadd.f32 v30, v29;
	v31 =	vmul.f32 v28, v28  }
0x148: {  	v29 =	vld [tilespmem:s14+$0x4210]  }
0x149: {  	v30 =	vadd.f32 v31, v30;
	v32 =	vmul.f32 v26, v26  }
0x14a: {  	v31 =	vld [tilespmem:s14+$0x4220]  }
0x14b: {  	v32 =	vadd.f32 v32, v30;
	v33 =	vmul.f32 v27, v27  }
0x14c: {  	v30 =	vld [tilespmem:s14+$0x4230]  }
0x14d: {  	v32 =	vadd.f32 v33, v32;
	v34 =	vmul.f32 v29, v29  }
0x14e: {  	v33 =	vld [tilespmem:s14+$0x4240]  }
0x14f: {  	v34 =	vadd.f32 v34, v32;
	v35 =	vmul.f32 v31, v31  }
0x150: {  	v32 =	vld [tilespmem:s14+$0x4250]  }
0x151: {  	v35 =	vadd.f32 v35, v34;
	v36 =	vmul.f32 v30, v30  }
0x152: {  	v34 =	vld [tilespmem:s14+$0x4260]  }
0x153: {  	v35 =	vadd.f32 v36, v35;
	v36 =	vmul.f32 v33, v33  }
0x154: {  	v37 =	vld [tilespmem:s14+$0x4270]  }
0x155: {  	v35 =	vadd.f32 v36, v35;
	v38 =	vmul.f32 v32, v32  }
0x156: {  	v36 =	vld [tilespmem:s14+$0x4280]  }
0x157: {  	v38 =	vadd.f32 v38, v35;
	v39 =	vmul.f32 v34, v34  }
0x158: {  	v35 =	vld [tilespmem:s14+$0x4290]  }
0x159: {  	v38 =	vadd.f32 v39, v38;
	v39 =	vmul.f32 v37, v37  }
0x15a: {  	v40 =	vld [tilespmem:s14+$0x42A0]  }
0x15b: {  	v39 =	vadd.f32 v39, v38;
	v41 =	vmul.f32 v36, v36  }
0x15c: {  	v38 =	vld [tilespmem:s14+$0x42B0]  }
0x15d: {  	v41 =	vadd.f32 v41, v39;
	v42 =	vmul.f32 v35, v35  }
0x15e: {  	v39 =	vld [tilespmem:s14+$0x42C0]  }
0x15f: {  	v42 =	vadd.f32 v42, v41;
	v43 =	vmul.f32 v40, v40  }
0x160: {  	v41 =	vld [tilespmem:s14+$0x42D0]  }
0x161: {  	v42 =	vadd.f32 v43, v42;
	v44 =	vmul.f32 v38, v38  }
0x162: {  	v43 =	vld [tilespmem:s14+$0x42E0]  }
0x163: {  	v44 =	vadd.f32 v44, v42;
	v45 =	vmul.f32 v39, v39  }
0x164: {  	v42 =	vld [tilespmem:s14+$0x42F0]  }
0x165: {  	v44 =	vadd.f32 v45, v44;
	v46 =	vmul.f32 v41, v41  }
0x166: {  	v45 =	vld [tilespmem:s14+$0x4300]  }
0x167: {  	v46 =	vadd.f32 v46, v44;
	v47 =	vmul.f32 v43, v43  }
0x168: {  	v44 =	vld [tilespmem:s14+$0x4310]  }
0x169: {  	v47 =	vadd.f32 v47, v46;
	v57 =	vmul.f32 v42, v42  }
0x16a: {  	v46 =	vld [tilespmem:s14+$0x4320]  }
0x16b: {  	v57 =	vadd.f32 v57, v47;
	v58 =	vmul.f32 v45, v45  }
0x16c: {  	v47 =	vld [tilespmem:s14+$0x4330]  }
0x16d: {  	v57 =	vadd.f32 v58, v57;
	v58 =	vmul.f32 v44, v44;
	_ =	sdelay $0x1  }
0x16e: {  	v57 =	vadd.f32 v58, v57;
	v58 =	vmul.f32 v46, v46;
	_ =	sdelay $0x1  }
0x16f: {  	v57 =	vadd.f32 v58, v57;
	v58 =	vmul.f32 v47, v47;
	_ =	sdelay $0x1  }
0x170: {  	v57 =	vadd.f32 v58, v57;
	_ =	sdelay $0x1  }
0x171: {  	v58 =	vperm.xlane v57, v0;
	_ =	sdelay $0x1  }
0x172: {  	v57 =	vadd.f32 v57, v58;
	_ =	sdelay $0x1  }
0x173: {  	v58 =	vperm.xlane v57, v1;
	_ =	sdelay $0x1  }
0x174: {  	v57 =	vadd.f32 v57, v58;
	_ =	sdelay $0x1  }
0x175: {  	v58 =	vperm.xlane v57, v2;
	_ =	sdelay $0x1  }
0x176: {  	v57 =	vadd.f32 v57, v58;
	_ =	sdelay $0x1  }
0x177: {  	v58 =	vperm.xlane v57, v4;
	_ =	sdelay $0x1  }
0x178: {  	v57 =	vadd.f32 v57, v58;
	_ =	sdelay $0x1  }
0x179: {  	v57 =	vmax.f32 v57, $1.000000020e-24  }
0x17a: {  	v58 =	vshra.s32 v57, $0x1;
	v57 =	vmul.f32 $5.000000000e-01, v57  }
0x17b: {  	v58 =	vsub.s32 $0x5F3759DF, v58  }
0x17c: {  	v59 =	vmul.f32 v58, v57;
	_ =	sdelay $0x1  }
0x17d: {  	v59 =	vmul.f32 v58, v59;
	_ =	sdelay $0x1  }
0x17e: {  	v59 =	vsub.f32 $1.500000000e+00, v59;
	_ =	sdelay $0x1  }
0x17f: {  	v58 =	vmul.f32 v58, v59;
	_ =	sdelay $0x1  }
0x180: {  	v59 =	vmul.f32 v58, v57;
	_ =	sdelay $0x1  }
0x181: {  	v59 =	vmul.f32 v59, v58;
	_ =	sdelay $0x1  }
0x182: {  	v59 =	vsub.f32 $1.500000000e+00, v59;
	_ =	sdelay $0x1  }
0x183: {  	v58 =	vmul.f32 v59, v58;
	_ =	sdelay $0x1  }
0x184: {  	v57 =	vmul.f32 v58, v57;
	_ =	sdelay $0x1  }
0x185: {  	v57 =	vmul.f32 v57, v58;
	_ =	sdelay $0x1  }
0x186: {  	v57 =	vsub.f32 $1.500000000e+00, v57;
	_ =	sdelay $0x1  }
0x187: {  	v57 =	vmul.f32 v57, v58;
	_ =	sdelay $0x1  }
.Ltmp1:
0x188: {  	v48 =	vmul.f32 v57, v48;
	v5 =	vmul.f32 v57, v5;
	(pc) =	sbr.rel @p0 .LBB2_5-.Ltmp1, $4  }
0x189: {  	v60 =	vmul.f32 v57, v49;
	v49 =	vmul.f32 v57, v50  }
0x18a: {  	v59 =	vmul.f32 v57, v51;
	v50 =	vmul.f32 v57, v52;
	[tilespmem:s14+$0x4000] =	vst v48  }
0x18b: {  	s15 =	sshra.s32 s19, $0x2;
	v58 =	vmul.f32 v57, v53;
	v51 =	vmul.f32 v57, v54;
	[tilespmem:s14+$0x4010] =	vst v5  }
0x18c: {  	s19 =	sadd.s32 $0x1000, s19;
	v53 =	vmul.f32 v57, v55;
	v52 =	vmul.f32 v57, v56;
	v5 =	vld [tilespmem:s15+$0x4010];
	[tilespmem:s14+$0x4020] =	vst v60  }
0x18d: {  	v48 =	vld [tilespmem:s15+$0x4000];
	[tilespmem:s14+$0x4030] =	vst v49  }
0x18e: {  	[tilespmem:s14+$0x4040] =	vst v59  }
0x18f: {  	v49 =	vld [tilespmem:s15+$0x4020];
	[tilespmem:s14+$0x4050] =	vst v50  }
0x190: {  	[tilespmem:s14+$0x4060] =	vst v58  }
0x191: {  	v50 =	vld [tilespmem:s15+$0x4030];
	[tilespmem:s14+$0x4070] =	vst v51  }
0x192: {  	v62 =	vmul.f32 v57, v6;
	[tilespmem:s14+$0x4080] =	vst v53  }
0x193: {  	v63 =	vmul.f32 v57, v7;
	v6 =	vld [tilespmem:s15+$0x4040];
	[tilespmem:s14+$0x4090] =	vst v52  }
0x194: {  	v8 =	vmul.f32 v57, v8;
	[tilespmem:s14+$0x40A0] =	vst v62  }
0x195: {  	v9 =	vmul.f32 v57, v9;
	v7 =	vld [tilespmem:s15+$0x4050];
	[tilespmem:s14+$0x40B0] =	vst v63  }
0x196: {  	v10 =	vmul.f32 v57, v10;
	[tilespmem:s14+$0x40C0] =	vst v8  }
0x197: {  	v11 =	vmul.f32 v57, v11;
	v8 =	vld [tilespmem:s15+$0x4060];
	[tilespmem:s14+$0x40D0] =	vst v9  }
0x198: {  	[tilespmem:s14+$0x40E0] =	vst v10;
	v10 =	vmul.f32 v57, v12  }
0x199: {  	v12 =	vmul.f32 v57, v14;
	v9 =	vld [tilespmem:s15+$0x4070];
	[tilespmem:s14+$0x40F0] =	vst v11;
	v11 =	vmul.f32 v57, v13  }
0x19a: {  	v13 =	vmul.f32 v57, v15;
	v15 =	vmul.f32 v48, v48;
	[tilespmem:s14+$0x4100] =	vst v10  }
0x19b: {  	v10 =	vld [tilespmem:s15+$0x4080];
	[tilespmem:s14+$0x4120] =	vst v12;
	v12 =	vmul.f32 v57, v16;
	v16 =	vmul.f32 v5, v5;
	_ =	sdelay $0x1  }
0x19c: {  	v15 =	vadd.f32 v16, v15;
	v16 =	vmul.f32 v49, v49;
	_ =	sdelay $0x1  }
0x19d: {  	[tilespmem:s14+$0x4110] =	vst v11;
	v15 =	vadd.f32 v16, v15;
	v16 =	vmul.f32 v50, v50  }
0x19e: {  	v11 =	vld [tilespmem:s15+$0x4090];
	[tilespmem:s14+$0x4130] =	vst v13;
	v13 =	vmul.f32 v57, v17  }
0x19f: {  	v17 =	vmul.f32 v57, v19;
	v19 =	vmul.f32 v6, v6;
	v16 =	vadd.f32 v16, v15;
	_ =	sdelay $0x1  }
0x1a0: {  	v14 =	vmul.f32 v57, v18;
	v16 =	vadd.f32 v19, v16;
	v19 =	vmul.f32 v7, v7  }
0x1a1: {  	[tilespmem:s14+$0x4140] =	vst v12  }
0x1a2: {  	v12 =	vld [tilespmem:s15+$0x40A0];
	[tilespmem:s14+$0x4160] =	vst v14;
	v14 =	vmul.f32 v57, v20;
	v20 =	vmul.f32 v8, v8;
	v19 =	vadd.f32 v19, v16;
	_ =	sdelay $0x1  }
0x1a3: {  	v19 =	vadd.f32 v20, v19;
	v20 =	vmul.f32 v9, v9  }
0x1a4: {  	[tilespmem:s14+$0x4150] =	vst v13  }
0x1a5: {  	v13 =	vld [tilespmem:s15+$0x40B0];
	[tilespmem:s14+$0x4170] =	vst v17;
	v17 =	vmul.f32 v57, v21;
	v19 =	vadd.f32 v20, v19;
	v20 =	vmul.f32 v10, v10  }
0x1a6: {  	v18 =	vmul.f32 v57, v22;
	[tilespmem:s14+$0x4180] =	vst v14  }
0x1a7: {  	v14 =	vld [tilespmem:s15+$0x40C0];
	[tilespmem:s14+$0x4190] =	vst v17;
	v17 =	vmul.f32 v57, v25;
	v19 =	vadd.f32 v20, v19;
	v20 =	vmul.f32 v11, v11  }
0x1a8: {  	[tilespmem:s14+$0x41A0] =	vst v18;
	v18 =	vmul.f32 v57, v24  }
0x1a9: {  	v15 =	vld [tilespmem:s15+$0x40D0];
	[tilespmem:s14+$0x41B0] =	vst v17;
	v17 =	vmul.f32 v57, v23;
	v23 =	vmul.f32 v12, v12;
	v20 =	vadd.f32 v20, v19;
	_ =	sdelay $0x1  }
0x1aa: {  	[tilespmem:s14+$0x41C0] =	vst v18;
	v18 =	vmul.f32 v57, v28;
	v20 =	vadd.f32 v23, v20;
	v23 =	vmul.f32 v13, v13  }
0x1ab: {  	v21 =	vmul.f32 v57, v26;
	v16 =	vld [tilespmem:s15+$0x40E0];
	[tilespmem:s14+$0x41D0] =	vst v17  }
0x1ac: {  	[tilespmem:s14+$0x41E0] =	vst v18;
	v18 =	vmul.f32 v57, v27;
	v24 =	vmul.f32 v14, v14;
	v23 =	vadd.f32 v23, v20  }
0x1ad: {  	v17 =	vld [tilespmem:s15+$0x40F0];
	[tilespmem:s14+$0x41F0] =	vst v21;
	v21 =	vmul.f32 v57, v29  }
0x1ae: {  	v22 =	vmul.f32 v57, v31;
	[tilespmem:s14+$0x4200] =	vst v18;
	v23 =	vadd.f32 v24, v23;
	v24 =	vmul.f32 v15, v15  }
0x1af: {  	v18 =	vld [tilespmem:s15+$0x4100];
	[tilespmem:s14+$0x4210] =	vst v21;
	v21 =	vmul.f32 v57, v30  }
0x1b0: {  	[tilespmem:s14+$0x4220] =	vst v22;
	v22 =	vmul.f32 v57, v33;
	v23 =	vadd.f32 v24, v23;
	v24 =	vmul.f32 v16, v16  }
0x1b1: {  	v19 =	vld [tilespmem:s15+$0x4110];
	[tilespmem:s14+$0x4230] =	vst v21;
	v21 =	vmul.f32 v57, v32  }
0x1b2: {  	[tilespmem:s14+$0x4240] =	vst v22;
	v22 =	vmul.f32 v57, v34;
	v23 =	vadd.f32 v24, v23;
	v24 =	vmul.f32 v17, v17  }
0x1b3: {  	v25 =	vmul.f32 v57, v37;
	v20 =	vld [tilespmem:s15+$0x4120];
	[tilespmem:s14+$0x4250] =	vst v21  }
0x1b4: {  	v27 =	vmul.f32 v18, v18;
	[tilespmem:s14+$0x4260] =	vst v22;
	v22 =	vmul.f32 v57, v36;
	v24 =	vadd.f32 v24, v23  }
0x1b5: {  	v21 =	vld [tilespmem:s15+$0x4130];
	[tilespmem:s14+$0x4270] =	vst v25;
	v25 =	vmul.f32 v57, v35  }
0x1b6: {  	v26 =	vmul.f32 v57, v40;
	[tilespmem:s14+$0x4280] =	vst v22;
	v24 =	vadd.f32 v27, v24;
	v27 =	vmul.f32 v19, v19  }
0x1b7: {  	v22 =	vld [tilespmem:s15+$0x4140];
	[tilespmem:s14+$0x4290] =	vst v25;
	v25 =	vmul.f32 v57, v38  }
0x1b8: {  	[tilespmem:s14+$0x42A0] =	vst v26;
	v26 =	vmul.f32 v57, v39;
	v28 =	vmul.f32 v20, v20;
	v27 =	vadd.f32 v27, v24  }
0x1b9: {  	v23 =	vld [tilespmem:s15+$0x4150];
	[tilespmem:s14+$0x42B0] =	vst v25;
	v25 =	vmul.f32 v57, v41  }
0x1ba: {  	[tilespmem:s14+$0x42C0] =	vst v26;
	v26 =	vmul.f32 v57, v43;
	v27 =	vadd.f32 v28, v27;
	v28 =	vmul.f32 v21, v21  }
0x1bb: {  	v29 =	vmul.f32 v57, v42;
	v24 =	vld [tilespmem:s15+$0x4160];
	[tilespmem:s14+$0x42D0] =	vst v25  }
0x1bc: {  	[tilespmem:s14+$0x42E0] =	vst v26;
	v26 =	vmul.f32 v57, v45;
	v27 =	vadd.f32 v28, v27;
	v28 =	vmul.f32 v22, v22  }
0x1bd: {  	v25 =	vld [tilespmem:s15+$0x4170];
	[tilespmem:s14+$0x42F0] =	vst v29;
	v29 =	vmul.f32 v57, v44  }
0x1be: {  	v30 =	vmul.f32 v57, v46;
	[tilespmem:s14+$0x4300] =	vst v26;
	v27 =	vadd.f32 v28, v27;
	v28 =	vmul.f32 v23, v23  }
0x1bf: {  	v26 =	vld [tilespmem:s15+$0x4180];
	[tilespmem:s14+$0x4310] =	vst v29  }
0x1c0: {  	v29 =	vmul.f32 v57, v47;
	[tilespmem:s14+$0x4320] =	vst v30;
	v31 =	vmul.f32 v24, v24;
	v28 =	vadd.f32 v28, v27  }
0x1c1: {  	v27 =	vld [tilespmem:s15+$0x4190]  }
0x1c2: {  	v30 =	vmul.f32 v25, v25;
	[tilespmem:s14+$0x4330] =	vst v29;
	v29 =	vadd.f32 v31, v28  }
0x1c3: {  	v28 =	vld [tilespmem:s15+$0x41A0]  }
0x1c4: {  	v31 =	vmul.f32 v26, v26;
	v30 =	vadd.f32 v30, v29  }
0x1c5: {  	v29 =	vld [tilespmem:s15+$0x41B0]  }
0x1c6: {  	v38 =	vmul.f32 v27, v27;
	v31 =	vadd.f32 v31, v30  }
0x1c7: {  	v30 =	vld [tilespmem:s15+$0x41C0]  }
0x1c8: {  	v39 =	vmul.f32 v28, v28;
	v32 =	vadd.f32 v38, v31  }
0x1c9: {  	v31 =	vld [tilespmem:s15+$0x41D0]  }
0x1ca: {  	v40 =	vmul.f32 v29, v29;
	v33 =	vadd.f32 v39, v32  }
0x1cb: {  	v32 =	vld [tilespmem:s15+$0x41E0]  }
0x1cc: {  	v41 =	vmul.f32 v30, v30;
	v34 =	vadd.f32 v40, v33  }
0x1cd: {  	v33 =	vld [tilespmem:s15+$0x41F0]  }
0x1ce: {  	v42 =	vmul.f32 v31, v31;
	v35 =	vadd.f32 v41, v34  }
0x1cf: {  	v34 =	vld [tilespmem:s15+$0x4200]  }
0x1d0: {  	v43 =	vmul.f32 v32, v32;
	v36 =	vadd.f32 v42, v35  }
0x1d1: {  	v35 =	vld [tilespmem:s15+$0x4210]  }
0x1d2: {  	v44 =	vmul.f32 v33, v33;
	v37 =	vadd.f32 v43, v36  }
0x1d3: {  	v36 =	vld [tilespmem:s15+$0x4220]  }
0x1d4: {  	v45 =	vmul.f32 v34, v34;
	v38 =	vadd.f32 v44, v37  }
0x1d5: {  	v37 =	vld [tilespmem:s15+$0x4230]  }
0x1d6: {  	v46 =	vmul.f32 v35, v35;
	v39 =	vadd.f32 v45, v38  }
0x1d7: {  	v38 =	vld [tilespmem:s15+$0x4240]  }
0x1d8: {  	v47 =	vmul.f32 v36, v36;
	v40 =	vadd.f32 v46, v39  }
0x1d9: {  	v39 =	vld [tilespmem:s15+$0x4250]  }
0x1da: {  	v51 =	vmul.f32 v37, v37;
	v41 =	vadd.f32 v47, v40  }
0x1db: {  	v40 =	vld [tilespmem:s15+$0x4260]  }
0x1dc: {  	v52 =	vmul.f32 v38, v38;
	v42 =	vadd.f32 v51, v41  }
0x1dd: {  	v41 =	vld [tilespmem:s15+$0x4270]  }
0x1de: {  	v53 =	vmul.f32 v39, v39;
	v43 =	vadd.f32 v52, v42  }
0x1df: {  	v42 =	vld [tilespmem:s15+$0x4280]  }
0x1e0: {  	v54 =	vmul.f32 v40, v40;
	v44 =	vadd.f32 v53, v43  }
0x1e1: {  	v43 =	vld [tilespmem:s15+$0x4290]  }
0x1e2: {  	v55 =	vmul.f32 v41, v41;
	v45 =	vadd.f32 v54, v44  }
0x1e3: {  	v44 =	vld [tilespmem:s15+$0x42A0]  }
0x1e4: {  	v56 =	vmul.f32 v42, v42;
	v46 =	vadd.f32 v55, v45  }
0x1e5: {  	v45 =	vld [tilespmem:s15+$0x42B0]  }
0x1e6: {  	v57 =	vmul.f32 v43, v43;
	v47 =	vadd.f32 v56, v46  }
0x1e7: {  	v46 =	vld [tilespmem:s15+$0x42C0]  }
0x1e8: {  	v58 =	vmul.f32 v44, v44;
	v51 =	vadd.f32 v57, v47  }
0x1e9: {  	v47 =	vld [tilespmem:s15+$0x42D0]  }
0x1ea: {  	v59 =	vmul.f32 v45, v45;
	v52 =	vadd.f32 v58, v51  }
0x1eb: {  	v51 =	vld [tilespmem:s15+$0x42E0]  }
0x1ec: {  	v54 =	vmul.f32 v46, v46;
	v53 =	vadd.f32 v59, v52  }
0x1ed: {  	v52 =	vld [tilespmem:s15+$0x42F0]  }
0x1ee: {  	v55 =	vmul.f32 v47, v47;
	v54 =	vadd.f32 v54, v53  }
0x1ef: {  	v53 =	vld [tilespmem:s15+$0x4300]  }
0x1f0: {  	v56 =	vmul.f32 v51, v51;
	v55 =	vadd.f32 v55, v54  }
0x1f1: {  	v54 =	vld [tilespmem:s15+$0x4310]  }
0x1f2: {  	v60 =	vmul.f32 v52, v52;
	v56 =	vadd.f32 v56, v55  }
0x1f3: {  	v55 =	vld [tilespmem:s15+$0x4320]  }
0x1f4: {  	v61 =	vmul.f32 v53, v53;
	v57 =	vadd.f32 v60, v56  }
0x1f5: {  	v56 =	vld [tilespmem:s15+$0x4330]  }
0x1f6: {  	v62 =	vmul.f32 v54, v54;
	v57 =	vadd.f32 v61, v57;
	_ =	sdelay $0x1  }
0x1f7: {  	v63 =	vmul.f32 v55, v55;
	v57 =	vadd.f32 v62, v57;
	_ =	sdelay $0x1  }
0x1f8: {  	v60 =	vmul.f32 v56, v56;
	v57 =	vadd.f32 v63, v57;
	_ =	sdelay $0x1  }
0x1f9: {  	v57 =	vadd.f32 v60, v57;
	_ =	sdelay $0x1  }
0x1fa: {  	v58 =	vperm.xlane v57, v0;
	_ =	sdelay $0x1  }
0x1fb: {  	v57 =	vadd.f32 v57, v58;
	_ =	sdelay $0x1  }
0x1fc: {  	v58 =	vperm.xlane v57, v1;
	_ =	sdelay $0x1  }
0x1fd: {  	v57 =	vadd.f32 v57, v58;
	_ =	sdelay $0x1  }
0x1fe: {  	v58 =	vperm.xlane v57, v2;
	_ =	sdelay $0x1  }
0x1ff: {  	v57 =	vadd.f32 v57, v58;
	_ =	sdelay $0x1  }
0x200: {  	v58 =	vperm.xlane v57, v4;
	_ =	sdelay $0x1  }
0x201: {  	v57 =	vadd.f32 v57, v58;
	_ =	sdelay $0x1  }
0x202: {  	v57 =	vmax.f32 v57, $1.000000020e-24  }
0x203: {  	v61 =	vshra.s32 v57, $0x1;
	v57 =	vmul.f32 $5.000000000e-01, v57  }
0x204: {  	v58 =	vsub.s32 $0x5F3759DF, v61  }
0x205: {  	v62 =	vmul.f32 v58, v57;
	_ =	sdelay $0x1  }
0x206: {  	v59 =	vmul.f32 v58, v62;
	_ =	sdelay $0x1  }
0x207: {  	v59 =	vsub.f32 $1.500000000e+00, v59;
	_ =	sdelay $0x1  }
0x208: {  	v58 =	vmul.f32 v58, v59;
	_ =	sdelay $0x1  }
0x209: {  	v59 =	vmul.f32 v58, v57;
	_ =	sdelay $0x1  }
0x20a: {  	v59 =	vmul.f32 v59, v58;
	_ =	sdelay $0x1  }
0x20b: {  	v59 =	vsub.f32 $1.500000000e+00, v59;
	_ =	sdelay $0x1  }
0x20c: {  	v58 =	vmul.f32 v59, v58;
	_ =	sdelay $0x1  }
0x20d: {  	v57 =	vmul.f32 v58, v57;
	_ =	sdelay $0x1  }
0x20e: {  	v57 =	vmul.f32 v57, v58;
	_ =	sdelay $0x1  }
0x20f: {  	v57 =	vsub.f32 $1.500000000e+00, v57;
	_ =	sdelay $0x1  }
0x210: {  	v57 =	vmul.f32 v57, v58;
	_ =	sdelay $0x1  }
0x211: {  	v48 =	vmul.f32 v57, v48  }
0x212: {  	v5 =	vmul.f32 v57, v5  }
0x213: {  	v49 =	vmul.f32 v57, v49;
	[tilespmem:s15+$0x4000] =	vst v48  }
0x214: {  	v63 =	vmul.f32 v57, v50;
	[tilespmem:s15+$0x4010] =	vst v5  }
0x215: {  	v5 =	vmul.f32 v57, v6;
	[tilespmem:s15+$0x4020] =	vst v49  }
0x216: {  	v6 =	vmul.f32 v57, v7;
	[tilespmem:s15+$0x4030] =	vst v63  }
0x217: {  	v7 =	vmul.f32 v57, v8;
	[tilespmem:s15+$0x4040] =	vst v5  }
0x218: {  	v5 =	vmul.f32 v57, v9;
	[tilespmem:s15+$0x4050] =	vst v6  }
0x219: {  	v6 =	vmul.f32 v57, v10;
	[tilespmem:s15+$0x4060] =	vst v7  }
0x21a: {  	v7 =	vmul.f32 v57, v11;
	[tilespmem:s15+$0x4070] =	vst v5  }
0x21b: {  	v5 =	vmul.f32 v57, v12;
	[tilespmem:s15+$0x4080] =	vst v6  }
0x21c: {  	v6 =	vmul.f32 v57, v13;
	[tilespmem:s15+$0x4090] =	vst v7  }
0x21d: {  	v7 =	vmul.f32 v57, v14;
	[tilespmem:s15+$0x40A0] =	vst v5  }
0x21e: {  	v5 =	vmul.f32 v57, v15;
	[tilespmem:s15+$0x40B0] =	vst v6  }
0x21f: {  	v6 =	vmul.f32 v57, v16;
	[tilespmem:s15+$0x40C0] =	vst v7  }
0x220: {  	v7 =	vmul.f32 v57, v17;
	[tilespmem:s15+$0x40D0] =	vst v5  }
0x221: {  	v5 =	vmul.f32 v57, v18;
	[tilespmem:s15+$0x40E0] =	vst v6  }
0x222: {  	v6 =	vmul.f32 v57, v19;
	[tilespmem:s15+$0x40F0] =	vst v7  }
0x223: {  	v7 =	vmul.f32 v57, v20;
	[tilespmem:s15+$0x4100] =	vst v5  }
0x224: {  	v5 =	vmul.f32 v57, v21;
	[tilespmem:s15+$0x4110] =	vst v6  }
0x225: {  	v6 =	vmul.f32 v57, v22;
	[tilespmem:s15+$0x4120] =	vst v7  }
0x226: {  	v7 =	vmul.f32 v57, v23;
	[tilespmem:s15+$0x4130] =	vst v5  }
0x227: {  	v5 =	vmul.f32 v57, v24;
	[tilespmem:s15+$0x4140] =	vst v6  }
0x228: {  	v6 =	vmul.f32 v57, v25;
	[tilespmem:s15+$0x4150] =	vst v7  }
0x229: {  	v7 =	vmul.f32 v57, v26;
	[tilespmem:s15+$0x4160] =	vst v5  }
0x22a: {  	v5 =	vmul.f32 v57, v27;
	[tilespmem:s15+$0x4170] =	vst v6  }
0x22b: {  	v6 =	vmul.f32 v57, v28;
	[tilespmem:s15+$0x4180] =	vst v7  }
0x22c: {  	v7 =	vmul.f32 v57, v29;
	[tilespmem:s15+$0x4190] =	vst v5  }
0x22d: {  	v5 =	vmul.f32 v57, v30;
	[tilespmem:s15+$0x41A0] =	vst v6  }
0x22e: {  	v6 =	vmul.f32 v57, v31;
	[tilespmem:s15+$0x41B0] =	vst v7  }
0x22f: {  	v7 =	vmul.f32 v57, v32;
	[tilespmem:s15+$0x41C0] =	vst v5  }
0x230: {  	v5 =	vmul.f32 v57, v33;
	[tilespmem:s15+$0x41D0] =	vst v6  }
0x231: {  	v6 =	vmul.f32 v57, v34;
	[tilespmem:s15+$0x41E0] =	vst v7  }
0x232: {  	v7 =	vmul.f32 v57, v35;
	[tilespmem:s15+$0x41F0] =	vst v5  }
0x233: {  	v5 =	vmul.f32 v57, v36;
	[tilespmem:s15+$0x4200] =	vst v6  }
0x234: {  	v6 =	vmul.f32 v57, v37;
	[tilespmem:s15+$0x4210] =	vst v7  }
0x235: {  	v7 =	vmul.f32 v57, v38;
	[tilespmem:s15+$0x4220] =	vst v5  }
0x236: {  	v5 =	vmul.f32 v57, v39;
	[tilespmem:s15+$0x4230] =	vst v6  }
0x237: {  	v6 =	vmul.f32 v57, v40;
	[tilespmem:s15+$0x4240] =	vst v7  }
0x238: {  	v7 =	vmul.f32 v57, v41;
	[tilespmem:s15+$0x4250] =	vst v5  }
0x239: {  	v5 =	vmul.f32 v57, v42;
	[tilespmem:s15+$0x4260] =	vst v6  }
0x23a: {  	v6 =	vmul.f32 v57, v43;
	[tilespmem:s15+$0x4270] =	vst v7  }
0x23b: {  	v7 =	vmul.f32 v57, v44;
	[tilespmem:s15+$0x4280] =	vst v5  }
0x23c: {  	v5 =	vmul.f32 v57, v45;
	[tilespmem:s15+$0x4290] =	vst v6  }
0x23d: {  	v6 =	vmul.f32 v57, v46;
	[tilespmem:s15+$0x42A0] =	vst v7  }
0x23e: {  	v7 =	vmul.f32 v57, v47;
	[tilespmem:s15+$0x42B0] =	vst v5  }
0x23f: {  	v5 =	vmul.f32 v57, v51;
	[tilespmem:s15+$0x42C0] =	vst v6  }
0x240: {  	v6 =	vmul.f32 v57, v52;
	[tilespmem:s15+$0x42D0] =	vst v7  }
0x241: {  	v7 =	vmul.f32 v57, v53;
	[tilespmem:s15+$0x42E0] =	vst v5  }
0x242: {  	v5 =	vmul.f32 v57, v54;
	[tilespmem:s15+$0x42F0] =	vst v6  }
0x243: {  	v6 =	vmul.f32 v57, v55;
	[tilespmem:s15+$0x4300] =	vst v7  }
0x244: {  	v7 =	vmul.f32 v57, v56;
	[tilespmem:s15+$0x4310] =	vst v5  }
0x245: {  	[tilespmem:s15+$0x4320] =	vst v6  }
0x246: {  	s19 =	simm.s32 $0x0;
	[tilespmem:s15+$0x4330] =	vst v7;
	s15 =	sadd.s32 s22, s5  }
0x247: {  	[hbm4b:s15+s19] =	stream.linear.scatter [tilespmem:s6], [sflag:$0x3], $0x8000, $0x38;
	[tilespmem:$0x14000] =	vst v63  }
0x248: {  	_ =	swait.ge [sflag:s9], $0x1000  }
0x249: {  	[sflag:s9] =	ssyncset.done $0x0  }
0x24a: {  	[sflag:s9] =	ssyncadd.s32 $0xFFFFF000  }
0x24b: {  	_ =	swait.ge [sflag:s9], $0x1000  }
0x24c: {  	[sflag:s9] =	ssyncset.done $0x0  }
0x24d: {  	[sflag:s9] =	ssyncadd.s32 $0xFFFFF000  }
0x24e: {  	_ =	swait.ge [sflag:s9], $0x1000  }
0x24f: {  	[sflag:s9] =	ssyncset.done $0x0  }
0x250: {  	[sflag:s9] =	ssyncadd.s32 $0xFFFFF000  }
0x251: {  	_ =	swait.ge [sflag:s9], $0x1000  }
0x252: {  	[sflag:s9] =	ssyncset.done $0x0  }
0x253: {  	[sflag:s9] =	ssyncadd.s32 $0xFFFFF000  }
0x254: {  	_ =	swait.ge [sflag:s9], $0x1000  }
0x255: {  	[sflag:s9] =	ssyncset.done $0x0  }
0x256: {  	[sflag:s9] =	ssyncadd.s32 $0xFFFFF000  }
0x257: {  	_ =	swait.ge [sflag:s9], $0x1000  }
0x258: {  	[sflag:s9] =	ssyncset.done $0x0  }
0x259: {  	[sflag:s9] =	ssyncadd.s32 $0xFFFFF000  }
0x25a: {  	_ =	swait.ge [sflag:s9], $0x1000  }
0x25b: {  	[sflag:s9] =	ssyncset.done $0x0  }
0x25c: {  	[sflag:s9] =	ssyncadd.s32 $0xFFFFF000  }
0x25d: {  	_ =	swait.ge [sflag:s9], $0x1000  }
0x25e: {  	[sflag:s9] =	ssyncset.done $0x0  }
0x25f: {  	s14 =	sshll.u32 s17, $0x4;
	[sflag:s9] =	ssyncadd.s32 $0xFFFFF000  }
0x260: {  	s22 =	smin.u32 s14, $0x6F;
	_ =	swait.ge [sflag:s11], $0x8000  }
0x261: {  	s15 =	sshll.u32 s22, $0x7;
	[sflag:s11] =	ssyncset.done $0x0  }
0x262: {  	s19 =	smin.u32 s14, $0x6E;
	s15 =	sadd.s32 $0x800, s15;
	[sflag:s11] =	ssyncadd.s32 $0xFFFF8000  }
0x263: {  	[tilespmem:s6], [sflag:$0x1] =	stream.indirect.gather [hbm4b:s4+s20], $0x20, s15, s20, $0xb8;
	[tilespmem:$0x14000] =	vst v63  }
0x264: {  	s15 =	sshll.u32 s19, $0x7  }
0x265: {  	s22 =	smin.u32 s14, $0x6D;
	s15 =	sadd.s32 $0x880, s15  }
0x266: {  	[tilespmem:s7], [sflag:$0x1] =	stream.indirect.gather [hbm4b:s4+s20], $0x20, s15, s20, $0xb8;
	[tilespmem:$0x14000] =	vst v63  }
0x267: {  	s15 =	sshll.u32 s22, $0x7  }
0x268: {  	s19 =	smin.u32 s14, $0x6C;
	s15 =	sadd.s32 $0x900, s15  }
0x269: {  	[tilespmem:s8], [sflag:$0x1] =	stream.indirect.gather [hbm4b:s4+s20], $0x20, s15, s20, $0xb8;
	[tilespmem:$0x14000] =	vst v63  }
0x26a: {  	s15 =	sshll.u32 s19, $0x7  }
0x26b: {  	s22 =	smin.u32 s14, $0x6B;
	s15 =	sadd.s32 $0x980, s15  }
0x26c: {  	[tilespmem:s10], [sflag:$0x1] =	stream.indirect.gather [hbm4b:s4+s20], $0x20, s15, s20, $0xb8;
	[tilespmem:$0x14000] =	vst v63  }
0x26d: {  	s15 =	sshll.u32 s22, $0x7  }
0x26e: {  	s19 =	smin.u32 s14, $0x6A;
	s15 =	sadd.s32 $0xA00, s15  }
0x26f: {  	[tilespmem:s12], [sflag:$0x1] =	stream.indirect.gather [hbm4b:s4+s20], $0x20, s15, s20, $0xb8;
	[tilespmem:$0x14000] =	vst v63  }
0x270: {  	s15 =	sshll.u32 s19, $0x7  }
0x271: {  	s22 =	smin.u32 s14, $0x69;
	s15 =	sadd.s32 $0xA80, s15  }
0x272: {  	[tilespmem:s16], [sflag:$0x1] =	stream.indirect.gather [hbm4b:s4+s20], $0x20, s15, s20, $0xb8;
	[tilespmem:$0x14000] =	vst v63  }
0x273: {  	s14 =	smin.u32 s14, $0x68;
	s15 =	sshll.u32 s22, $0x7  }
0x274: {  	s14 =	sshll.u32 s14, $0x7;
	s15 =	sadd.s32 $0xB00, s15  }
0x275: {  	[tilespmem:s18], [sflag:$0x1] =	stream.indirect.gather [hbm4b:s4+s20], $0x20, s15, s20, $0xb8;
	[tilespmem:$0x14000] =	vst v63  }
0x276: {  	s14 =	sadd.s32 $0xB80, s14  }
0x277: {  	[tilespmem:s23], [sflag:$0x1] =	stream.indirect.gather [hbm4b:s4+s20], $0x20, s14, s20, $0xb8;
	[tilespmem:$0x14000] =	vst v63  }
0x278: {  	s14 =	simm.s32 $0x0  }
0x279: {  	v5 =	vld [tilespmem:s14+$0xC010]  }
0x27a: {  	v50 =	vld [tilespmem:s14+$0xC000];
	_ =	sdelay $0x1  }
0x27b: {  	v48 =	vld [tilespmem:s14+$0xC020];
	_ =	sdelay $0x1  }
0x27c: {  	v49 =	vld [tilespmem:s14+$0xC030]  }
0x27d: {  	v6 =	vmul.f32 v50, v50;
	v7 =	vmul.f32 v5, v5  }
0x27e: {  	v51 =	vld [tilespmem:s14+$0xC040]  }
0x27f: {  	v6 =	vadd.f32 v7, v6;
	v7 =	vmul.f32 v48, v48  }
0x280: {  	v52 =	vld [tilespmem:s14+$0xC050]  }
0x281: {  	v6 =	vadd.f32 v7, v6;
	v7 =	vmul.f32 v49, v49  }
0x282: {  	v53 =	vld [tilespmem:s14+$0xC060]  }
0x283: {  	v6 =	vadd.f32 v7, v6;
	v7 =	vmul.f32 v51, v51  }
0x284: {  	v55 =	vld [tilespmem:s14+$0xC070]  }
0x285: {  	v6 =	vadd.f32 v7, v6;
	v7 =	vmul.f32 v52, v52  }
0x286: {  	v54 =	vld [tilespmem:s14+$0xC080]  }
0x287: {  	v6 =	vadd.f32 v7, v6;
	v7 =	vmul.f32 v53, v53  }
0x288: {  	v56 =	vld [tilespmem:s14+$0xC090]  }
0x289: {  	v8 =	vmul.f32 v55, v55;
	v7 =	vadd.f32 v7, v6  }
0x28a: {  	v6 =	vld [tilespmem:s14+$0xC0A0]  }
0x28b: {  	v9 =	vmul.f32 v54, v54;
	v8 =	vadd.f32 v8, v7  }
0x28c: {  	v7 =	vld [tilespmem:s14+$0xC0B0]  }
0x28d: {  	v10 =	vmul.f32 v56, v56;
	v9 =	vadd.f32 v9, v8  }
0x28e: {  	v8 =	vld [tilespmem:s14+$0xC0C0]  }
0x28f: {  	v11 =	vmul.f32 v6, v6;
	v10 =	vadd.f32 v10, v9  }
0x290: {  	v9 =	vld [tilespmem:s14+$0xC0D0]  }
0x291: {  	v12 =	vmul.f32 v7, v7;
	v11 =	vadd.f32 v11, v10  }
0x292: {  	v10 =	vld [tilespmem:s14+$0xC0E0]  }
0x293: {  	v13 =	vmul.f32 v8, v8;
	v12 =	vadd.f32 v12, v11  }
0x294: {  	v11 =	vld [tilespmem:s14+$0xC0F0]  }
0x295: {  	v14 =	vmul.f32 v9, v9;
	v13 =	vadd.f32 v13, v12  }
0x296: {  	v12 =	vld [tilespmem:s14+$0xC100]  }
0x297: {  	v15 =	vmul.f32 v10, v10;
	v14 =	vadd.f32 v14, v13  }
0x298: {  	v13 =	vld [tilespmem:s14+$0xC110]  }
0x299: {  	v16 =	vmul.f32 v11, v11;
	v15 =	vadd.f32 v15, v14  }
0x29a: {  	v14 =	vld [tilespmem:s14+$0xC120]  }
0x29b: {  	v17 =	vmul.f32 v12, v12;
	v16 =	vadd.f32 v16, v15  }
0x29c: {  	v15 =	vld [tilespmem:s14+$0xC130]  }
0x29d: {  	v18 =	vmul.f32 v13, v13;
	v17 =	vadd.f32 v17, v16  }
0x29e: {  	v16 =	vld [tilespmem:s14+$0xC140]  }
0x29f: {  	v19 =	vmul.f32 v14, v14;
	v18 =	vadd.f32 v18, v17  }
0x2a0: {  	v17 =	vld [tilespmem:s14+$0xC150]  }
0x2a1: {  	v20 =	vmul.f32 v15, v15;
	v19 =	vadd.f32 v19, v18  }
0x2a2: {  	v18 =	vld [tilespmem:s14+$0xC160]  }
0x2a3: {  	v21 =	vmul.f32 v16, v16;
	v20 =	vadd.f32 v20, v19  }
0x2a4: {  	v19 =	vld [tilespmem:s14+$0xC170]  }
0x2a5: {  	v22 =	vmul.f32 v17, v17;
	v21 =	vadd.f32 v21, v20  }
0x2a6: {  	v20 =	vld [tilespmem:s14+$0xC180]  }
0x2a7: {  	v23 =	vmul.f32 v18, v18;
	v22 =	vadd.f32 v22, v21  }
0x2a8: {  	v21 =	vld [tilespmem:s14+$0xC190]  }
0x2a9: {  	v24 =	vmul.f32 v19, v19;
	v23 =	vadd.f32 v23, v22  }
0x2aa: {  	v22 =	vld [tilespmem:s14+$0xC1A0]  }
0x2ab: {  	v23 =	vadd.f32 v24, v23;
	v24 =	vmul.f32 v20, v20  }
0x2ac: {  	v25 =	vld [tilespmem:s14+$0xC1B0]  }
0x2ad: {  	v26 =	vmul.f32 v21, v21;
	v23 =	vadd.f32 v24, v23  }
0x2ae: {  	v24 =	vld [tilespmem:s14+$0xC1C0]  }
0x2af: {  	v27 =	vmul.f32 v22, v22;
	v26 =	vadd.f32 v26, v23  }
0x2b0: {  	v23 =	vld [tilespmem:s14+$0xC1D0]  }
0x2b1: {  	v26 =	vadd.f32 v27, v26;
	v27 =	vmul.f32 v25, v25  }
0x2b2: {  	v28 =	vld [tilespmem:s14+$0xC1E0]  }
0x2b3: {  	v29 =	vmul.f32 v24, v24;
	v27 =	vadd.f32 v27, v26  }
0x2b4: {  	v26 =	vld [tilespmem:s14+$0xC1F0]  }
0x2b5: {  	v30 =	vmul.f32 v23, v23;
	v29 =	vadd.f32 v29, v27  }
0x2b6: {  	v27 =	vld [tilespmem:s14+$0xC200]  }
0x2b7: {  	v31 =	vmul.f32 v28, v28;
	v30 =	vadd.f32 v30, v29  }
0x2b8: {  	v29 =	vld [tilespmem:s14+$0xC210]  }
0x2b9: {  	v36 =	vmul.f32 v26, v26;
	v30 =	vadd.f32 v31, v30  }
0x2ba: {  	v31 =	vld [tilespmem:s14+$0xC220]  }
0x2bb: {  	v37 =	vmul.f32 v27, v27;
	v32 =	vadd.f32 v36, v30  }
0x2bc: {  	v30 =	vld [tilespmem:s14+$0xC230]  }
0x2bd: {  	v38 =	vmul.f32 v29, v29;
	v32 =	vadd.f32 v37, v32  }
0x2be: {  	v33 =	vld [tilespmem:s14+$0xC240]  }
0x2bf: {  	v39 =	vmul.f32 v31, v31;
	v34 =	vadd.f32 v38, v32  }
0x2c0: {  	v32 =	vld [tilespmem:s14+$0xC250]  }
0x2c1: {  	v40 =	vmul.f32 v30, v30;
	v35 =	vadd.f32 v39, v34  }
0x2c2: {  	v34 =	vld [tilespmem:s14+$0xC260]  }
0x2c3: {  	v41 =	vmul.f32 v33, v33;
	v35 =	vadd.f32 v40, v35  }
0x2c4: {  	v37 =	vld [tilespmem:s14+$0xC270]  }
0x2c5: {  	v42 =	vmul.f32 v32, v32;
	v35 =	vadd.f32 v41, v35  }
0x2c6: {  	v36 =	vld [tilespmem:s14+$0xC280]  }
0x2c7: {  	v43 =	vmul.f32 v34, v34;
	v38 =	vadd.f32 v42, v35  }
0x2c8: {  	v35 =	vld [tilespmem:s14+$0xC290]  }
0x2c9: {  	v44 =	vmul.f32 v37, v37;
	v38 =	vadd.f32 v43, v38  }
0x2ca: {  	v40 =	vld [tilespmem:s14+$0xC2A0]  }
0x2cb: {  	v45 =	vmul.f32 v36, v36;
	v39 =	vadd.f32 v44, v38  }
0x2cc: {  	v38 =	vld [tilespmem:s14+$0xC2B0]  }
0x2cd: {  	v46 =	vmul.f32 v35, v35;
	v41 =	vadd.f32 v45, v39  }
0x2ce: {  	v39 =	vld [tilespmem:s14+$0xC2C0]  }
0x2cf: {  	v47 =	vmul.f32 v40, v40;
	v42 =	vadd.f32 v46, v41  }
0x2d0: {  	v41 =	vld [tilespmem:s14+$0xC2D0]  }
0x2d1: {  	v57 =	vmul.f32 v38, v38;
	v42 =	vadd.f32 v47, v42  }
0x2d2: {  	v43 =	vld [tilespmem:s14+$0xC2E0]  }
0x2d3: {  	v58 =	vmul.f32 v39, v39;
	v44 =	vadd.f32 v57, v42  }
0x2d4: {  	v42 =	vld [tilespmem:s14+$0xC2F0]  }
0x2d5: {  	v59 =	vmul.f32 v41, v41;
	v44 =	vadd.f32 v58, v44  }
0x2d6: {  	v45 =	vld [tilespmem:s14+$0xC300]  }
0x2d7: {  	v60 =	vmul.f32 v43, v43;
	v46 =	vadd.f32 v59, v44  }
0x2d8: {  	v44 =	vld [tilespmem:s14+$0xC310]  }
0x2d9: {  	v61 =	vmul.f32 v42, v42;
	v47 =	vadd.f32 v60, v46  }
0x2da: {  	v46 =	vld [tilespmem:s14+$0xC320]  }
0x2db: {  	v62 =	vmul.f32 v45, v45;
	v57 =	vadd.f32 v61, v47  }
0x2dc: {  	v47 =	vld [tilespmem:s14+$0xC330]  }
0x2dd: {  	v63 =	vmul.f32 v44, v44;
	v57 =	vadd.f32 v62, v57;
	_ =	sdelay $0x1  }
0x2de: {  	v60 =	vmul.f32 v46, v46;
	v57 =	vadd.f32 v63, v57;
	_ =	sdelay $0x1  }
0x2df: {  	v61 =	vmul.f32 v47, v47;
	v57 =	vadd.f32 v60, v57;
	_ =	sdelay $0x1  }
0x2e0: {  	v57 =	vadd.f32 v61, v57;
	_ =	sdelay $0x1  }
0x2e1: {  	v58 =	vperm.xlane v57, v0;
	_ =	sdelay $0x1  }
0x2e2: {  	v57 =	vadd.f32 v57, v58;
	_ =	sdelay $0x1  }
0x2e3: {  	v58 =	vperm.xlane v57, v1;
	_ =	sdelay $0x1  }
0x2e4: {  	v57 =	vadd.f32 v57, v58;
	_ =	sdelay $0x1  }
0x2e5: {  	v58 =	vperm.xlane v57, v2;
	_ =	sdelay $0x1  }
0x2e6: {  	v57 =	vadd.f32 v57, v58;
	_ =	sdelay $0x1  }
0x2e7: {  	v58 =	vperm.xlane v57, v4;
	_ =	sdelay $0x1  }
0x2e8: {  	v57 =	vadd.f32 v57, v58;
	_ =	sdelay $0x1  }
0x2e9: {  	v57 =	vmax.f32 v57, $1.000000020e-24  }
0x2ea: {  	v62 =	vshra.s32 v57, $0x1;
	v57 =	vmul.f32 $5.000000000e-01, v57  }
0x2eb: {  	v58 =	vsub.s32 $0x5F3759DF, v62  }
0x2ec: {  	v63 =	vmul.f32 v58, v57;
	_ =	sdelay $0x1  }
0x2ed: {  	v59 =	vmul.f32 v58, v63;
	_ =	sdelay $0x1  }
0x2ee: {  	v59 =	vsub.f32 $1.500000000e+00, v59;
	_ =	sdelay $0x1  }
0x2ef: {  	v58 =	vmul.f32 v58, v59;
	_ =	sdelay $0x1  }
0x2f0: {  	v59 =	vmul.f32 v58, v57;
	_ =	sdelay $0x1  }
0x2f1: {  	v59 =	vmul.f32 v59, v58;
	_ =	sdelay $0x1  }
0x2f2: {  	v59 =	vsub.f32 $1.500000000e+00, v59;
	_ =	sdelay $0x1  }
0x2f3: {  	v58 =	vmul.f32 v59, v58;
	_ =	sdelay $0x1  }
0x2f4: {  	v57 =	vmul.f32 v58, v57;
	_ =	sdelay $0x1  }
0x2f5: {  	v57 =	vmul.f32 v57, v58;
	_ =	sdelay $0x1  }
0x2f6: {  	v57 =	vsub.f32 $1.500000000e+00, v57;
	_ =	sdelay $0x1  }
0x2f7: {  	v57 =	vmul.f32 v57, v58;
	_ =	sdelay $0x1  }
0x2f8: {  	v50 =	vmul.f32 v57, v50;
	v5 =	vmul.f32 v57, v5  }
0x2f9: {  	v48 =	vmul.f32 v57, v48;
	v49 =	vmul.f32 v57, v49  }
0x2fa: {  	v59 =	vmul.f32 v57, v51;
	v58 =	vmul.f32 v57, v53;
	[tilespmem:s14+$0xC000] =	vst v50  }
0x2fb: {  	s15 =	simm.s32 $0x400;
	v51 =	vmul.f32 v57, v55;
	v53 =	vmul.f32 v57, v54;
	[tilespmem:s14+$0xC010] =	vst v5  }
0x2fc: {  	s19 =	simm.s32 $0x2000;
	v50 =	vmul.f32 v57, v52;
	v52 =	vmul.f32 v57, v56;
	v5 =	vld [tilespmem:s15+$0xC010];
	[tilespmem:s14+$0xC020] =	vst v48  }
.LBB2_7:
0x2fd: {  	p0 =	sne.s32 s19, $0x1F000;
	v48 =	vld [tilespmem:s15+$0xC000];
	[tilespmem:s14+$0xC030] =	vst v49;
	v6 =	vmul.f32 v57, v6;
	v7 =	vmul.f32 v57, v7  }
0x2fe: {  	v8 =	vmul.f32 v57, v8;
	v9 =	vmul.f32 v57, v9;
	[tilespmem:s14+$0xC040] =	vst v59  }
0x2ff: {  	v10 =	vmul.f32 v57, v10;
	v11 =	vmul.f32 v57, v11;
	v49 =	vld [tilespmem:s15+$0xC020];
	[tilespmem:s14+$0xC050] =	vst v50  }
0x300: {  	v12 =	vmul.f32 v57, v12;
	v13 =	vmul.f32 v57, v13;
	[tilespmem:s14+$0xC060] =	vst v58  }
0x301: {  	v14 =	vmul.f32 v57, v14;
	v15 =	vmul.f32 v57, v15;
	v50 =	vld [tilespmem:s15+$0xC030];
	[tilespmem:s14+$0xC070] =	vst v51  }
0x302: {  	v55 =	vmul.f32 v5, v5;
	v54 =	vmul.f32 v48, v48;
	[tilespmem:s14+$0xC080] =	vst v53  }
0x303: {  	v16 =	vmul.f32 v57, v16;
	v17 =	vmul.f32 v57, v17;
	v51 =	vld [tilespmem:s15+$0xC040];
	[tilespmem:s14+$0xC090] =	vst v52  }
0x304: {  	v18 =	vmul.f32 v57, v18;
	v53 =	vadd.f32 v55, v54;
	v54 =	vmul.f32 v49, v49;
	[tilespmem:s14+$0xC0A0] =	vst v6  }
0x305: {  	v19 =	vmul.f32 v57, v19;
	v20 =	vmul.f32 v57, v20;
	v52 =	vld [tilespmem:s15+$0xC050];
	[tilespmem:s14+$0xC0B0] =	vst v7  }
0x306: {  	v21 =	vmul.f32 v57, v21;
	v6 =	vadd.f32 v54, v53;
	v7 =	vmul.f32 v50, v50;
	[tilespmem:s14+$0xC0C0] =	vst v8  }
0x307: {  	v53 =	vld [tilespmem:s15+$0xC060];
	[tilespmem:s14+$0xC0D0] =	vst v9;
	v9 =	vmul.f32 v57, v22;
	v22 =	vmul.f32 v57, v25  }
0x308: {  	v6 =	vadd.f32 v7, v6;
	v7 =	vmul.f32 v51, v51;
	[tilespmem:s14+$0xC0E0] =	vst v10;
	v10 =	vmul.f32 v57, v24  }
0x309: {  	v54 =	vld [tilespmem:s15+$0xC070];
	[tilespmem:s14+$0xC0F0] =	vst v11;
	v11 =	vmul.f32 v57, v23;
	v23 =	vmul.f32 v57, v28  }
0x30a: {  	v6 =	vadd.f32 v7, v6;
	v7 =	vmul.f32 v52, v52;
	[tilespmem:s14+$0xC100] =	vst v12;
	v12 =	vmul.f32 v57, v26  }
0x30b: {  	v24 =	vmul.f32 v57, v29;
	v55 =	vld [tilespmem:s15+$0xC080];
	[tilespmem:s14+$0xC110] =	vst v13;
	v13 =	vmul.f32 v57, v27  }
0x30c: {  	v6 =	vadd.f32 v7, v6;
	v7 =	vmul.f32 v53, v53;
	[tilespmem:s14+$0xC120] =	vst v14;
	v14 =	vmul.f32 v57, v31  }
0x30d: {  	v25 =	vmul.f32 v57, v33;
	v56 =	vld [tilespmem:s15+$0xC090];
	[tilespmem:s14+$0xC130] =	vst v15;
	v15 =	vmul.f32 v57, v30  }
0x30e: {  	v7 =	vadd.f32 v7, v6;
	v8 =	vmul.f32 v54, v54;
	[tilespmem:s14+$0xC140] =	vst v16;
	v16 =	vmul.f32 v57, v32  }
0x30f: {  	v26 =	vmul.f32 v57, v37;
	v6 =	vld [tilespmem:s15+$0xC0A0];
	[tilespmem:s14+$0xC150] =	vst v17;
	v17 =	vmul.f32 v57, v34  }
0x310: {  	v8 =	vadd.f32 v8, v7;
	v27 =	vmul.f32 v55, v55;
	[tilespmem:s14+$0xC160] =	vst v18;
	v18 =	vmul.f32 v57, v36  }
0x311: {  	v28 =	vmul.f32 v57, v40;
	v7 =	vld [tilespmem:s15+$0xC0B0];
	[tilespmem:s14+$0xC170] =	vst v19;
	v19 =	vmul.f32 v57, v35  }
0x312: {  	v27 =	vadd.f32 v27, v8;
	v29 =	vmul.f32 v56, v56;
	[tilespmem:s14+$0xC180] =	vst v20;
	v20 =	vmul.f32 v57, v38  }
0x313: {  	v30 =	vmul.f32 v57, v41;
	v8 =	vld [tilespmem:s15+$0xC0C0];
	[tilespmem:s14+$0xC190] =	vst v21;
	v21 =	vmul.f32 v57, v39  }
0x314: {  	v31 =	vmul.f32 v57, v43;
	v27 =	vadd.f32 v29, v27;
	v29 =	vmul.f32 v6, v6;
	[tilespmem:s14+$0xC1A0] =	vst v9  }
0x315: {  	v32 =	vmul.f32 v57, v45;
	v9 =	vld [tilespmem:s15+$0xC0D0];
	[tilespmem:s14+$0xC1B0] =	vst v22;
	v22 =	vmul.f32 v57, v42  }
0x316: {  	v33 =	vmul.f32 v57, v44;
	v27 =	vadd.f32 v29, v27;
	v29 =	vmul.f32 v7, v7;
	[tilespmem:s14+$0xC1C0] =	vst v10  }
0x317: {  	v34 =	vmul.f32 v57, v46;
	v35 =	vmul.f32 v57, v47;
	v10 =	vld [tilespmem:s15+$0xC0E0];
	[tilespmem:s14+$0xC1D0] =	vst v11  }
0x318: {  	v27 =	vadd.f32 v29, v27;
	v29 =	vmul.f32 v8, v8;
	[tilespmem:s14+$0xC1E0] =	vst v23  }
0x319: {  	v11 =	vld [tilespmem:s15+$0xC0F0];
	[tilespmem:s14+$0xC1F0] =	vst v12  }
0x31a: {  	v23 =	vadd.f32 v29, v27;
	v27 =	vmul.f32 v9, v9;
	[tilespmem:s14+$0xC200] =	vst v13  }
0x31b: {  	v12 =	vld [tilespmem:s15+$0xC100];
	[tilespmem:s14+$0xC210] =	vst v24  }
0x31c: {  	v23 =	vadd.f32 v27, v23;
	v24 =	vmul.f32 v10, v10;
	[tilespmem:s14+$0xC220] =	vst v14  }
0x31d: {  	v13 =	vld [tilespmem:s15+$0xC110];
	[tilespmem:s14+$0xC230] =	vst v15  }
0x31e: {  	v15 =	vadd.f32 v24, v23;
	v23 =	vmul.f32 v11, v11;
	[tilespmem:s14+$0xC240] =	vst v25  }
0x31f: {  	v14 =	vld [tilespmem:s15+$0xC120];
	[tilespmem:s14+$0xC250] =	vst v16  }
0x320: {  	v16 =	vadd.f32 v23, v15;
	v23 =	vmul.f32 v12, v12;
	[tilespmem:s14+$0xC260] =	vst v17  }
0x321: {  	v15 =	vld [tilespmem:s15+$0xC130];
	[tilespmem:s14+$0xC270] =	vst v26  }
0x322: {  	v17 =	vadd.f32 v23, v16;
	v23 =	vmul.f32 v13, v13;
	[tilespmem:s14+$0xC280] =	vst v18  }
0x323: {  	v16 =	vld [tilespmem:s15+$0xC140];
	[tilespmem:s14+$0xC290] =	vst v19  }
0x324: {  	v18 =	vadd.f32 v23, v17;
	v19 =	vmul.f32 v14, v14;
	[tilespmem:s14+$0xC2A0] =	vst v28  }
0x325: {  	v17 =	vld [tilespmem:s15+$0xC150];
	[tilespmem:s14+$0xC2B0] =	vst v20  }
0x326: {  	v19 =	vadd.f32 v19, v18;
	v20 =	vmul.f32 v15, v15;
	[tilespmem:s14+$0xC2C0] =	vst v21  }
0x327: {  	v18 =	vld [tilespmem:s15+$0xC160];
	[tilespmem:s14+$0xC2D0] =	vst v30  }
0x328: {  	v20 =	vadd.f32 v20, v19;
	v21 =	vmul.f32 v16, v16;
	[tilespmem:s14+$0xC2E0] =	vst v31  }
0x329: {  	v19 =	vld [tilespmem:s15+$0xC170];
	[tilespmem:s14+$0xC2F0] =	vst v22  }
0x32a: {  	v21 =	vadd.f32 v21, v20;
	v22 =	vmul.f32 v17, v17;
	[tilespmem:s14+$0xC300] =	vst v32  }
0x32b: {  	v20 =	vld [tilespmem:s15+$0xC180];
	[tilespmem:s14+$0xC310] =	vst v33  }
0x32c: {  	v22 =	vadd.f32 v22, v21;
	v23 =	vmul.f32 v18, v18;
	[tilespmem:s14+$0xC320] =	vst v34  }
0x32d: {  	v21 =	vld [tilespmem:s15+$0xC190];
	[tilespmem:s14+$0xC330] =	vst v35;
	s14 =	smov.u32 s15  }
0x32e: {  	v23 =	vadd.f32 v23, v22;
	v24 =	vmul.f32 v19, v19  }
0x32f: {  	v22 =	vld [tilespmem:s14+$0xC1A0]  }
0x330: {  	v23 =	vadd.f32 v24, v23;
	v24 =	vmul.f32 v20, v20  }
0x331: {  	v25 =	vld [tilespmem:s14+$0xC1B0]  }
0x332: {  	v23 =	vadd.f32 v24, v23;
	v26 =	vmul.f32 v21, v21  }
0x333: {  	v24 =	vld [tilespmem:s14+$0xC1C0]  }
0x334: {  	v26 =	vadd.f32 v26, v23;
	v27 =	vmul.f32 v22, v22  }
0x335: {  	v23 =	vld [tilespmem:s14+$0xC1D0]  }
0x336: {  	v26 =	vadd.f32 v27, v26;
	v27 =	vmul.f32 v25, v25  }
0x337: {  	v28 =	vld [tilespmem:s14+$0xC1E0]  }
0x338: {  	v27 =	vadd.f32 v27, v26;
	v29 =	vmul.f32 v24, v24  }
0x339: {  	v26 =	vld [tilespmem:s14+$0xC1F0]  }
0x33a: {  	v29 =	vadd.f32 v29, v27;
	v30 =	vmul.f32 v23, v23  }
0x33b: {  	v27 =	vld [tilespmem:s14+$0xC200]  }
0x33c: {  	v30 =	vadd.f32 v30, v29;
	v31 =	vmul.f32 v28, v28  }
0x33d: {  	v29 =	vld [tilespmem:s14+$0xC210]  }
0x33e: {  	v30 =	vadd.f32 v31, v30;
	v32 =	vmul.f32 v26, v26  }
0x33f: {  	v31 =	vld [tilespmem:s14+$0xC220]  }
0x340: {  	v32 =	vadd.f32 v32, v30;
	v33 =	vmul.f32 v27, v27  }
0x341: {  	v30 =	vld [tilespmem:s14+$0xC230]  }
0x342: {  	v32 =	vadd.f32 v33, v32;
	v34 =	vmul.f32 v29, v29  }
0x343: {  	v33 =	vld [tilespmem:s14+$0xC240]  }
0x344: {  	v34 =	vadd.f32 v34, v32;
	v35 =	vmul.f32 v31, v31  }
0x345: {  	v32 =	vld [tilespmem:s14+$0xC250]  }
0x346: {  	v35 =	vadd.f32 v35, v34;
	v36 =	vmul.f32 v30, v30  }
0x347: {  	v34 =	vld [tilespmem:s14+$0xC260]  }
0x348: {  	v35 =	vadd.f32 v36, v35;
	v36 =	vmul.f32 v33, v33  }
0x349: {  	v37 =	vld [tilespmem:s14+$0xC270]  }
0x34a: {  	v35 =	vadd.f32 v36, v35;
	v38 =	vmul.f32 v32, v32  }
0x34b: {  	v36 =	vld [tilespmem:s14+$0xC280]  }
0x34c: {  	v38 =	vadd.f32 v38, v35;
	v39 =	vmul.f32 v34, v34  }
0x34d: {  	v35 =	vld [tilespmem:s14+$0xC290]  }
0x34e: {  	v38 =	vadd.f32 v39, v38;
	v39 =	vmul.f32 v37, v37  }
0x34f: {  	v40 =	vld [tilespmem:s14+$0xC2A0]  }
0x350: {  	v39 =	vadd.f32 v39, v38;
	v41 =	vmul.f32 v36, v36  }
0x351: {  	v38 =	vld [tilespmem:s14+$0xC2B0]  }
0x352: {  	v41 =	vadd.f32 v41, v39;
	v42 =	vmul.f32 v35, v35  }
0x353: {  	v39 =	vld [tilespmem:s14+$0xC2C0]  }
0x354: {  	v42 =	vadd.f32 v42, v41;
	v43 =	vmul.f32 v40, v40  }
0x355: {  	v41 =	vld [tilespmem:s14+$0xC2D0]  }
0x356: {  	v42 =	vadd.f32 v43, v42;
	v44 =	vmul.f32 v38, v38  }
0x357: {  	v43 =	vld [tilespmem:s14+$0xC2E0]  }
0x358: {  	v44 =	vadd.f32 v44, v42;
	v45 =	vmul.f32 v39, v39  }
0x359: {  	v42 =	vld [tilespmem:s14+$0xC2F0]  }
0x35a: {  	v44 =	vadd.f32 v45, v44;
	v46 =	vmul.f32 v41, v41  }
0x35b: {  	v45 =	vld [tilespmem:s14+$0xC300]  }
0x35c: {  	v46 =	vadd.f32 v46, v44;
	v47 =	vmul.f32 v43, v43  }
0x35d: {  	v44 =	vld [tilespmem:s14+$0xC310]  }
0x35e: {  	v47 =	vadd.f32 v47, v46;
	v57 =	vmul.f32 v42, v42  }
0x35f: {  	v46 =	vld [tilespmem:s14+$0xC320]  }
0x360: {  	v57 =	vadd.f32 v57, v47;
	v58 =	vmul.f32 v45, v45  }
0x361: {  	v47 =	vld [tilespmem:s14+$0xC330]  }
0x362: {  	v57 =	vadd.f32 v58, v57;
	v58 =	vmul.f32 v44, v44;
	_ =	sdelay $0x1  }
0x363: {  	v57 =	vadd.f32 v58, v57;
	v58 =	vmul.f32 v46, v46;
	_ =	sdelay $0x1  }
0x364: {  	v57 =	vadd.f32 v58, v57;
	v58 =	vmul.f32 v47, v47;
	_ =	sdelay $0x1  }
0x365: {  	v57 =	vadd.f32 v58, v57;
	_ =	sdelay $0x1  }
0x366: {  	v58 =	vperm.xlane v57, v0;
	_ =	sdelay $0x1  }
0x367: {  	v57 =	vadd.f32 v57, v58;
	_ =	sdelay $0x1  }
0x368: {  	v58 =	vperm.xlane v57, v1;
	_ =	sdelay $0x1  }
0x369: {  	v57 =	vadd.f32 v57, v58;
	_ =	sdelay $0x1  }
0x36a: {  	v58 =	vperm.xlane v57, v2;
	_ =	sdelay $0x1  }
0x36b: {  	v57 =	vadd.f32 v57, v58;
	_ =	sdelay $0x1  }
0x36c: {  	v58 =	vperm.xlane v57, v4;
	_ =	sdelay $0x1  }
0x36d: {  	v57 =	vadd.f32 v57, v58;
	_ =	sdelay $0x1  }
0x36e: {  	v57 =	vmax.f32 v57, $1.000000020e-24  }
0x36f: {  	v58 =	vshra.s32 v57, $0x1;
	v57 =	vmul.f32 $5.000000000e-01, v57  }
0x370: {  	v58 =	vsub.s32 $0x5F3759DF, v58  }
0x371: {  	v59 =	vmul.f32 v58, v57;
	_ =	sdelay $0x1  }
0x372: {  	v59 =	vmul.f32 v58, v59;
	_ =	sdelay $0x1  }
0x373: {  	v59 =	vsub.f32 $1.500000000e+00, v59;
	_ =	sdelay $0x1  }
0x374: {  	v58 =	vmul.f32 v58, v59;
	_ =	sdelay $0x1  }
0x375: {  	v59 =	vmul.f32 v58, v57;
	_ =	sdelay $0x1  }
0x376: {  	v59 =	vmul.f32 v59, v58;
	_ =	sdelay $0x1  }
0x377: {  	v59 =	vsub.f32 $1.500000000e+00, v59;
	_ =	sdelay $0x1  }
0x378: {  	v58 =	vmul.f32 v59, v58;
	_ =	sdelay $0x1  }
0x379: {  	v57 =	vmul.f32 v58, v57;
	_ =	sdelay $0x1  }
0x37a: {  	v57 =	vmul.f32 v57, v58;
	_ =	sdelay $0x1  }
0x37b: {  	v57 =	vsub.f32 $1.500000000e+00, v57;
	_ =	sdelay $0x1  }
0x37c: {  	v57 =	vmul.f32 v57, v58;
	_ =	sdelay $0x1  }
.Ltmp2:
0x37d: {  	v48 =	vmul.f32 v57, v48;
	v5 =	vmul.f32 v57, v5;
	(pc) =	sbr.rel @p0 .LBB2_7-.Ltmp2, $4  }
0x37e: {  	v60 =	vmul.f32 v57, v49;
	v49 =	vmul.f32 v57, v50  }
0x37f: {  	v59 =	vmul.f32 v57, v51;
	v50 =	vmul.f32 v57, v52;
	[tilespmem:s14+$0xC000] =	vst v48  }
0x380: {  	s15 =	sshra.s32 s19, $0x2;
	v58 =	vmul.f32 v57, v53;
	v51 =	vmul.f32 v57, v54;
	[tilespmem:s14+$0xC010] =	vst v5  }
0x381: {  	s19 =	sadd.s32 $0x1000, s19;
	v53 =	vmul.f32 v57, v55;
	v52 =	vmul.f32 v57, v56;
	v5 =	vld [tilespmem:s15+$0xC010];
	[tilespmem:s14+$0xC020] =	vst v60  }
0x382: {  	v48 =	vld [tilespmem:s15+$0xC000];
	[tilespmem:s14+$0xC030] =	vst v49  }
0x383: {  	[tilespmem:s14+$0xC040] =	vst v59  }
0x384: {  	v49 =	vld [tilespmem:s15+$0xC020];
	[tilespmem:s14+$0xC050] =	vst v50  }
0x385: {  	[tilespmem:s14+$0xC060] =	vst v58  }
0x386: {  	v50 =	vld [tilespmem:s15+$0xC030];
	[tilespmem:s14+$0xC070] =	vst v51  }
0x387: {  	v60 =	vmul.f32 v57, v6;
	[tilespmem:s14+$0xC080] =	vst v53  }
0x388: {  	v61 =	vmul.f32 v57, v7;
	v6 =	vld [tilespmem:s15+$0xC040];
	[tilespmem:s14+$0xC090] =	vst v52  }
0x389: {  	v8 =	vmul.f32 v57, v8;
	[tilespmem:s14+$0xC0A0] =	vst v60  }
0x38a: {  	v9 =	vmul.f32 v57, v9;
	v7 =	vld [tilespmem:s15+$0xC050];
	[tilespmem:s14+$0xC0B0] =	vst v61  }
0x38b: {  	v10 =	vmul.f32 v57, v10;
	v11 =	vmul.f32 v57, v11;
	[tilespmem:s14+$0xC0C0] =	vst v8  }
0x38c: {  	v58 =	vmul.f32 v5, v5;
	v8 =	vld [tilespmem:s15+$0xC060];
	[tilespmem:s14+$0xC0D0] =	vst v9;
	v56 =	vmul.f32 v48, v48  }
0x38d: {  	v62 =	vmul.f32 v57, v12;
	v63 =	vmul.f32 v57, v13;
	[tilespmem:s14+$0xC0E0] =	vst v10  }
0x38e: {  	v52 =	vmul.f32 v57, v15;
	v9 =	vld [tilespmem:s15+$0xC070];
	[tilespmem:s14+$0xC0F0] =	vst v11;
	v61 =	vmul.f32 v49, v49;
	v15 =	vadd.f32 v58, v56  }
0x38f: {  	v51 =	vmul.f32 v57, v14;
	[tilespmem:s14+$0xC100] =	vst v62  }
0x390: {  	v53 =	vmul.f32 v57, v16;
	v10 =	vld [tilespmem:s15+$0xC080];
	[tilespmem:s14+$0xC110] =	vst v63;
	v63 =	vmul.f32 v50, v50;
	v15 =	vadd.f32 v61, v15  }
0x391: {  	v62 =	vmul.f32 v57, v21;
	v21 =	vmul.f32 v57, v22  }
0x392: {  	v22 =	vmul.f32 v57, v25;
	v25 =	vmul.f32 v6, v6;
	v16 =	vadd.f32 v63, v15  }
0x393: {  	[tilespmem:s14+$0xC120] =	vst v51  }
0x394: {  	v55 =	vmul.f32 v57, v18;
	v11 =	vld [tilespmem:s15+$0xC090];
	[tilespmem:s14+$0xC130] =	vst v52;
	v52 =	vmul.f32 v7, v7;
	v16 =	vadd.f32 v25, v16  }
0x395: {  	[tilespmem:s14+$0xC140] =	vst v53  }
0x396: {  	v59 =	vmul.f32 v57, v19;
	v12 =	vld [tilespmem:s15+$0xC0A0];
	[tilespmem:s14+$0xC160] =	vst v55;
	v55 =	vmul.f32 v8, v8;
	v19 =	vadd.f32 v52, v16  }
0x397: {  	v54 =	vmul.f32 v57, v17  }
0x398: {  	v60 =	vmul.f32 v57, v20;
	v58 =	vmul.f32 v9, v9;
	v19 =	vadd.f32 v55, v19  }
0x399: {  	[tilespmem:s14+$0xC150] =	vst v54  }
0x39a: {  	v13 =	vld [tilespmem:s15+$0xC0B0];
	[tilespmem:s14+$0xC180] =	vst v60;
	v60 =	vmul.f32 v10, v10;
	v19 =	vadd.f32 v58, v19;
	_ =	sdelay $0x1  }
0x39b: {  	[tilespmem:s14+$0xC170] =	vst v59;
	v63 =	vmul.f32 v11, v11;
	v19 =	vadd.f32 v60, v19  }
0x39c: {  	v14 =	vld [tilespmem:s15+$0xC0C0];
	[tilespmem:s14+$0xC190] =	vst v62  }
0x39d: {  	v51 =	vmul.f32 v57, v24;
	[tilespmem:s14+$0xC1A0] =	vst v21;
	v25 =	vmul.f32 v12, v12;
	v20 =	vadd.f32 v63, v19  }
0x39e: {  	v53 =	vmul.f32 v57, v23;
	v54 =	vmul.f32 v57, v28;
	v15 =	vld [tilespmem:s15+$0xC0D0];
	[tilespmem:s14+$0xC1B0] =	vst v22  }
0x39f: {  	v59 =	vmul.f32 v57, v27;
	[tilespmem:s14+$0xC1C0] =	vst v51;
	v27 =	vmul.f32 v13, v13;
	v20 =	vadd.f32 v25, v20  }
0x3a0: {  	v56 =	vmul.f32 v57, v26;
	v16 =	vld [tilespmem:s15+$0xC0E0];
	[tilespmem:s14+$0xC1D0] =	vst v53  }
0x3a1: {  	v24 =	vmul.f32 v57, v30;
	[tilespmem:s14+$0xC1E0] =	vst v54;
	v30 =	vmul.f32 v14, v14;
	v23 =	vadd.f32 v27, v20  }
0x3a2: {  	v61 =	vmul.f32 v57, v29;
	v28 =	vmul.f32 v57, v32;
	v17 =	vld [tilespmem:s15+$0xC0F0];
	[tilespmem:s14+$0xC1F0] =	vst v56  }
0x3a3: {  	v62 =	vmul.f32 v57, v31;
	[tilespmem:s14+$0xC200] =	vst v59;
	v32 =	vmul.f32 v15, v15;
	v23 =	vadd.f32 v30, v23  }
0x3a4: {  	v26 =	vmul.f32 v57, v33;
	v18 =	vld [tilespmem:s15+$0xC100];
	[tilespmem:s14+$0xC210] =	vst v61  }
0x3a5: {  	v29 =	vmul.f32 v57, v34;
	[tilespmem:s14+$0xC220] =	vst v62;
	v34 =	vmul.f32 v16, v16;
	v23 =	vadd.f32 v32, v23  }
0x3a6: {  	v19 =	vld [tilespmem:s15+$0xC110];
	[tilespmem:s14+$0xC230] =	vst v24  }
0x3a7: {  	v31 =	vmul.f32 v57, v37;
	v37 =	vmul.f32 v17, v17;
	[tilespmem:s14+$0xC240] =	vst v26;
	v23 =	vadd.f32 v34, v23  }
0x3a8: {  	v20 =	vld [tilespmem:s15+$0xC120];
	[tilespmem:s14+$0xC250] =	vst v28  }
0x3a9: {  	v33 =	vmul.f32 v57, v36;
	v51 =	vmul.f32 v18, v18;
	[tilespmem:s14+$0xC260] =	vst v29;
	v24 =	vadd.f32 v37, v23  }
0x3aa: {  	v35 =	vmul.f32 v57, v35;
	v21 =	vld [tilespmem:s15+$0xC130];
	[tilespmem:s14+$0xC270] =	vst v31  }
0x3ab: {  	v36 =	vmul.f32 v57, v40;
	[tilespmem:s14+$0xC280] =	vst v33;
	v53 =	vmul.f32 v19, v19;
	v24 =	vadd.f32 v51, v24  }
0x3ac: {  	v40 =	vmul.f32 v57, v38;
	v22 =	vld [tilespmem:s15+$0xC140];
	[tilespmem:s14+$0xC290] =	vst v35  }
0x3ad: {  	v52 =	vmul.f32 v57, v39;
	[tilespmem:s14+$0xC2A0] =	vst v36;
	v56 =	vmul.f32 v20, v20;
	v27 =	vadd.f32 v53, v24  }
0x3ae: {  	v54 =	vmul.f32 v57, v41;
	v23 =	vld [tilespmem:s15+$0xC150];
	[tilespmem:s14+$0xC2B0] =	vst v40  }
0x3af: {  	v55 =	vmul.f32 v57, v43;
	v59 =	vmul.f32 v21, v21;
	[tilespmem:s14+$0xC2C0] =	vst v52;
	v27 =	vadd.f32 v56, v27  }
0x3b0: {  	v58 =	vmul.f32 v57, v42;
	v24 =	vld [tilespmem:s15+$0xC160];
	[tilespmem:s14+$0xC2D0] =	vst v54  }
0x3b1: {  	v60 =	vmul.f32 v57, v45;
	v61 =	vmul.f32 v22, v22;
	[tilespmem:s14+$0xC2E0] =	vst v55;
	v27 =	vadd.f32 v59, v27  }
0x3b2: {  	v62 =	vmul.f32 v57, v44;
	v25 =	vld [tilespmem:s15+$0xC170];
	[tilespmem:s14+$0xC2F0] =	vst v58  }
0x3b3: {  	v63 =	vmul.f32 v57, v46;
	[tilespmem:s14+$0xC300] =	vst v60;
	v32 =	vmul.f32 v23, v23;
	v27 =	vadd.f32 v61, v27  }
0x3b4: {  	v26 =	vld [tilespmem:s15+$0xC180];
	[tilespmem:s14+$0xC310] =	vst v62  }
0x3b5: {  	v33 =	vmul.f32 v57, v47;
	[tilespmem:s14+$0xC320] =	vst v63;
	v34 =	vmul.f32 v24, v24;
	v28 =	vadd.f32 v32, v27  }
0x3b6: {  	v27 =	vld [tilespmem:s15+$0xC190]  }
0x3b7: {  	v36 =	vmul.f32 v25, v25;
	[tilespmem:s14+$0xC330] =	vst v33;
	v35 =	vadd.f32 v34, v28  }
0x3b8: {  	v28 =	vld [tilespmem:s15+$0xC1A0]  }
0x3b9: {  	v37 =	vmul.f32 v26, v26;
	v30 =	vadd.f32 v36, v35  }
0x3ba: {  	v29 =	vld [tilespmem:s15+$0xC1B0]  }
0x3bb: {  	v38 =	vmul.f32 v27, v27;
	v31 =	vadd.f32 v37, v30  }
0x3bc: {  	v30 =	vld [tilespmem:s15+$0xC1C0]  }
0x3bd: {  	v39 =	vmul.f32 v28, v28;
	v32 =	vadd.f32 v38, v31  }
0x3be: {  	v31 =	vld [tilespmem:s15+$0xC1D0]  }
0x3bf: {  	v40 =	vmul.f32 v29, v29;
	v33 =	vadd.f32 v39, v32  }
0x3c0: {  	v32 =	vld [tilespmem:s15+$0xC1E0]  }
0x3c1: {  	v41 =	vmul.f32 v30, v30;
	v34 =	vadd.f32 v40, v33  }
0x3c2: {  	v33 =	vld [tilespmem:s15+$0xC1F0]  }
0x3c3: {  	v42 =	vmul.f32 v31, v31;
	v35 =	vadd.f32 v41, v34  }
0x3c4: {  	v34 =	vld [tilespmem:s15+$0xC200]  }
0x3c5: {  	v43 =	vmul.f32 v32, v32;
	v36 =	vadd.f32 v42, v35  }
0x3c6: {  	v35 =	vld [tilespmem:s15+$0xC210]  }
0x3c7: {  	v44 =	vmul.f32 v33, v33;
	v37 =	vadd.f32 v43, v36  }
0x3c8: {  	v36 =	vld [tilespmem:s15+$0xC220]  }
0x3c9: {  	v45 =	vmul.f32 v34, v34;
	v38 =	vadd.f32 v44, v37  }
0x3ca: {  	v37 =	vld [tilespmem:s15+$0xC230]  }
0x3cb: {  	v46 =	vmul.f32 v35, v35;
	v39 =	vadd.f32 v45, v38  }
0x3cc: {  	v38 =	vld [tilespmem:s15+$0xC240]  }
0x3cd: {  	v47 =	vmul.f32 v36, v36;
	v40 =	vadd.f32 v46, v39  }
0x3ce: {  	v39 =	vld [tilespmem:s15+$0xC250]  }
0x3cf: {  	v51 =	vmul.f32 v37, v37;
	v41 =	vadd.f32 v47, v40  }
0x3d0: {  	v40 =	vld [tilespmem:s15+$0xC260]  }
0x3d1: {  	v52 =	vmul.f32 v38, v38;
	v42 =	vadd.f32 v51, v41  }
0x3d2: {  	v41 =	vld [tilespmem:s15+$0xC270]  }
0x3d3: {  	v53 =	vmul.f32 v39, v39;
	v43 =	vadd.f32 v52, v42  }
0x3d4: {  	v42 =	vld [tilespmem:s15+$0xC280]  }
0x3d5: {  	v54 =	vmul.f32 v40, v40;
	v44 =	vadd.f32 v53, v43  }
0x3d6: {  	v43 =	vld [tilespmem:s15+$0xC290]  }
0x3d7: {  	v55 =	vmul.f32 v41, v41;
	v45 =	vadd.f32 v54, v44  }
0x3d8: {  	v44 =	vld [tilespmem:s15+$0xC2A0]  }
0x3d9: {  	v56 =	vmul.f32 v42, v42;
	v46 =	vadd.f32 v55, v45  }
0x3da: {  	v45 =	vld [tilespmem:s15+$0xC2B0]  }
0x3db: {  	v57 =	vmul.f32 v43, v43;
	v47 =	vadd.f32 v56, v46  }
0x3dc: {  	v46 =	vld [tilespmem:s15+$0xC2C0]  }
0x3dd: {  	v58 =	vmul.f32 v44, v44;
	v51 =	vadd.f32 v57, v47  }
0x3de: {  	v47 =	vld [tilespmem:s15+$0xC2D0]  }
0x3df: {  	v59 =	vmul.f32 v45, v45;
	v52 =	vadd.f32 v58, v51  }
0x3e0: {  	v51 =	vld [tilespmem:s15+$0xC2E0]  }
0x3e1: {  	v54 =	vmul.f32 v46, v46;
	v53 =	vadd.f32 v59, v52  }
0x3e2: {  	v52 =	vld [tilespmem:s15+$0xC2F0]  }
0x3e3: {  	v55 =	vmul.f32 v47, v47;
	v54 =	vadd.f32 v54, v53  }
0x3e4: {  	v53 =	vld [tilespmem:s15+$0xC300]  }
0x3e5: {  	v56 =	vmul.f32 v51, v51;
	v55 =	vadd.f32 v55, v54  }
0x3e6: {  	v54 =	vld [tilespmem:s15+$0xC310]  }
0x3e7: {  	v60 =	vmul.f32 v52, v52;
	v56 =	vadd.f32 v56, v55  }
0x3e8: {  	v55 =	vld [tilespmem:s15+$0xC320]  }
0x3e9: {  	v61 =	vmul.f32 v53, v53;
	v57 =	vadd.f32 v60, v56  }
0x3ea: {  	v56 =	vld [tilespmem:s15+$0xC330]  }
0x3eb: {  	v62 =	vmul.f32 v54, v54;
	v57 =	vadd.f32 v61, v57;
	_ =	sdelay $0x1  }
0x3ec: {  	v63 =	vmul.f32 v55, v55;
	v57 =	vadd.f32 v62, v57;
	_ =	sdelay $0x1  }
0x3ed: {  	v60 =	vmul.f32 v56, v56;
	v57 =	vadd.f32 v63, v57;
	_ =	sdelay $0x1  }
0x3ee: {  	v57 =	vadd.f32 v60, v57;
	_ =	sdelay $0x1  }
0x3ef: {  	v58 =	vperm.xlane v57, v0;
	_ =	sdelay $0x1  }
0x3f0: {  	v57 =	vadd.f32 v57, v58;
	_ =	sdelay $0x1  }
0x3f1: {  	v58 =	vperm.xlane v57, v1;
	_ =	sdelay $0x1  }
0x3f2: {  	v57 =	vadd.f32 v57, v58;
	_ =	sdelay $0x1  }
0x3f3: {  	v58 =	vperm.xlane v57, v2;
	_ =	sdelay $0x1  }
0x3f4: {  	v57 =	vadd.f32 v57, v58;
	_ =	sdelay $0x1  }
0x3f5: {  	v58 =	vperm.xlane v57, v4;
	_ =	sdelay $0x1  }
0x3f6: {  	v57 =	vadd.f32 v57, v58;
	_ =	sdelay $0x1  }
0x3f7: {  	v57 =	vmax.f32 v57, $1.000000020e-24  }
0x3f8: {  	v61 =	vshra.s32 v57, $0x1;
	v57 =	vmul.f32 $5.000000000e-01, v57  }
0x3f9: {  	v58 =	vsub.s32 $0x5F3759DF, v61  }
0x3fa: {  	v62 =	vmul.f32 v58, v57;
	_ =	sdelay $0x1  }
0x3fb: {  	v59 =	vmul.f32 v58, v62;
	_ =	sdelay $0x1  }
0x3fc: {  	v59 =	vsub.f32 $1.500000000e+00, v59;
	_ =	sdelay $0x1  }
0x3fd: {  	v58 =	vmul.f32 v58, v59;
	_ =	sdelay $0x1  }
0x3fe: {  	v59 =	vmul.f32 v58, v57;
	_ =	sdelay $0x1  }
0x3ff: {  	v59 =	vmul.f32 v59, v58;
	_ =	sdelay $0x1  }
0x400: {  	v59 =	vsub.f32 $1.500000000e+00, v59;
	_ =	sdelay $0x1  }
0x401: {  	v58 =	vmul.f32 v59, v58;
	_ =	sdelay $0x1  }
0x402: {  	v57 =	vmul.f32 v58, v57;
	_ =	sdelay $0x1  }
0x403: {  	v57 =	vmul.f32 v57, v58;
	_ =	sdelay $0x1  }
0x404: {  	v57 =	vsub.f32 $1.500000000e+00, v57;
	_ =	sdelay $0x1  }
0x405: {  	v57 =	vmul.f32 v57, v58;
	_ =	sdelay $0x1  }
0x406: {  	v48 =	vmul.f32 v57, v48  }
0x407: {  	v5 =	vmul.f32 v57, v5  }
0x408: {  	v49 =	vmul.f32 v57, v49;
	[tilespmem:s15+$0xC000] =	vst v48  }
0x409: {  	v63 =	vmul.f32 v57, v50;
	[tilespmem:s15+$0xC010] =	vst v5  }
0x40a: {  	v5 =	vmul.f32 v57, v6;
	[tilespmem:s15+$0xC020] =	vst v49  }
0x40b: {  	v6 =	vmul.f32 v57, v7;
	[tilespmem:s15+$0xC030] =	vst v63  }
0x40c: {  	v7 =	vmul.f32 v57, v8;
	[tilespmem:s15+$0xC040] =	vst v5  }
0x40d: {  	v5 =	vmul.f32 v57, v9;
	[tilespmem:s15+$0xC050] =	vst v6  }
0x40e: {  	v6 =	vmul.f32 v57, v10;
	[tilespmem:s15+$0xC060] =	vst v7  }
0x40f: {  	v7 =	vmul.f32 v57, v11;
	[tilespmem:s15+$0xC070] =	vst v5  }
0x410: {  	v5 =	vmul.f32 v57, v12;
	[tilespmem:s15+$0xC080] =	vst v6  }
0x411: {  	v6 =	vmul.f32 v57, v13;
	[tilespmem:s15+$0xC090] =	vst v7  }
0x412: {  	v7 =	vmul.f32 v57, v14;
	[tilespmem:s15+$0xC0A0] =	vst v5  }
0x413: {  	v5 =	vmul.f32 v57, v15;
	[tilespmem:s15+$0xC0B0] =	vst v6  }
0x414: {  	v6 =	vmul.f32 v57, v16;
	[tilespmem:s15+$0xC0C0] =	vst v7  }
0x415: {  	v7 =	vmul.f32 v57, v17;
	[tilespmem:s15+$0xC0D0] =	vst v5  }
0x416: {  	v5 =	vmul.f32 v57, v18;
	[tilespmem:s15+$0xC0E0] =	vst v6  }
0x417: {  	v6 =	vmul.f32 v57, v19;
	[tilespmem:s15+$0xC0F0] =	vst v7  }
0x418: {  	v7 =	vmul.f32 v57, v20;
	[tilespmem:s15+$0xC100] =	vst v5  }
0x419: {  	v5 =	vmul.f32 v57, v21;
	[tilespmem:s15+$0xC110] =	vst v6  }
0x41a: {  	v6 =	vmul.f32 v57, v22;
	[tilespmem:s15+$0xC120] =	vst v7  }
0x41b: {  	v7 =	vmul.f32 v57, v23;
	[tilespmem:s15+$0xC130] =	vst v5  }
0x41c: {  	v5 =	vmul.f32 v57, v24;
	[tilespmem:s15+$0xC140] =	vst v6  }
0x41d: {  	v6 =	vmul.f32 v57, v25;
	[tilespmem:s15+$0xC150] =	vst v7  }
0x41e: {  	v7 =	vmul.f32 v57, v26;
	[tilespmem:s15+$0xC160] =	vst v5  }
0x41f: {  	v5 =	vmul.f32 v57, v27;
	[tilespmem:s15+$0xC170] =	vst v6  }
0x420: {  	v6 =	vmul.f32 v57, v28;
	[tilespmem:s15+$0xC180] =	vst v7  }
0x421: {  	v7 =	vmul.f32 v57, v29;
	[tilespmem:s15+$0xC190] =	vst v5  }
0x422: {  	v5 =	vmul.f32 v57, v30;
	[tilespmem:s15+$0xC1A0] =	vst v6  }
0x423: {  	v6 =	vmul.f32 v57, v31;
	[tilespmem:s15+$0xC1B0] =	vst v7  }
0x424: {  	v7 =	vmul.f32 v57, v32;
	[tilespmem:s15+$0xC1C0] =	vst v5  }
0x425: {  	v5 =	vmul.f32 v57, v33;
	[tilespmem:s15+$0xC1D0] =	vst v6  }
0x426: {  	v6 =	vmul.f32 v57, v34;
	[tilespmem:s15+$0xC1E0] =	vst v7  }
0x427: {  	v7 =	vmul.f32 v57, v35;
	[tilespmem:s15+$0xC1F0] =	vst v5  }
0x428: {  	v5 =	vmul.f32 v57, v36;
	[tilespmem:s15+$0xC200] =	vst v6  }
0x429: {  	v6 =	vmul.f32 v57, v37;
	[tilespmem:s15+$0xC210] =	vst v7  }
0x42a: {  	v7 =	vmul.f32 v57, v38;
	[tilespmem:s15+$0xC220] =	vst v5  }
0x42b: {  	v5 =	vmul.f32 v57, v39;
	[tilespmem:s15+$0xC230] =	vst v6  }
0x42c: {  	v6 =	vmul.f32 v57, v40;
	[tilespmem:s15+$0xC240] =	vst v7  }
0x42d: {  	v7 =	vmul.f32 v57, v41;
	[tilespmem:s15+$0xC250] =	vst v5  }
0x42e: {  	v5 =	vmul.f32 v57, v42;
	[tilespmem:s15+$0xC260] =	vst v6  }
0x42f: {  	v6 =	vmul.f32 v57, v43;
	[tilespmem:s15+$0xC270] =	vst v7  }
0x430: {  	v7 =	vmul.f32 v57, v44;
	[tilespmem:s15+$0xC280] =	vst v5  }
0x431: {  	v5 =	vmul.f32 v57, v45;
	[tilespmem:s15+$0xC290] =	vst v6  }
0x432: {  	v6 =	vmul.f32 v57, v46;
	[tilespmem:s15+$0xC2A0] =	vst v7  }
0x433: {  	v7 =	vmul.f32 v57, v47;
	[tilespmem:s15+$0xC2B0] =	vst v5  }
0x434: {  	v5 =	vmul.f32 v57, v51;
	[tilespmem:s15+$0xC2C0] =	vst v6  }
0x435: {  	v6 =	vmul.f32 v57, v52;
	[tilespmem:s15+$0xC2D0] =	vst v7  }
0x436: {  	s17 =	sadd.s32 $0x1, s17;
	v7 =	vmul.f32 v57, v53;
	[tilespmem:s15+$0xC2E0] =	vst v5  }
0x437: {  	p0 =	sne.s32 s17, $0x8;
	v5 =	vmul.f32 v57, v54;
	[tilespmem:s15+$0xC2F0] =	vst v6  }
.Ltmp3:
0x438: {  	v6 =	vmul.f32 v57, v55;
	[tilespmem:s15+$0xC300] =	vst v7;
	(pc) =	sbr.rel @p0 .LBB2_4-.Ltmp3, $4  }
0x439: {  	v7 =	vmul.f32 v57, v56;
	[tilespmem:s15+$0xC310] =	vst v5  }
0x43a: {  	[tilespmem:s15+$0xC320] =	vst v6  }
0x43b: {  	s22 =	sadd.s32 s21, s5;
	[tilespmem:s15+$0xC330] =	vst v7  }
0x43c: {  	[hbm4b:s22+s3] =	stream.linear.scatter [tilespmem:s24], [sflag:$0x4], $0x8000, $0x38;
	[tilespmem:$0x14000] =	vst v63  }
0x43d: {  	_ =	swait.ge [sflag:s26], $0x8000  }
0x43e: {  	[sflag:s26] =	ssyncset.done $0x0  }
0x43f: {  	[sflag:s26] =	ssyncadd.s32 $0xFFFF8000  }
0x440: {  	_ =	swait.ge [sflag:s25], $0x8000  }
0x441: {  	s13 =	sadd.s32 $0x1, s13;
	s14 =	rddreg [dreg:$0x5]  }
0x442: {  	p0 =	sne.s32 s13, s14  }
.Ltmp4:
0x443: {  	_ = 	snop;
	(pc) =	sbr.rel @p0 .LBB2_1-.Ltmp4, $3  }
0x444: {  	_ =	sdelay $0x1  }
0x445: {  	[sflag:s25] =	ssyncset.done $0x0  }
0x446: {  	[sflag:s25] =	ssyncadd.s32 $0xFFFF8000  }
0x447: {  	_ =	sfence.sel $0x180000  }
0x448: {  	[bflag:$0x0] =	sbarrier.arrive $0xFFFF  }
0x449: {  	_ =	strace $0x90000047  }
0x44a: {  	s0 =	stileid.u32;
	[bflag:$0x2] =	sbarrier.arrive $0xFFFF  }
0x44b: {  	p0 =	sne.s32 s0, $0x0;
	s0 =	rddreg [dreg:$0x3]  }
0x44c: {  	s0 =	sadd.s32 @!p0 $0x100000, s0  }
0x44d: {  	[sflag:s0] =	ssyncadd.tile.s32 @!p0 $0x1;
	_ =	shalt  }
.Lfunc_end2:
_tile_overlayer_lowered:
.L_overlay_start_2:
0x44e: {  	(tag) =	ssettag $0x2  }
0x44f: {  	s0 =	rddreg [dreg:$0x0];
	s2 =	stileid.u32  }
0x450: {  	s1 =	rddreg [dreg:$0x1];
	p0 =	sne.s32 s2, $0x0  }
0x451: {  	s3 =	rddreg [dreg:$0x2];
	[bflag:$0x3] =	sbarrier.arrive $0xFFFF;
	s2 =	simm.s32 @!p0 $0x1C05  }
0x452: {  	[timem:s3], [sflag:s2] =	dma.local @!p0 [hbm:s0], s1  }
0x453: {  	s0 =	simm.s32 @!p0 $0x5  }
0x454: {  	_ =	swait.ge @!p0 [sflag:s0], s1  }
0x455: {  	s1 =	ssub.s32 @!p0 $0x0, s1;
	[sflag:s0] =	ssyncset.done @!p0 $0x0  }
0x456: {  	[sflag:s0] =	ssyncadd.s32 @!p0 s1  }
0x457: {  	[bflag:$0x3] =	sbarrier.arrive $0xFFFF  }
0x458: {  	_ =	shalt  }

</sc_bundles>
